<compile_context>
chip_gen: v7x
topology: tpu7x:2x2x1
jax: 0.10.2.dev20260603
libtpu: 0.0.44.dev20260713+nightly
codegen_flags: <defaults>
</compile_context>

<pallas_src>
import functools

import numpy as np
import jax
import jax.numpy as jnp
from jax import lax
from jax.experimental import pallas as pl
from jax.experimental.pallas import tpu as pltpu
from jax.experimental.pallas import tpu_sc as plsc

N_WORDS_ = 8192
TOP_K_ = 50
EMB_ = 64
KPAD_ = 64

NC_ = 2
NS_ = 16
NW_ = NC_ * NS_
LANES_ = 16

ROWS_W_ = N_WORDS_ // NW_
CROWS_ = 16
NCHUNK_ = ROWS_W_ // CROWS_

_THRESHOLDS = (2, 3, 4, 5, 8, 16, 32, 64)

_GDN = lax.GatherDimensionNumbers(
    offset_dims=(), collapsed_slice_dims=(0,), start_index_map=(0,))


def _vgather(tv, b):
  return lax.gather(tv, b[:, None], dimension_numbers=_GDN,
                    slice_sizes=(1,),
                    mode=lax.GatherScatterMode.PROMISE_IN_BOUNDS)


def _body(ti_hbm, embt_hbm, out_hbm,
          idx_a, idx_b, bkt_v, rows_a, rows_b, table_v,
          isem_a, isem_b, osem_a, osem_b):
  wid = lax.axis_index("s") * NC_ + lax.axis_index("c")
  i0w = wid * ROWS_W_
  iota = lax.iota(jnp.int32, LANES_)

  pltpu.sync_copy(embt_hbm, table_v)

  def start_idx(c, idx_v, isem):
    ci = i0w + (c % NCHUNK_) * CROWS_
    pltpu.async_copy(ti_hbm.at[:, pl.ds(ci, CROWS_)], idx_v, isem)

  def process(j, c, idx_v, rows_v, isem, osem):
    ci = i0w + c * CROWS_
    it = lax.shift_right_logical(ci, 7)
    ii = pl.multiple_of(lax.bitwise_and(ci, 127), CROWS_)
    wv = ci + iota
    pltpu.make_async_copy(ti_hbm.at[:, pl.ds(ci, CROWS_)],
                          idx_v, isem).wait()

    def bkt_body(k, carry):
      t = idx_v[k, :]
      d = jnp.maximum(wv - t, 1)
      b = jnp.where(d >= 2, 1, 0)
      for thr in _THRESHOLDS[1:]:
        b = b + jnp.where(d >= thr, 1, 0)
      bkt_v[k, :] = b
      return carry

    lax.fori_loop(0, TOP_K_, bkt_body, 0)
    start_idx(c + 2, idx_v, isem)

    @pl.when(j > 0)
    def _():
      pltpu.make_async_copy(
          rows_v, out_hbm.at[:, :, it, :, pl.ds(ii, CROWS_)], osem).wait()

    @plsc.parallel_loop(0, EMB_, unroll=4)
    def _(e):
      tv = table_v[e, pl.ds(0, LANES_)]
      et = lax.shift_right_logical(e, 3)
      ei = lax.bitwise_and(e, 7)
      for k in range(TOP_K_):
        rows_v[k, et, ei, :] = _vgather(tv, bkt_v[k, :])

    pltpu.async_copy(rows_v, out_hbm.at[:, :, it, :, pl.ds(ii, CROWS_)],
                     osem)

  start_idx(0, idx_a, isem_a)
  start_idx(1, idx_b, isem_b)

  def chunk_pair(j, carry):
    process(j, 2 * j, idx_a, rows_a, isem_a, osem_a)
    process(j, 2 * j + 1, idx_b, rows_b, isem_b, osem_b)
    return carry

  lax.fori_loop(0, NCHUNK_ // 2, chunk_pair, 0)

  it0 = lax.shift_right_logical(i0w, 7)
  ii0 = pl.multiple_of(lax.bitwise_and(i0w, 127), CROWS_)
  pltpu.make_async_copy(rows_a,
                        out_hbm.at[:, :, it0, :, pl.ds(ii0, CROWS_)],
                        osem_a).wait()
  pltpu.make_async_copy(rows_b,
                        out_hbm.at[:, :, it0, :, pl.ds(ii0, CROWS_)],
                        osem_b).wait()
  pltpu.make_async_copy(ti_hbm.at[:, pl.ds(i0w, CROWS_)],
                        idx_a, isem_a).wait()
  pltpu.make_async_copy(ti_hbm.at[:, pl.ds(i0w, CROWS_)],
                        idx_b, isem_b).wait()


@jax.jit
def kernel(top_indices, distance_emb):
  ti_t = jnp.pad(top_indices.astype(jnp.int32),
                 ((0, 0), (0, KPAD_ - TOP_K_))).T
  emb_t = jnp.pad(distance_emb.T, ((0, 0), (0, 128 - 9)))
  run = pl.kernel(
      _body,
      out_type=jax.ShapeDtypeStruct((TOP_K_, EMB_ // 8, N_WORDS_ // 128,
                                     8, 128), jnp.float32),
      mesh=plsc.VectorSubcoreMesh(core_axis_name="c", subcore_axis_name="s"),
      scratch_types=[
          pltpu.VMEM((KPAD_, CROWS_), jnp.int32),
          pltpu.VMEM((KPAD_, CROWS_), jnp.int32),
          pltpu.VMEM((TOP_K_, CROWS_), jnp.int32),
          pltpu.VMEM((TOP_K_, EMB_ // 8, 8, CROWS_), jnp.float32),
          pltpu.VMEM((TOP_K_, EMB_ // 8, 8, CROWS_), jnp.float32),
          pltpu.VMEM((EMB_, 128), jnp.float32),
          pltpu.SemaphoreType.DMA,
          pltpu.SemaphoreType.DMA,
          pltpu.SemaphoreType.DMA,
          pltpu.SemaphoreType.DMA,
      ],
      compiler_params=pltpu.CompilerParams(use_tc_tiling_on_sc=False),
  )
  out = run(ti_t, emb_t)
  return out.transpose(2, 4, 0, 1, 3).reshape(N_WORDS_, TOP_K_, EMB_)

# --- scband reference (transcript-rebuilt; emitter-appended) ---
"""Pipeline reference for scband-pairwise-encoder-9070970929694 (READ-ONLY COPY).

The authoritative reference and input builder live on the scoring server;
editing this copy changes nothing except your own understanding.
"""

import jax, jax.numpy as jnp
import numpy as np

N_WORDS = 8192
TOP_K = 50
EMB = 64

def setup_inputs(seed: int = 0):
    key = jax.random.key(seed)
    k1, k2 = jax.random.split(key)
    top_indices = jax.random.randint(k1, (N_WORDS, TOP_K), 0, N_WORDS)
    distance_emb = jax.random.normal(k2, (9, EMB), dtype=jnp.float32) * 0.02
    return {"top_indices": top_indices, "distance_emb": distance_emb}

def reference(top_indices, distance_emb):
    # word_ids = arange(len(doc['cased_words'])) -- doc length equals n rows of top_indices
    n_words = top_indices.shape[0]
    word_ids = jnp.arange(n_words)
    # distance = (word_ids.unsqueeze(1) - word_ids[top_indices]).clamp_min_(1)
    distance = jnp.maximum(word_ids[:, None] - word_ids[top_indices], 1)
    # log_distance = distance.float().log2().floor_().clamp_max_(6).long()
    log_distance = jnp.floor(jnp.log2(distance.astype(jnp.float32)))
    log_distance = jnp.minimum(log_distance, 6.0).astype(jnp.int32)
    # bucketize: exact for d<5, log-scale buckets otherwise (9 buckets total)
    bucket = jnp.where(distance < 5, distance - 1, log_distance + 2)
    # embedding lookup (dropout is identity at inference)
    return jnp.take(distance_emb, bucket, axis=0)

if __name__ == "__main__":
    import jax
    _d = setup_inputs()
    print(jax.jit(kernel)(*tuple(_d.values())))

</pallas_src>

<mosaic_0001>
#map = affine_map<(d0, d1) -> (0, 0)>
#map1 = affine_map<(d0, d1) -> (0, 0, 0, 0, 0)>
module attributes {stable_mosaic.version = 14 : i64} {
  func.func @_body(%arg0: i32, %arg1: i32, %arg2: memref<64x8192xi32, #tpu.memory_space<hbm>>, %arg3: memref<64x128xf32, #tpu.memory_space<hbm>>, %arg4: memref<50x8x64x8x128xf32, #tpu.memory_space<hbm>>, %arg5: memref<64x16xi32, #tpu.memory_space<vmem>>, %arg6: memref<64x16xi32, #tpu.memory_space<vmem>>, %arg7: memref<50x16xi32, #tpu.memory_space<vmem>>, %arg8: memref<50x8x8x16xf32, #tpu.memory_space<vmem>>, %arg9: memref<50x8x8x16xf32, #tpu.memory_space<vmem>>, %arg10: memref<64x128xf32, #tpu.memory_space<vmem>>, %arg11: memref<!tpu.dma_semaphore, #tpu.memory_space<semaphore_mem>>, %arg12: memref<!tpu.dma_semaphore, #tpu.memory_space<semaphore_mem>>, %arg13: memref<!tpu.dma_semaphore, #tpu.memory_space<semaphore_mem>>, %arg14: memref<!tpu.dma_semaphore, #tpu.memory_space<semaphore_mem>>) attributes {dimension_semantics = [#tpu.dimension_semantics<core_parallel>, #tpu.dimension_semantics<subcore_parallel>], iteration_bounds = array<i64: 2, 16>, scalar_prefetch = 0 : i64, scratch_operands = 10 : i64, tpu.core_type = #tpu.core_type<sc_vector_subcore>, window_params = [{transform_indices = #map}, {transform_indices = #map}, {transform_indices = #map1}]} {
    %mul3A = arith.constant 2 : i32
    %mul3A_0 = arith.muli %arg1, %mul3A : i32
    %add3A = arith.addi %mul3A_0, %arg0 : i32
    %mul3A_1 = arith.constant 256 : i32
    %mul3A_2 = arith.muli %add3A, %mul3A_1 : i32
    %iota3A = tpu.iota {dimensions = array<i32: 0>} : vector<16xi32>
    "tpu.region"() ({
      %run_scoped3A = tpu.sem_alloc : memref<!tpu.dma_semaphore, #tpu.memory_space<semaphore_mem>>
      tpu.enqueue_dma source(%arg3 : memref<64x128xf32, #tpu.memory_space<hbm>>) target(%arg10 : memref<64x128xf32, #tpu.memory_space<vmem>>) target_semaphore(%run_scoped3A : memref<!tpu.dma_semaphore, #tpu.memory_space<semaphore_mem>>)
      tpu.wait_dma2 semaphore(%run_scoped3A : memref<!tpu.dma_semaphore, #tpu.memory_space<semaphore_mem>>) src(%arg3 : memref<64x128xf32, #tpu.memory_space<hbm>>) dst(%arg10 : memref<64x128xf32, #tpu.memory_space<vmem>>)
      tpu.yield
    }) : () -> ()
    %add3A_3 = arith.constant 0 : i32
    %add3A_4 = arith.addi %mul3A_2, %add3A_3 : i32
    %dma_start3A = arith.constant 0 : i32
    %dma_start3A_5 = tpu.memref_slice %arg2[%dma_start3A, %add3A_4] : memref<64x8192xi32, #tpu.memory_space<hbm>> -> memref<64x16xi32, #tpu.memory_space<hbm>>
    %dma_start3A_6 = arith.constant 0 : i32
    %dma_start3A_7 = tpu.memref_slice %arg2[%dma_start3A_6, %add3A_4] : memref<64x8192xi32, #tpu.memory_space<hbm>> -> memref<64x16xi32, #tpu.memory_space<hbm>>
    tpu.enqueue_dma source(%dma_start3A_7 : memref<64x16xi32, #tpu.memory_space<hbm>>) target(%arg5 : memref<64x16xi32, #tpu.memory_space<vmem>>) target_semaphore(%arg11 : memref<!tpu.dma_semaphore, #tpu.memory_space<semaphore_mem>>)
    %add3A_8 = arith.constant 16 : i32
    %add3A_9 = arith.addi %mul3A_2, %add3A_8 : i32
    %dma_start3A_10 = arith.constant 0 : i32
    %dma_start3A_11 = tpu.memref_slice %arg2[%dma_start3A_10, %add3A_9] : memref<64x8192xi32, #tpu.memory_space<hbm>> -> memref<64x16xi32, #tpu.memory_space<hbm>>
    %dma_start3A_12 = arith.constant 0 : i32
    %dma_start3A_13 = tpu.memref_slice %arg2[%dma_start3A_12, %add3A_9] : memref<64x8192xi32, #tpu.memory_space<hbm>> -> memref<64x16xi32, #tpu.memory_space<hbm>>
    tpu.enqueue_dma source(%dma_start3A_13 : memref<64x16xi32, #tpu.memory_space<hbm>>) target(%arg6 : memref<64x16xi32, #tpu.memory_space<vmem>>) target_semaphore(%arg12 : memref<!tpu.dma_semaphore, #tpu.memory_space<semaphore_mem>>)
    %scan3A = arith.constant 0 : i32
    %scan3A_14 = arith.constant 0 : i32
    %scan3A_15 = arith.constant 8 : i32
    %scan3A_16 = arith.addi %scan3A_14, %scan3A_15 : i32
    %scan3A_17 = arith.constant 1 : i32
    scf.for %scan3A_48 = %scan3A_14 to %scan3A_16 step %scan3A_17  : i32 {
      %mul3A_49 = arith.constant 2 : i32
      %mul3A_50 = arith.muli %mul3A_49, %scan3A_48 : i32
      %mul3A_51 = arith.constant 16 : i32
      %mul3A_52 = arith.muli %mul3A_50, %mul3A_51 : i32
      %add3A_53 = arith.addi %mul3A_2, %mul3A_52 : i32
      %shift_right_logical3A_54 = arith.constant 7 : i32
      %shift_right_logical3A_55 = arith.shrui %add3A_53, %shift_right_logical3A_54 : i32
      %and3A_56 = arith.constant 127 : i32
      %and3A_57 = arith.andi %add3A_53, %and3A_56 : i32
      %multiple_of3A_58 = tpu.assume_multiple %and3A_57, 16 : i32
      %add3A_59 = vector.broadcast %add3A_53 : i32 to vector<16xi32>
      %add3A_60 = arith.addi %add3A_59, %iota3A : vector<16xi32>
      %dma_wait3A_61 = arith.constant 0 : i32
      %dma_wait3A_62 = tpu.memref_slice %arg2[%dma_wait3A_61, %add3A_53] : memref<64x8192xi32, #tpu.memory_space<hbm>> -> memref<64x16xi32, #tpu.memory_space<hbm>>
      %dma_wait3A_63 = arith.constant 0 : i32
      %dma_wait3A_64 = tpu.memref_slice %arg2[%dma_wait3A_63, %add3A_53] : memref<64x8192xi32, #tpu.memory_space<hbm>> -> memref<64x16xi32, #tpu.memory_space<hbm>>
      tpu.wait_dma2 semaphore(%arg11 : memref<!tpu.dma_semaphore, #tpu.memory_space<semaphore_mem>>) src(%dma_wait3A_64 : memref<64x16xi32, #tpu.memory_space<hbm>>) dst(%arg5 : memref<64x16xi32, #tpu.memory_space<vmem>>)
      %scan3A_65 = arith.constant 0 : i32
      %scan3A_66 = arith.constant 0 : i32
      %scan3A_67 = arith.constant 50 : i32
      %scan3A_68 = arith.addi %scan3A_66, %scan3A_67 : i32
      %scan3A_69 = arith.constant 1 : i32
      scf.for %scan3A_171 = %scan3A_66 to %scan3A_68 step %scan3A_69  : i32 {
        %get3A = arith.index_cast %scan3A_171 : i32 to index
        %get3A_172 = arith.constant 0 : index
        %get3A_173 = tpu.vector_load %arg5[%get3A, %get3A_172] {strides = array<i32>} : memref<64x16xi32, #tpu.memory_space<vmem>>, vector<1x16xi32>,
        %get3A_174 = vector.shape_cast %get3A_173 : vector<1x16xi32> to vector<16xi32>
        %sub3A = arith.subi %add3A_60, %get3A_174 : vector<16xi32>
        %max3A = arith.constant 1 : i32
        %max3A_175 = vector.broadcast %max3A : i32 to vector<16xi32>
        %max3A_176 = arith.maxsi %sub3A, %max3A_175 : vector<16xi32>
        %ge3A = arith.constant 2 : i32
        %ge3A_177 = vector.broadcast %ge3A : i32 to vector<16xi32>
        %ge3A_178 = arith.cmpi sge, %max3A_176, %ge3A_177 : vector<16xi32>
        %jit3A_179 = arith.constant 1 : i32
        %jit3A_180 = arith.constant 0 : i32
        %broadcast_in_dim3A = vector.broadcast %jit3A_179 : i32 to vector<16xi32>
        %broadcast_in_dim3A_181 = vector.broadcast %jit3A_180 : i32 to vector<16xi32>
        %select_n3A_182 = arith.select %ge3A_178, %broadcast_in_dim3A, %broadcast_in_dim3A_181 : vector<16xi1>, vector<16xi32>
        %ge3A_183 = arith.constant 3 : i32
        %ge3A_184 = vector.broadcast %ge3A_183 : i32 to vector<16xi32>
        %ge3A_185 = arith.cmpi sge, %max3A_176, %ge3A_184 : vector<16xi32>
        %jit3A_186 = arith.constant 1 : i32
        %jit3A_187 = arith.constant 0 : i32
        %broadcast_in_dim3A_188 = vector.broadcast %jit3A_186 : i32 to vector<16xi32>
        %broadcast_in_dim3A_189 = vector.broadcast %jit3A_187 : i32 to vector<16xi32>
        %select_n3A_190 = arith.select %ge3A_185, %broadcast_in_dim3A_188, %broadcast_in_dim3A_189 : vector<16xi1>, vector<16xi32>
        %add3A_191 = arith.addi %select_n3A_182, %select_n3A_190 : vector<16xi32>
        %ge3A_192 = arith.constant 4 : i32
        %ge3A_193 = vector.broadcast %ge3A_192 : i32 to vector<16xi32>
        %ge3A_194 = arith.cmpi sge, %max3A_176, %ge3A_193 : vector<16xi32>
        %jit3A_195 = arith.constant 1 : i32
        %jit3A_196 = arith.constant 0 : i32
        %broadcast_in_dim3A_197 = vector.broadcast %jit3A_195 : i32 to vector<16xi32>
        %broadcast_in_dim3A_198 = vector.broadcast %jit3A_196 : i32 to vector<16xi32>
        %select_n3A_199 = arith.select %ge3A_194, %broadcast_in_dim3A_197, %broadcast_in_dim3A_198 : vector<16xi1>, vector<16xi32>
        %add3A_200 = arith.addi %add3A_191, %select_n3A_199 : vector<16xi32>
        %ge3A_201 = arith.constant 5 : i32
        %ge3A_202 = vector.broadcast %ge3A_201 : i32 to vector<16xi32>
        %ge3A_203 = arith.cmpi sge, %max3A_176, %ge3A_202 : vector<16xi32>
        %jit3A_204 = arith.constant 1 : i32
        %jit3A_205 = arith.constant 0 : i32
        %broadcast_in_dim3A_206 = vector.broadcast %jit3A_204 : i32 to vector<16xi32>
        %broadcast_in_dim3A_207 = vector.broadcast %jit3A_205 : i32 to vector<16xi32>
        %select_n3A_208 = arith.select %ge3A_203, %broadcast_in_dim3A_206, %broadcast_in_dim3A_207 : vector<16xi1>, vector<16xi32>
        %add3A_209 = arith.addi %add3A_200, %select_n3A_208 : vector<16xi32>
        %ge3A_210 = arith.constant 8 : i32
        %ge3A_211 = vector.broadcast %ge3A_210 : i32 to vector<16xi32>
        %ge3A_212 = arith.cmpi sge, %max3A_176, %ge3A_211 : vector<16xi32>
        %jit3A_213 = arith.constant 1 : i32
        %jit3A_214 = arith.constant 0 : i32
        %broadcast_in_dim3A_215 = vector.broadcast %jit3A_213 : i32 to vector<16xi32>
        %broadcast_in_dim3A_216 = vector.broadcast %jit3A_214 : i32 to vector<16xi32>
        %select_n3A_217 = arith.select %ge3A_212, %broadcast_in_dim3A_215, %broadcast_in_dim3A_216 : vector<16xi1>, vector<16xi32>
        %add3A_218 = arith.addi %add3A_209, %select_n3A_217 : vector<16xi32>
        %ge3A_219 = arith.constant 16 : i32
        %ge3A_220 = vector.broadcast %ge3A_219 : i32 to vector<16xi32>
        %ge3A_221 = arith.cmpi sge, %max3A_176, %ge3A_220 : vector<16xi32>
        %jit3A_222 = arith.constant 1 : i32
        %jit3A_223 = arith.constant 0 : i32
        %broadcast_in_dim3A_224 = vector.broadcast %jit3A_222 : i32 to vector<16xi32>
        %broadcast_in_dim3A_225 = vector.broadcast %jit3A_223 : i32 to vector<16xi32>
        %select_n3A_226 = arith.select %ge3A_221, %broadcast_in_dim3A_224, %broadcast_in_dim3A_225 : vector<16xi1>, vector<16xi32>
        %add3A_227 = arith.addi %add3A_218, %select_n3A_226 : vector<16xi32>
        %ge3A_228 = arith.constant 32 : i32
        %ge3A_229 = vector.broadcast %ge3A_228 : i32 to vector<16xi32>
        %ge3A_230 = arith.cmpi sge, %max3A_176, %ge3A_229 : vector<16xi32>
        %jit3A_231 = arith.constant 1 : i32
        %jit3A_232 = arith.constant 0 : i32
        %broadcast_in_dim3A_233 = vector.broadcast %jit3A_231 : i32 to vector<16xi32>
        %broadcast_in_dim3A_234 = vector.broadcast %jit3A_232 : i32 to vector<16xi32>
        %select_n3A_235 = arith.select %ge3A_230, %broadcast_in_dim3A_233, %broadcast_in_dim3A_234 : vector<16xi1>, vector<16xi32>
        %add3A_236 = arith.addi %add3A_227, %select_n3A_235 : vector<16xi32>
        %ge3A_237 = arith.constant 64 : i32
        %ge3A_238 = vector.broadcast %ge3A_237 : i32 to vector<16xi32>
        %ge3A_239 = arith.cmpi sge, %max3A_176, %ge3A_238 : vector<16xi32>
        %jit3A_240 = arith.constant 1 : i32
        %jit3A_241 = arith.constant 0 : i32
        %broadcast_in_dim3A_242 = vector.broadcast %jit3A_240 : i32 to vector<16xi32>
        %broadcast_in_dim3A_243 = vector.broadcast %jit3A_241 : i32 to vector<16xi32>
        %select_n3A_244 = arith.select %ge3A_239, %broadcast_in_dim3A_242, %broadcast_in_dim3A_243 : vector<16xi1>, vector<16xi32>
        %add3A_245 = arith.addi %add3A_236, %select_n3A_244 : vector<16xi32>
        %swap3A = arith.index_cast %scan3A_171 : i32 to index
        %swap3A_246 = arith.constant 0 : index
        %swap3A_247 = tpu.vector_load %arg7[%swap3A, %swap3A_246] {strides = array<i32>} : memref<50x16xi32, #tpu.memory_space<vmem>>, vector<1x16xi32>,
        %swap3A_248 = vector.shape_cast %swap3A_247 : vector<1x16xi32> to vector<16xi32>
        %swap3A_249 = vector.shape_cast %add3A_245 : vector<16xi32> to vector<1x16xi32>
        tpu.vector_store %arg7[%swap3A, %swap3A_246], %swap3A_249 {strides = array<i32>} : memref<50x16xi32, #tpu.memory_space<vmem>>, vector<1x16xi32>,
      }
      %scan3A_70 = arith.constant 50 : i32
      %add3A_71 = arith.constant 2 : i32
      %add3A_72 = arith.addi %mul3A_50, %add3A_71 : i32
      %jit3A = arith.constant 16 : i32
      %eq3A = arith.constant 0 : i32
      %eq3A_73 = arith.cmpi eq, %jit3A, %eq3A : i32
      %jit3A_74 = arith.constant 1 : i32
      %select_n3A = arith.select %eq3A_73, %jit3A_74, %jit3A : i32
      %rem3A = arith.remsi %add3A_72, %select_n3A : i32
      %ne3A = arith.constant 0 : i32
      %ne3A_75 = arith.cmpi ne, %rem3A, %ne3A : i32
      %lt3A = arith.constant 0 : i32
      %lt3A_76 = arith.cmpi slt, %rem3A, %lt3A : i32
      %lt3A_77 = arith.constant 0 : i32
      %lt3A_78 = arith.cmpi slt, %select_n3A, %lt3A_77 : i32
      %ne3A_79 = arith.xori %lt3A_76, %lt3A_78 : i1
      %and3A_80 = arith.andi %ne3A_79, %ne3A_75 : i1
      %add3A_81 = arith.addi %rem3A, %select_n3A : i32
      %select_n3A_82 = arith.select %and3A_80, %add3A_81, %rem3A : i32
      %mul3A_83 = arith.constant 16 : i32
      %mul3A_84 = arith.muli %select_n3A_82, %mul3A_83 : i32
      %add3A_85 = arith.addi %mul3A_2, %mul3A_84 : i32
      %dma_start3A_86 = arith.constant 0 : i32
      %dma_start3A_87 = tpu.memref_slice %arg2[%dma_start3A_86, %add3A_85] : memref<64x8192xi32, #tpu.memory_space<hbm>> -> memref<64x16xi32, #tpu.memory_space<hbm>>
      %dma_start3A_88 = arith.constant 0 : i32
      %dma_start3A_89 = tpu.memref_slice %arg2[%dma_start3A_88, %add3A_85] : memref<64x8192xi32, #tpu.memory_space<hbm>> -> memref<64x16xi32, #tpu.memory_space<hbm>>
      tpu.enqueue_dma source(%dma_start3A_89 : memref<64x16xi32, #tpu.memory_space<hbm>>) target(%arg5 : memref<64x16xi32, #tpu.memory_space<vmem>>) target_semaphore(%arg11 : memref<!tpu.dma_semaphore, #tpu.memory_space<semaphore_mem>>)
      %gt3A = arith.constant 0 : i32
      %gt3A_90 = arith.cmpi sgt, %scan3A_48, %gt3A : i32
      %convert_element_type3A = arith.extui %gt3A_90 : i1 to i32
      %cond3A = arith.constant 0 : i32
      %cond3A_91 = arith.cmpi ne, %convert_element_type3A, %cond3A : i32
      scf.if %cond3A_91 {
        %dma_wait3A_171 = arith.constant 0 : i32
        %dma_wait3A_172 = arith.constant 0 : i32
        %dma_wait3A_173 = arith.constant 0 : i32
        %dma_wait3A_174 = tpu.memref_slice %arg4[%dma_wait3A_171, %dma_wait3A_172, %shift_right_logical3A_55, %dma_wait3A_173, %multiple_of3A_58] : memref<50x8x64x8x128xf32, #tpu.memory_space<hbm>> -> memref<50x8x1x8x16xf32, #tpu.memory_space<hbm>>
        %dma_wait3A_175 = tpu.memref_squeeze %dma_wait3A_174 : memref<50x8x1x8x16xf32, #tpu.memory_space<hbm>> -> memref<50x8x8x16xf32, #tpu.memory_space<hbm>>
        %dma_wait3A_176 = arith.constant 0 : i32
        %dma_wait3A_177 = arith.constant 0 : i32
        %dma_wait3A_178 = arith.constant 0 : i32
        %dma_wait3A_179 = tpu.memref_slice %arg4[%dma_wait3A_176, %dma_wait3A_177, %shift_right_logical3A_55, %dma_wait3A_178, %multiple_of3A_58] : memref<50x8x64x8x128xf32, #tpu.memory_space<hbm>> -> memref<50x8x1x8x16xf32, #tpu.memory_space<hbm>>
        %dma_wait3A_180 = tpu.memref_squeeze %dma_wait3A_179 : memref<50x8x1x8x16xf32, #tpu.memory_space<hbm>> -> memref<50x8x8x16xf32, #tpu.memory_space<hbm>>
        tpu.wait_dma2 semaphore(%arg13 : memref<!tpu.dma_semaphore, #tpu.memory_space<semaphore_mem>>) src(%arg8 : memref<50x8x8x16xf32, #tpu.memory_space<vmem>>) dst(%dma_wait3A_180 : memref<50x8x8x16xf32, #tpu.memory_space<hbm>>)
      } else {
      }
      %parallel_loop3A = arith.constant 0 : i32
      %parallel_loop3A_92 = arith.constant 64 : i32
      %parallel_loop3A_93 = arith.constant 1 : i32
      scf.for %parallel_loop3A_171 = %parallel_loop3A to %parallel_loop3A_92 step %parallel_loop3A_93  : i32 {
        %parallel_loop3A_172 = arith.index_cast %parallel_loop3A_171 : i32 to index
        %parallel_loop3A_173 = arith.constant 0 : index
        %parallel_loop3A_174 = tpu.vector_load %arg10[%parallel_loop3A_172, %parallel_loop3A_173] {strides = array<i32>} : memref<64x128xf32, #tpu.memory_space<vmem>>, vector<1x16xf32>,
        %parallel_loop3A_175 = vector.shape_cast %parallel_loop3A_174 : vector<1x16xf32> to vector<16xf32>
        %parallel_loop3A_176 = arith.constant 3 : i32
        %parallel_loop3A_177 = arith.shrui %parallel_loop3A_171, %parallel_loop3A_176 : i32
        %parallel_loop3A_178 = arith.constant 7 : i32
        %parallel_loop3A_179 = arith.andi %parallel_loop3A_171, %parallel_loop3A_178 : i32
        %parallel_loop3A_180 = arith.constant 0 : i32
        %parallel_loop3A_181 = arith.index_cast %parallel_loop3A_180 : i32 to index
        %parallel_loop3A_182 = arith.constant 0 : index
        %parallel_loop3A_183 = tpu.vector_load %arg7[%parallel_loop3A_181, %parallel_loop3A_182] {strides = array<i32>} : memref<50x16xi32, #tpu.memory_space<vmem>>, vector<1x16xi32>,
        %parallel_loop3A_184 = vector.shape_cast %parallel_loop3A_183 : vector<1x16xi32> to vector<16xi32>
        %parallel_loop3A_185 = vector.shape_cast %parallel_loop3A_184 : vector<16xi32> to vector<16x1xi32>
        %parallel_loop3A_186 = vector.shape_cast %parallel_loop3A_185 : vector<16x1xi32> to vector<16xi32>
        %parallel_loop3A_187 = tpu.dynamic_gather %parallel_loop3A_175[%parallel_loop3A_186] in [0] : vector<16xf32>, vector<16xi32> -> vector<16xf32>
        %parallel_loop3A_188 = arith.constant 0 : i32
        %parallel_loop3A_189 = arith.index_cast %parallel_loop3A_188 : i32 to index
        %parallel_loop3A_190 = arith.index_cast %parallel_loop3A_177 : i32 to index
        %parallel_loop3A_191 = arith.index_cast %parallel_loop3A_179 : i32 to index
        %parallel_loop3A_192 = arith.constant 0 : index
        %parallel_loop3A_193 = tpu.vector_load %arg8[%parallel_loop3A_189, %parallel_loop3A_190, %parallel_loop3A_191, %parallel_loop3A_192] {strides = array<i32>} : memref<50x8x8x16xf32, #tpu.memory_space<vmem>>, vector<1x1x1x16xf32>,
        %parallel_loop3A_194 = vector.shape_cast %parallel_loop3A_193 : vector<1x1x1x16xf32> to vector<16xf32>
        %parallel_loop3A_195 = vector.shape_cast %parallel_loop3A_187 : vector<16xf32> to vector<1x1x1x16xf32>
        tpu.vector_store %arg8[%parallel_loop3A_189, %parallel_loop3A_190, %parallel_loop3A_191, %parallel_loop3A_192], %parallel_loop3A_195 {strides = array<i32>} : memref<50x8x8x16xf32, #tpu.memory_space<vmem>>, vector<1x1x1x16xf32>,
        %parallel_loop3A_196 = arith.constant 1 : i32
        %parallel_loop3A_197 = arith.index_cast %parallel_loop3A_196 : i32 to index
        %parallel_loop3A_198 = arith.constant 0 : index
        %parallel_loop3A_199 = tpu.vector_load %arg7[%parallel_loop3A_197, %parallel_loop3A_198] {strides = array<i32>} : memref<50x16xi32, #tpu.memory_space<vmem>>, vector<1x16xi32>,
        %parallel_loop3A_200 = vector.shape_cast %parallel_loop3A_199 : vector<1x16xi32> to vector<16xi32>
        %parallel_loop3A_201 = vector.shape_cast %parallel_loop3A_200 : vector<16xi32> to vector<16x1xi32>
        %parallel_loop3A_202 = vector.shape_cast %parallel_loop3A_201 : vector<16x1xi32> to vector<16xi32>
        %parallel_loop3A_203 = tpu.dynamic_gather %parallel_loop3A_175[%parallel_loop3A_202] in [0] : vector<16xf32>, vector<16xi32> -> vector<16xf32>
        %parallel_loop3A_204 = arith.constant 1 : i32
        %parallel_loop3A_205 = arith.index_cast %parallel_loop3A_204 : i32 to index
        %parallel_loop3A_206 = arith.index_cast %parallel_loop3A_177 : i32 to index
        %parallel_loop3A_207 = arith.index_cast %parallel_loop3A_179 : i32 to index
        %parallel_loop3A_208 = arith.constant 0 : index
        %parallel_loop3A_209 = tpu.vector_load %arg8[%parallel_loop3A_205, %parallel_loop3A_206, %parallel_loop3A_207, %parallel_loop3A_208] {strides = array<i32>} : memref<50x8x8x16xf32, #tpu.memory_space<vmem>>, vector<1x1x1x16xf32>,
        %parallel_loop3A_210 = vector.shape_cast %parallel_loop3A_209 : vector<1x1x1x16xf32> to vector<16xf32>
        %parallel_loop3A_211 = vector.shape_cast %parallel_loop3A_203 : vector<16xf32> to vector<1x1x1x16xf32>
        tpu.vector_store %arg8[%parallel_loop3A_205, %parallel_loop3A_206, %parallel_loop3A_207, %parallel_loop3A_208], %parallel_loop3A_211 {strides = array<i32>} : memref<50x8x8x16xf32, #tpu.memory_space<vmem>>, vector<1x1x1x16xf32>,
        %parallel_loop3A_212 = arith.constant 2 : i32
        %parallel_loop3A_213 = arith.index_cast %parallel_loop3A_212 : i32 to index
        %parallel_loop3A_214 = arith.constant 0 : index
        %parallel_loop3A_215 = tpu.vector_load %arg7[%parallel_loop3A_213, %parallel_loop3A_214] {strides = array<i32>} : memref<50x16xi32, #tpu.memory_space<vmem>>, vector<1x16xi32>,
        %parallel_loop3A_216 = vector.shape_cast %parallel_loop3A_215 : vector<1x16xi32> to vector<16xi32>
        %parallel_loop3A_217 = vector.shape_cast %parallel_loop3A_216 : vector<16xi32> to vector<16x1xi32>
        %parallel_loop3A_218 = vector.shape_cast %parallel_loop3A_217 : vector<16x1xi32> to vector<16xi32>
        %parallel_loop3A_219 = tpu.dynamic_gather %parallel_loop3A_175[%parallel_loop3A_218] in [0] : vector<16xf32>, vector<16xi32> -> vector<16xf32>
        %parallel_loop3A_220 = arith.constant 2 : i32
        %parallel_loop3A_221 = arith.index_cast %parallel_loop3A_220 : i32 to index
        %parallel_loop3A_222 = arith.index_cast %parallel_loop3A_177 : i32 to index
        %parallel_loop3A_223 = arith.index_cast %parallel_loop3A_179 : i32 to index
        %parallel_loop3A_224 = arith.constant 0 : index
        %parallel_loop3A_225 = tpu.vector_load %arg8[%parallel_loop3A_221, %parallel_loop3A_222, %parallel_loop3A_223, %parallel_loop3A_224] {strides = array<i32>} : memref<50x8x8x16xf32, #tpu.memory_space<vmem>>, vector<1x1x1x16xf32>,
        %parallel_loop3A_226 = vector.shape_cast %parallel_loop3A_225 : vector<1x1x1x16xf32> to vector<16xf32>
        %parallel_loop3A_227 = vector.shape_cast %parallel_loop3A_219 : vector<16xf32> to vector<1x1x1x16xf32>
        tpu.vector_store %arg8[%parallel_loop3A_221, %parallel_loop3A_222, %parallel_loop3A_223, %parallel_loop3A_224], %parallel_loop3A_227 {strides = array<i32>} : memref<50x8x8x16xf32, #tpu.memory_space<vmem>>, vector<1x1x1x16xf32>,
        %parallel_loop3A_228 = arith.constant 3 : i32
        %parallel_loop3A_229 = arith.index_cast %parallel_loop3A_228 : i32 to index
        %parallel_loop3A_230 = arith.constant 0 : index
        %parallel_loop3A_231 = tpu.vector_load %arg7[%parallel_loop3A_229, %parallel_loop3A_230] {strides = array<i32>} : memref<50x16xi32, #tpu.memory_space<vmem>>, vector<1x16xi32>,
        %parallel_loop3A_232 = vector.shape_cast %parallel_loop3A_231 : vector<1x16xi32> to vector<16xi32>
        %parallel_loop3A_233 = vector.shape_cast %parallel_loop3A_232 : vector<16xi32> to vector<16x1xi32>
        %parallel_loop3A_234 = vector.shape_cast %parallel_loop3A_233 : vector<16x1xi32> to vector<16xi32>
        %parallel_loop3A_235 = tpu.dynamic_gather %parallel_loop3A_175[%parallel_loop3A_234] in [0] : vector<16xf32>, vector<16xi32> -> vector<16xf32>
        %parallel_loop3A_236 = arith.constant 3 : i32
        %parallel_loop3A_237 = arith.index_cast %parallel_loop3A_236 : i32 to index
        %parallel_loop3A_238 = arith.index_cast %parallel_loop3A_177 : i32 to index
        %parallel_loop3A_239 = arith.index_cast %parallel_loop3A_179 : i32 to index
        %parallel_loop3A_240 = arith.constant 0 : index
        %parallel_loop3A_241 = tpu.vector_load %arg8[%parallel_loop3A_237, %parallel_loop3A_238, %parallel_loop3A_239, %parallel_loop3A_240] {strides = array<i32>} : memref<50x8x8x16xf32, #tpu.memory_space<vmem>>, vector<1x1x1x16xf32>,
        %parallel_loop3A_242 = vector.shape_cast %parallel_loop3A_241 : vector<1x1x1x16xf32> to vector<16xf32>
        %parallel_loop3A_243 = vector.shape_cast %parallel_loop3A_235 : vector<16xf32> to vector<1x1x1x16xf32>
        tpu.vector_store %arg8[%parallel_loop3A_237, %parallel_loop3A_238, %parallel_loop3A_239, %parallel_loop3A_240], %parallel_loop3A_243 {strides = array<i32>} : memref<50x8x8x16xf32, #tpu.memory_space<vmem>>, vector<1x1x1x16xf32>,
        %parallel_loop3A_244 = arith.constant 4 : i32
        %parallel_loop3A_245 = arith.index_cast %parallel_loop3A_244 : i32 to index
        %parallel_loop3A_246 = arith.constant 0 : index
        %parallel_loop3A_247 = tpu.vector_load %arg7[%parallel_loop3A_245, %parallel_loop3A_246] {strides = array<i32>} : memref<50x16xi32, #tpu.memory_space<vmem>>, vector<1x16xi32>,
        %parallel_loop3A_248 = vector.shape_cast %parallel_loop3A_247 : vector<1x16xi32> to vector<16xi32>
        %parallel_loop3A_249 = vector.shape_cast %parallel_loop3A_248 : vector<16xi32> to vector<16x1xi32>
        %parallel_loop3A_250 = vector.shape_cast %parallel_loop3A_249 : vector<16x1xi32> to vector<16xi32>
        %parallel_loop3A_251 = tpu.dynamic_gather %parallel_loop3A_175[%parallel_loop3A_250] in [0] : vector<16xf32>, vector<16xi32> -> vector<16xf32>
        %parallel_loop3A_252 = arith.constant 4 : i32
        %parallel_loop3A_253 = arith.index_cast %parallel_loop3A_252 : i32 to index
        %parallel_loop3A_254 = arith.index_cast %parallel_loop3A_177 : i32 to index
        %parallel_loop3A_255 = arith.index_cast %parallel_loop3A_179 : i32 to index
        %parallel_loop3A_256 = arith.constant 0 : index
        %parallel_loop3A_257 = tpu.vector_load %arg8[%parallel_loop3A_253, %parallel_loop3A_254, %parallel_loop3A_255, %parallel_loop3A_256] {strides = array<i32>} : memref<50x8x8x16xf32, #tpu.memory_space<vmem>>, vector<1x1x1x16xf32>,
        %parallel_loop3A_258 = vector.shape_cast %parallel_loop3A_257 : vector<1x1x1x16xf32> to vector<16xf32>
        %parallel_loop3A_259 = vector.shape_cast %parallel_loop3A_251 : vector<16xf32> to vector<1x1x1x16xf32>
        tpu.vector_store %arg8[%parallel_loop3A_253, %parallel_loop3A_254, %parallel_loop3A_255, %parallel_loop3A_256], %parallel_loop3A_259 {strides = array<i32>} : memref<50x8x8x16xf32, #tpu.memory_space<vmem>>, vector<1x1x1x16xf32>,
        %parallel_loop3A_260 = arith.constant 5 : i32
        %parallel_loop3A_261 = arith.index_cast %parallel_loop3A_260 : i32 to index
        %parallel_loop3A_262 = arith.constant 0 : index
        %parallel_loop3A_263 = tpu.vector_load %arg7[%parallel_loop3A_261, %parallel_loop3A_262] {strides = array<i32>} : memref<50x16xi32, #tpu.memory_space<vmem>>, vector<1x16xi32>,
        %parallel_loop3A_264 = vector.shape_cast %parallel_loop3A_263 : vector<1x16xi32> to vector<16xi32>
        %parallel_loop3A_265 = vector.shape_cast %parallel_loop3A_264 : vector<16xi32> to vector<16x1xi32>
        %parallel_loop3A_266 = vector.shape_cast %parallel_loop3A_265 : vector<16x1xi32> to vector<16xi32>
        %parallel_loop3A_267 = tpu.dynamic_gather %parallel_loop3A_175[%parallel_loop3A_266] in [0] : vector<16xf32>, vector<16xi32> -> vector<16xf32>
        %parallel_loop3A_268 = arith.constant 5 : i32
        %parallel_loop3A_269 = arith.index_cast %parallel_loop3A_268 : i32 to index
        %parallel_loop3A_270 = arith.index_cast %parallel_loop3A_177 : i32 to index
        %parallel_loop3A_271 = arith.index_cast %parallel_loop3A_179 : i32 to index
        %parallel_loop3A_272 = arith.constant 0 : index
        %parallel_loop3A_273 = tpu.vector_load %arg8[%parallel_loop3A_269, %parallel_loop3A_270, %parallel_loop3A_271, %parallel_loop3A_272] {strides = array<i32>} : memref<50x8x8x16xf32, #tpu.memory_space<vmem>>, vector<1x1x1x16xf32>,
        %parallel_loop3A_274 = vector.shape_cast %parallel_loop3A_273 : vector<1x1x1x16xf32> to vector<16xf32>
        %parallel_loop3A_275 = vector.shape_cast %parallel_loop3A_267 : vector<16xf32> to vector<1x1x1x16xf32>
        tpu.vector_store %arg8[%parallel_loop3A_269, %parallel_loop3A_270, %parallel_loop3A_271, %parallel_loop3A_272], %parallel_loop3A_275 {strides = array<i32>} : memref<50x8x8x16xf32, #tpu.memory_space<vmem>>, vector<1x1x1x16xf32>,
        %parallel_loop3A_276 = arith.constant 6 : i32
        %parallel_loop3A_277 = arith.index_cast %parallel_loop3A_276 : i32 to index
        %parallel_loop3A_278 = arith.constant 0 : index
        %parallel_loop3A_279 = tpu.vector_load %arg7[%parallel_loop3A_277, %parallel_loop3A_278] {strides = array<i32>} : memref<50x16xi32, #tpu.memory_space<vmem>>, vector<1x16xi32>,
        %parallel_loop3A_280 = vector.shape_cast %parallel_loop3A_279 : vector<1x16xi32> to vector<16xi32>
        %parallel_loop3A_281 = vector.shape_cast %parallel_loop3A_280 : vector<16xi32> to vector<16x1xi32>
        %parallel_loop3A_282 = vector.shape_cast %parallel_loop3A_281 : vector<16x1xi32> to vector<16xi32>
        %parallel_loop3A_283 = tpu.dynamic_gather %parallel_loop3A_175[%parallel_loop3A_282] in [0] : vector<16xf32>, vector<16xi32> -> vector<16xf32>
        %parallel_loop3A_284 = arith.constant 6 : i32
        %parallel_loop3A_285 = arith.index_cast %parallel_loop3A_284 : i32 to index
        %parallel_loop3A_286 = arith.index_cast %parallel_loop3A_177 : i32 to index
        %parallel_loop3A_287 = arith.index_cast %parallel_loop3A_179 : i32 to index
        %parallel_loop3A_288 = arith.constant 0 : index
        %parallel_loop3A_289 = tpu.vector_load %arg8[%parallel_loop3A_285, %parallel_loop3A_286, %parallel_loop3A_287, %parallel_loop3A_288] {strides = array<i32>} : memref<50x8x8x16xf32, #tpu.memory_space<vmem>>, vector<1x1x1x16xf32>,
        %parallel_loop3A_290 = vector.shape_cast %parallel_loop3A_289 : vector<1x1x1x16xf32> to vector<16xf32>
        %parallel_loop3A_291 = vector.shape_cast %parallel_loop3A_283 : vector<16xf32> to vector<1x1x1x16xf32>
        tpu.vector_store %arg8[%parallel_loop3A_285, %parallel_loop3A_286, %parallel_loop3A_287, %parallel_loop3A_288], %parallel_loop3A_291 {strides = array<i32>} : memref<50x8x8x16xf32, #tpu.memory_space<vmem>>, vector<1x1x1x16xf32>,
        %parallel_loop3A_292 = arith.constant 7 : i32
        %parallel_loop3A_293 = arith.index_cast %parallel_loop3A_292 : i32 to index
        %parallel_loop3A_294 = arith.constant 0 : index
        %parallel_loop3A_295 = tpu.vector_load %arg7[%parallel_loop3A_293, %parallel_loop3A_294] {strides = array<i32>} : memref<50x16xi32, #tpu.memory_space<vmem>>, vector<1x16xi32>,
        %parallel_loop3A_296 = vector.shape_cast %parallel_loop3A_295 : vector<1x16xi32> to vector<16xi32>
        %parallel_loop3A_297 = vector.shape_cast %parallel_loop3A_296 : vector<16xi32> to vector<16x1xi32>
        %parallel_loop3A_298 = vector.shape_cast %parallel_loop3A_297 : vector<16x1xi32> to vector<16xi32>
        %parallel_loop3A_299 = tpu.dynamic_gather %parallel_loop3A_175[%parallel_loop3A_298] in [0] : vector<16xf32>, vector<16xi32> -> vector<16xf32>
        %parallel_loop3A_300 = arith.constant 7 : i32
        %parallel_loop3A_301 = arith.index_cast %parallel_loop3A_300 : i32 to index
        %parallel_loop3A_302 = arith.index_cast %parallel_loop3A_177 : i32 to index
        %parallel_loop3A_303 = arith.index_cast %parallel_loop3A_179 : i32 to index
        %parallel_loop3A_304 = arith.constant 0 : index
        %parallel_loop3A_305 = tpu.vector_load %arg8[%parallel_loop3A_301, %parallel_loop3A_302, %parallel_loop3A_303, %parallel_loop3A_304] {strides = array<i32>} : memref<50x8x8x16xf32, #tpu.memory_space<vmem>>, vector<1x1x1x16xf32>,
        %parallel_loop3A_306 = vector.shape_cast %parallel_loop3A_305 : vector<1x1x1x16xf32> to vector<16xf32>
        %parallel_loop3A_307 = vector.shape_cast %parallel_loop3A_299 : vector<16xf32> to vector<1x1x1x16xf32>
        tpu.vector_store %arg8[%parallel_loop3A_301, %parallel_loop3A_302, %parallel_loop3A_303, %parallel_loop3A_304], %parallel_loop3A_307 {strides = array<i32>} : memref<50x8x8x16xf32, #tpu.memory_space<vmem>>, vector<1x1x1x16xf32>,
        %parallel_loop3A_308 = arith.constant 8 : i32
        %parallel_loop3A_309 = arith.index_cast %parallel_loop3A_308 : i32 to index
        %parallel_loop3A_310 = arith.constant 0 : index
        %parallel_loop3A_311 = tpu.vector_load %arg7[%parallel_loop3A_309, %parallel_loop3A_310] {strides = array<i32>} : memref<50x16xi32, #tpu.memory_space<vmem>>, vector<1x16xi32>,
        %parallel_loop3A_312 = vector.shape_cast %parallel_loop3A_311 : vector<1x16xi32> to vector<16xi32>
        %parallel_loop3A_313 = vector.shape_cast %parallel_loop3A_312 : vector<16xi32> to vector<16x1xi32>
        %parallel_loop3A_314 = vector.shape_cast %parallel_loop3A_313 : vector<16x1xi32> to vector<16xi32>
        %parallel_loop3A_315 = tpu.dynamic_gather %parallel_loop3A_175[%parallel_loop3A_314] in [0] : vector<16xf32>, vector<16xi32> -> vector<16xf32>
        %parallel_loop3A_316 = arith.constant 8 : i32
        %parallel_loop3A_317 = arith.index_cast %parallel_loop3A_316 : i32 to index
        %parallel_loop3A_318 = arith.index_cast %parallel_loop3A_177 : i32 to index
        %parallel_loop3A_319 = arith.index_cast %parallel_loop3A_179 : i32 to index
        %parallel_loop3A_320 = arith.constant 0 : index
        %parallel_loop3A_321 = tpu.vector_load %arg8[%parallel_loop3A_317, %parallel_loop3A_318, %parallel_loop3A_319, %parallel_loop3A_320] {strides = array<i32>} : memref<50x8x8x16xf32, #tpu.memory_space<vmem>>, vector<1x1x1x16xf32>,
        %parallel_loop3A_322 = vector.shape_cast %parallel_loop3A_321 : vector<1x1x1x16xf32> to vector<16xf32>
        %parallel_loop3A_323 = vector.shape_cast %parallel_loop3A_315 : vector<16xf32> to vector<1x1x1x16xf32>
        tpu.vector_store %arg8[%parallel_loop3A_317, %parallel_loop3A_318, %parallel_loop3A_319, %parallel_loop3A_320], %parallel_loop3A_323 {strides = array<i32>} : memref<50x8x8x16xf32, #tpu.memory_space<vmem>>, vector<1x1x1x16xf32>,
        %parallel_loop3A_324 = arith.constant 9 : i32
        %parallel_loop3A_325 = arith.index_cast %parallel_loop3A_324 : i32 to index
        %parallel_loop3A_326 = arith.constant 0 : index
        %parallel_loop3A_327 = tpu.vector_load %arg7[%parallel_loop3A_325, %parallel_loop3A_326] {strides = array<i32>} : memref<50x16xi32, #tpu.memory_space<vmem>>, vector<1x16xi32>,
        %parallel_loop3A_328 = vector.shape_cast %parallel_loop3A_327 : vector<1x16xi32> to vector<16xi32>
        %parallel_loop3A_329 = vector.shape_cast %parallel_loop3A_328 : vector<16xi32> to vector<16x1xi32>
        %parallel_loop3A_330 = vector.shape_cast %parallel_loop3A_329 : vector<16x1xi32> to vector<16xi32>
        %parallel_loop3A_331 = tpu.dynamic_gather %parallel_loop3A_175[%parallel_loop3A_330] in [0] : vector<16xf32>, vector<16xi32> -> vector<16xf32>
        %parallel_loop3A_332 = arith.constant 9 : i32
        %parallel_loop3A_333 = arith.index_cast %parallel_loop3A_332 : i32 to index
        %parallel_loop3A_334 = arith.index_cast %parallel_loop3A_177 : i32 to index
        %parallel_loop3A_335 = arith.index_cast %parallel_loop3A_179 : i32 to index
        %parallel_loop3A_336 = arith.constant 0 : index
        %parallel_loop3A_337 = tpu.vector_load %arg8[%parallel_loop3A_333, %parallel_loop3A_334, %parallel_loop3A_335, %parallel_loop3A_336] {strides = array<i32>} : memref<50x8x8x16xf32, #tpu.memory_space<vmem>>, vector<1x1x1x16xf32>,
        %parallel_loop3A_338 = vector.shape_cast %parallel_loop3A_337 : vector<1x1x1x16xf32> to vector<16xf32>
        %parallel_loop3A_339 = vector.shape_cast %parallel_loop3A_331 : vector<16xf32> to vector<1x1x1x16xf32>
        tpu.vector_store %arg8[%parallel_loop3A_333, %parallel_loop3A_334, %parallel_loop3A_335, %parallel_loop3A_336], %parallel_loop3A_339 {strides = array<i32>} : memref<50x8x8x16xf32, #tpu.memory_space<vmem>>, vector<1x1x1x16xf32>,
        %parallel_loop3A_340 = arith.constant 10 : i32
        %parallel_loop3A_341 = arith.index_cast %parallel_loop3A_340 : i32 to index
        %parallel_loop3A_342 = arith.constant 0 : index
        %parallel_loop3A_343 = tpu.vector_load %arg7[%parallel_loop3A_341, %parallel_loop3A_342] {strides = array<i32>} : memref<50x16xi32, #tpu.memory_space<vmem>>, vector<1x16xi32>,
        %parallel_loop3A_344 = vector.shape_cast %parallel_loop3A_343 : vector<1x16xi32> to vector<16xi32>
        %parallel_loop3A_345 = vector.shape_cast %parallel_loop3A_344 : vector<16xi32> to vector<16x1xi32>
        %parallel_loop3A_346 = vector.shape_cast %parallel_loop3A_345 : vector<16x1xi32> to vector<16xi32>
        %parallel_loop3A_347 = tpu.dynamic_gather %parallel_loop3A_175[%parallel_loop3A_346] in [0] : vector<16xf32>, vector<16xi32> -> vector<16xf32>
        %parallel_loop3A_348 = arith.constant 10 : i32
        %parallel_loop3A_349 = arith.index_cast %parallel_loop3A_348 : i32 to index
        %parallel_loop3A_350 = arith.index_cast %parallel_loop3A_177 : i32 to index
        %parallel_loop3A_351 = arith.index_cast %parallel_loop3A_179 : i32 to index
        %parallel_loop3A_352 = arith.constant 0 : index
        %parallel_loop3A_353 = tpu.vector_load %arg8[%parallel_loop3A_349, %parallel_loop3A_350, %parallel_loop3A_351, %parallel_loop3A_352] {strides = array<i32>} : memref<50x8x8x16xf32, #tpu.memory_space<vmem>>, vector<1x1x1x16xf32>,
        %parallel_loop3A_354 = vector.shape_cast %parallel_loop3A_353 : vector<1x1x1x16xf32> to vector<16xf32>
        %parallel_loop3A_355 = vector.shape_cast %parallel_loop3A_347 : vector<16xf32> to vector<1x1x1x16xf32>
        tpu.vector_store %arg8[%parallel_loop3A_349, %parallel_loop3A_350, %parallel_loop3A_351, %parallel_loop3A_352], %parallel_loop3A_355 {strides = array<i32>} : memref<50x8x8x16xf32, #tpu.memory_space<vmem>>, vector<1x1x1x16xf32>,
        %parallel_loop3A_356 = arith.constant 11 : i32
        %parallel_loop3A_357 = arith.index_cast %parallel_loop3A_356 : i32 to index
        %parallel_loop3A_358 = arith.constant 0 : index
        %parallel_loop3A_359 = tpu.vector_load %arg7[%parallel_loop3A_357, %parallel_loop3A_358] {strides = array<i32>} : memref<50x16xi32, #tpu.memory_space<vmem>>, vector<1x16xi32>,
        %parallel_loop3A_360 = vector.shape_cast %parallel_loop3A_359 : vector<1x16xi32> to vector<16xi32>
        %parallel_loop3A_361 = vector.shape_cast %parallel_loop3A_360 : vector<16xi32> to vector<16x1xi32>
        %parallel_loop3A_362 = vector.shape_cast %parallel_loop3A_361 : vector<16x1xi32> to vector<16xi32>
        %parallel_loop3A_363 = tpu.dynamic_gather %parallel_loop3A_175[%parallel_loop3A_362] in [0] : vector<16xf32>, vector<16xi32> -> vector<16xf32>
        %parallel_loop3A_364 = arith.constant 11 : i32
        %parallel_loop3A_365 = arith.index_cast %parallel_loop3A_364 : i32 to index
        %parallel_loop3A_366 = arith.index_cast %parallel_loop3A_177 : i32 to index
        %parallel_loop3A_367 = arith.index_cast %parallel_loop3A_179 : i32 to index
        %parallel_loop3A_368 = arith.constant 0 : index
        %parallel_loop3A_369 = tpu.vector_load %arg8[%parallel_loop3A_365, %parallel_loop3A_366, %parallel_loop3A_367, %parallel_loop3A_368] {strides = array<i32>} : memref<50x8x8x16xf32, #tpu.memory_space<vmem>>, vector<1x1x1x16xf32>,
        %parallel_loop3A_370 = vector.shape_cast %parallel_loop3A_369 : vector<1x1x1x16xf32> to vector<16xf32>
        %parallel_loop3A_371 = vector.shape_cast %parallel_loop3A_363 : vector<16xf32> to vector<1x1x1x16xf32>
        tpu.vector_store %arg8[%parallel_loop3A_365, %parallel_loop3A_366, %parallel_loop3A_367, %parallel_loop3A_368], %parallel_loop3A_371 {strides = array<i32>} : memref<50x8x8x16xf32, #tpu.memory_space<vmem>>, vector<1x1x1x16xf32>,
        %parallel_loop3A_372 = arith.constant 12 : i32
        %parallel_loop3A_373 = arith.index_cast %parallel_loop3A_372 : i32 to index
        %parallel_loop3A_374 = arith.constant 0 : index
        %parallel_loop3A_375 = tpu.vector_load %arg7[%parallel_loop3A_373, %parallel_loop3A_374] {strides = array<i32>} : memref<50x16xi32, #tpu.memory_space<vmem>>, vector<1x16xi32>,
        %parallel_loop3A_376 = vector.shape_cast %parallel_loop3A_375 : vector<1x16xi32> to vector<16xi32>
        %parallel_loop3A_377 = vector.shape_cast %parallel_loop3A_376 : vector<16xi32> to vector<16x1xi32>
        %parallel_loop3A_378 = vector.shape_cast %parallel_loop3A_377 : vector<16x1xi32> to vector<16xi32>
        %parallel_loop3A_379 = tpu.dynamic_gather %parallel_loop3A_175[%parallel_loop3A_378] in [0] : vector<16xf32>, vector<16xi32> -> vector<16xf32>
        %parallel_loop3A_380 = arith.constant 12 : i32
        %parallel_loop3A_381 = arith.index_cast %parallel_loop3A_380 : i32 to index
        %parallel_loop3A_382 = arith.index_cast %parallel_loop3A_177 : i32 to index
        %parallel_loop3A_383 = arith.index_cast %parallel_loop3A_179 : i32 to index
        %parallel_loop3A_384 = arith.constant 0 : index
        %parallel_loop3A_385 = tpu.vector_load %arg8[%parallel_loop3A_381, %parallel_loop3A_382, %parallel_loop3A_383, %parallel_loop3A_384] {strides = array<i32>} : memref<50x8x8x16xf32, #tpu.memory_space<vmem>>, vector<1x1x1x16xf32>,
        %parallel_loop3A_386 = vector.shape_cast %parallel_loop3A_385 : vector<1x1x1x16xf32> to vector<16xf32>
        %parallel_loop3A_387 = vector.shape_cast %parallel_loop3A_379 : vector<16xf32> to vector<1x1x1x16xf32>
        tpu.vector_store %arg8[%parallel_loop3A_381, %parallel_loop3A_382, %parallel_loop3A_383, %parallel_loop3A_384], %parallel_loop3A_387 {strides = array<i32>} : memref<50x8x8x16xf32, #tpu.memory_space<vmem>>, vector<1x1x1x16xf32>,
        %parallel_loop3A_388 = arith.constant 13 : i32
        %parallel_loop3A_389 = arith.index_cast %parallel_loop3A_388 : i32 to index
        %parallel_loop3A_390 = arith.constant 0 : index
        %parallel_loop3A_391 = tpu.vector_load %arg7[%parallel_loop3A_389, %parallel_loop3A_390] {strides = array<i32>} : memref<50x16xi32, #tpu.memory_space<vmem>>, vector<1x16xi32>,
        %parallel_loop3A_392 = vector.shape_cast %parallel_loop3A_391 : vector<1x16xi32> to vector<16xi32>
        %parallel_loop3A_393 = vector.shape_cast %parallel_loop3A_392 : vector<16xi32> to vector<16x1xi32>
        %parallel_loop3A_394 = vector.shape_cast %parallel_loop3A_393 : vector<16x1xi32> to vector<16xi32>
        %parallel_loop3A_395 = tpu.dynamic_gather %parallel_loop3A_175[%parallel_loop3A_394] in [0] : vector<16xf32>, vector<16xi32> -> vector<16xf32>
        %parallel_loop3A_396 = arith.constant 13 : i32
        %parallel_loop3A_397 = arith.index_cast %parallel_loop3A_396 : i32 to index
        %parallel_loop3A_398 = arith.index_cast %parallel_loop3A_177 : i32 to index
        %parallel_loop3A_399 = arith.index_cast %parallel_loop3A_179 : i32 to index
        %parallel_loop3A_400 = arith.constant 0 : index
        %parallel_loop3A_401 = tpu.vector_load %arg8[%parallel_loop3A_397, %parallel_loop3A_398, %parallel_loop3A_399, %parallel_loop3A_400] {strides = array<i32>} : memref<50x8x8x16xf32, #tpu.memory_space<vmem>>, vector<1x1x1x16xf32>,
        %parallel_loop3A_402 = vector.shape_cast %parallel_loop3A_401 : vector<1x1x1x16xf32> to vector<16xf32>
        %parallel_loop3A_403 = vector.shape_cast %parallel_loop3A_395 : vector<16xf32> to vector<1x1x1x16xf32>
        tpu.vector_store %arg8[%parallel_loop3A_397, %parallel_loop3A_398, %parallel_loop3A_399, %parallel_loop3A_400], %parallel_loop3A_403 {strides = array<i32>} : memref<50x8x8x16xf32, #tpu.memory_space<vmem>>, vector<1x1x1x16xf32>,
        %parallel_loop3A_404 = arith.constant 14 : i32
        %parallel_loop3A_405 = arith.index_cast %parallel_loop3A_404 : i32 to index
        %parallel_loop3A_406 = arith.constant 0 : index
        %parallel_loop3A_407 = tpu.vector_load %arg7[%parallel_loop3A_405, %parallel_loop3A_406] {strides = array<i32>} : memref<50x16xi32, #tpu.memory_space<vmem>>, vector<1x16xi32>,
        %parallel_loop3A_408 = vector.shape_cast %parallel_loop3A_407 : vector<1x16xi32> to vector<16xi32>
        %parallel_loop3A_409 = vector.shape_cast %parallel_loop3A_408 : vector<16xi32> to vector<16x1xi32>
        %parallel_loop3A_410 = vector.shape_cast %parallel_loop3A_409 : vector<16x1xi32> to vector<16xi32>
        %parallel_loop3A_411 = tpu.dynamic_gather %parallel_loop3A_175[%parallel_loop3A_410] in [0] : vector<16xf32>, vector<16xi32> -> vector<16xf32>
        %parallel_loop3A_412 = arith.constant 14 : i32
        %parallel_loop3A_413 = arith.index_cast %parallel_loop3A_412 : i32 to index
        %parallel_loop3A_414 = arith.index_cast %parallel_loop3A_177 : i32 to index
        %parallel_loop3A_415 = arith.index_cast %parallel_loop3A_179 : i32 to index
        %parallel_loop3A_416 = arith.constant 0 : index
        %parallel_loop3A_417 = tpu.vector_load %arg8[%parallel_loop3A_413, %parallel_loop3A_414, %parallel_loop3A_415, %parallel_loop3A_416] {strides = array<i32>} : memref<50x8x8x16xf32, #tpu.memory_space<vmem>>, vector<1x1x1x16xf32>,
        %parallel_loop3A_418 = vector.shape_cast %parallel_loop3A_417 : vector<1x1x1x16xf32> to vector<16xf32>
        %parallel_loop3A_419 = vector.shape_cast %parallel_loop3A_411 : vector<16xf32> to vector<1x1x1x16xf32>
        tpu.vector_store %arg8[%parallel_loop3A_413, %parallel_loop3A_414, %parallel_loop3A_415, %parallel_loop3A_416], %parallel_loop3A_419 {strides = array<i32>} : memref<50x8x8x16xf32, #tpu.memory_space<vmem>>, vector<1x1x1x16xf32>,
        %parallel_loop3A_420 = arith.constant 15 : i32
        %parallel_loop3A_421 = arith.index_cast %parallel_loop3A_420 : i32 to index
        %parallel_loop3A_422 = arith.constant 0 : index
        %parallel_loop3A_423 = tpu.vector_load %arg7[%parallel_loop3A_421, %parallel_loop3A_422] {strides = array<i32>} : memref<50x16xi32, #tpu.memory_space<vmem>>, vector<1x16xi32>,
        %parallel_loop3A_424 = vector.shape_cast %parallel_loop3A_423 : vector<1x16xi32> to vector<16xi32>
        %parallel_loop3A_425 = vector.shape_cast %parallel_loop3A_424 : vector<16xi32> to vector<16x1xi32>
        %parallel_loop3A_426 = vector.shape_cast %parallel_loop3A_425 : vector<16x1xi32> to vector<16xi32>
        %parallel_loop3A_427 = tpu.dynamic_gather %parallel_loop3A_175[%parallel_loop3A_426] in [0] : vector<16xf32>, vector<16xi32> -> vector<16xf32>
        %parallel_loop3A_428 = arith.constant 15 : i32
        %parallel_loop3A_429 = arith.index_cast %parallel_loop3A_428 : i32 to index
        %parallel_loop3A_430 = arith.index_cast %parallel_loop3A_177 : i32 to index
        %parallel_loop3A_431 = arith.index_cast %parallel_loop3A_179 : i32 to index
        %parallel_loop3A_432 = arith.constant 0 : index
        %parallel_loop3A_433 = tpu.vector_load %arg8[%parallel_loop3A_429, %parallel_loop3A_430, %parallel_loop3A_431, %parallel_loop3A_432] {strides = array<i32>} : memref<50x8x8x16xf32, #tpu.memory_space<vmem>>, vector<1x1x1x16xf32>,
        %parallel_loop3A_434 = vector.shape_cast %parallel_loop3A_433 : vector<1x1x1x16xf32> to vector<16xf32>
        %parallel_loop3A_435 = vector.shape_cast %parallel_loop3A_427 : vector<16xf32> to vector<1x1x1x16xf32>
        tpu.vector_store %arg8[%parallel_loop3A_429, %parallel_loop3A_430, %parallel_loop3A_431, %parallel_loop3A_432], %parallel_loop3A_435 {strides = array<i32>} : memref<50x8x8x16xf32, #tpu.memory_space<vmem>>, vector<1x1x1x16xf32>,
        %parallel_loop3A_436 = arith.constant 16 : i32
        %parallel_loop3A_437 = arith.index_cast %parallel_loop3A_436 : i32 to index
        %parallel_loop3A_438 = arith.constant 0 : index
        %parallel_loop3A_439 = tpu.vector_load %arg7[%parallel_loop3A_437, %parallel_loop3A_438] {strides = array<i32>} : memref<50x16xi32, #tpu.memory_space<vmem>>, vector<1x16xi32>,
        %parallel_loop3A_440 = vector.shape_cast %parallel_loop3A_439 : vector<1x16xi32> to vector<16xi32>
        %parallel_loop3A_441 = vector.shape_cast %parallel_loop3A_440 : vector<16xi32> to vector<16x1xi32>
        %parallel_loop3A_442 = vector.shape_cast %parallel_loop3A_441 : vector<16x1xi32> to vector<16xi32>
        %parallel_loop3A_443 = tpu.dynamic_gather %parallel_loop3A_175[%parallel_loop3A_442] in [0] : vector<16xf32>, vector<16xi32> -> vector<16xf32>
        %parallel_loop3A_444 = arith.constant 16 : i32
        %parallel_loop3A_445 = arith.index_cast %parallel_loop3A_444 : i32 to index
        %parallel_loop3A_446 = arith.index_cast %parallel_loop3A_177 : i32 to index
        %parallel_loop3A_447 = arith.index_cast %parallel_loop3A_179 : i32 to index
        %parallel_loop3A_448 = arith.constant 0 : index
        %parallel_loop3A_449 = tpu.vector_load %arg8[%parallel_loop3A_445, %parallel_loop3A_446, %parallel_loop3A_447, %parallel_loop3A_448] {strides = array<i32>} : memref<50x8x8x16xf32, #tpu.memory_space<vmem>>, vector<1x1x1x16xf32>,
        %parallel_loop3A_450 = vector.shape_cast %parallel_loop3A_449 : vector<1x1x1x16xf32> to vector<16xf32>
        %parallel_loop3A_451 = vector.shape_cast %parallel_loop3A_443 : vector<16xf32> to vector<1x1x1x16xf32>
        tpu.vector_store %arg8[%parallel_loop3A_445, %parallel_loop3A_446, %parallel_loop3A_447, %parallel_loop3A_448], %parallel_loop3A_451 {strides = array<i32>} : memref<50x8x8x16xf32, #tpu.memory_space<vmem>>, vector<1x1x1x16xf32>,
        %parallel_loop3A_452 = arith.constant 17 : i32
        %parallel_loop3A_453 = arith.index_cast %parallel_loop3A_452 : i32 to index
        %parallel_loop3A_454 = arith.constant 0 : index
        %parallel_loop3A_455 = tpu.vector_load %arg7[%parallel_loop3A_453, %parallel_loop3A_454] {strides = array<i32>} : memref<50x16xi32, #tpu.memory_space<vmem>>, vector<1x16xi32>,
        %parallel_loop3A_456 = vector.shape_cast %parallel_loop3A_455 : vector<1x16xi32> to vector<16xi32>
        %parallel_loop3A_457 = vector.shape_cast %parallel_loop3A_456 : vector<16xi32> to vector<16x1xi32>
        %parallel_loop3A_458 = vector.shape_cast %parallel_loop3A_457 : vector<16x1xi32> to vector<16xi32>
        %parallel_loop3A_459 = tpu.dynamic_gather %parallel_loop3A_175[%parallel_loop3A_458] in [0] : vector<16xf32>, vector<16xi32> -> vector<16xf32>
        %parallel_loop3A_460 = arith.constant 17 : i32
        %parallel_loop3A_461 = arith.index_cast %parallel_loop3A_460 : i32 to index
        %parallel_loop3A_462 = arith.index_cast %parallel_loop3A_177 : i32 to index
        %parallel_loop3A_463 = arith.index_cast %parallel_loop3A_179 : i32 to index
        %parallel_loop3A_464 = arith.constant 0 : index
        %parallel_loop3A_465 = tpu.vector_load %arg8[%parallel_loop3A_461, %parallel_loop3A_462, %parallel_loop3A_463, %parallel_loop3A_464] {strides = array<i32>} : memref<50x8x8x16xf32, #tpu.memory_space<vmem>>, vector<1x1x1x16xf32>,
        %parallel_loop3A_466 = vector.shape_cast %parallel_loop3A_465 : vector<1x1x1x16xf32> to vector<16xf32>
        %parallel_loop3A_467 = vector.shape_cast %parallel_loop3A_459 : vector<16xf32> to vector<1x1x1x16xf32>
        tpu.vector_store %arg8[%parallel_loop3A_461, %parallel_loop3A_462, %parallel_loop3A_463, %parallel_loop3A_464], %parallel_loop3A_467 {strides = array<i32>} : memref<50x8x8x16xf32, #tpu.memory_space<vmem>>, vector<1x1x1x16xf32>,
        %parallel_loop3A_468 = arith.constant 18 : i32
        %parallel_loop3A_469 = arith.index_cast %parallel_loop3A_468 : i32 to index
        %parallel_loop3A_470 = arith.constant 0 : index
        %parallel_loop3A_471 = tpu.vector_load %arg7[%parallel_loop3A_469, %parallel_loop3A_470] {strides = array<i32>} : memref<50x16xi32, #tpu.memory_space<vmem>>, vector<1x16xi32>,
        %parallel_loop3A_472 = vector.shape_cast %parallel_loop3A_471 : vector<1x16xi32> to vector<16xi32>
        %parallel_loop3A_473 = vector.shape_cast %parallel_loop3A_472 : vector<16xi32> to vector<16x1xi32>
        %parallel_loop3A_474 = vector.shape_cast %parallel_loop3A_473 : vector<16x1xi32> to vector<16xi32>
        %parallel_loop3A_475 = tpu.dynamic_gather %parallel_loop3A_175[%parallel_loop3A_474] in [0] : vector<16xf32>, vector<16xi32> -> vector<16xf32>
        %parallel_loop3A_476 = arith.constant 18 : i32
        %parallel_loop3A_477 = arith.index_cast %parallel_loop3A_476 : i32 to index
        %parallel_loop3A_478 = arith.index_cast %parallel_loop3A_177 : i32 to index
        %parallel_loop3A_479 = arith.index_cast %parallel_loop3A_179 : i32 to index
        %parallel_loop3A_480 = arith.constant 0 : index
        %parallel_loop3A_481 = tpu.vector_load %arg8[%parallel_loop3A_477, %parallel_loop3A_478, %parallel_loop3A_479, %parallel_loop3A_480] {strides = array<i32>} : memref<50x8x8x16xf32, #tpu.memory_space<vmem>>, vector<1x1x1x16xf32>,
        %parallel_loop3A_482 = vector.shape_cast %parallel_loop3A_481 : vector<1x1x1x16xf32> to vector<16xf32>
        %parallel_loop3A_483 = vector.shape_cast %parallel_loop3A_475 : vector<16xf32> to vector<1x1x1x16xf32>
        tpu.vector_store %arg8[%parallel_loop3A_477, %parallel_loop3A_478, %parallel_loop3A_479, %parallel_loop3A_480], %parallel_loop3A_483 {strides = array<i32>} : memref<50x8x8x16xf32, #tpu.memory_space<vmem>>, vector<1x1x1x16xf32>,
        %parallel_loop3A_484 = arith.constant 19 : i32
        %parallel_loop3A_485 = arith.index_cast %parallel_loop3A_484 : i32 to index
        %parallel_loop3A_486 = arith.constant 0 : index
        %parallel_loop3A_487 = tpu.vector_load %arg7[%parallel_loop3A_485, %parallel_loop3A_486] {strides = array<i32>} : memref<50x16xi32, #tpu.memory_space<vmem>>, vector<1x16xi32>,
        %parallel_loop3A_488 = vector.shape_cast %parallel_loop3A_487 : vector<1x16xi32> to vector<16xi32>
        %parallel_loop3A_489 = vector.shape_cast %parallel_loop3A_488 : vector<16xi32> to vector<16x1xi32>
        %parallel_loop3A_490 = vector.shape_cast %parallel_loop3A_489 : vector<16x1xi32> to vector<16xi32>
        %parallel_loop3A_491 = tpu.dynamic_gather %parallel_loop3A_175[%parallel_loop3A_490] in [0] : vector<16xf32>, vector<16xi32> -> vector<16xf32>
        %parallel_loop3A_492 = arith.constant 19 : i32
        %parallel_loop3A_493 = arith.index_cast %parallel_loop3A_492 : i32 to index
        %parallel_loop3A_494 = arith.index_cast %parallel_loop3A_177 : i32 to index
        %parallel_loop3A_495 = arith.index_cast %parallel_loop3A_179 : i32 to index
        %parallel_loop3A_496 = arith.constant 0 : index
        %parallel_loop3A_497 = tpu.vector_load %arg8[%parallel_loop3A_493, %parallel_loop3A_494, %parallel_loop3A_495, %parallel_loop3A_496] {strides = array<i32>} : memref<50x8x8x16xf32, #tpu.memory_space<vmem>>, vector<1x1x1x16xf32>,
        %parallel_loop3A_498 = vector.shape_cast %parallel_loop3A_497 : vector<1x1x1x16xf32> to vector<16xf32>
        %parallel_loop3A_499 = vector.shape_cast %parallel_loop3A_491 : vector<16xf32> to vector<1x1x1x16xf32>
        tpu.vector_store %arg8[%parallel_loop3A_493, %parallel_loop3A_494, %parallel_loop3A_495, %parallel_loop3A_496], %parallel_loop3A_499 {strides = array<i32>} : memref<50x8x8x16xf32, #tpu.memory_space<vmem>>, vector<1x1x1x16xf32>,
        %parallel_loop3A_500 = arith.constant 20 : i32
        %parallel_loop3A_501 = arith.index_cast %parallel_loop3A_500 : i32 to index
        %parallel_loop3A_502 = arith.constant 0 : index
        %parallel_loop3A_503 = tpu.vector_load %arg7[%parallel_loop3A_501, %parallel_loop3A_502] {strides = array<i32>} : memref<50x16xi32, #tpu.memory_space<vmem>>, vector<1x16xi32>,
        %parallel_loop3A_504 = vector.shape_cast %parallel_loop3A_503 : vector<1x16xi32> to vector<16xi32>
        %parallel_loop3A_505 = vector.shape_cast %parallel_loop3A_504 : vector<16xi32> to vector<16x1xi32>
        %parallel_loop3A_506 = vector.shape_cast %parallel_loop3A_505 : vector<16x1xi32> to vector<16xi32>
        %parallel_loop3A_507 = tpu.dynamic_gather %parallel_loop3A_175[%parallel_loop3A_506] in [0] : vector<16xf32>, vector<16xi32> -> vector<16xf32>
        %parallel_loop3A_508 = arith.constant 20 : i32
        %parallel_loop3A_509 = arith.index_cast %parallel_loop3A_508 : i32 to index
        %parallel_loop3A_510 = arith.index_cast %parallel_loop3A_177 : i32 to index
        %parallel_loop3A_511 = arith.index_cast %parallel_loop3A_179 : i32 to index
        %parallel_loop3A_512 = arith.constant 0 : index
        %parallel_loop3A_513 = tpu.vector_load %arg8[%parallel_loop3A_509, %parallel_loop3A_510, %parallel_loop3A_511, %parallel_loop3A_512] {strides = array<i32>} : memref<50x8x8x16xf32, #tpu.memory_space<vmem>>, vector<1x1x1x16xf32>,
        %parallel_loop3A_514 = vector.shape_cast %parallel_loop3A_513 : vector<1x1x1x16xf32> to vector<16xf32>
        %parallel_loop3A_515 = vector.shape_cast %parallel_loop3A_507 : vector<16xf32> to vector<1x1x1x16xf32>
        tpu.vector_store %arg8[%parallel_loop3A_509, %parallel_loop3A_510, %parallel_loop3A_511, %parallel_loop3A_512], %parallel_loop3A_515 {strides = array<i32>} : memref<50x8x8x16xf32, #tpu.memory_space<vmem>>, vector<1x1x1x16xf32>,
        %parallel_loop3A_516 = arith.constant 21 : i32
        %parallel_loop3A_517 = arith.index_cast %parallel_loop3A_516 : i32 to index
        %parallel_loop3A_518 = arith.constant 0 : index
        %parallel_loop3A_519 = tpu.vector_load %arg7[%parallel_loop3A_517, %parallel_loop3A_518] {strides = array<i32>} : memref<50x16xi32, #tpu.memory_space<vmem>>, vector<1x16xi32>,
        %parallel_loop3A_520 = vector.shape_cast %parallel_loop3A_519 : vector<1x16xi32> to vector<16xi32>
        %parallel_loop3A_521 = vector.shape_cast %parallel_loop3A_520 : vector<16xi32> to vector<16x1xi32>
        %parallel_loop3A_522 = vector.shape_cast %parallel_loop3A_521 : vector<16x1xi32> to vector<16xi32>
        %parallel_loop3A_523 = tpu.dynamic_gather %parallel_loop3A_175[%parallel_loop3A_522] in [0] : vector<16xf32>, vector<16xi32> -> vector<16xf32>
        %parallel_loop3A_524 = arith.constant 21 : i32
        %parallel_loop3A_525 = arith.index_cast %parallel_loop3A_524 : i32 to index
        %parallel_loop3A_526 = arith.index_cast %parallel_loop3A_177 : i32 to index
        %parallel_loop3A_527 = arith.index_cast %parallel_loop3A_179 : i32 to index
        %parallel_loop3A_528 = arith.constant 0 : index
        %parallel_loop3A_529 = tpu.vector_load %arg8[%parallel_loop3A_525, %parallel_loop3A_526, %parallel_loop3A_527, %parallel_loop3A_528] {strides = array<i32>} : memref<50x8x8x16xf32, #tpu.memory_space<vmem>>, vector<1x1x1x16xf32>,
        %parallel_loop3A_530 = vector.shape_cast %parallel_loop3A_529 : vector<1x1x1x16xf32> to vector<16xf32>
        %parallel_loop3A_531 = vector.shape_cast %parallel_loop3A_523 : vector<16xf32> to vector<1x1x1x16xf32>
        tpu.vector_store %arg8[%parallel_loop3A_525, %parallel_loop3A_526, %parallel_loop3A_527, %parallel_loop3A_528], %parallel_loop3A_531 {strides = array<i32>} : memref<50x8x8x16xf32, #tpu.memory_space<vmem>>, vector<1x1x1x16xf32>,
        %parallel_loop3A_532 = arith.constant 22 : i32
        %parallel_loop3A_533 = arith.index_cast %parallel_loop3A_532 : i32 to index
        %parallel_loop3A_534 = arith.constant 0 : index
        %parallel_loop3A_535 = tpu.vector_load %arg7[%parallel_loop3A_533, %parallel_loop3A_534] {strides = array<i32>} : memref<50x16xi32, #tpu.memory_space<vmem>>, vector<1x16xi32>,
        %parallel_loop3A_536 = vector.shape_cast %parallel_loop3A_535 : vector<1x16xi32> to vector<16xi32>
        %parallel_loop3A_537 = vector.shape_cast %parallel_loop3A_536 : vector<16xi32> to vector<16x1xi32>
        %parallel_loop3A_538 = vector.shape_cast %parallel_loop3A_537 : vector<16x1xi32> to vector<16xi32>
        %parallel_loop3A_539 = tpu.dynamic_gather %parallel_loop3A_175[%parallel_loop3A_538] in [0] : vector<16xf32>, vector<16xi32> -> vector<16xf32>
        %parallel_loop3A_540 = arith.constant 22 : i32
        %parallel_loop3A_541 = arith.index_cast %parallel_loop3A_540 : i32 to index
        %parallel_loop3A_542 = arith.index_cast %parallel_loop3A_177 : i32 to index
        %parallel_loop3A_543 = arith.index_cast %parallel_loop3A_179 : i32 to index
        %parallel_loop3A_544 = arith.constant 0 : index
        %parallel_loop3A_545 = tpu.vector_load %arg8[%parallel_loop3A_541, %parallel_loop3A_542, %parallel_loop3A_543, %parallel_loop3A_544] {strides = array<i32>} : memref<50x8x8x16xf32, #tpu.memory_space<vmem>>, vector<1x1x1x16xf32>,
        %parallel_loop3A_546 = vector.shape_cast %parallel_loop3A_545 : vector<1x1x1x16xf32> to vector<16xf32>
        %parallel_loop3A_547 = vector.shape_cast %parallel_loop3A_539 : vector<16xf32> to vector<1x1x1x16xf32>
        tpu.vector_store %arg8[%parallel_loop3A_541, %parallel_loop3A_542, %parallel_loop3A_543, %parallel_loop3A_544], %parallel_loop3A_547 {strides = array<i32>} : memref<50x8x8x16xf32, #tpu.memory_space<vmem>>, vector<1x1x1x16xf32>,
        %parallel_loop3A_548 = arith.constant 23 : i32
        %parallel_loop3A_549 = arith.index_cast %parallel_loop3A_548 : i32 to index
        %parallel_loop3A_550 = arith.constant 0 : index
        %parallel_loop3A_551 = tpu.vector_load %arg7[%parallel_loop3A_549, %parallel_loop3A_550] {strides = array<i32>} : memref<50x16xi32, #tpu.memory_space<vmem>>, vector<1x16xi32>,
        %parallel_loop3A_552 = vector.shape_cast %parallel_loop3A_551 : vector<1x16xi32> to vector<16xi32>
        %parallel_loop3A_553 = vector.shape_cast %parallel_loop3A_552 : vector<16xi32> to vector<16x1xi32>
        %parallel_loop3A_554 = vector.shape_cast %parallel_loop3A_553 : vector<16x1xi32> to vector<16xi32>
        %parallel_loop3A_555 = tpu.dynamic_gather %parallel_loop3A_175[%parallel_loop3A_554] in [0] : vector<16xf32>, vector<16xi32> -> vector<16xf32>
        %parallel_loop3A_556 = arith.constant 23 : i32
        %parallel_loop3A_557 = arith.index_cast %parallel_loop3A_556 : i32 to index
        %parallel_loop3A_558 = arith.index_cast %parallel_loop3A_177 : i32 to index
        %parallel_loop3A_559 = arith.index_cast %parallel_loop3A_179 : i32 to index
        %parallel_loop3A_560 = arith.constant 0 : index
        %parallel_loop3A_561 = tpu.vector_load %arg8[%parallel_loop3A_557, %parallel_loop3A_558, %parallel_loop3A_559, %parallel_loop3A_560] {strides = array<i32>} : memref<50x8x8x16xf32, #tpu.memory_space<vmem>>, vector<1x1x1x16xf32>,
        %parallel_loop3A_562 = vector.shape_cast %parallel_loop3A_561 : vector<1x1x1x16xf32> to vector<16xf32>
        %parallel_loop3A_563 = vector.shape_cast %parallel_loop3A_555 : vector<16xf32> to vector<1x1x1x16xf32>
        tpu.vector_store %arg8[%parallel_loop3A_557, %parallel_loop3A_558, %parallel_loop3A_559, %parallel_loop3A_560], %parallel_loop3A_563 {strides = array<i32>} : memref<50x8x8x16xf32, #tpu.memory_space<vmem>>, vector<1x1x1x16xf32>,
        %parallel_loop3A_564 = arith.constant 24 : i32
        %parallel_loop3A_565 = arith.index_cast %parallel_loop3A_564 : i32 to index
        %parallel_loop3A_566 = arith.constant 0 : index
        %parallel_loop3A_567 = tpu.vector_load %arg7[%parallel_loop3A_565, %parallel_loop3A_566] {strides = array<i32>} : memref<50x16xi32, #tpu.memory_space<vmem>>, vector<1x16xi32>,
        %parallel_loop3A_568 = vector.shape_cast %parallel_loop3A_567 : vector<1x16xi32> to vector<16xi32>
        %parallel_loop3A_569 = vector.shape_cast %parallel_loop3A_568 : vector<16xi32> to vector<16x1xi32>
        %parallel_loop3A_570 = vector.shape_cast %parallel_loop3A_569 : vector<16x1xi32> to vector<16xi32>
        %parallel_loop3A_571 = tpu.dynamic_gather %parallel_loop3A_175[%parallel_loop3A_570] in [0] : vector<16xf32>, vector<16xi32> -> vector<16xf32>
        %parallel_loop3A_572 = arith.constant 24 : i32
        %parallel_loop3A_573 = arith.index_cast %parallel_loop3A_572 : i32 to index
        %parallel_loop3A_574 = arith.index_cast %parallel_loop3A_177 : i32 to index
        %parallel_loop3A_575 = arith.index_cast %parallel_loop3A_179 : i32 to index
        %parallel_loop3A_576 = arith.constant 0 : index
        %parallel_loop3A_577 = tpu.vector_load %arg8[%parallel_loop3A_573, %parallel_loop3A_574, %parallel_loop3A_575, %parallel_loop3A_576] {strides = array<i32>} : memref<50x8x8x16xf32, #tpu.memory_space<vmem>>, vector<1x1x1x16xf32>,
        %parallel_loop3A_578 = vector.shape_cast %parallel_loop3A_577 : vector<1x1x1x16xf32> to vector<16xf32>
        %parallel_loop3A_579 = vector.shape_cast %parallel_loop3A_571 : vector<16xf32> to vector<1x1x1x16xf32>
        tpu.vector_store %arg8[%parallel_loop3A_573, %parallel_loop3A_574, %parallel_loop3A_575, %parallel_loop3A_576], %parallel_loop3A_579 {strides = array<i32>} : memref<50x8x8x16xf32, #tpu.memory_space<vmem>>, vector<1x1x1x16xf32>,
        %parallel_loop3A_580 = arith.constant 25 : i32
        %parallel_loop3A_581 = arith.index_cast %parallel_loop3A_580 : i32 to index
        %parallel_loop3A_582 = arith.constant 0 : index
        %parallel_loop3A_583 = tpu.vector_load %arg7[%parallel_loop3A_581, %parallel_loop3A_582] {strides = array<i32>} : memref<50x16xi32, #tpu.memory_space<vmem>>, vector<1x16xi32>,
        %parallel_loop3A_584 = vector.shape_cast %parallel_loop3A_583 : vector<1x16xi32> to vector<16xi32>
        %parallel_loop3A_585 = vector.shape_cast %parallel_loop3A_584 : vector<16xi32> to vector<16x1xi32>
        %parallel_loop3A_586 = vector.shape_cast %parallel_loop3A_585 : vector<16x1xi32> to vector<16xi32>
        %parallel_loop3A_587 = tpu.dynamic_gather %parallel_loop3A_175[%parallel_loop3A_586] in [0] : vector<16xf32>, vector<16xi32> -> vector<16xf32>
        %parallel_loop3A_588 = arith.constant 25 : i32
        %parallel_loop3A_589 = arith.index_cast %parallel_loop3A_588 : i32 to index
        %parallel_loop3A_590 = arith.index_cast %parallel_loop3A_177 : i32 to index
        %parallel_loop3A_591 = arith.index_cast %parallel_loop3A_179 : i32 to index
        %parallel_loop3A_592 = arith.constant 0 : index
        %parallel_loop3A_593 = tpu.vector_load %arg8[%parallel_loop3A_589, %parallel_loop3A_590, %parallel_loop3A_591, %parallel_loop3A_592] {strides = array<i32>} : memref<50x8x8x16xf32, #tpu.memory_space<vmem>>, vector<1x1x1x16xf32>,
        %parallel_loop3A_594 = vector.shape_cast %parallel_loop3A_593 : vector<1x1x1x16xf32> to vector<16xf32>
        %parallel_loop3A_595 = vector.shape_cast %parallel_loop3A_587 : vector<16xf32> to vector<1x1x1x16xf32>
        tpu.vector_store %arg8[%parallel_loop3A_589, %parallel_loop3A_590, %parallel_loop3A_591, %parallel_loop3A_592], %parallel_loop3A_595 {strides = array<i32>} : memref<50x8x8x16xf32, #tpu.memory_space<vmem>>, vector<1x1x1x16xf32>,
        %parallel_loop3A_596 = arith.constant 26 : i32
        %parallel_loop3A_597 = arith.index_cast %parallel_loop3A_596 : i32 to index
        %parallel_loop3A_598 = arith.constant 0 : index
        %parallel_loop3A_599 = tpu.vector_load %arg7[%parallel_loop3A_597, %parallel_loop3A_598] {strides = array<i32>} : memref<50x16xi32, #tpu.memory_space<vmem>>, vector<1x16xi32>,
        %parallel_loop3A_600 = vector.shape_cast %parallel_loop3A_599 : vector<1x16xi32> to vector<16xi32>
        %parallel_loop3A_601 = vector.shape_cast %parallel_loop3A_600 : vector<16xi32> to vector<16x1xi32>
        %parallel_loop3A_602 = vector.shape_cast %parallel_loop3A_601 : vector<16x1xi32> to vector<16xi32>
        %parallel_loop3A_603 = tpu.dynamic_gather %parallel_loop3A_175[%parallel_loop3A_602] in [0] : vector<16xf32>, vector<16xi32> -> vector<16xf32>
        %parallel_loop3A_604 = arith.constant 26 : i32
        %parallel_loop3A_605 = arith.index_cast %parallel_loop3A_604 : i32 to index
        %parallel_loop3A_606 = arith.index_cast %parallel_loop3A_177 : i32 to index
        %parallel_loop3A_607 = arith.index_cast %parallel_loop3A_179 : i32 to index
        %parallel_loop3A_608 = arith.constant 0 : index
        %parallel_loop3A_609 = tpu.vector_load %arg8[%parallel_loop3A_605, %parallel_loop3A_606, %parallel_loop3A_607, %parallel_loop3A_608] {strides = array<i32>} : memref<50x8x8x16xf32, #tpu.memory_space<vmem>>, vector<1x1x1x16xf32>,
        %parallel_loop3A_610 = vector.shape_cast %parallel_loop3A_609 : vector<1x1x1x16xf32> to vector<16xf32>
        %parallel_loop3A_611 = vector.shape_cast %parallel_loop3A_603 : vector<16xf32> to vector<1x1x1x16xf32>
        tpu.vector_store %arg8[%parallel_loop3A_605, %parallel_loop3A_606, %parallel_loop3A_607, %parallel_loop3A_608], %parallel_loop3A_611 {strides = array<i32>} : memref<50x8x8x16xf32, #tpu.memory_space<vmem>>, vector<1x1x1x16xf32>,
        %parallel_loop3A_612 = arith.constant 27 : i32
        %parallel_loop3A_613 = arith.index_cast %parallel_loop3A_612 : i32 to index
        %parallel_loop3A_614 = arith.constant 0 : index
        %parallel_loop3A_615 = tpu.vector_load %arg7[%parallel_loop3A_613, %parallel_loop3A_614] {strides = array<i32>} : memref<50x16xi32, #tpu.memory_space<vmem>>, vector<1x16xi32>,
        %parallel_loop3A_616 = vector.shape_cast %parallel_loop3A_615 : vector<1x16xi32> to vector<16xi32>
        %parallel_loop3A_617 = vector.shape_cast %parallel_loop3A_616 : vector<16xi32> to vector<16x1xi32>
        %parallel_loop3A_618 = vector.shape_cast %parallel_loop3A_617 : vector<16x1xi32> to vector<16xi32>
        %parallel_loop3A_619 = tpu.dynamic_gather %parallel_loop3A_175[%parallel_loop3A_618] in [0] : vector<16xf32>, vector<16xi32> -> vector<16xf32>
        %parallel_loop3A_620 = arith.constant 27 : i32
        %parallel_loop3A_621 = arith.index_cast %parallel_loop3A_620 : i32 to index
        %parallel_loop3A_622 = arith.index_cast %parallel_loop3A_177 : i32 to index
        %parallel_loop3A_623 = arith.index_cast %parallel_loop3A_179 : i32 to index
        %parallel_loop3A_624 = arith.constant 0 : index
        %parallel_loop3A_625 = tpu.vector_load %arg8[%parallel_loop3A_621, %parallel_loop3A_622, %parallel_loop3A_623, %parallel_loop3A_624] {strides = array<i32>} : memref<50x8x8x16xf32, #tpu.memory_space<vmem>>, vector<1x1x1x16xf32>,
        %parallel_loop3A_626 = vector.shape_cast %parallel_loop3A_625 : vector<1x1x1x16xf32> to vector<16xf32>
        %parallel_loop3A_627 = vector.shape_cast %parallel_loop3A_619 : vector<16xf32> to vector<1x1x1x16xf32>
        tpu.vector_store %arg8[%parallel_loop3A_621, %parallel_loop3A_622, %parallel_loop3A_623, %parallel_loop3A_624], %parallel_loop3A_627 {strides = array<i32>} : memref<50x8x8x16xf32, #tpu.memory_space<vmem>>, vector<1x1x1x16xf32>,
        %parallel_loop3A_628 = arith.constant 28 : i32
        %parallel_loop3A_629 = arith.index_cast %parallel_loop3A_628 : i32 to index
        %parallel_loop3A_630 = arith.constant 0 : index
        %parallel_loop3A_631 = tpu.vector_load %arg7[%parallel_loop3A_629, %parallel_loop3A_630] {strides = array<i32>} : memref<50x16xi32, #tpu.memory_space<vmem>>, vector<1x16xi32>,
        %parallel_loop3A_632 = vector.shape_cast %parallel_loop3A_631 : vector<1x16xi32> to vector<16xi32>
        %parallel_loop3A_633 = vector.shape_cast %parallel_loop3A_632 : vector<16xi32> to vector<16x1xi32>
        %parallel_loop3A_634 = vector.shape_cast %parallel_loop3A_633 : vector<16x1xi32> to vector<16xi32>
        %parallel_loop3A_635 = tpu.dynamic_gather %parallel_loop3A_175[%parallel_loop3A_634] in [0] : vector<16xf32>, vector<16xi32> -> vector<16xf32>
        %parallel_loop3A_636 = arith.constant 28 : i32
        %parallel_loop3A_637 = arith.index_cast %parallel_loop3A_636 : i32 to index
        %parallel_loop3A_638 = arith.index_cast %parallel_loop3A_177 : i32 to index
        %parallel_loop3A_639 = arith.index_cast %parallel_loop3A_179 : i32 to index
        %parallel_loop3A_640 = arith.constant 0 : index
        %parallel_loop3A_641 = tpu.vector_load %arg8[%parallel_loop3A_637, %parallel_loop3A_638, %parallel_loop3A_639, %parallel_loop3A_640] {strides = array<i32>} : memref<50x8x8x16xf32, #tpu.memory_space<vmem>>, vector<1x1x1x16xf32>,
        %parallel_loop3A_642 = vector.shape_cast %parallel_loop3A_641 : vector<1x1x1x16xf32> to vector<16xf32>
        %parallel_loop3A_643 = vector.shape_cast %parallel_loop3A_635 : vector<16xf32> to vector<1x1x1x16xf32>
        tpu.vector_store %arg8[%parallel_loop3A_637, %parallel_loop3A_638, %parallel_loop3A_639, %parallel_loop3A_640], %parallel_loop3A_643 {strides = array<i32>} : memref<50x8x8x16xf32, #tpu.memory_space<vmem>>, vector<1x1x1x16xf32>,
        %parallel_loop3A_644 = arith.constant 29 : i32
        %parallel_loop3A_645 = arith.index_cast %parallel_loop3A_644 : i32 to index
        %parallel_loop3A_646 = arith.constant 0 : index
        %parallel_loop3A_647 = tpu.vector_load %arg7[%parallel_loop3A_645, %parallel_loop3A_646] {strides = array<i32>} : memref<50x16xi32, #tpu.memory_space<vmem>>, vector<1x16xi32>,
        %parallel_loop3A_648 = vector.shape_cast %parallel_loop3A_647 : vector<1x16xi32> to vector<16xi32>
        %parallel_loop3A_649 = vector.shape_cast %parallel_loop3A_648 : vector<16xi32> to vector<16x1xi32>
        %parallel_loop3A_650 = vector.shape_cast %parallel_loop3A_649 : vector<16x1xi32> to vector<16xi32>
        %parallel_loop3A_651 = tpu.dynamic_gather %parallel_loop3A_175[%parallel_loop3A_650] in [0] : vector<16xf32>, vector<16xi32> -> vector<16xf32>
        %parallel_loop3A_652 = arith.constant 29 : i32
        %parallel_loop3A_653 = arith.index_cast %parallel_loop3A_652 : i32 to index
        %parallel_loop3A_654 = arith.index_cast %parallel_loop3A_177 : i32 to index
        %parallel_loop3A_655 = arith.index_cast %parallel_loop3A_179 : i32 to index
        %parallel_loop3A_656 = arith.constant 0 : index
        %parallel_loop3A_657 = tpu.vector_load %arg8[%parallel_loop3A_653, %parallel_loop3A_654, %parallel_loop3A_655, %parallel_loop3A_656] {strides = array<i32>} : memref<50x8x8x16xf32, #tpu.memory_space<vmem>>, vector<1x1x1x16xf32>,
        %parallel_loop3A_658 = vector.shape_cast %parallel_loop3A_657 : vector<1x1x1x16xf32> to vector<16xf32>
        %parallel_loop3A_659 = vector.shape_cast %parallel_loop3A_651 : vector<16xf32> to vector<1x1x1x16xf32>
        tpu.vector_store %arg8[%parallel_loop3A_653, %parallel_loop3A_654, %parallel_loop3A_655, %parallel_loop3A_656], %parallel_loop3A_659 {strides = array<i32>} : memref<50x8x8x16xf32, #tpu.memory_space<vmem>>, vector<1x1x1x16xf32>,
        %parallel_loop3A_660 = arith.constant 30 : i32
        %parallel_loop3A_661 = arith.index_cast %parallel_loop3A_660 : i32 to index
        %parallel_loop3A_662 = arith.constant 0 : index
        %parallel_loop3A_663 = tpu.vector_load %arg7[%parallel_loop3A_661, %parallel_loop3A_662] {strides = array<i32>} : memref<50x16xi32, #tpu.memory_space<vmem>>, vector<1x16xi32>,
        %parallel_loop3A_664 = vector.shape_cast %parallel_loop3A_663 : vector<1x16xi32> to vector<16xi32>
        %parallel_loop3A_665 = vector.shape_cast %parallel_loop3A_664 : vector<16xi32> to vector<16x1xi32>
        %parallel_loop3A_666 = vector.shape_cast %parallel_loop3A_665 : vector<16x1xi32> to vector<16xi32>
        %parallel_loop3A_667 = tpu.dynamic_gather %parallel_loop3A_175[%parallel_loop3A_666] in [0] : vector<16xf32>, vector<16xi32> -> vector<16xf32>
        %parallel_loop3A_668 = arith.constant 30 : i32
        %parallel_loop3A_669 = arith.index_cast %parallel_loop3A_668 : i32 to index
        %parallel_loop3A_670 = arith.index_cast %parallel_loop3A_177 : i32 to index
        %parallel_loop3A_671 = arith.index_cast %parallel_loop3A_179 : i32 to index
        %parallel_loop3A_672 = arith.constant 0 : index
        %parallel_loop3A_673 = tpu.vector_load %arg8[%parallel_loop3A_669, %parallel_loop3A_670, %parallel_loop3A_671, %parallel_loop3A_672] {strides = array<i32>} : memref<50x8x8x16xf32, #tpu.memory_space<vmem>>, vector<1x1x1x16xf32>,
        %parallel_loop3A_674 = vector.shape_cast %parallel_loop3A_673 : vector<1x1x1x16xf32> to vector<16xf32>
        %parallel_loop3A_675 = vector.shape_cast %parallel_loop3A_667 : vector<16xf32> to vector<1x1x1x16xf32>
        tpu.vector_store %arg8[%parallel_loop3A_669, %parallel_loop3A_670, %parallel_loop3A_671, %parallel_loop3A_672], %parallel_loop3A_675 {strides = array<i32>} : memref<50x8x8x16xf32, #tpu.memory_space<vmem>>, vector<1x1x1x16xf32>,
        %parallel_loop3A_676 = arith.constant 31 : i32
        %parallel_loop3A_677 = arith.index_cast %parallel_loop3A_676 : i32 to index
        %parallel_loop3A_678 = arith.constant 0 : index
        %parallel_loop3A_679 = tpu.vector_load %arg7[%parallel_loop3A_677, %parallel_loop3A_678] {strides = array<i32>} : memref<50x16xi32, #tpu.memory_space<vmem>>, vector<1x16xi32>,
        %parallel_loop3A_680 = vector.shape_cast %parallel_loop3A_679 : vector<1x16xi32> to vector<16xi32>
        %parallel_loop3A_681 = vector.shape_cast %parallel_loop3A_680 : vector<16xi32> to vector<16x1xi32>
        %parallel_loop3A_682 = vector.shape_cast %parallel_loop3A_681 : vector<16x1xi32> to vector<16xi32>
        %parallel_loop3A_683 = tpu.dynamic_gather %parallel_loop3A_175[%parallel_loop3A_682] in [0] : vector<16xf32>, vector<16xi32> -> vector<16xf32>
        %parallel_loop3A_684 = arith.constant 31 : i32
        %parallel_loop3A_685 = arith.index_cast %parallel_loop3A_684 : i32 to index
        %parallel_loop3A_686 = arith.index_cast %parallel_loop3A_177 : i32 to index
        %parallel_loop3A_687 = arith.index_cast %parallel_loop3A_179 : i32 to index
        %parallel_loop3A_688 = arith.constant 0 : index
        %parallel_loop3A_689 = tpu.vector_load %arg8[%parallel_loop3A_685, %parallel_loop3A_686, %parallel_loop3A_687, %parallel_loop3A_688] {strides = array<i32>} : memref<50x8x8x16xf32, #tpu.memory_space<vmem>>, vector<1x1x1x16xf32>,
        %parallel_loop3A_690 = vector.shape_cast %parallel_loop3A_689 : vector<1x1x1x16xf32> to vector<16xf32>
        %parallel_loop3A_691 = vector.shape_cast %parallel_loop3A_683 : vector<16xf32> to vector<1x1x1x16xf32>
        tpu.vector_store %arg8[%parallel_loop3A_685, %parallel_loop3A_686, %parallel_loop3A_687, %parallel_loop3A_688], %parallel_loop3A_691 {strides = array<i32>} : memref<50x8x8x16xf32, #tpu.memory_space<vmem>>, vector<1x1x1x16xf32>,
        %parallel_loop3A_692 = arith.constant 32 : i32
        %parallel_loop3A_693 = arith.index_cast %parallel_loop3A_692 : i32 to index
        %parallel_loop3A_694 = arith.constant 0 : index
        %parallel_loop3A_695 = tpu.vector_load %arg7[%parallel_loop3A_693, %parallel_loop3A_694] {strides = array<i32>} : memref<50x16xi32, #tpu.memory_space<vmem>>, vector<1x16xi32>,
        %parallel_loop3A_696 = vector.shape_cast %parallel_loop3A_695 : vector<1x16xi32> to vector<16xi32>
        %parallel_loop3A_697 = vector.shape_cast %parallel_loop3A_696 : vector<16xi32> to vector<16x1xi32>
        %parallel_loop3A_698 = vector.shape_cast %parallel_loop3A_697 : vector<16x1xi32> to vector<16xi32>
        %parallel_loop3A_699 = tpu.dynamic_gather %parallel_loop3A_175[%parallel_loop3A_698] in [0] : vector<16xf32>, vector<16xi32> -> vector<16xf32>
        %parallel_loop3A_700 = arith.constant 32 : i32
        %parallel_loop3A_701 = arith.index_cast %parallel_loop3A_700 : i32 to index
        %parallel_loop3A_702 = arith.index_cast %parallel_loop3A_177 : i32 to index
        %parallel_loop3A_703 = arith.index_cast %parallel_loop3A_179 : i32 to index
        %parallel_loop3A_704 = arith.constant 0 : index
        %parallel_loop3A_705 = tpu.vector_load %arg8[%parallel_loop3A_701, %parallel_loop3A_702, %parallel_loop3A_703, %parallel_loop3A_704] {strides = array<i32>} : memref<50x8x8x16xf32, #tpu.memory_space<vmem>>, vector<1x1x1x16xf32>,
        %parallel_loop3A_706 = vector.shape_cast %parallel_loop3A_705 : vector<1x1x1x16xf32> to vector<16xf32>
        %parallel_loop3A_707 = vector.shape_cast %parallel_loop3A_699 : vector<16xf32> to vector<1x1x1x16xf32>
        tpu.vector_store %arg8[%parallel_loop3A_701, %parallel_loop3A_702, %parallel_loop3A_703, %parallel_loop3A_704], %parallel_loop3A_707 {strides = array<i32>} : memref<50x8x8x16xf32, #tpu.memory_space<vmem>>, vector<1x1x1x16xf32>,
        %parallel_loop3A_708 = arith.constant 33 : i32
        %parallel_loop3A_709 = arith.index_cast %parallel_loop3A_708 : i32 to index
        %parallel_loop3A_710 = arith.constant 0 : index
        %parallel_loop3A_711 = tpu.vector_load %arg7[%parallel_loop3A_709, %parallel_loop3A_710] {strides = array<i32>} : memref<50x16xi32, #tpu.memory_space<vmem>>, vector<1x16xi32>,
        %parallel_loop3A_712 = vector.shape_cast %parallel_loop3A_711 : vector<1x16xi32> to vector<16xi32>
        %parallel_loop3A_713 = vector.shape_cast %parallel_loop3A_712 : vector<16xi32> to vector<16x1xi32>
        %parallel_loop3A_714 = vector.shape_cast %parallel_loop3A_713 : vector<16x1xi32> to vector<16xi32>
        %parallel_loop3A_715 = tpu.dynamic_gather %parallel_loop3A_175[%parallel_loop3A_714] in [0] : vector<16xf32>, vector<16xi32> -> vector<16xf32>
        %parallel_loop3A_716 = arith.constant 33 : i32
        %parallel_loop3A_717 = arith.index_cast %parallel_loop3A_716 : i32 to index
        %parallel_loop3A_718 = arith.index_cast %parallel_loop3A_177 : i32 to index
        %parallel_loop3A_719 = arith.index_cast %parallel_loop3A_179 : i32 to index
        %parallel_loop3A_720 = arith.constant 0 : index
        %parallel_loop3A_721 = tpu.vector_load %arg8[%parallel_loop3A_717, %parallel_loop3A_718, %parallel_loop3A_719, %parallel_loop3A_720] {strides = array<i32>} : memref<50x8x8x16xf32, #tpu.memory_space<vmem>>, vector<1x1x1x16xf32>,
        %parallel_loop3A_722 = vector.shape_cast %parallel_loop3A_721 : vector<1x1x1x16xf32> to vector<16xf32>
        %parallel_loop3A_723 = vector.shape_cast %parallel_loop3A_715 : vector<16xf32> to vector<1x1x1x16xf32>
        tpu.vector_store %arg8[%parallel_loop3A_717, %parallel_loop3A_718, %parallel_loop3A_719, %parallel_loop3A_720], %parallel_loop3A_723 {strides = array<i32>} : memref<50x8x8x16xf32, #tpu.memory_space<vmem>>, vector<1x1x1x16xf32>,
        %parallel_loop3A_724 = arith.constant 34 : i32
        %parallel_loop3A_725 = arith.index_cast %parallel_loop3A_724 : i32 to index
        %parallel_loop3A_726 = arith.constant 0 : index
        %parallel_loop3A_727 = tpu.vector_load %arg7[%parallel_loop3A_725, %parallel_loop3A_726] {strides = array<i32>} : memref<50x16xi32, #tpu.memory_space<vmem>>, vector<1x16xi32>,
        %parallel_loop3A_728 = vector.shape_cast %parallel_loop3A_727 : vector<1x16xi32> to vector<16xi32>
        %parallel_loop3A_729 = vector.shape_cast %parallel_loop3A_728 : vector<16xi32> to vector<16x1xi32>
        %parallel_loop3A_730 = vector.shape_cast %parallel_loop3A_729 : vector<16x1xi32> to vector<16xi32>
        %parallel_loop3A_731 = tpu.dynamic_gather %parallel_loop3A_175[%parallel_loop3A_730] in [0] : vector<16xf32>, vector<16xi32> -> vector<16xf32>
        %parallel_loop3A_732 = arith.constant 34 : i32
        %parallel_loop3A_733 = arith.index_cast %parallel_loop3A_732 : i32 to index
        %parallel_loop3A_734 = arith.index_cast %parallel_loop3A_177 : i32 to index
        %parallel_loop3A_735 = arith.index_cast %parallel_loop3A_179 : i32 to index
        %parallel_loop3A_736 = arith.constant 0 : index
        %parallel_loop3A_737 = tpu.vector_load %arg8[%parallel_loop3A_733, %parallel_loop3A_734, %parallel_loop3A_735, %parallel_loop3A_736] {strides = array<i32>} : memref<50x8x8x16xf32, #tpu.memory_space<vmem>>, vector<1x1x1x16xf32>,
        %parallel_loop3A_738 = vector.shape_cast %parallel_loop3A_737 : vector<1x1x1x16xf32> to vector<16xf32>
        %parallel_loop3A_739 = vector.shape_cast %parallel_loop3A_731 : vector<16xf32> to vector<1x1x1x16xf32>
        tpu.vector_store %arg8[%parallel_loop3A_733, %parallel_loop3A_734, %parallel_loop3A_735, %parallel_loop3A_736], %parallel_loop3A_739 {strides = array<i32>} : memref<50x8x8x16xf32, #tpu.memory_space<vmem>>, vector<1x1x1x16xf32>,
        %parallel_loop3A_740 = arith.constant 35 : i32
        %parallel_loop3A_741 = arith.index_cast %parallel_loop3A_740 : i32 to index
        %parallel_loop3A_742 = arith.constant 0 : index
        %parallel_loop3A_743 = tpu.vector_load %arg7[%parallel_loop3A_741, %parallel_loop3A_742] {strides = array<i32>} : memref<50x16xi32, #tpu.memory_space<vmem>>, vector<1x16xi32>,
        %parallel_loop3A_744 = vector.shape_cast %parallel_loop3A_743 : vector<1x16xi32> to vector<16xi32>
        %parallel_loop3A_745 = vector.shape_cast %parallel_loop3A_744 : vector<16xi32> to vector<16x1xi32>
        %parallel_loop3A_746 = vector.shape_cast %parallel_loop3A_745 : vector<16x1xi32> to vector<16xi32>
        %parallel_loop3A_747 = tpu.dynamic_gather %parallel_loop3A_175[%parallel_loop3A_746] in [0] : vector<16xf32>, vector<16xi32> -> vector<16xf32>
        %parallel_loop3A_748 = arith.constant 35 : i32
        %parallel_loop3A_749 = arith.index_cast %parallel_loop3A_748 : i32 to index
        %parallel_loop3A_750 = arith.index_cast %parallel_loop3A_177 : i32 to index
        %parallel_loop3A_751 = arith.index_cast %parallel_loop3A_179 : i32 to index
        %parallel_loop3A_752 = arith.constant 0 : index
        %parallel_loop3A_753 = tpu.vector_load %arg8[%parallel_loop3A_749, %parallel_loop3A_750, %parallel_loop3A_751, %parallel_loop3A_752] {strides = array<i32>} : memref<50x8x8x16xf32, #tpu.memory_space<vmem>>, vector<1x1x1x16xf32>,
        %parallel_loop3A_754 = vector.shape_cast %parallel_loop3A_753 : vector<1x1x1x16xf32> to vector<16xf32>
        %parallel_loop3A_755 = vector.shape_cast %parallel_loop3A_747 : vector<16xf32> to vector<1x1x1x16xf32>
        tpu.vector_store %arg8[%parallel_loop3A_749, %parallel_loop3A_750, %parallel_loop3A_751, %parallel_loop3A_752], %parallel_loop3A_755 {strides = array<i32>} : memref<50x8x8x16xf32, #tpu.memory_space<vmem>>, vector<1x1x1x16xf32>,
        %parallel_loop3A_756 = arith.constant 36 : i32
        %parallel_loop3A_757 = arith.index_cast %parallel_loop3A_756 : i32 to index
        %parallel_loop3A_758 = arith.constant 0 : index
        %parallel_loop3A_759 = tpu.vector_load %arg7[%parallel_loop3A_757, %parallel_loop3A_758] {strides = array<i32>} : memref<50x16xi32, #tpu.memory_space<vmem>>, vector<1x16xi32>,
        %parallel_loop3A_760 = vector.shape_cast %parallel_loop3A_759 : vector<1x16xi32> to vector<16xi32>
        %parallel_loop3A_761 = vector.shape_cast %parallel_loop3A_760 : vector<16xi32> to vector<16x1xi32>
        %parallel_loop3A_762 = vector.shape_cast %parallel_loop3A_761 : vector<16x1xi32> to vector<16xi32>
        %parallel_loop3A_763 = tpu.dynamic_gather %parallel_loop3A_175[%parallel_loop3A_762] in [0] : vector<16xf32>, vector<16xi32> -> vector<16xf32>
        %parallel_loop3A_764 = arith.constant 36 : i32
        %parallel_loop3A_765 = arith.index_cast %parallel_loop3A_764 : i32 to index
        %parallel_loop3A_766 = arith.index_cast %parallel_loop3A_177 : i32 to index
        %parallel_loop3A_767 = arith.index_cast %parallel_loop3A_179 : i32 to index
        %parallel_loop3A_768 = arith.constant 0 : index
        %parallel_loop3A_769 = tpu.vector_load %arg8[%parallel_loop3A_765, %parallel_loop3A_766, %parallel_loop3A_767, %parallel_loop3A_768] {strides = array<i32>} : memref<50x8x8x16xf32, #tpu.memory_space<vmem>>, vector<1x1x1x16xf32>,
        %parallel_loop3A_770 = vector.shape_cast %parallel_loop3A_769 : vector<1x1x1x16xf32> to vector<16xf32>
        %parallel_loop3A_771 = vector.shape_cast %parallel_loop3A_763 : vector<16xf32> to vector<1x1x1x16xf32>
        tpu.vector_store %arg8[%parallel_loop3A_765, %parallel_loop3A_766, %parallel_loop3A_767, %parallel_loop3A_768], %parallel_loop3A_771 {strides = array<i32>} : memref<50x8x8x16xf32, #tpu.memory_space<vmem>>, vector<1x1x1x16xf32>,
        %parallel_loop3A_772 = arith.constant 37 : i32
        %parallel_loop3A_773 = arith.index_cast %parallel_loop3A_772 : i32 to index
        %parallel_loop3A_774 = arith.constant 0 : index
        %parallel_loop3A_775 = tpu.vector_load %arg7[%parallel_loop3A_773, %parallel_loop3A_774] {strides = array<i32>} : memref<50x16xi32, #tpu.memory_space<vmem>>, vector<1x16xi32>,
        %parallel_loop3A_776 = vector.shape_cast %parallel_loop3A_775 : vector<1x16xi32> to vector<16xi32>
        %parallel_loop3A_777 = vector.shape_cast %parallel_loop3A_776 : vector<16xi32> to vector<16x1xi32>
        %parallel_loop3A_778 = vector.shape_cast %parallel_loop3A_777 : vector<16x1xi32> to vector<16xi32>
        %parallel_loop3A_779 = tpu.dynamic_gather %parallel_loop3A_175[%parallel_loop3A_778] in [0] : vector<16xf32>, vector<16xi32> -> vector<16xf32>
        %parallel_loop3A_780 = arith.constant 37 : i32
        %parallel_loop3A_781 = arith.index_cast %parallel_loop3A_780 : i32 to index
        %parallel_loop3A_782 = arith.index_cast %parallel_loop3A_177 : i32 to index
        %parallel_loop3A_783 = arith.index_cast %parallel_loop3A_179 : i32 to index
        %parallel_loop3A_784 = arith.constant 0 : index
        %parallel_loop3A_785 = tpu.vector_load %arg8[%parallel_loop3A_781, %parallel_loop3A_782, %parallel_loop3A_783, %parallel_loop3A_784] {strides = array<i32>} : memref<50x8x8x16xf32, #tpu.memory_space<vmem>>, vector<1x1x1x16xf32>,
        %parallel_loop3A_786 = vector.shape_cast %parallel_loop3A_785 : vector<1x1x1x16xf32> to vector<16xf32>
        %parallel_loop3A_787 = vector.shape_cast %parallel_loop3A_779 : vector<16xf32> to vector<1x1x1x16xf32>
        tpu.vector_store %arg8[%parallel_loop3A_781, %parallel_loop3A_782, %parallel_loop3A_783, %parallel_loop3A_784], %parallel_loop3A_787 {strides = array<i32>} : memref<50x8x8x16xf32, #tpu.memory_space<vmem>>, vector<1x1x1x16xf32>,
        %parallel_loop3A_788 = arith.constant 38 : i32
        %parallel_loop3A_789 = arith.index_cast %parallel_loop3A_788 : i32 to index
        %parallel_loop3A_790 = arith.constant 0 : index
        %parallel_loop3A_791 = tpu.vector_load %arg7[%parallel_loop3A_789, %parallel_loop3A_790] {strides = array<i32>} : memref<50x16xi32, #tpu.memory_space<vmem>>, vector<1x16xi32>,
        %parallel_loop3A_792 = vector.shape_cast %parallel_loop3A_791 : vector<1x16xi32> to vector<16xi32>
        %parallel_loop3A_793 = vector.shape_cast %parallel_loop3A_792 : vector<16xi32> to vector<16x1xi32>
        %parallel_loop3A_794 = vector.shape_cast %parallel_loop3A_793 : vector<16x1xi32> to vector<16xi32>
        %parallel_loop3A_795 = tpu.dynamic_gather %parallel_loop3A_175[%parallel_loop3A_794] in [0] : vector<16xf32>, vector<16xi32> -> vector<16xf32>
        %parallel_loop3A_796 = arith.constant 38 : i32
        %parallel_loop3A_797 = arith.index_cast %parallel_loop3A_796 : i32 to index
        %parallel_loop3A_798 = arith.index_cast %parallel_loop3A_177 : i32 to index
        %parallel_loop3A_799 = arith.index_cast %parallel_loop3A_179 : i32 to index
        %parallel_loop3A_800 = arith.constant 0 : index
        %parallel_loop3A_801 = tpu.vector_load %arg8[%parallel_loop3A_797, %parallel_loop3A_798, %parallel_loop3A_799, %parallel_loop3A_800] {strides = array<i32>} : memref<50x8x8x16xf32, #tpu.memory_space<vmem>>, vector<1x1x1x16xf32>,
        %parallel_loop3A_802 = vector.shape_cast %parallel_loop3A_801 : vector<1x1x1x16xf32> to vector<16xf32>
        %parallel_loop3A_803 = vector.shape_cast %parallel_loop3A_795 : vector<16xf32> to vector<1x1x1x16xf32>
        tpu.vector_store %arg8[%parallel_loop3A_797, %parallel_loop3A_798, %parallel_loop3A_799, %parallel_loop3A_800], %parallel_loop3A_803 {strides = array<i32>} : memref<50x8x8x16xf32, #tpu.memory_space<vmem>>, vector<1x1x1x16xf32>,
        %parallel_loop3A_804 = arith.constant 39 : i32
        %parallel_loop3A_805 = arith.index_cast %parallel_loop3A_804 : i32 to index
        %parallel_loop3A_806 = arith.constant 0 : index
        %parallel_loop3A_807 = tpu.vector_load %arg7[%parallel_loop3A_805, %parallel_loop3A_806] {strides = array<i32>} : memref<50x16xi32, #tpu.memory_space<vmem>>, vector<1x16xi32>,
        %parallel_loop3A_808 = vector.shape_cast %parallel_loop3A_807 : vector<1x16xi32> to vector<16xi32>
        %parallel_loop3A_809 = vector.shape_cast %parallel_loop3A_808 : vector<16xi32> to vector<16x1xi32>
        %parallel_loop3A_810 = vector.shape_cast %parallel_loop3A_809 : vector<16x1xi32> to vector<16xi32>
        %parallel_loop3A_811 = tpu.dynamic_gather %parallel_loop3A_175[%parallel_loop3A_810] in [0] : vector<16xf32>, vector<16xi32> -> vector<16xf32>
        %parallel_loop3A_812 = arith.constant 39 : i32
        %parallel_loop3A_813 = arith.index_cast %parallel_loop3A_812 : i32 to index
        %parallel_loop3A_814 = arith.index_cast %parallel_loop3A_177 : i32 to index
        %parallel_loop3A_815 = arith.index_cast %parallel_loop3A_179 : i32 to index
        %parallel_loop3A_816 = arith.constant 0 : index
        %parallel_loop3A_817 = tpu.vector_load %arg8[%parallel_loop3A_813, %parallel_loop3A_814, %parallel_loop3A_815, %parallel_loop3A_816] {strides = array<i32>} : memref<50x8x8x16xf32, #tpu.memory_space<vmem>>, vector<1x1x1x16xf32>,
        %parallel_loop3A_818 = vector.shape_cast %parallel_loop3A_817 : vector<1x1x1x16xf32> to vector<16xf32>
        %parallel_loop3A_819 = vector.shape_cast %parallel_loop3A_811 : vector<16xf32> to vector<1x1x1x16xf32>
        tpu.vector_store %arg8[%parallel_loop3A_813, %parallel_loop3A_814, %parallel_loop3A_815, %parallel_loop3A_816], %parallel_loop3A_819 {strides = array<i32>} : memref<50x8x8x16xf32, #tpu.memory_space<vmem>>, vector<1x1x1x16xf32>,
        %parallel_loop3A_820 = arith.constant 40 : i32
        %parallel_loop3A_821 = arith.index_cast %parallel_loop3A_820 : i32 to index
        %parallel_loop3A_822 = arith.constant 0 : index
        %parallel_loop3A_823 = tpu.vector_load %arg7[%parallel_loop3A_821, %parallel_loop3A_822] {strides = array<i32>} : memref<50x16xi32, #tpu.memory_space<vmem>>, vector<1x16xi32>,
        %parallel_loop3A_824 = vector.shape_cast %parallel_loop3A_823 : vector<1x16xi32> to vector<16xi32>
        %parallel_loop3A_825 = vector.shape_cast %parallel_loop3A_824 : vector<16xi32> to vector<16x1xi32>
        %parallel_loop3A_826 = vector.shape_cast %parallel_loop3A_825 : vector<16x1xi32> to vector<16xi32>
        %parallel_loop3A_827 = tpu.dynamic_gather %parallel_loop3A_175[%parallel_loop3A_826] in [0] : vector<16xf32>, vector<16xi32> -> vector<16xf32>
        %parallel_loop3A_828 = arith.constant 40 : i32
        %parallel_loop3A_829 = arith.index_cast %parallel_loop3A_828 : i32 to index
        %parallel_loop3A_830 = arith.index_cast %parallel_loop3A_177 : i32 to index
        %parallel_loop3A_831 = arith.index_cast %parallel_loop3A_179 : i32 to index
        %parallel_loop3A_832 = arith.constant 0 : index
        %parallel_loop3A_833 = tpu.vector_load %arg8[%parallel_loop3A_829, %parallel_loop3A_830, %parallel_loop3A_831, %parallel_loop3A_832] {strides = array<i32>} : memref<50x8x8x16xf32, #tpu.memory_space<vmem>>, vector<1x1x1x16xf32>,
        %parallel_loop3A_834 = vector.shape_cast %parallel_loop3A_833 : vector<1x1x1x16xf32> to vector<16xf32>
        %parallel_loop3A_835 = vector.shape_cast %parallel_loop3A_827 : vector<16xf32> to vector<1x1x1x16xf32>
        tpu.vector_store %arg8[%parallel_loop3A_829, %parallel_loop3A_830, %parallel_loop3A_831, %parallel_loop3A_832], %parallel_loop3A_835 {strides = array<i32>} : memref<50x8x8x16xf32, #tpu.memory_space<vmem>>, vector<1x1x1x16xf32>,
        %parallel_loop3A_836 = arith.constant 41 : i32
        %parallel_loop3A_837 = arith.index_cast %parallel_loop3A_836 : i32 to index
        %parallel_loop3A_838 = arith.constant 0 : index
        %parallel_loop3A_839 = tpu.vector_load %arg7[%parallel_loop3A_837, %parallel_loop3A_838] {strides = array<i32>} : memref<50x16xi32, #tpu.memory_space<vmem>>, vector<1x16xi32>,
        %parallel_loop3A_840 = vector.shape_cast %parallel_loop3A_839 : vector<1x16xi32> to vector<16xi32>
        %parallel_loop3A_841 = vector.shape_cast %parallel_loop3A_840 : vector<16xi32> to vector<16x1xi32>
        %parallel_loop3A_842 = vector.shape_cast %parallel_loop3A_841 : vector<16x1xi32> to vector<16xi32>
        %parallel_loop3A_843 = tpu.dynamic_gather %parallel_loop3A_175[%parallel_loop3A_842] in [0] : vector<16xf32>, vector<16xi32> -> vector<16xf32>
        %parallel_loop3A_844 = arith.constant 41 : i32
        %parallel_loop3A_845 = arith.index_cast %parallel_loop3A_844 : i32 to index
        %parallel_loop3A_846 = arith.index_cast %parallel_loop3A_177 : i32 to index
        %parallel_loop3A_847 = arith.index_cast %parallel_loop3A_179 : i32 to index
        %parallel_loop3A_848 = arith.constant 0 : index
        %parallel_loop3A_849 = tpu.vector_load %arg8[%parallel_loop3A_845, %parallel_loop3A_846, %parallel_loop3A_847, %parallel_loop3A_848] {strides = array<i32>} : memref<50x8x8x16xf32, #tpu.memory_space<vmem>>, vector<1x1x1x16xf32>,
        %parallel_loop3A_850 = vector.shape_cast %parallel_loop3A_849 : vector<1x1x1x16xf32> to vector<16xf32>
        %parallel_loop3A_851 = vector.shape_cast %parallel_loop3A_843 : vector<16xf32> to vector<1x1x1x16xf32>
        tpu.vector_store %arg8[%parallel_loop3A_845, %parallel_loop3A_846, %parallel_loop3A_847, %parallel_loop3A_848], %parallel_loop3A_851 {strides = array<i32>} : memref<50x8x8x16xf32, #tpu.memory_space<vmem>>, vector<1x1x1x16xf32>,
        %parallel_loop3A_852 = arith.constant 42 : i32
        %parallel_loop3A_853 = arith.index_cast %parallel_loop3A_852 : i32 to index
        %parallel_loop3A_854 = arith.constant 0 : index
        %parallel_loop3A_855 = tpu.vector_load %arg7[%parallel_loop3A_853, %parallel_loop3A_854] {strides = array<i32>} : memref<50x16xi32, #tpu.memory_space<vmem>>, vector<1x16xi32>,
        %parallel_loop3A_856 = vector.shape_cast %parallel_loop3A_855 : vector<1x16xi32> to vector<16xi32>
        %parallel_loop3A_857 = vector.shape_cast %parallel_loop3A_856 : vector<16xi32> to vector<16x1xi32>
        %parallel_loop3A_858 = vector.shape_cast %parallel_loop3A_857 : vector<16x1xi32> to vector<16xi32>
        %parallel_loop3A_859 = tpu.dynamic_gather %parallel_loop3A_175[%parallel_loop3A_858] in [0] : vector<16xf32>, vector<16xi32> -> vector<16xf32>
        %parallel_loop3A_860 = arith.constant 42 : i32
        %parallel_loop3A_861 = arith.index_cast %parallel_loop3A_860 : i32 to index
        %parallel_loop3A_862 = arith.index_cast %parallel_loop3A_177 : i32 to index
        %parallel_loop3A_863 = arith.index_cast %parallel_loop3A_179 : i32 to index
        %parallel_loop3A_864 = arith.constant 0 : index
        %parallel_loop3A_865 = tpu.vector_load %arg8[%parallel_loop3A_861, %parallel_loop3A_862, %parallel_loop3A_863, %parallel_loop3A_864] {strides = array<i32>} : memref<50x8x8x16xf32, #tpu.memory_space<vmem>>, vector<1x1x1x16xf32>,
        %parallel_loop3A_866 = vector.shape_cast %parallel_loop3A_865 : vector<1x1x1x16xf32> to vector<16xf32>
        %parallel_loop3A_867 = vector.shape_cast %parallel_loop3A_859 : vector<16xf32> to vector<1x1x1x16xf32>
        tpu.vector_store %arg8[%parallel_loop3A_861, %parallel_loop3A_862, %parallel_loop3A_863, %parallel_loop3A_864], %parallel_loop3A_867 {strides = array<i32>} : memref<50x8x8x16xf32, #tpu.memory_space<vmem>>, vector<1x1x1x16xf32>,
        %parallel_loop3A_868 = arith.constant 43 : i32
        %parallel_loop3A_869 = arith.index_cast %parallel_loop3A_868 : i32 to index
        %parallel_loop3A_870 = arith.constant 0 : index
        %parallel_loop3A_871 = tpu.vector_load %arg7[%parallel_loop3A_869, %parallel_loop3A_870] {strides = array<i32>} : memref<50x16xi32, #tpu.memory_space<vmem>>, vector<1x16xi32>,
        %parallel_loop3A_872 = vector.shape_cast %parallel_loop3A_871 : vector<1x16xi32> to vector<16xi32>
        %parallel_loop3A_873 = vector.shape_cast %parallel_loop3A_872 : vector<16xi32> to vector<16x1xi32>
        %parallel_loop3A_874 = vector.shape_cast %parallel_loop3A_873 : vector<16x1xi32> to vector<16xi32>
        %parallel_loop3A_875 = tpu.dynamic_gather %parallel_loop3A_175[%parallel_loop3A_874] in [0] : vector<16xf32>, vector<16xi32> -> vector<16xf32>
        %parallel_loop3A_876 = arith.constant 43 : i32
        %parallel_loop3A_877 = arith.index_cast %parallel_loop3A_876 : i32 to index
        %parallel_loop3A_878 = arith.index_cast %parallel_loop3A_177 : i32 to index
        %parallel_loop3A_879 = arith.index_cast %parallel_loop3A_179 : i32 to index
        %parallel_loop3A_880 = arith.constant 0 : index
        %parallel_loop3A_881 = tpu.vector_load %arg8[%parallel_loop3A_877, %parallel_loop3A_878, %parallel_loop3A_879, %parallel_loop3A_880] {strides = array<i32>} : memref<50x8x8x16xf32, #tpu.memory_space<vmem>>, vector<1x1x1x16xf32>,
        %parallel_loop3A_882 = vector.shape_cast %parallel_loop3A_881 : vector<1x1x1x16xf32> to vector<16xf32>
        %parallel_loop3A_883 = vector.shape_cast %parallel_loop3A_875 : vector<16xf32> to vector<1x1x1x16xf32>
        tpu.vector_store %arg8[%parallel_loop3A_877, %parallel_loop3A_878, %parallel_loop3A_879, %parallel_loop3A_880], %parallel_loop3A_883 {strides = array<i32>} : memref<50x8x8x16xf32, #tpu.memory_space<vmem>>, vector<1x1x1x16xf32>,
        %parallel_loop3A_884 = arith.constant 44 : i32
        %parallel_loop3A_885 = arith.index_cast %parallel_loop3A_884 : i32 to index
        %parallel_loop3A_886 = arith.constant 0 : index
        %parallel_loop3A_887 = tpu.vector_load %arg7[%parallel_loop3A_885, %parallel_loop3A_886] {strides = array<i32>} : memref<50x16xi32, #tpu.memory_space<vmem>>, vector<1x16xi32>,
        %parallel_loop3A_888 = vector.shape_cast %parallel_loop3A_887 : vector<1x16xi32> to vector<16xi32>
        %parallel_loop3A_889 = vector.shape_cast %parallel_loop3A_888 : vector<16xi32> to vector<16x1xi32>
        %parallel_loop3A_890 = vector.shape_cast %parallel_loop3A_889 : vector<16x1xi32> to vector<16xi32>
        %parallel_loop3A_891 = tpu.dynamic_gather %parallel_loop3A_175[%parallel_loop3A_890] in [0] : vector<16xf32>, vector<16xi32> -> vector<16xf32>
        %parallel_loop3A_892 = arith.constant 44 : i32
        %parallel_loop3A_893 = arith.index_cast %parallel_loop3A_892 : i32 to index
        %parallel_loop3A_894 = arith.index_cast %parallel_loop3A_177 : i32 to index
        %parallel_loop3A_895 = arith.index_cast %parallel_loop3A_179 : i32 to index
        %parallel_loop3A_896 = arith.constant 0 : index
        %parallel_loop3A_897 = tpu.vector_load %arg8[%parallel_loop3A_893, %parallel_loop3A_894, %parallel_loop3A_895, %parallel_loop3A_896] {strides = array<i32>} : memref<50x8x8x16xf32, #tpu.memory_space<vmem>>, vector<1x1x1x16xf32>,
        %parallel_loop3A_898 = vector.shape_cast %parallel_loop3A_897 : vector<1x1x1x16xf32> to vector<16xf32>
        %parallel_loop3A_899 = vector.shape_cast %parallel_loop3A_891 : vector<16xf32> to vector<1x1x1x16xf32>
        tpu.vector_store %arg8[%parallel_loop3A_893, %parallel_loop3A_894, %parallel_loop3A_895, %parallel_loop3A_896], %parallel_loop3A_899 {strides = array<i32>} : memref<50x8x8x16xf32, #tpu.memory_space<vmem>>, vector<1x1x1x16xf32>,
        %parallel_loop3A_900 = arith.constant 45 : i32
        %parallel_loop3A_901 = arith.index_cast %parallel_loop3A_900 : i32 to index
        %parallel_loop3A_902 = arith.constant 0 : index
        %parallel_loop3A_903 = tpu.vector_load %arg7[%parallel_loop3A_901, %parallel_loop3A_902] {strides = array<i32>} : memref<50x16xi32, #tpu.memory_space<vmem>>, vector<1x16xi32>,
        %parallel_loop3A_904 = vector.shape_cast %parallel_loop3A_903 : vector<1x16xi32> to vector<16xi32>
        %parallel_loop3A_905 = vector.shape_cast %parallel_loop3A_904 : vector<16xi32> to vector<16x1xi32>
        %parallel_loop3A_906 = vector.shape_cast %parallel_loop3A_905 : vector<16x1xi32> to vector<16xi32>
        %parallel_loop3A_907 = tpu.dynamic_gather %parallel_loop3A_175[%parallel_loop3A_906] in [0] : vector<16xf32>, vector<16xi32> -> vector<16xf32>
        %parallel_loop3A_908 = arith.constant 45 : i32
        %parallel_loop3A_909 = arith.index_cast %parallel_loop3A_908 : i32 to index
        %parallel_loop3A_910 = arith.index_cast %parallel_loop3A_177 : i32 to index
        %parallel_loop3A_911 = arith.index_cast %parallel_loop3A_179 : i32 to index
        %parallel_loop3A_912 = arith.constant 0 : index
        %parallel_loop3A_913 = tpu.vector_load %arg8[%parallel_loop3A_909, %parallel_loop3A_910, %parallel_loop3A_911, %parallel_loop3A_912] {strides = array<i32>} : memref<50x8x8x16xf32, #tpu.memory_space<vmem>>, vector<1x1x1x16xf32>,
        %parallel_loop3A_914 = vector.shape_cast %parallel_loop3A_913 : vector<1x1x1x16xf32> to vector<16xf32>
        %parallel_loop3A_915 = vector.shape_cast %parallel_loop3A_907 : vector<16xf32> to vector<1x1x1x16xf32>
        tpu.vector_store %arg8[%parallel_loop3A_909, %parallel_loop3A_910, %parallel_loop3A_911, %parallel_loop3A_912], %parallel_loop3A_915 {strides = array<i32>} : memref<50x8x8x16xf32, #tpu.memory_space<vmem>>, vector<1x1x1x16xf32>,
        %parallel_loop3A_916 = arith.constant 46 : i32
        %parallel_loop3A_917 = arith.index_cast %parallel_loop3A_916 : i32 to index
        %parallel_loop3A_918 = arith.constant 0 : index
        %parallel_loop3A_919 = tpu.vector_load %arg7[%parallel_loop3A_917, %parallel_loop3A_918] {strides = array<i32>} : memref<50x16xi32, #tpu.memory_space<vmem>>, vector<1x16xi32>,
        %parallel_loop3A_920 = vector.shape_cast %parallel_loop3A_919 : vector<1x16xi32> to vector<16xi32>
        %parallel_loop3A_921 = vector.shape_cast %parallel_loop3A_920 : vector<16xi32> to vector<16x1xi32>
        %parallel_loop3A_922 = vector.shape_cast %parallel_loop3A_921 : vector<16x1xi32> to vector<16xi32>
        %parallel_loop3A_923 = tpu.dynamic_gather %parallel_loop3A_175[%parallel_loop3A_922] in [0] : vector<16xf32>, vector<16xi32> -> vector<16xf32>
        %parallel_loop3A_924 = arith.constant 46 : i32
        %parallel_loop3A_925 = arith.index_cast %parallel_loop3A_924 : i32 to index
        %parallel_loop3A_926 = arith.index_cast %parallel_loop3A_177 : i32 to index
        %parallel_loop3A_927 = arith.index_cast %parallel_loop3A_179 : i32 to index
        %parallel_loop3A_928 = arith.constant 0 : index
        %parallel_loop3A_929 = tpu.vector_load %arg8[%parallel_loop3A_925, %parallel_loop3A_926, %parallel_loop3A_927, %parallel_loop3A_928] {strides = array<i32>} : memref<50x8x8x16xf32, #tpu.memory_space<vmem>>, vector<1x1x1x16xf32>,
        %parallel_loop3A_930 = vector.shape_cast %parallel_loop3A_929 : vector<1x1x1x16xf32> to vector<16xf32>
        %parallel_loop3A_931 = vector.shape_cast %parallel_loop3A_923 : vector<16xf32> to vector<1x1x1x16xf32>
        tpu.vector_store %arg8[%parallel_loop3A_925, %parallel_loop3A_926, %parallel_loop3A_927, %parallel_loop3A_928], %parallel_loop3A_931 {strides = array<i32>} : memref<50x8x8x16xf32, #tpu.memory_space<vmem>>, vector<1x1x1x16xf32>,
        %parallel_loop3A_932 = arith.constant 47 : i32
        %parallel_loop3A_933 = arith.index_cast %parallel_loop3A_932 : i32 to index
        %parallel_loop3A_934 = arith.constant 0 : index
        %parallel_loop3A_935 = tpu.vector_load %arg7[%parallel_loop3A_933, %parallel_loop3A_934] {strides = array<i32>} : memref<50x16xi32, #tpu.memory_space<vmem>>, vector<1x16xi32>,
        %parallel_loop3A_936 = vector.shape_cast %parallel_loop3A_935 : vector<1x16xi32> to vector<16xi32>
        %parallel_loop3A_937 = vector.shape_cast %parallel_loop3A_936 : vector<16xi32> to vector<16x1xi32>
        %parallel_loop3A_938 = vector.shape_cast %parallel_loop3A_937 : vector<16x1xi32> to vector<16xi32>
        %parallel_loop3A_939 = tpu.dynamic_gather %parallel_loop3A_175[%parallel_loop3A_938] in [0] : vector<16xf32>, vector<16xi32> -> vector<16xf32>
        %parallel_loop3A_940 = arith.constant 47 : i32
        %parallel_loop3A_941 = arith.index_cast %parallel_loop3A_940 : i32 to index
        %parallel_loop3A_942 = arith.index_cast %parallel_loop3A_177 : i32 to index
        %parallel_loop3A_943 = arith.index_cast %parallel_loop3A_179 : i32 to index
        %parallel_loop3A_944 = arith.constant 0 : index
        %parallel_loop3A_945 = tpu.vector_load %arg8[%parallel_loop3A_941, %parallel_loop3A_942, %parallel_loop3A_943, %parallel_loop3A_944] {strides = array<i32>} : memref<50x8x8x16xf32, #tpu.memory_space<vmem>>, vector<1x1x1x16xf32>,
        %parallel_loop3A_946 = vector.shape_cast %parallel_loop3A_945 : vector<1x1x1x16xf32> to vector<16xf32>
        %parallel_loop3A_947 = vector.shape_cast %parallel_loop3A_939 : vector<16xf32> to vector<1x1x1x16xf32>
        tpu.vector_store %arg8[%parallel_loop3A_941, %parallel_loop3A_942, %parallel_loop3A_943, %parallel_loop3A_944], %parallel_loop3A_947 {strides = array<i32>} : memref<50x8x8x16xf32, #tpu.memory_space<vmem>>, vector<1x1x1x16xf32>,
        %parallel_loop3A_948 = arith.constant 48 : i32
        %parallel_loop3A_949 = arith.index_cast %parallel_loop3A_948 : i32 to index
        %parallel_loop3A_950 = arith.constant 0 : index
        %parallel_loop3A_951 = tpu.vector_load %arg7[%parallel_loop3A_949, %parallel_loop3A_950] {strides = array<i32>} : memref<50x16xi32, #tpu.memory_space<vmem>>, vector<1x16xi32>,
        %parallel_loop3A_952 = vector.shape_cast %parallel_loop3A_951 : vector<1x16xi32> to vector<16xi32>
        %parallel_loop3A_953 = vector.shape_cast %parallel_loop3A_952 : vector<16xi32> to vector<16x1xi32>
        %parallel_loop3A_954 = vector.shape_cast %parallel_loop3A_953 : vector<16x1xi32> to vector<16xi32>
        %parallel_loop3A_955 = tpu.dynamic_gather %parallel_loop3A_175[%parallel_loop3A_954] in [0] : vector<16xf32>, vector<16xi32> -> vector<16xf32>
        %parallel_loop3A_956 = arith.constant 48 : i32
        %parallel_loop3A_957 = arith.index_cast %parallel_loop3A_956 : i32 to index
        %parallel_loop3A_958 = arith.index_cast %parallel_loop3A_177 : i32 to index
        %parallel_loop3A_959 = arith.index_cast %parallel_loop3A_179 : i32 to index
        %parallel_loop3A_960 = arith.constant 0 : index
        %parallel_loop3A_961 = tpu.vector_load %arg8[%parallel_loop3A_957, %parallel_loop3A_958, %parallel_loop3A_959, %parallel_loop3A_960] {strides = array<i32>} : memref<50x8x8x16xf32, #tpu.memory_space<vmem>>, vector<1x1x1x16xf32>,
        %parallel_loop3A_962 = vector.shape_cast %parallel_loop3A_961 : vector<1x1x1x16xf32> to vector<16xf32>
        %parallel_loop3A_963 = vector.shape_cast %parallel_loop3A_955 : vector<16xf32> to vector<1x1x1x16xf32>
        tpu.vector_store %arg8[%parallel_loop3A_957, %parallel_loop3A_958, %parallel_loop3A_959, %parallel_loop3A_960], %parallel_loop3A_963 {strides = array<i32>} : memref<50x8x8x16xf32, #tpu.memory_space<vmem>>, vector<1x1x1x16xf32>,
        %parallel_loop3A_964 = arith.constant 49 : i32
        %parallel_loop3A_965 = arith.index_cast %parallel_loop3A_964 : i32 to index
        %parallel_loop3A_966 = arith.constant 0 : index
        %parallel_loop3A_967 = tpu.vector_load %arg7[%parallel_loop3A_965, %parallel_loop3A_966] {strides = array<i32>} : memref<50x16xi32, #tpu.memory_space<vmem>>, vector<1x16xi32>,
        %parallel_loop3A_968 = vector.shape_cast %parallel_loop3A_967 : vector<1x16xi32> to vector<16xi32>
        %parallel_loop3A_969 = vector.shape_cast %parallel_loop3A_968 : vector<16xi32> to vector<16x1xi32>
        %parallel_loop3A_970 = vector.shape_cast %parallel_loop3A_969 : vector<16x1xi32> to vector<16xi32>
        %parallel_loop3A_971 = tpu.dynamic_gather %parallel_loop3A_175[%parallel_loop3A_970] in [0] : vector<16xf32>, vector<16xi32> -> vector<16xf32>
        %parallel_loop3A_972 = arith.constant 49 : i32
        %parallel_loop3A_973 = arith.index_cast %parallel_loop3A_972 : i32 to index
        %parallel_loop3A_974 = arith.index_cast %parallel_loop3A_177 : i32 to index
        %parallel_loop3A_975 = arith.index_cast %parallel_loop3A_179 : i32 to index
        %parallel_loop3A_976 = arith.constant 0 : index
        %parallel_loop3A_977 = tpu.vector_load %arg8[%parallel_loop3A_973, %parallel_loop3A_974, %parallel_loop3A_975, %parallel_loop3A_976] {strides = array<i32>} : memref<50x8x8x16xf32, #tpu.memory_space<vmem>>, vector<1x1x1x16xf32>,
        %parallel_loop3A_978 = vector.shape_cast %parallel_loop3A_977 : vector<1x1x1x16xf32> to vector<16xf32>
        %parallel_loop3A_979 = vector.shape_cast %parallel_loop3A_971 : vector<16xf32> to vector<1x1x1x16xf32>
        tpu.vector_store %arg8[%parallel_loop3A_973, %parallel_loop3A_974, %parallel_loop3A_975, %parallel_loop3A_976], %parallel_loop3A_979 {strides = array<i32>} : memref<50x8x8x16xf32, #tpu.memory_space<vmem>>, vector<1x1x1x16xf32>,
      } {sc.loop_unroll_factor = 4 : i64, sc.parallel_access}
      %dma_start3A_94 = arith.constant 0 : i32
      %dma_start3A_95 = arith.constant 0 : i32
      %dma_start3A_96 = arith.constant 0 : i32
      %dma_start3A_97 = tpu.memref_slice %arg4[%dma_start3A_94, %dma_start3A_95, %shift_right_logical3A_55, %dma_start3A_96, %multiple_of3A_58] : memref<50x8x64x8x128xf32, #tpu.memory_space<hbm>> -> memref<50x8x1x8x16xf32, #tpu.memory_space<hbm>>
      %dma_start3A_98 = tpu.memref_squeeze %dma_start3A_97 : memref<50x8x1x8x16xf32, #tpu.memory_space<hbm>> -> memref<50x8x8x16xf32, #tpu.memory_space<hbm>>
      %dma_start3A_99 = arith.constant 0 : i32
      %dma_start3A_100 = arith.constant 0 : i32
      %dma_start3A_101 = arith.constant 0 : i32
      %dma_start3A_102 = tpu.memref_slice %arg4[%dma_start3A_99, %dma_start3A_100, %shift_right_logical3A_55, %dma_start3A_101, %multiple_of3A_58] : memref<50x8x64x8x128xf32, #tpu.memory_space<hbm>> -> memref<50x8x1x8x16xf32, #tpu.memory_space<hbm>>
      %dma_start3A_103 = tpu.memref_squeeze %dma_start3A_102 : memref<50x8x1x8x16xf32, #tpu.memory_space<hbm>> -> memref<50x8x8x16xf32, #tpu.memory_space<hbm>>
      tpu.enqueue_dma source(%arg8 : memref<50x8x8x16xf32, #tpu.memory_space<vmem>>) target(%dma_start3A_103 : memref<50x8x8x16xf32, #tpu.memory_space<hbm>>) target_semaphore(%arg13 : memref<!tpu.dma_semaphore, #tpu.memory_space<semaphore_mem>>)
      %mul3A_104 = arith.constant 2 : i32
      %mul3A_105 = arith.muli %mul3A_104, %scan3A_48 : i32
      %add3A_106 = arith.constant 1 : i32
      %add3A_107 = arith.addi %mul3A_105, %add3A_106 : i32
      %mul3A_108 = arith.constant 16 : i32
      %mul3A_109 = arith.muli %add3A_107, %mul3A_108 : i32
      %add3A_110 = arith.addi %mul3A_2, %mul3A_109 : i32
      %shift_right_logical3A_111 = arith.constant 7 : i32
      %shift_right_logical3A_112 = arith.shrui %add3A_110, %shift_right_logical3A_111 : i32
      %and3A_113 = arith.constant 127 : i32
      %and3A_114 = arith.andi %add3A_110, %and3A_113 : i32
      %multiple_of3A_115 = tpu.assume_multiple %and3A_114, 16 : i32
      %add3A_116 = vector.broadcast %add3A_110 : i32 to vector<16xi32>
      %add3A_117 = arith.addi %add3A_116, %iota3A : vector<16xi32>
      %dma_wait3A_118 = arith.constant 0 : i32
      %dma_wait3A_119 = tpu.memref_slice %arg2[%dma_wait3A_118, %add3A_110] : memref<64x8192xi32, #tpu.memory_space<hbm>> -> memref<64x16xi32, #tpu.memory_space<hbm>>
      %dma_wait3A_120 = arith.constant 0 : i32
      %dma_wait3A_121 = tpu.memref_slice %arg2[%dma_wait3A_120, %add3A_110] : memref<64x8192xi32, #tpu.memory_space<hbm>> -> memref<64x16xi32, #tpu.memory_space<hbm>>
      tpu.wait_dma2 semaphore(%arg12 : memref<!tpu.dma_semaphore, #tpu.memory_space<semaphore_mem>>) src(%dma_wait3A_121 : memref<64x16xi32, #tpu.memory_space<hbm>>) dst(%arg6 : memref<64x16xi32, #tpu.memory_space<vmem>>)
      %scan3A_122 = arith.constant 0 : i32
      %scan3A_123 = arith.constant 0 : i32
      %scan3A_124 = arith.constant 50 : i32
      %scan3A_125 = arith.addi %scan3A_123, %scan3A_124 : i32
      %scan3A_126 = arith.constant 1 : i32
      scf.for %scan3A_171 = %scan3A_123 to %scan3A_125 step %scan3A_126  : i32 {
        %get3A = arith.index_cast %scan3A_171 : i32 to index
        %get3A_172 = arith.constant 0 : index
        %get3A_173 = tpu.vector_load %arg6[%get3A, %get3A_172] {strides = array<i32>} : memref<64x16xi32, #tpu.memory_space<vmem>>, vector<1x16xi32>,
        %get3A_174 = vector.shape_cast %get3A_173 : vector<1x16xi32> to vector<16xi32>
        %sub3A = arith.subi %add3A_117, %get3A_174 : vector<16xi32>
        %max3A = arith.constant 1 : i32
        %max3A_175 = vector.broadcast %max3A : i32 to vector<16xi32>
        %max3A_176 = arith.maxsi %sub3A, %max3A_175 : vector<16xi32>
        %ge3A = arith.constant 2 : i32
        %ge3A_177 = vector.broadcast %ge3A : i32 to vector<16xi32>
        %ge3A_178 = arith.cmpi sge, %max3A_176, %ge3A_177 : vector<16xi32>
        %jit3A_179 = arith.constant 1 : i32
        %jit3A_180 = arith.constant 0 : i32
        %broadcast_in_dim3A = vector.broadcast %jit3A_179 : i32 to vector<16xi32>
        %broadcast_in_dim3A_181 = vector.broadcast %jit3A_180 : i32 to vector<16xi32>
        %select_n3A_182 = arith.select %ge3A_178, %broadcast_in_dim3A, %broadcast_in_dim3A_181 : vector<16xi1>, vector<16xi32>
        %ge3A_183 = arith.constant 3 : i32
        %ge3A_184 = vector.broadcast %ge3A_183 : i32 to vector<16xi32>
        %ge3A_185 = arith.cmpi sge, %max3A_176, %ge3A_184 : vector<16xi32>
        %jit3A_186 = arith.constant 1 : i32
        %jit3A_187 = arith.constant 0 : i32
        %broadcast_in_dim3A_188 = vector.broadcast %jit3A_186 : i32 to vector<16xi32>
        %broadcast_in_dim3A_189 = vector.broadcast %jit3A_187 : i32 to vector<16xi32>
        %select_n3A_190 = arith.select %ge3A_185, %broadcast_in_dim3A_188, %broadcast_in_dim3A_189 : vector<16xi1>, vector<16xi32>
        %add3A_191 = arith.addi %select_n3A_182, %select_n3A_190 : vector<16xi32>
        %ge3A_192 = arith.constant 4 : i32
        %ge3A_193 = vector.broadcast %ge3A_192 : i32 to vector<16xi32>
        %ge3A_194 = arith.cmpi sge, %max3A_176, %ge3A_193 : vector<16xi32>
        %jit3A_195 = arith.constant 1 : i32
        %jit3A_196 = arith.constant 0 : i32
        %broadcast_in_dim3A_197 = vector.broadcast %jit3A_195 : i32 to vector<16xi32>
        %broadcast_in_dim3A_198 = vector.broadcast %jit3A_196 : i32 to vector<16xi32>
        %select_n3A_199 = arith.select %ge3A_194, %broadcast_in_dim3A_197, %broadcast_in_dim3A_198 : vector<16xi1>, vector<16xi32>
        %add3A_200 = arith.addi %add3A_191, %select_n3A_199 : vector<16xi32>
        %ge3A_201 = arith.constant 5 : i32
        %ge3A_202 = vector.broadcast %ge3A_201 : i32 to vector<16xi32>
        %ge3A_203 = arith.cmpi sge, %max3A_176, %ge3A_202 : vector<16xi32>
        %jit3A_204 = arith.constant 1 : i32
        %jit3A_205 = arith.constant 0 : i32
        %broadcast_in_dim3A_206 = vector.broadcast %jit3A_204 : i32 to vector<16xi32>
        %broadcast_in_dim3A_207 = vector.broadcast %jit3A_205 : i32 to vector<16xi32>
        %select_n3A_208 = arith.select %ge3A_203, %broadcast_in_dim3A_206, %broadcast_in_dim3A_207 : vector<16xi1>, vector<16xi32>
        %add3A_209 = arith.addi %add3A_200, %select_n3A_208 : vector<16xi32>
        %ge3A_210 = arith.constant 8 : i32
        %ge3A_211 = vector.broadcast %ge3A_210 : i32 to vector<16xi32>
        %ge3A_212 = arith.cmpi sge, %max3A_176, %ge3A_211 : vector<16xi32>
        %jit3A_213 = arith.constant 1 : i32
        %jit3A_214 = arith.constant 0 : i32
        %broadcast_in_dim3A_215 = vector.broadcast %jit3A_213 : i32 to vector<16xi32>
        %broadcast_in_dim3A_216 = vector.broadcast %jit3A_214 : i32 to vector<16xi32>
        %select_n3A_217 = arith.select %ge3A_212, %broadcast_in_dim3A_215, %broadcast_in_dim3A_216 : vector<16xi1>, vector<16xi32>
        %add3A_218 = arith.addi %add3A_209, %select_n3A_217 : vector<16xi32>
        %ge3A_219 = arith.constant 16 : i32
        %ge3A_220 = vector.broadcast %ge3A_219 : i32 to vector<16xi32>
        %ge3A_221 = arith.cmpi sge, %max3A_176, %ge3A_220 : vector<16xi32>
        %jit3A_222 = arith.constant 1 : i32
        %jit3A_223 = arith.constant 0 : i32
        %broadcast_in_dim3A_224 = vector.broadcast %jit3A_222 : i32 to vector<16xi32>
        %broadcast_in_dim3A_225 = vector.broadcast %jit3A_223 : i32 to vector<16xi32>
        %select_n3A_226 = arith.select %ge3A_221, %broadcast_in_dim3A_224, %broadcast_in_dim3A_225 : vector<16xi1>, vector<16xi32>
        %add3A_227 = arith.addi %add3A_218, %select_n3A_226 : vector<16xi32>
        %ge3A_228 = arith.constant 32 : i32
        %ge3A_229 = vector.broadcast %ge3A_228 : i32 to vector<16xi32>
        %ge3A_230 = arith.cmpi sge, %max3A_176, %ge3A_229 : vector<16xi32>
        %jit3A_231 = arith.constant 1 : i32
        %jit3A_232 = arith.constant 0 : i32
        %broadcast_in_dim3A_233 = vector.broadcast %jit3A_231 : i32 to vector<16xi32>
        %broadcast_in_dim3A_234 = vector.broadcast %jit3A_232 : i32 to vector<16xi32>
        %select_n3A_235 = arith.select %ge3A_230, %broadcast_in_dim3A_233, %broadcast_in_dim3A_234 : vector<16xi1>, vector<16xi32>
        %add3A_236 = arith.addi %add3A_227, %select_n3A_235 : vector<16xi32>
        %ge3A_237 = arith.constant 64 : i32
        %ge3A_238 = vector.broadcast %ge3A_237 : i32 to vector<16xi32>
        %ge3A_239 = arith.cmpi sge, %max3A_176, %ge3A_238 : vector<16xi32>
        %jit3A_240 = arith.constant 1 : i32
        %jit3A_241 = arith.constant 0 : i32
        %broadcast_in_dim3A_242 = vector.broadcast %jit3A_240 : i32 to vector<16xi32>
        %broadcast_in_dim3A_243 = vector.broadcast %jit3A_241 : i32 to vector<16xi32>
        %select_n3A_244 = arith.select %ge3A_239, %broadcast_in_dim3A_242, %broadcast_in_dim3A_243 : vector<16xi1>, vector<16xi32>
        %add3A_245 = arith.addi %add3A_236, %select_n3A_244 : vector<16xi32>
        %swap3A = arith.index_cast %scan3A_171 : i32 to index
        %swap3A_246 = arith.constant 0 : index
        %swap3A_247 = tpu.vector_load %arg7[%swap3A, %swap3A_246] {strides = array<i32>} : memref<50x16xi32, #tpu.memory_space<vmem>>, vector<1x16xi32>,
        %swap3A_248 = vector.shape_cast %swap3A_247 : vector<1x16xi32> to vector<16xi32>
        %swap3A_249 = vector.shape_cast %add3A_245 : vector<16xi32> to vector<1x16xi32>
        tpu.vector_store %arg7[%swap3A, %swap3A_246], %swap3A_249 {strides = array<i32>} : memref<50x16xi32, #tpu.memory_space<vmem>>, vector<1x16xi32>,
      }
      %scan3A_127 = arith.constant 50 : i32
      %add3A_128 = arith.constant 2 : i32
      %add3A_129 = arith.addi %add3A_107, %add3A_128 : i32
      %jit3A_130 = arith.constant 16 : i32
      %eq3A_131 = arith.constant 0 : i32
      %eq3A_132 = arith.cmpi eq, %jit3A_130, %eq3A_131 : i32
      %jit3A_133 = arith.constant 1 : i32
      %select_n3A_134 = arith.select %eq3A_132, %jit3A_133, %jit3A_130 : i32
      %rem3A_135 = arith.remsi %add3A_129, %select_n3A_134 : i32
      %ne3A_136 = arith.constant 0 : i32
      %ne3A_137 = arith.cmpi ne, %rem3A_135, %ne3A_136 : i32
      %lt3A_138 = arith.constant 0 : i32
      %lt3A_139 = arith.cmpi slt, %rem3A_135, %lt3A_138 : i32
      %lt3A_140 = arith.constant 0 : i32
      %lt3A_141 = arith.cmpi slt, %select_n3A_134, %lt3A_140 : i32
      %ne3A_142 = arith.xori %lt3A_139, %lt3A_141 : i1
      %and3A_143 = arith.andi %ne3A_142, %ne3A_137 : i1
      %add3A_144 = arith.addi %rem3A_135, %select_n3A_134 : i32
      %select_n3A_145 = arith.select %and3A_143, %add3A_144, %rem3A_135 : i32
      %mul3A_146 = arith.constant 16 : i32
      %mul3A_147 = arith.muli %select_n3A_145, %mul3A_146 : i32
      %add3A_148 = arith.addi %mul3A_2, %mul3A_147 : i32
      %dma_start3A_149 = arith.constant 0 : i32
      %dma_start3A_150 = tpu.memref_slice %arg2[%dma_start3A_149, %add3A_148] : memref<64x8192xi32, #tpu.memory_space<hbm>> -> memref<64x16xi32, #tpu.memory_space<hbm>>
      %dma_start3A_151 = arith.constant 0 : i32
      %dma_start3A_152 = tpu.memref_slice %arg2[%dma_start3A_151, %add3A_148] : memref<64x8192xi32, #tpu.memory_space<hbm>> -> memref<64x16xi32, #tpu.memory_space<hbm>>
      tpu.enqueue_dma source(%dma_start3A_152 : memref<64x16xi32, #tpu.memory_space<hbm>>) target(%arg6 : memref<64x16xi32, #tpu.memory_space<vmem>>) target_semaphore(%arg12 : memref<!tpu.dma_semaphore, #tpu.memory_space<semaphore_mem>>)
      %gt3A_153 = arith.constant 0 : i32
      %gt3A_154 = arith.cmpi sgt, %scan3A_48, %gt3A_153 : i32
      %convert_element_type3A_155 = arith.extui %gt3A_154 : i1 to i32
      %cond3A_156 = arith.constant 0 : i32
      %cond3A_157 = arith.cmpi ne, %convert_element_type3A_155, %cond3A_156 : i32
      scf.if %cond3A_157 {
        %dma_wait3A_171 = arith.constant 0 : i32
        %dma_wait3A_172 = arith.constant 0 : i32
        %dma_wait3A_173 = arith.constant 0 : i32
        %dma_wait3A_174 = tpu.memref_slice %arg4[%dma_wait3A_171, %dma_wait3A_172, %shift_right_logical3A_112, %dma_wait3A_173, %multiple_of3A_115] : memref<50x8x64x8x128xf32, #tpu.memory_space<hbm>> -> memref<50x8x1x8x16xf32, #tpu.memory_space<hbm>>
        %dma_wait3A_175 = tpu.memref_squeeze %dma_wait3A_174 : memref<50x8x1x8x16xf32, #tpu.memory_space<hbm>> -> memref<50x8x8x16xf32, #tpu.memory_space<hbm>>
        %dma_wait3A_176 = arith.constant 0 : i32
        %dma_wait3A_177 = arith.constant 0 : i32
        %dma_wait3A_178 = arith.constant 0 : i32
        %dma_wait3A_179 = tpu.memref_slice %arg4[%dma_wait3A_176, %dma_wait3A_177, %shift_right_logical3A_112, %dma_wait3A_178, %multiple_of3A_115] : memref<50x8x64x8x128xf32, #tpu.memory_space<hbm>> -> memref<50x8x1x8x16xf32, #tpu.memory_space<hbm>>
        %dma_wait3A_180 = tpu.memref_squeeze %dma_wait3A_179 : memref<50x8x1x8x16xf32, #tpu.memory_space<hbm>> -> memref<50x8x8x16xf32, #tpu.memory_space<hbm>>
        tpu.wait_dma2 semaphore(%arg14 : memref<!tpu.dma_semaphore, #tpu.memory_space<semaphore_mem>>) src(%arg9 : memref<50x8x8x16xf32, #tpu.memory_space<vmem>>) dst(%dma_wait3A_180 : memref<50x8x8x16xf32, #tpu.memory_space<hbm>>)
      } else {
      }
      %parallel_loop3A_158 = arith.constant 0 : i32
      %parallel_loop3A_159 = arith.constant 64 : i32
      %parallel_loop3A_160 = arith.constant 1 : i32
      scf.for %parallel_loop3A_171 = %parallel_loop3A_158 to %parallel_loop3A_159 step %parallel_loop3A_160  : i32 {
        %parallel_loop3A_172 = arith.index_cast %parallel_loop3A_171 : i32 to index
        %parallel_loop3A_173 = arith.constant 0 : index
        %parallel_loop3A_174 = tpu.vector_load %arg10[%parallel_loop3A_172, %parallel_loop3A_173] {strides = array<i32>} : memref<64x128xf32, #tpu.memory_space<vmem>>, vector<1x16xf32>,
        %parallel_loop3A_175 = vector.shape_cast %parallel_loop3A_174 : vector<1x16xf32> to vector<16xf32>
        %parallel_loop3A_176 = arith.constant 3 : i32
        %parallel_loop3A_177 = arith.shrui %parallel_loop3A_171, %parallel_loop3A_176 : i32
        %parallel_loop3A_178 = arith.constant 7 : i32
        %parallel_loop3A_179 = arith.andi %parallel_loop3A_171, %parallel_loop3A_178 : i32
        %parallel_loop3A_180 = arith.constant 0 : i32
        %parallel_loop3A_181 = arith.index_cast %parallel_loop3A_180 : i32 to index
        %parallel_loop3A_182 = arith.constant 0 : index
        %parallel_loop3A_183 = tpu.vector_load %arg7[%parallel_loop3A_181, %parallel_loop3A_182] {strides = array<i32>} : memref<50x16xi32, #tpu.memory_space<vmem>>, vector<1x16xi32>,
        %parallel_loop3A_184 = vector.shape_cast %parallel_loop3A_183 : vector<1x16xi32> to vector<16xi32>
        %parallel_loop3A_185 = vector.shape_cast %parallel_loop3A_184 : vector<16xi32> to vector<16x1xi32>
        %parallel_loop3A_186 = vector.shape_cast %parallel_loop3A_185 : vector<16x1xi32> to vector<16xi32>
        %parallel_loop3A_187 = tpu.dynamic_gather %parallel_loop3A_175[%parallel_loop3A_186] in [0] : vector<16xf32>, vector<16xi32> -> vector<16xf32>
        %parallel_loop3A_188 = arith.constant 0 : i32
        %parallel_loop3A_189 = arith.index_cast %parallel_loop3A_188 : i32 to index
        %parallel_loop3A_190 = arith.index_cast %parallel_loop3A_177 : i32 to index
        %parallel_loop3A_191 = arith.index_cast %parallel_loop3A_179 : i32 to index
        %parallel_loop3A_192 = arith.constant 0 : index
        %parallel_loop3A_193 = tpu.vector_load %arg9[%parallel_loop3A_189, %parallel_loop3A_190, %parallel_loop3A_191, %parallel_loop3A_192] {strides = array<i32>} : memref<50x8x8x16xf32, #tpu.memory_space<vmem>>, vector<1x1x1x16xf32>,
        %parallel_loop3A_194 = vector.shape_cast %parallel_loop3A_193 : vector<1x1x1x16xf32> to vector<16xf32>
        %parallel_loop3A_195 = vector.shape_cast %parallel_loop3A_187 : vector<16xf32> to vector<1x1x1x16xf32>
        tpu.vector_store %arg9[%parallel_loop3A_189, %parallel_loop3A_190, %parallel_loop3A_191, %parallel_loop3A_192], %parallel_loop3A_195 {strides = array<i32>} : memref<50x8x8x16xf32, #tpu.memory_space<vmem>>, vector<1x1x1x16xf32>,
        %parallel_loop3A_196 = arith.constant 1 : i32
        %parallel_loop3A_197 = arith.index_cast %parallel_loop3A_196 : i32 to index
        %parallel_loop3A_198 = arith.constant 0 : index
        %parallel_loop3A_199 = tpu.vector_load %arg7[%parallel_loop3A_197, %parallel_loop3A_198] {strides = array<i32>} : memref<50x16xi32, #tpu.memory_space<vmem>>, vector<1x16xi32>,
        %parallel_loop3A_200 = vector.shape_cast %parallel_loop3A_199 : vector<1x16xi32> to vector<16xi32>
        %parallel_loop3A_201 = vector.shape_cast %parallel_loop3A_200 : vector<16xi32> to vector<16x1xi32>
        %parallel_loop3A_202 = vector.shape_cast %parallel_loop3A_201 : vector<16x1xi32> to vector<16xi32>
        %parallel_loop3A_203 = tpu.dynamic_gather %parallel_loop3A_175[%parallel_loop3A_202] in [0] : vector<16xf32>, vector<16xi32> -> vector<16xf32>
        %parallel_loop3A_204 = arith.constant 1 : i32
        %parallel_loop3A_205 = arith.index_cast %parallel_loop3A_204 : i32 to index
        %parallel_loop3A_206 = arith.index_cast %parallel_loop3A_177 : i32 to index
        %parallel_loop3A_207 = arith.index_cast %parallel_loop3A_179 : i32 to index
        %parallel_loop3A_208 = arith.constant 0 : index
        %parallel_loop3A_209 = tpu.vector_load %arg9[%parallel_loop3A_205, %parallel_loop3A_206, %parallel_loop3A_207, %parallel_loop3A_208] {strides = array<i32>} : memref<50x8x8x16xf32, #tpu.memory_space<vmem>>, vector<1x1x1x16xf32>,
        %parallel_loop3A_210 = vector.shape_cast %parallel_loop3A_209 : vector<1x1x1x16xf32> to vector<16xf32>
        %parallel_loop3A_211 = vector.shape_cast %parallel_loop3A_203 : vector<16xf32> to vector<1x1x1x16xf32>
        tpu.vector_store %arg9[%parallel_loop3A_205, %parallel_loop3A_206, %parallel_loop3A_207, %parallel_loop3A_208], %parallel_loop3A_211 {strides = array<i32>} : memref<50x8x8x16xf32, #tpu.memory_space<vmem>>, vector<1x1x1x16xf32>,
        %parallel_loop3A_212 = arith.constant 2 : i32
        %parallel_loop3A_213 = arith.index_cast %parallel_loop3A_212 : i32 to index
        %parallel_loop3A_214 = arith.constant 0 : index
        %parallel_loop3A_215 = tpu.vector_load %arg7[%parallel_loop3A_213, %parallel_loop3A_214] {strides = array<i32>} : memref<50x16xi32, #tpu.memory_space<vmem>>, vector<1x16xi32>,
        %parallel_loop3A_216 = vector.shape_cast %parallel_loop3A_215 : vector<1x16xi32> to vector<16xi32>
        %parallel_loop3A_217 = vector.shape_cast %parallel_loop3A_216 : vector<16xi32> to vector<16x1xi32>
        %parallel_loop3A_218 = vector.shape_cast %parallel_loop3A_217 : vector<16x1xi32> to vector<16xi32>
        %parallel_loop3A_219 = tpu.dynamic_gather %parallel_loop3A_175[%parallel_loop3A_218] in [0] : vector<16xf32>, vector<16xi32> -> vector<16xf32>
        %parallel_loop3A_220 = arith.constant 2 : i32
        %parallel_loop3A_221 = arith.index_cast %parallel_loop3A_220 : i32 to index
        %parallel_loop3A_222 = arith.index_cast %parallel_loop3A_177 : i32 to index
        %parallel_loop3A_223 = arith.index_cast %parallel_loop3A_179 : i32 to index
        %parallel_loop3A_224 = arith.constant 0 : index
        %parallel_loop3A_225 = tpu.vector_load %arg9[%parallel_loop3A_221, %parallel_loop3A_222, %parallel_loop3A_223, %parallel_loop3A_224] {strides = array<i32>} : memref<50x8x8x16xf32, #tpu.memory_space<vmem>>, vector<1x1x1x16xf32>,
        %parallel_loop3A_226 = vector.shape_cast %parallel_loop3A_225 : vector<1x1x1x16xf32> to vector<16xf32>
        %parallel_loop3A_227 = vector.shape_cast %parallel_loop3A_219 : vector<16xf32> to vector<1x1x1x16xf32>
        tpu.vector_store %arg9[%parallel_loop3A_221, %parallel_loop3A_222, %parallel_loop3A_223, %parallel_loop3A_224], %parallel_loop3A_227 {strides = array<i32>} : memref<50x8x8x16xf32, #tpu.memory_space<vmem>>, vector<1x1x1x16xf32>,
        %parallel_loop3A_228 = arith.constant 3 : i32
        %parallel_loop3A_229 = arith.index_cast %parallel_loop3A_228 : i32 to index
        %parallel_loop3A_230 = arith.constant 0 : index
        %parallel_loop3A_231 = tpu.vector_load %arg7[%parallel_loop3A_229, %parallel_loop3A_230] {strides = array<i32>} : memref<50x16xi32, #tpu.memory_space<vmem>>, vector<1x16xi32>,
        %parallel_loop3A_232 = vector.shape_cast %parallel_loop3A_231 : vector<1x16xi32> to vector<16xi32>
        %parallel_loop3A_233 = vector.shape_cast %parallel_loop3A_232 : vector<16xi32> to vector<16x1xi32>
        %parallel_loop3A_234 = vector.shape_cast %parallel_loop3A_233 : vector<16x1xi32> to vector<16xi32>
        %parallel_loop3A_235 = tpu.dynamic_gather %parallel_loop3A_175[%parallel_loop3A_234] in [0] : vector<16xf32>, vector<16xi32> -> vector<16xf32>
        %parallel_loop3A_236 = arith.constant 3 : i32
        %parallel_loop3A_237 = arith.index_cast %parallel_loop3A_236 : i32 to index
        %parallel_loop3A_238 = arith.index_cast %parallel_loop3A_177 : i32 to index
        %parallel_loop3A_239 = arith.index_cast %parallel_loop3A_179 : i32 to index
        %parallel_loop3A_240 = arith.constant 0 : index
        %parallel_loop3A_241 = tpu.vector_load %arg9[%parallel_loop3A_237, %parallel_loop3A_238, %parallel_loop3A_239, %parallel_loop3A_240] {strides = array<i32>} : memref<50x8x8x16xf32, #tpu.memory_space<vmem>>, vector<1x1x1x16xf32>,
        %parallel_loop3A_242 = vector.shape_cast %parallel_loop3A_241 : vector<1x1x1x16xf32> to vector<16xf32>
        %parallel_loop3A_243 = vector.shape_cast %parallel_loop3A_235 : vector<16xf32> to vector<1x1x1x16xf32>
        tpu.vector_store %arg9[%parallel_loop3A_237, %parallel_loop3A_238, %parallel_loop3A_239, %parallel_loop3A_240], %parallel_loop3A_243 {strides = array<i32>} : memref<50x8x8x16xf32, #tpu.memory_space<vmem>>, vector<1x1x1x16xf32>,
        %parallel_loop3A_244 = arith.constant 4 : i32
        %parallel_loop3A_245 = arith.index_cast %parallel_loop3A_244 : i32 to index
        %parallel_loop3A_246 = arith.constant 0 : index
        %parallel_loop3A_247 = tpu.vector_load %arg7[%parallel_loop3A_245, %parallel_loop3A_246] {strides = array<i32>} : memref<50x16xi32, #tpu.memory_space<vmem>>, vector<1x16xi32>,
        %parallel_loop3A_248 = vector.shape_cast %parallel_loop3A_247 : vector<1x16xi32> to vector<16xi32>
        %parallel_loop3A_249 = vector.shape_cast %parallel_loop3A_248 : vector<16xi32> to vector<16x1xi32>
        %parallel_loop3A_250 = vector.shape_cast %parallel_loop3A_249 : vector<16x1xi32> to vector<16xi32>
        %parallel_loop3A_251 = tpu.dynamic_gather %parallel_loop3A_175[%parallel_loop3A_250] in [0] : vector<16xf32>, vector<16xi32> -> vector<16xf32>
        %parallel_loop3A_252 = arith.constant 4 : i32
        %parallel_loop3A_253 = arith.index_cast %parallel_loop3A_252 : i32 to index
        %parallel_loop3A_254 = arith.index_cast %parallel_loop3A_177 : i32 to index
        %parallel_loop3A_255 = arith.index_cast %parallel_loop3A_179 : i32 to index
        %parallel_loop3A_256 = arith.constant 0 : index
        %parallel_loop3A_257 = tpu.vector_load %arg9[%parallel_loop3A_253, %parallel_loop3A_254, %parallel_loop3A_255, %parallel_loop3A_256] {strides = array<i32>} : memref<50x8x8x16xf32, #tpu.memory_space<vmem>>, vector<1x1x1x16xf32>,
        %parallel_loop3A_258 = vector.shape_cast %parallel_loop3A_257 : vector<1x1x1x16xf32> to vector<16xf32>
        %parallel_loop3A_259 = vector.shape_cast %parallel_loop3A_251 : vector<16xf32> to vector<1x1x1x16xf32>
        tpu.vector_store %arg9[%parallel_loop3A_253, %parallel_loop3A_254, %parallel_loop3A_255, %parallel_loop3A_256], %parallel_loop3A_259 {strides = array<i32>} : memref<50x8x8x16xf32, #tpu.memory_space<vmem>>, vector<1x1x1x16xf32>,
        %parallel_loop3A_260 = arith.constant 5 : i32
        %parallel_loop3A_261 = arith.index_cast %parallel_loop3A_260 : i32 to index
        %parallel_loop3A_262 = arith.constant 0 : index
        %parallel_loop3A_263 = tpu.vector_load %arg7[%parallel_loop3A_261, %parallel_loop3A_262] {strides = array<i32>} : memref<50x16xi32, #tpu.memory_space<vmem>>, vector<1x16xi32>,
        %parallel_loop3A_264 = vector.shape_cast %parallel_loop3A_263 : vector<1x16xi32> to vector<16xi32>
        %parallel_loop3A_265 = vector.shape_cast %parallel_loop3A_264 : vector<16xi32> to vector<16x1xi32>
        %parallel_loop3A_266 = vector.shape_cast %parallel_loop3A_265 : vector<16x1xi32> to vector<16xi32>
        %parallel_loop3A_267 = tpu.dynamic_gather %parallel_loop3A_175[%parallel_loop3A_266] in [0] : vector<16xf32>, vector<16xi32> -> vector<16xf32>
        %parallel_loop3A_268 = arith.constant 5 : i32
        %parallel_loop3A_269 = arith.index_cast %parallel_loop3A_268 : i32 to index
        %parallel_loop3A_270 = arith.index_cast %parallel_loop3A_177 : i32 to index
        %parallel_loop3A_271 = arith.index_cast %parallel_loop3A_179 : i32 to index
        %parallel_loop3A_272 = arith.constant 0 : index
        %parallel_loop3A_273 = tpu.vector_load %arg9[%parallel_loop3A_269, %parallel_loop3A_270, %parallel_loop3A_271, %parallel_loop3A_272] {strides = array<i32>} : memref<50x8x8x16xf32, #tpu.memory_space<vmem>>, vector<1x1x1x16xf32>,
        %parallel_loop3A_274 = vector.shape_cast %parallel_loop3A_273 : vector<1x1x1x16xf32> to vector<16xf32>
        %parallel_loop3A_275 = vector.shape_cast %parallel_loop3A_267 : vector<16xf32> to vector<1x1x1x16xf32>
        tpu.vector_store %arg9[%parallel_loop3A_269, %parallel_loop3A_270, %parallel_loop3A_271, %parallel_loop3A_272], %parallel_loop3A_275 {strides = array<i32>} : memref<50x8x8x16xf32, #tpu.memory_space<vmem>>, vector<1x1x1x16xf32>,
        %parallel_loop3A_276 = arith.constant 6 : i32
        %parallel_loop3A_277 = arith.index_cast %parallel_loop3A_276 : i32 to index
        %parallel_loop3A_278 = arith.constant 0 : index
        %parallel_loop3A_279 = tpu.vector_load %arg7[%parallel_loop3A_277, %parallel_loop3A_278] {strides = array<i32>} : memref<50x16xi32, #tpu.memory_space<vmem>>, vector<1x16xi32>,
        %parallel_loop3A_280 = vector.shape_cast %parallel_loop3A_279 : vector<1x16xi32> to vector<16xi32>
        %parallel_loop3A_281 = vector.shape_cast %parallel_loop3A_280 : vector<16xi32> to vector<16x1xi32>
        %parallel_loop3A_282 = vector.shape_cast %parallel_loop3A_281 : vector<16x1xi32> to vector<16xi32>
        %parallel_loop3A_283 = tpu.dynamic_gather %parallel_loop3A_175[%parallel_loop3A_282] in [0] : vector<16xf32>, vector<16xi32> -> vector<16xf32>
        %parallel_loop3A_284 = arith.constant 6 : i32
        %parallel_loop3A_285 = arith.index_cast %parallel_loop3A_284 : i32 to index
        %parallel_loop3A_286 = arith.index_cast %parallel_loop3A_177 : i32 to index
        %parallel_loop3A_287 = arith.index_cast %parallel_loop3A_179 : i32 to index
        %parallel_loop3A_288 = arith.constant 0 : index
        %parallel_loop3A_289 = tpu.vector_load %arg9[%parallel_loop3A_285, %parallel_loop3A_286, %parallel_loop3A_287, %parallel_loop3A_288] {strides = array<i32>} : memref<50x8x8x16xf32, #tpu.memory_space<vmem>>, vector<1x1x1x16xf32>,
        %parallel_loop3A_290 = vector.shape_cast %parallel_loop3A_289 : vector<1x1x1x16xf32> to vector<16xf32>
        %parallel_loop3A_291 = vector.shape_cast %parallel_loop3A_283 : vector<16xf32> to vector<1x1x1x16xf32>
        tpu.vector_store %arg9[%parallel_loop3A_285, %parallel_loop3A_286, %parallel_loop3A_287, %parallel_loop3A_288], %parallel_loop3A_291 {strides = array<i32>} : memref<50x8x8x16xf32, #tpu.memory_space<vmem>>, vector<1x1x1x16xf32>,
        %parallel_loop3A_292 = arith.constant 7 : i32
        %parallel_loop3A_293 = arith.index_cast %parallel_loop3A_292 : i32 to index
        %parallel_loop3A_294 = arith.constant 0 : index
        %parallel_loop3A_295 = tpu.vector_load %arg7[%parallel_loop3A_293, %parallel_loop3A_294] {strides = array<i32>} : memref<50x16xi32, #tpu.memory_space<vmem>>, vector<1x16xi32>,
        %parallel_loop3A_296 = vector.shape_cast %parallel_loop3A_295 : vector<1x16xi32> to vector<16xi32>
        %parallel_loop3A_297 = vector.shape_cast %parallel_loop3A_296 : vector<16xi32> to vector<16x1xi32>
        %parallel_loop3A_298 = vector.shape_cast %parallel_loop3A_297 : vector<16x1xi32> to vector<16xi32>
        %parallel_loop3A_299 = tpu.dynamic_gather %parallel_loop3A_175[%parallel_loop3A_298] in [0] : vector<16xf32>, vector<16xi32> -> vector<16xf32>
        %parallel_loop3A_300 = arith.constant 7 : i32
        %parallel_loop3A_301 = arith.index_cast %parallel_loop3A_300 : i32 to index
        %parallel_loop3A_302 = arith.index_cast %parallel_loop3A_177 : i32 to index
        %parallel_loop3A_303 = arith.index_cast %parallel_loop3A_179 : i32 to index
        %parallel_loop3A_304 = arith.constant 0 : index
        %parallel_loop3A_305 = tpu.vector_load %arg9[%parallel_loop3A_301, %parallel_loop3A_302, %parallel_loop3A_303, %parallel_loop3A_304] {strides = array<i32>} : memref<50x8x8x16xf32, #tpu.memory_space<vmem>>, vector<1x1x1x16xf32>,
        %parallel_loop3A_306 = vector.shape_cast %parallel_loop3A_305 : vector<1x1x1x16xf32> to vector<16xf32>
        %parallel_loop3A_307 = vector.shape_cast %parallel_loop3A_299 : vector<16xf32> to vector<1x1x1x16xf32>
        tpu.vector_store %arg9[%parallel_loop3A_301, %parallel_loop3A_302, %parallel_loop3A_303, %parallel_loop3A_304], %parallel_loop3A_307 {strides = array<i32>} : memref<50x8x8x16xf32, #tpu.memory_space<vmem>>, vector<1x1x1x16xf32>,
        %parallel_loop3A_308 = arith.constant 8 : i32
        %parallel_loop3A_309 = arith.index_cast %parallel_loop3A_308 : i32 to index
        %parallel_loop3A_310 = arith.constant 0 : index
        %parallel_loop3A_311 = tpu.vector_load %arg7[%parallel_loop3A_309, %parallel_loop3A_310] {strides = array<i32>} : memref<50x16xi32, #tpu.memory_space<vmem>>, vector<1x16xi32>,
        %parallel_loop3A_312 = vector.shape_cast %parallel_loop3A_311 : vector<1x16xi32> to vector<16xi32>
        %parallel_loop3A_313 = vector.shape_cast %parallel_loop3A_312 : vector<16xi32> to vector<16x1xi32>
        %parallel_loop3A_314 = vector.shape_cast %parallel_loop3A_313 : vector<16x1xi32> to vector<16xi32>
        %parallel_loop3A_315 = tpu.dynamic_gather %parallel_loop3A_175[%parallel_loop3A_314] in [0] : vector<16xf32>, vector<16xi32> -> vector<16xf32>
        %parallel_loop3A_316 = arith.constant 8 : i32
        %parallel_loop3A_317 = arith.index_cast %parallel_loop3A_316 : i32 to index
        %parallel_loop3A_318 = arith.index_cast %parallel_loop3A_177 : i32 to index
        %parallel_loop3A_319 = arith.index_cast %parallel_loop3A_179 : i32 to index
        %parallel_loop3A_320 = arith.constant 0 : index
        %parallel_loop3A_321 = tpu.vector_load %arg9[%parallel_loop3A_317, %parallel_loop3A_318, %parallel_loop3A_319, %parallel_loop3A_320] {strides = array<i32>} : memref<50x8x8x16xf32, #tpu.memory_space<vmem>>, vector<1x1x1x16xf32>,
        %parallel_loop3A_322 = vector.shape_cast %parallel_loop3A_321 : vector<1x1x1x16xf32> to vector<16xf32>
        %parallel_loop3A_323 = vector.shape_cast %parallel_loop3A_315 : vector<16xf32> to vector<1x1x1x16xf32>
        tpu.vector_store %arg9[%parallel_loop3A_317, %parallel_loop3A_318, %parallel_loop3A_319, %parallel_loop3A_320], %parallel_loop3A_323 {strides = array<i32>} : memref<50x8x8x16xf32, #tpu.memory_space<vmem>>, vector<1x1x1x16xf32>,
        %parallel_loop3A_324 = arith.constant 9 : i32
        %parallel_loop3A_325 = arith.index_cast %parallel_loop3A_324 : i32 to index
        %parallel_loop3A_326 = arith.constant 0 : index
        %parallel_loop3A_327 = tpu.vector_load %arg7[%parallel_loop3A_325, %parallel_loop3A_326] {strides = array<i32>} : memref<50x16xi32, #tpu.memory_space<vmem>>, vector<1x16xi32>,
        %parallel_loop3A_328 = vector.shape_cast %parallel_loop3A_327 : vector<1x16xi32> to vector<16xi32>
        %parallel_loop3A_329 = vector.shape_cast %parallel_loop3A_328 : vector<16xi32> to vector<16x1xi32>
        %parallel_loop3A_330 = vector.shape_cast %parallel_loop3A_329 : vector<16x1xi32> to vector<16xi32>
        %parallel_loop3A_331 = tpu.dynamic_gather %parallel_loop3A_175[%parallel_loop3A_330] in [0] : vector<16xf32>, vector<16xi32> -> vector<16xf32>
        %parallel_loop3A_332 = arith.constant 9 : i32
        %parallel_loop3A_333 = arith.index_cast %parallel_loop3A_332 : i32 to index
        %parallel_loop3A_334 = arith.index_cast %parallel_loop3A_177 : i32 to index
        %parallel_loop3A_335 = arith.index_cast %parallel_loop3A_179 : i32 to index
        %parallel_loop3A_336 = arith.constant 0 : index
        %parallel_loop3A_337 = tpu.vector_load %arg9[%parallel_loop3A_333, %parallel_loop3A_334, %parallel_loop3A_335, %parallel_loop3A_336] {strides = array<i32>} : memref<50x8x8x16xf32, #tpu.memory_space<vmem>>, vector<1x1x1x16xf32>,
        %parallel_loop3A_338 = vector.shape_cast %parallel_loop3A_337 : vector<1x1x1x16xf32> to vector<16xf32>
        %parallel_loop3A_339 = vector.shape_cast %parallel_loop3A_331 : vector<16xf32> to vector<1x1x1x16xf32>
        tpu.vector_store %arg9[%parallel_loop3A_333, %parallel_loop3A_334, %parallel_loop3A_335, %parallel_loop3A_336], %parallel_loop3A_339 {strides = array<i32>} : memref<50x8x8x16xf32, #tpu.memory_space<vmem>>, vector<1x1x1x16xf32>,
        %parallel_loop3A_340 = arith.constant 10 : i32
        %parallel_loop3A_341 = arith.index_cast %parallel_loop3A_340 : i32 to index
        %parallel_loop3A_342 = arith.constant 0 : index
        %parallel_loop3A_343 = tpu.vector_load %arg7[%parallel_loop3A_341, %parallel_loop3A_342] {strides = array<i32>} : memref<50x16xi32, #tpu.memory_space<vmem>>, vector<1x16xi32>,
        %parallel_loop3A_344 = vector.shape_cast %parallel_loop3A_343 : vector<1x16xi32> to vector<16xi32>
        %parallel_loop3A_345 = vector.shape_cast %parallel_loop3A_344 : vector<16xi32> to vector<16x1xi32>
        %parallel_loop3A_346 = vector.shape_cast %parallel_loop3A_345 : vector<16x1xi32> to vector<16xi32>
        %parallel_loop3A_347 = tpu.dynamic_gather %parallel_loop3A_175[%parallel_loop3A_346] in [0] : vector<16xf32>, vector<16xi32> -> vector<16xf32>
        %parallel_loop3A_348 = arith.constant 10 : i32
        %parallel_loop3A_349 = arith.index_cast %parallel_loop3A_348 : i32 to index
        %parallel_loop3A_350 = arith.index_cast %parallel_loop3A_177 : i32 to index
        %parallel_loop3A_351 = arith.index_cast %parallel_loop3A_179 : i32 to index
        %parallel_loop3A_352 = arith.constant 0 : index
        %parallel_loop3A_353 = tpu.vector_load %arg9[%parallel_loop3A_349, %parallel_loop3A_350, %parallel_loop3A_351, %parallel_loop3A_352] {strides = array<i32>} : memref<50x8x8x16xf32, #tpu.memory_space<vmem>>, vector<1x1x1x16xf32>,
        %parallel_loop3A_354 = vector.shape_cast %parallel_loop3A_353 : vector<1x1x1x16xf32> to vector<16xf32>
        %parallel_loop3A_355 = vector.shape_cast %parallel_loop3A_347 : vector<16xf32> to vector<1x1x1x16xf32>
        tpu.vector_store %arg9[%parallel_loop3A_349, %parallel_loop3A_350, %parallel_loop3A_351, %parallel_loop3A_352], %parallel_loop3A_355 {strides = array<i32>} : memref<50x8x8x16xf32, #tpu.memory_space<vmem>>, vector<1x1x1x16xf32>,
        %parallel_loop3A_356 = arith.constant 11 : i32
        %parallel_loop3A_357 = arith.index_cast %parallel_loop3A_356 : i32 to index
        %parallel_loop3A_358 = arith.constant 0 : index
        %parallel_loop3A_359 = tpu.vector_load %arg7[%parallel_loop3A_357, %parallel_loop3A_358] {strides = array<i32>} : memref<50x16xi32, #tpu.memory_space<vmem>>, vector<1x16xi32>,
        %parallel_loop3A_360 = vector.shape_cast %parallel_loop3A_359 : vector<1x16xi32> to vector<16xi32>
        %parallel_loop3A_361 = vector.shape_cast %parallel_loop3A_360 : vector<16xi32> to vector<16x1xi32>
        %parallel_loop3A_362 = vector.shape_cast %parallel_loop3A_361 : vector<16x1xi32> to vector<16xi32>
        %parallel_loop3A_363 = tpu.dynamic_gather %parallel_loop3A_175[%parallel_loop3A_362] in [0] : vector<16xf32>, vector<16xi32> -> vector<16xf32>
        %parallel_loop3A_364 = arith.constant 11 : i32
        %parallel_loop3A_365 = arith.index_cast %parallel_loop3A_364 : i32 to index
        %parallel_loop3A_366 = arith.index_cast %parallel_loop3A_177 : i32 to index
        %parallel_loop3A_367 = arith.index_cast %parallel_loop3A_179 : i32 to index
        %parallel_loop3A_368 = arith.constant 0 : index
        %parallel_loop3A_369 = tpu.vector_load %arg9[%parallel_loop3A_365, %parallel_loop3A_366, %parallel_loop3A_367, %parallel_loop3A_368] {strides = array<i32>} : memref<50x8x8x16xf32, #tpu.memory_space<vmem>>, vector<1x1x1x16xf32>,
        %parallel_loop3A_370 = vector.shape_cast %parallel_loop3A_369 : vector<1x1x1x16xf32> to vector<16xf32>
        %parallel_loop3A_371 = vector.shape_cast %parallel_loop3A_363 : vector<16xf32> to vector<1x1x1x16xf32>
        tpu.vector_store %arg9[%parallel_loop3A_365, %parallel_loop3A_366, %parallel_loop3A_367, %parallel_loop3A_368], %parallel_loop3A_371 {strides = array<i32>} : memref<50x8x8x16xf32, #tpu.memory_space<vmem>>, vector<1x1x1x16xf32>,
        %parallel_loop3A_372 = arith.constant 12 : i32
        %parallel_loop3A_373 = arith.index_cast %parallel_loop3A_372 : i32 to index
        %parallel_loop3A_374 = arith.constant 0 : index
        %parallel_loop3A_375 = tpu.vector_load %arg7[%parallel_loop3A_373, %parallel_loop3A_374] {strides = array<i32>} : memref<50x16xi32, #tpu.memory_space<vmem>>, vector<1x16xi32>,
        %parallel_loop3A_376 = vector.shape_cast %parallel_loop3A_375 : vector<1x16xi32> to vector<16xi32>
        %parallel_loop3A_377 = vector.shape_cast %parallel_loop3A_376 : vector<16xi32> to vector<16x1xi32>
        %parallel_loop3A_378 = vector.shape_cast %parallel_loop3A_377 : vector<16x1xi32> to vector<16xi32>
        %parallel_loop3A_379 = tpu.dynamic_gather %parallel_loop3A_175[%parallel_loop3A_378] in [0] : vector<16xf32>, vector<16xi32> -> vector<16xf32>
        %parallel_loop3A_380 = arith.constant 12 : i32
        %parallel_loop3A_381 = arith.index_cast %parallel_loop3A_380 : i32 to index
        %parallel_loop3A_382 = arith.index_cast %parallel_loop3A_177 : i32 to index
        %parallel_loop3A_383 = arith.index_cast %parallel_loop3A_179 : i32 to index
        %parallel_loop3A_384 = arith.constant 0 : index
        %parallel_loop3A_385 = tpu.vector_load %arg9[%parallel_loop3A_381, %parallel_loop3A_382, %parallel_loop3A_383, %parallel_loop3A_384] {strides = array<i32>} : memref<50x8x8x16xf32, #tpu.memory_space<vmem>>, vector<1x1x1x16xf32>,
        %parallel_loop3A_386 = vector.shape_cast %parallel_loop3A_385 : vector<1x1x1x16xf32> to vector<16xf32>
        %parallel_loop3A_387 = vector.shape_cast %parallel_loop3A_379 : vector<16xf32> to vector<1x1x1x16xf32>
        tpu.vector_store %arg9[%parallel_loop3A_381, %parallel_loop3A_382, %parallel_loop3A_383, %parallel_loop3A_384], %parallel_loop3A_387 {strides = array<i32>} : memref<50x8x8x16xf32, #tpu.memory_space<vmem>>, vector<1x1x1x16xf32>,
        %parallel_loop3A_388 = arith.constant 13 : i32
        %parallel_loop3A_389 = arith.index_cast %parallel_loop3A_388 : i32 to index
        %parallel_loop3A_390 = arith.constant 0 : index
        %parallel_loop3A_391 = tpu.vector_load %arg7[%parallel_loop3A_389, %parallel_loop3A_390] {strides = array<i32>} : memref<50x16xi32, #tpu.memory_space<vmem>>, vector<1x16xi32>,
        %parallel_loop3A_392 = vector.shape_cast %parallel_loop3A_391 : vector<1x16xi32> to vector<16xi32>
        %parallel_loop3A_393 = vector.shape_cast %parallel_loop3A_392 : vector<16xi32> to vector<16x1xi32>
        %parallel_loop3A_394 = vector.shape_cast %parallel_loop3A_393 : vector<16x1xi32> to vector<16xi32>
        %parallel_loop3A_395 = tpu.dynamic_gather %parallel_loop3A_175[%parallel_loop3A_394] in [0] : vector<16xf32>, vector<16xi32> -> vector<16xf32>
        %parallel_loop3A_396 = arith.constant 13 : i32
        %parallel_loop3A_397 = arith.index_cast %parallel_loop3A_396 : i32 to index
        %parallel_loop3A_398 = arith.index_cast %parallel_loop3A_177 : i32 to index
        %parallel_loop3A_399 = arith.index_cast %parallel_loop3A_179 : i32 to index
        %parallel_loop3A_400 = arith.constant 0 : index
        %parallel_loop3A_401 = tpu.vector_load %arg9[%parallel_loop3A_397, %parallel_loop3A_398, %parallel_loop3A_399, %parallel_loop3A_400] {strides = array<i32>} : memref<50x8x8x16xf32, #tpu.memory_space<vmem>>, vector<1x1x1x16xf32>,
        %parallel_loop3A_402 = vector.shape_cast %parallel_loop3A_401 : vector<1x1x1x16xf32> to vector<16xf32>
        %parallel_loop3A_403 = vector.shape_cast %parallel_loop3A_395 : vector<16xf32> to vector<1x1x1x16xf32>
        tpu.vector_store %arg9[%parallel_loop3A_397, %parallel_loop3A_398, %parallel_loop3A_399, %parallel_loop3A_400], %parallel_loop3A_403 {strides = array<i32>} : memref<50x8x8x16xf32, #tpu.memory_space<vmem>>, vector<1x1x1x16xf32>,
        %parallel_loop3A_404 = arith.constant 14 : i32
        %parallel_loop3A_405 = arith.index_cast %parallel_loop3A_404 : i32 to index
        %parallel_loop3A_406 = arith.constant 0 : index
        %parallel_loop3A_407 = tpu.vector_load %arg7[%parallel_loop3A_405, %parallel_loop3A_406] {strides = array<i32>} : memref<50x16xi32, #tpu.memory_space<vmem>>, vector<1x16xi32>,
        %parallel_loop3A_408 = vector.shape_cast %parallel_loop3A_407 : vector<1x16xi32> to vector<16xi32>
        %parallel_loop3A_409 = vector.shape_cast %parallel_loop3A_408 : vector<16xi32> to vector<16x1xi32>
        %parallel_loop3A_410 = vector.shape_cast %parallel_loop3A_409 : vector<16x1xi32> to vector<16xi32>
        %parallel_loop3A_411 = tpu.dynamic_gather %parallel_loop3A_175[%parallel_loop3A_410] in [0] : vector<16xf32>, vector<16xi32> -> vector<16xf32>
        %parallel_loop3A_412 = arith.constant 14 : i32
        %parallel_loop3A_413 = arith.index_cast %parallel_loop3A_412 : i32 to index
        %parallel_loop3A_414 = arith.index_cast %parallel_loop3A_177 : i32 to index
        %parallel_loop3A_415 = arith.index_cast %parallel_loop3A_179 : i32 to index
        %parallel_loop3A_416 = arith.constant 0 : index
        %parallel_loop3A_417 = tpu.vector_load %arg9[%parallel_loop3A_413, %parallel_loop3A_414, %parallel_loop3A_415, %parallel_loop3A_416] {strides = array<i32>} : memref<50x8x8x16xf32, #tpu.memory_space<vmem>>, vector<1x1x1x16xf32>,
        %parallel_loop3A_418 = vector.shape_cast %parallel_loop3A_417 : vector<1x1x1x16xf32> to vector<16xf32>
        %parallel_loop3A_419 = vector.shape_cast %parallel_loop3A_411 : vector<16xf32> to vector<1x1x1x16xf32>
        tpu.vector_store %arg9[%parallel_loop3A_413, %parallel_loop3A_414, %parallel_loop3A_415, %parallel_loop3A_416], %parallel_loop3A_419 {strides = array<i32>} : memref<50x8x8x16xf32, #tpu.memory_space<vmem>>, vector<1x1x1x16xf32>,
        %parallel_loop3A_420 = arith.constant 15 : i32
        %parallel_loop3A_421 = arith.index_cast %parallel_loop3A_420 : i32 to index
        %parallel_loop3A_422 = arith.constant 0 : index
        %parallel_loop3A_423 = tpu.vector_load %arg7[%parallel_loop3A_421, %parallel_loop3A_422] {strides = array<i32>} : memref<50x16xi32, #tpu.memory_space<vmem>>, vector<1x16xi32>,
        %parallel_loop3A_424 = vector.shape_cast %parallel_loop3A_423 : vector<1x16xi32> to vector<16xi32>
        %parallel_loop3A_425 = vector.shape_cast %parallel_loop3A_424 : vector<16xi32> to vector<16x1xi32>
        %parallel_loop3A_426 = vector.shape_cast %parallel_loop3A_425 : vector<16x1xi32> to vector<16xi32>
        %parallel_loop3A_427 = tpu.dynamic_gather %parallel_loop3A_175[%parallel_loop3A_426] in [0] : vector<16xf32>, vector<16xi32> -> vector<16xf32>
        %parallel_loop3A_428 = arith.constant 15 : i32
        %parallel_loop3A_429 = arith.index_cast %parallel_loop3A_428 : i32 to index
        %parallel_loop3A_430 = arith.index_cast %parallel_loop3A_177 : i32 to index
        %parallel_loop3A_431 = arith.index_cast %parallel_loop3A_179 : i32 to index
        %parallel_loop3A_432 = arith.constant 0 : index
        %parallel_loop3A_433 = tpu.vector_load %arg9[%parallel_loop3A_429, %parallel_loop3A_430, %parallel_loop3A_431, %parallel_loop3A_432] {strides = array<i32>} : memref<50x8x8x16xf32, #tpu.memory_space<vmem>>, vector<1x1x1x16xf32>,
        %parallel_loop3A_434 = vector.shape_cast %parallel_loop3A_433 : vector<1x1x1x16xf32> to vector<16xf32>
        %parallel_loop3A_435 = vector.shape_cast %parallel_loop3A_427 : vector<16xf32> to vector<1x1x1x16xf32>
        tpu.vector_store %arg9[%parallel_loop3A_429, %parallel_loop3A_430, %parallel_loop3A_431, %parallel_loop3A_432], %parallel_loop3A_435 {strides = array<i32>} : memref<50x8x8x16xf32, #tpu.memory_space<vmem>>, vector<1x1x1x16xf32>,
        %parallel_loop3A_436 = arith.constant 16 : i32
        %parallel_loop3A_437 = arith.index_cast %parallel_loop3A_436 : i32 to index
        %parallel_loop3A_438 = arith.constant 0 : index
        %parallel_loop3A_439 = tpu.vector_load %arg7[%parallel_loop3A_437, %parallel_loop3A_438] {strides = array<i32>} : memref<50x16xi32, #tpu.memory_space<vmem>>, vector<1x16xi32>,
        %parallel_loop3A_440 = vector.shape_cast %parallel_loop3A_439 : vector<1x16xi32> to vector<16xi32>
        %parallel_loop3A_441 = vector.shape_cast %parallel_loop3A_440 : vector<16xi32> to vector<16x1xi32>
        %parallel_loop3A_442 = vector.shape_cast %parallel_loop3A_441 : vector<16x1xi32> to vector<16xi32>
        %parallel_loop3A_443 = tpu.dynamic_gather %parallel_loop3A_175[%parallel_loop3A_442] in [0] : vector<16xf32>, vector<16xi32> -> vector<16xf32>
        %parallel_loop3A_444 = arith.constant 16 : i32
        %parallel_loop3A_445 = arith.index_cast %parallel_loop3A_444 : i32 to index
        %parallel_loop3A_446 = arith.index_cast %parallel_loop3A_177 : i32 to index
        %parallel_loop3A_447 = arith.index_cast %parallel_loop3A_179 : i32 to index
        %parallel_loop3A_448 = arith.constant 0 : index
        %parallel_loop3A_449 = tpu.vector_load %arg9[%parallel_loop3A_445, %parallel_loop3A_446, %parallel_loop3A_447, %parallel_loop3A_448] {strides = array<i32>} : memref<50x8x8x16xf32, #tpu.memory_space<vmem>>, vector<1x1x1x16xf32>,
        %parallel_loop3A_450 = vector.shape_cast %parallel_loop3A_449 : vector<1x1x1x16xf32> to vector<16xf32>
        %parallel_loop3A_451 = vector.shape_cast %parallel_loop3A_443 : vector<16xf32> to vector<1x1x1x16xf32>
        tpu.vector_store %arg9[%parallel_loop3A_445, %parallel_loop3A_446, %parallel_loop3A_447, %parallel_loop3A_448], %parallel_loop3A_451 {strides = array<i32>} : memref<50x8x8x16xf32, #tpu.memory_space<vmem>>, vector<1x1x1x16xf32>,
        %parallel_loop3A_452 = arith.constant 17 : i32
        %parallel_loop3A_453 = arith.index_cast %parallel_loop3A_452 : i32 to index
        %parallel_loop3A_454 = arith.constant 0 : index
        %parallel_loop3A_455 = tpu.vector_load %arg7[%parallel_loop3A_453, %parallel_loop3A_454] {strides = array<i32>} : memref<50x16xi32, #tpu.memory_space<vmem>>, vector<1x16xi32>,
        %parallel_loop3A_456 = vector.shape_cast %parallel_loop3A_455 : vector<1x16xi32> to vector<16xi32>
        %parallel_loop3A_457 = vector.shape_cast %parallel_loop3A_456 : vector<16xi32> to vector<16x1xi32>
        %parallel_loop3A_458 = vector.shape_cast %parallel_loop3A_457 : vector<16x1xi32> to vector<16xi32>
        %parallel_loop3A_459 = tpu.dynamic_gather %parallel_loop3A_175[%parallel_loop3A_458] in [0] : vector<16xf32>, vector<16xi32> -> vector<16xf32>
        %parallel_loop3A_460 = arith.constant 17 : i32
        %parallel_loop3A_461 = arith.index_cast %parallel_loop3A_460 : i32 to index
        %parallel_loop3A_462 = arith.index_cast %parallel_loop3A_177 : i32 to index
        %parallel_loop3A_463 = arith.index_cast %parallel_loop3A_179 : i32 to index
        %parallel_loop3A_464 = arith.constant 0 : index
        %parallel_loop3A_465 = tpu.vector_load %arg9[%parallel_loop3A_461, %parallel_loop3A_462, %parallel_loop3A_463, %parallel_loop3A_464] {strides = array<i32>} : memref<50x8x8x16xf32, #tpu.memory_space<vmem>>, vector<1x1x1x16xf32>,
        %parallel_loop3A_466 = vector.shape_cast %parallel_loop3A_465 : vector<1x1x1x16xf32> to vector<16xf32>
        %parallel_loop3A_467 = vector.shape_cast %parallel_loop3A_459 : vector<16xf32> to vector<1x1x1x16xf32>
        tpu.vector_store %arg9[%parallel_loop3A_461, %parallel_loop3A_462, %parallel_loop3A_463, %parallel_loop3A_464], %parallel_loop3A_467 {strides = array<i32>} : memref<50x8x8x16xf32, #tpu.memory_space<vmem>>, vector<1x1x1x16xf32>,
        %parallel_loop3A_468 = arith.constant 18 : i32
        %parallel_loop3A_469 = arith.index_cast %parallel_loop3A_468 : i32 to index
        %parallel_loop3A_470 = arith.constant 0 : index
        %parallel_loop3A_471 = tpu.vector_load %arg7[%parallel_loop3A_469, %parallel_loop3A_470] {strides = array<i32>} : memref<50x16xi32, #tpu.memory_space<vmem>>, vector<1x16xi32>,
        %parallel_loop3A_472 = vector.shape_cast %parallel_loop3A_471 : vector<1x16xi32> to vector<16xi32>
        %parallel_loop3A_473 = vector.shape_cast %parallel_loop3A_472 : vector<16xi32> to vector<16x1xi32>
        %parallel_loop3A_474 = vector.shape_cast %parallel_loop3A_473 : vector<16x1xi32> to vector<16xi32>
        %parallel_loop3A_475 = tpu.dynamic_gather %parallel_loop3A_175[%parallel_loop3A_474] in [0] : vector<16xf32>, vector<16xi32> -> vector<16xf32>
        %parallel_loop3A_476 = arith.constant 18 : i32
        %parallel_loop3A_477 = arith.index_cast %parallel_loop3A_476 : i32 to index
        %parallel_loop3A_478 = arith.index_cast %parallel_loop3A_177 : i32 to index
        %parallel_loop3A_479 = arith.index_cast %parallel_loop3A_179 : i32 to index
        %parallel_loop3A_480 = arith.constant 0 : index
        %parallel_loop3A_481 = tpu.vector_load %arg9[%parallel_loop3A_477, %parallel_loop3A_478, %parallel_loop3A_479, %parallel_loop3A_480] {strides = array<i32>} : memref<50x8x8x16xf32, #tpu.memory_space<vmem>>, vector<1x1x1x16xf32>,
        %parallel_loop3A_482 = vector.shape_cast %parallel_loop3A_481 : vector<1x1x1x16xf32> to vector<16xf32>
        %parallel_loop3A_483 = vector.shape_cast %parallel_loop3A_475 : vector<16xf32> to vector<1x1x1x16xf32>
        tpu.vector_store %arg9[%parallel_loop3A_477, %parallel_loop3A_478, %parallel_loop3A_479, %parallel_loop3A_480], %parallel_loop3A_483 {strides = array<i32>} : memref<50x8x8x16xf32, #tpu.memory_space<vmem>>, vector<1x1x1x16xf32>,
        %parallel_loop3A_484 = arith.constant 19 : i32
        %parallel_loop3A_485 = arith.index_cast %parallel_loop3A_484 : i32 to index
        %parallel_loop3A_486 = arith.constant 0 : index
        %parallel_loop3A_487 = tpu.vector_load %arg7[%parallel_loop3A_485, %parallel_loop3A_486] {strides = array<i32>} : memref<50x16xi32, #tpu.memory_space<vmem>>, vector<1x16xi32>,
        %parallel_loop3A_488 = vector.shape_cast %parallel_loop3A_487 : vector<1x16xi32> to vector<16xi32>
        %parallel_loop3A_489 = vector.shape_cast %parallel_loop3A_488 : vector<16xi32> to vector<16x1xi32>
        %parallel_loop3A_490 = vector.shape_cast %parallel_loop3A_489 : vector<16x1xi32> to vector<16xi32>
        %parallel_loop3A_491 = tpu.dynamic_gather %parallel_loop3A_175[%parallel_loop3A_490] in [0] : vector<16xf32>, vector<16xi32> -> vector<16xf32>
        %parallel_loop3A_492 = arith.constant 19 : i32
        %parallel_loop3A_493 = arith.index_cast %parallel_loop3A_492 : i32 to index
        %parallel_loop3A_494 = arith.index_cast %parallel_loop3A_177 : i32 to index
        %parallel_loop3A_495 = arith.index_cast %parallel_loop3A_179 : i32 to index
        %parallel_loop3A_496 = arith.constant 0 : index
        %parallel_loop3A_497 = tpu.vector_load %arg9[%parallel_loop3A_493, %parallel_loop3A_494, %parallel_loop3A_495, %parallel_loop3A_496] {strides = array<i32>} : memref<50x8x8x16xf32, #tpu.memory_space<vmem>>, vector<1x1x1x16xf32>,
        %parallel_loop3A_498 = vector.shape_cast %parallel_loop3A_497 : vector<1x1x1x16xf32> to vector<16xf32>
        %parallel_loop3A_499 = vector.shape_cast %parallel_loop3A_491 : vector<16xf32> to vector<1x1x1x16xf32>
        tpu.vector_store %arg9[%parallel_loop3A_493, %parallel_loop3A_494, %parallel_loop3A_495, %parallel_loop3A_496], %parallel_loop3A_499 {strides = array<i32>} : memref<50x8x8x16xf32, #tpu.memory_space<vmem>>, vector<1x1x1x16xf32>,
        %parallel_loop3A_500 = arith.constant 20 : i32
        %parallel_loop3A_501 = arith.index_cast %parallel_loop3A_500 : i32 to index
        %parallel_loop3A_502 = arith.constant 0 : index
        %parallel_loop3A_503 = tpu.vector_load %arg7[%parallel_loop3A_501, %parallel_loop3A_502] {strides = array<i32>} : memref<50x16xi32, #tpu.memory_space<vmem>>, vector<1x16xi32>,
        %parallel_loop3A_504 = vector.shape_cast %parallel_loop3A_503 : vector<1x16xi32> to vector<16xi32>
        %parallel_loop3A_505 = vector.shape_cast %parallel_loop3A_504 : vector<16xi32> to vector<16x1xi32>
        %parallel_loop3A_506 = vector.shape_cast %parallel_loop3A_505 : vector<16x1xi32> to vector<16xi32>
        %parallel_loop3A_507 = tpu.dynamic_gather %parallel_loop3A_175[%parallel_loop3A_506] in [0] : vector<16xf32>, vector<16xi32> -> vector<16xf32>
        %parallel_loop3A_508 = arith.constant 20 : i32
        %parallel_loop3A_509 = arith.index_cast %parallel_loop3A_508 : i32 to index
        %parallel_loop3A_510 = arith.index_cast %parallel_loop3A_177 : i32 to index
        %parallel_loop3A_511 = arith.index_cast %parallel_loop3A_179 : i32 to index
        %parallel_loop3A_512 = arith.constant 0 : index
        %parallel_loop3A_513 = tpu.vector_load %arg9[%parallel_loop3A_509, %parallel_loop3A_510, %parallel_loop3A_511, %parallel_loop3A_512] {strides = array<i32>} : memref<50x8x8x16xf32, #tpu.memory_space<vmem>>, vector<1x1x1x16xf32>,
        %parallel_loop3A_514 = vector.shape_cast %parallel_loop3A_513 : vector<1x1x1x16xf32> to vector<16xf32>
        %parallel_loop3A_515 = vector.shape_cast %parallel_loop3A_507 : vector<16xf32> to vector<1x1x1x16xf32>
        tpu.vector_store %arg9[%parallel_loop3A_509, %parallel_loop3A_510, %parallel_loop3A_511, %parallel_loop3A_512], %parallel_loop3A_515 {strides = array<i32>} : memref<50x8x8x16xf32, #tpu.memory_space<vmem>>, vector<1x1x1x16xf32>,
        %parallel_loop3A_516 = arith.constant 21 : i32
        %parallel_loop3A_517 = arith.index_cast %parallel_loop3A_516 : i32 to index
        %parallel_loop3A_518 = arith.constant 0 : index
        %parallel_loop3A_519 = tpu.vector_load %arg7[%parallel_loop3A_517, %parallel_loop3A_518] {strides = array<i32>} : memref<50x16xi32, #tpu.memory_space<vmem>>, vector<1x16xi32>,
        %parallel_loop3A_520 = vector.shape_cast %parallel_loop3A_519 : vector<1x16xi32> to vector<16xi32>
        %parallel_loop3A_521 = vector.shape_cast %parallel_loop3A_520 : vector<16xi32> to vector<16x1xi32>
        %parallel_loop3A_522 = vector.shape_cast %parallel_loop3A_521 : vector<16x1xi32> to vector<16xi32>
        %parallel_loop3A_523 = tpu.dynamic_gather %parallel_loop3A_175[%parallel_loop3A_522] in [0] : vector<16xf32>, vector<16xi32> -> vector<16xf32>
        %parallel_loop3A_524 = arith.constant 21 : i32
        %parallel_loop3A_525 = arith.index_cast %parallel_loop3A_524 : i32 to index
        %parallel_loop3A_526 = arith.index_cast %parallel_loop3A_177 : i32 to index
        %parallel_loop3A_527 = arith.index_cast %parallel_loop3A_179 : i32 to index
        %parallel_loop3A_528 = arith.constant 0 : index
        %parallel_loop3A_529 = tpu.vector_load %arg9[%parallel_loop3A_525, %parallel_loop3A_526, %parallel_loop3A_527, %parallel_loop3A_528] {strides = array<i32>} : memref<50x8x8x16xf32, #tpu.memory_space<vmem>>, vector<1x1x1x16xf32>,
        %parallel_loop3A_530 = vector.shape_cast %parallel_loop3A_529 : vector<1x1x1x16xf32> to vector<16xf32>
        %parallel_loop3A_531 = vector.shape_cast %parallel_loop3A_523 : vector<16xf32> to vector<1x1x1x16xf32>
        tpu.vector_store %arg9[%parallel_loop3A_525, %parallel_loop3A_526, %parallel_loop3A_527, %parallel_loop3A_528], %parallel_loop3A_531 {strides = array<i32>} : memref<50x8x8x16xf32, #tpu.memory_space<vmem>>, vector<1x1x1x16xf32>,
        %parallel_loop3A_532 = arith.constant 22 : i32
        %parallel_loop3A_533 = arith.index_cast %parallel_loop3A_532 : i32 to index
        %parallel_loop3A_534 = arith.constant 0 : index
        %parallel_loop3A_535 = tpu.vector_load %arg7[%parallel_loop3A_533, %parallel_loop3A_534] {strides = array<i32>} : memref<50x16xi32, #tpu.memory_space<vmem>>, vector<1x16xi32>,
        %parallel_loop3A_536 = vector.shape_cast %parallel_loop3A_535 : vector<1x16xi32> to vector<16xi32>
        %parallel_loop3A_537 = vector.shape_cast %parallel_loop3A_536 : vector<16xi32> to vector<16x1xi32>
        %parallel_loop3A_538 = vector.shape_cast %parallel_loop3A_537 : vector<16x1xi32> to vector<16xi32>
        %parallel_loop3A_539 = tpu.dynamic_gather %parallel_loop3A_175[%parallel_loop3A_538] in [0] : vector<16xf32>, vector<16xi32> -> vector<16xf32>
        %parallel_loop3A_540 = arith.constant 22 : i32
        %parallel_loop3A_541 = arith.index_cast %parallel_loop3A_540 : i32 to index
        %parallel_loop3A_542 = arith.index_cast %parallel_loop3A_177 : i32 to index
        %parallel_loop3A_543 = arith.index_cast %parallel_loop3A_179 : i32 to index
        %parallel_loop3A_544 = arith.constant 0 : index
        %parallel_loop3A_545 = tpu.vector_load %arg9[%parallel_loop3A_541, %parallel_loop3A_542, %parallel_loop3A_543, %parallel_loop3A_544] {strides = array<i32>} : memref<50x8x8x16xf32, #tpu.memory_space<vmem>>, vector<1x1x1x16xf32>,
        %parallel_loop3A_546 = vector.shape_cast %parallel_loop3A_545 : vector<1x1x1x16xf32> to vector<16xf32>
        %parallel_loop3A_547 = vector.shape_cast %parallel_loop3A_539 : vector<16xf32> to vector<1x1x1x16xf32>
        tpu.vector_store %arg9[%parallel_loop3A_541, %parallel_loop3A_542, %parallel_loop3A_543, %parallel_loop3A_544], %parallel_loop3A_547 {strides = array<i32>} : memref<50x8x8x16xf32, #tpu.memory_space<vmem>>, vector<1x1x1x16xf32>,
        %parallel_loop3A_548 = arith.constant 23 : i32
        %parallel_loop3A_549 = arith.index_cast %parallel_loop3A_548 : i32 to index
        %parallel_loop3A_550 = arith.constant 0 : index
        %parallel_loop3A_551 = tpu.vector_load %arg7[%parallel_loop3A_549, %parallel_loop3A_550] {strides = array<i32>} : memref<50x16xi32, #tpu.memory_space<vmem>>, vector<1x16xi32>,
        %parallel_loop3A_552 = vector.shape_cast %parallel_loop3A_551 : vector<1x16xi32> to vector<16xi32>
        %parallel_loop3A_553 = vector.shape_cast %parallel_loop3A_552 : vector<16xi32> to vector<16x1xi32>
        %parallel_loop3A_554 = vector.shape_cast %parallel_loop3A_553 : vector<16x1xi32> to vector<16xi32>
        %parallel_loop3A_555 = tpu.dynamic_gather %parallel_loop3A_175[%parallel_loop3A_554] in [0] : vector<16xf32>, vector<16xi32> -> vector<16xf32>
        %parallel_loop3A_556 = arith.constant 23 : i32
        %parallel_loop3A_557 = arith.index_cast %parallel_loop3A_556 : i32 to index
        %parallel_loop3A_558 = arith.index_cast %parallel_loop3A_177 : i32 to index
        %parallel_loop3A_559 = arith.index_cast %parallel_loop3A_179 : i32 to index
        %parallel_loop3A_560 = arith.constant 0 : index
        %parallel_loop3A_561 = tpu.vector_load %arg9[%parallel_loop3A_557, %parallel_loop3A_558, %parallel_loop3A_559, %parallel_loop3A_560] {strides = array<i32>} : memref<50x8x8x16xf32, #tpu.memory_space<vmem>>, vector<1x1x1x16xf32>,
        %parallel_loop3A_562 = vector.shape_cast %parallel_loop3A_561 : vector<1x1x1x16xf32> to vector<16xf32>
        %parallel_loop3A_563 = vector.shape_cast %parallel_loop3A_555 : vector<16xf32> to vector<1x1x1x16xf32>
        tpu.vector_store %arg9[%parallel_loop3A_557, %parallel_loop3A_558, %parallel_loop3A_559, %parallel_loop3A_560], %parallel_loop3A_563 {strides = array<i32>} : memref<50x8x8x16xf32, #tpu.memory_space<vmem>>, vector<1x1x1x16xf32>,
        %parallel_loop3A_564 = arith.constant 24 : i32
        %parallel_loop3A_565 = arith.index_cast %parallel_loop3A_564 : i32 to index
        %parallel_loop3A_566 = arith.constant 0 : index
        %parallel_loop3A_567 = tpu.vector_load %arg7[%parallel_loop3A_565, %parallel_loop3A_566] {strides = array<i32>} : memref<50x16xi32, #tpu.memory_space<vmem>>, vector<1x16xi32>,
        %parallel_loop3A_568 = vector.shape_cast %parallel_loop3A_567 : vector<1x16xi32> to vector<16xi32>
        %parallel_loop3A_569 = vector.shape_cast %parallel_loop3A_568 : vector<16xi32> to vector<16x1xi32>
        %parallel_loop3A_570 = vector.shape_cast %parallel_loop3A_569 : vector<16x1xi32> to vector<16xi32>
        %parallel_loop3A_571 = tpu.dynamic_gather %parallel_loop3A_175[%parallel_loop3A_570] in [0] : vector<16xf32>, vector<16xi32> -> vector<16xf32>
        %parallel_loop3A_572 = arith.constant 24 : i32
        %parallel_loop3A_573 = arith.index_cast %parallel_loop3A_572 : i32 to index
        %parallel_loop3A_574 = arith.index_cast %parallel_loop3A_177 : i32 to index
        %parallel_loop3A_575 = arith.index_cast %parallel_loop3A_179 : i32 to index
        %parallel_loop3A_576 = arith.constant 0 : index
        %parallel_loop3A_577 = tpu.vector_load %arg9[%parallel_loop3A_573, %parallel_loop3A_574, %parallel_loop3A_575, %parallel_loop3A_576] {strides = array<i32>} : memref<50x8x8x16xf32, #tpu.memory_space<vmem>>, vector<1x1x1x16xf32>,
        %parallel_loop3A_578 = vector.shape_cast %parallel_loop3A_577 : vector<1x1x1x16xf32> to vector<16xf32>
        %parallel_loop3A_579 = vector.shape_cast %parallel_loop3A_571 : vector<16xf32> to vector<1x1x1x16xf32>
        tpu.vector_store %arg9[%parallel_loop3A_573, %parallel_loop3A_574, %parallel_loop3A_575, %parallel_loop3A_576], %parallel_loop3A_579 {strides = array<i32>} : memref<50x8x8x16xf32, #tpu.memory_space<vmem>>, vector<1x1x1x16xf32>,
        %parallel_loop3A_580 = arith.constant 25 : i32
        %parallel_loop3A_581 = arith.index_cast %parallel_loop3A_580 : i32 to index
        %parallel_loop3A_582 = arith.constant 0 : index
        %parallel_loop3A_583 = tpu.vector_load %arg7[%parallel_loop3A_581, %parallel_loop3A_582] {strides = array<i32>} : memref<50x16xi32, #tpu.memory_space<vmem>>, vector<1x16xi32>,
        %parallel_loop3A_584 = vector.shape_cast %parallel_loop3A_583 : vector<1x16xi32> to vector<16xi32>
        %parallel_loop3A_585 = vector.shape_cast %parallel_loop3A_584 : vector<16xi32> to vector<16x1xi32>
        %parallel_loop3A_586 = vector.shape_cast %parallel_loop3A_585 : vector<16x1xi32> to vector<16xi32>
        %parallel_loop3A_587 = tpu.dynamic_gather %parallel_loop3A_175[%parallel_loop3A_586] in [0] : vector<16xf32>, vector<16xi32> -> vector<16xf32>
        %parallel_loop3A_588 = arith.constant 25 : i32
        %parallel_loop3A_589 = arith.index_cast %parallel_loop3A_588 : i32 to index
        %parallel_loop3A_590 = arith.index_cast %parallel_loop3A_177 : i32 to index
        %parallel_loop3A_591 = arith.index_cast %parallel_loop3A_179 : i32 to index
        %parallel_loop3A_592 = arith.constant 0 : index
        %parallel_loop3A_593 = tpu.vector_load %arg9[%parallel_loop3A_589, %parallel_loop3A_590, %parallel_loop3A_591, %parallel_loop3A_592] {strides = array<i32>} : memref<50x8x8x16xf32, #tpu.memory_space<vmem>>, vector<1x1x1x16xf32>,
        %parallel_loop3A_594 = vector.shape_cast %parallel_loop3A_593 : vector<1x1x1x16xf32> to vector<16xf32>
        %parallel_loop3A_595 = vector.shape_cast %parallel_loop3A_587 : vector<16xf32> to vector<1x1x1x16xf32>
        tpu.vector_store %arg9[%parallel_loop3A_589, %parallel_loop3A_590, %parallel_loop3A_591, %parallel_loop3A_592], %parallel_loop3A_595 {strides = array<i32>} : memref<50x8x8x16xf32, #tpu.memory_space<vmem>>, vector<1x1x1x16xf32>,
        %parallel_loop3A_596 = arith.constant 26 : i32
        %parallel_loop3A_597 = arith.index_cast %parallel_loop3A_596 : i32 to index
        %parallel_loop3A_598 = arith.constant 0 : index
        %parallel_loop3A_599 = tpu.vector_load %arg7[%parallel_loop3A_597, %parallel_loop3A_598] {strides = array<i32>} : memref<50x16xi32, #tpu.memory_space<vmem>>, vector<1x16xi32>,
        %parallel_loop3A_600 = vector.shape_cast %parallel_loop3A_599 : vector<1x16xi32> to vector<16xi32>
        %parallel_loop3A_601 = vector.shape_cast %parallel_loop3A_600 : vector<16xi32> to vector<16x1xi32>
        %parallel_loop3A_602 = vector.shape_cast %parallel_loop3A_601 : vector<16x1xi32> to vector<16xi32>
        %parallel_loop3A_603 = tpu.dynamic_gather %parallel_loop3A_175[%parallel_loop3A_602] in [0] : vector<16xf32>, vector<16xi32> -> vector<16xf32>
        %parallel_loop3A_604 = arith.constant 26 : i32
        %parallel_loop3A_605 = arith.index_cast %parallel_loop3A_604 : i32 to index
        %parallel_loop3A_606 = arith.index_cast %parallel_loop3A_177 : i32 to index
        %parallel_loop3A_607 = arith.index_cast %parallel_loop3A_179 : i32 to index
        %parallel_loop3A_608 = arith.constant 0 : index
        %parallel_loop3A_609 = tpu.vector_load %arg9[%parallel_loop3A_605, %parallel_loop3A_606, %parallel_loop3A_607, %parallel_loop3A_608] {strides = array<i32>} : memref<50x8x8x16xf32, #tpu.memory_space<vmem>>, vector<1x1x1x16xf32>,
        %parallel_loop3A_610 = vector.shape_cast %parallel_loop3A_609 : vector<1x1x1x16xf32> to vector<16xf32>
        %parallel_loop3A_611 = vector.shape_cast %parallel_loop3A_603 : vector<16xf32> to vector<1x1x1x16xf32>
        tpu.vector_store %arg9[%parallel_loop3A_605, %parallel_loop3A_606, %parallel_loop3A_607, %parallel_loop3A_608], %parallel_loop3A_611 {strides = array<i32>} : memref<50x8x8x16xf32, #tpu.memory_space<vmem>>, vector<1x1x1x16xf32>,
        %parallel_loop3A_612 = arith.constant 27 : i32
        %parallel_loop3A_613 = arith.index_cast %parallel_loop3A_612 : i32 to index
        %parallel_loop3A_614 = arith.constant 0 : index
        %parallel_loop3A_615 = tpu.vector_load %arg7[%parallel_loop3A_613, %parallel_loop3A_614] {strides = array<i32>} : memref<50x16xi32, #tpu.memory_space<vmem>>, vector<1x16xi32>,
        %parallel_loop3A_616 = vector.shape_cast %parallel_loop3A_615 : vector<1x16xi32> to vector<16xi32>
        %parallel_loop3A_617 = vector.shape_cast %parallel_loop3A_616 : vector<16xi32> to vector<16x1xi32>
        %parallel_loop3A_618 = vector.shape_cast %parallel_loop3A_617 : vector<16x1xi32> to vector<16xi32>
        %parallel_loop3A_619 = tpu.dynamic_gather %parallel_loop3A_175[%parallel_loop3A_618] in [0] : vector<16xf32>, vector<16xi32> -> vector<16xf32>
        %parallel_loop3A_620 = arith.constant 27 : i32
        %parallel_loop3A_621 = arith.index_cast %parallel_loop3A_620 : i32 to index
        %parallel_loop3A_622 = arith.index_cast %parallel_loop3A_177 : i32 to index
        %parallel_loop3A_623 = arith.index_cast %parallel_loop3A_179 : i32 to index
        %parallel_loop3A_624 = arith.constant 0 : index
        %parallel_loop3A_625 = tpu.vector_load %arg9[%parallel_loop3A_621, %parallel_loop3A_622, %parallel_loop3A_623, %parallel_loop3A_624] {strides = array<i32>} : memref<50x8x8x16xf32, #tpu.memory_space<vmem>>, vector<1x1x1x16xf32>,
        %parallel_loop3A_626 = vector.shape_cast %parallel_loop3A_625 : vector<1x1x1x16xf32> to vector<16xf32>
        %parallel_loop3A_627 = vector.shape_cast %parallel_loop3A_619 : vector<16xf32> to vector<1x1x1x16xf32>
        tpu.vector_store %arg9[%parallel_loop3A_621, %parallel_loop3A_622, %parallel_loop3A_623, %parallel_loop3A_624], %parallel_loop3A_627 {strides = array<i32>} : memref<50x8x8x16xf32, #tpu.memory_space<vmem>>, vector<1x1x1x16xf32>,
        %parallel_loop3A_628 = arith.constant 28 : i32
        %parallel_loop3A_629 = arith.index_cast %parallel_loop3A_628 : i32 to index
        %parallel_loop3A_630 = arith.constant 0 : index
        %parallel_loop3A_631 = tpu.vector_load %arg7[%parallel_loop3A_629, %parallel_loop3A_630] {strides = array<i32>} : memref<50x16xi32, #tpu.memory_space<vmem>>, vector<1x16xi32>,
        %parallel_loop3A_632 = vector.shape_cast %parallel_loop3A_631 : vector<1x16xi32> to vector<16xi32>
        %parallel_loop3A_633 = vector.shape_cast %parallel_loop3A_632 : vector<16xi32> to vector<16x1xi32>
        %parallel_loop3A_634 = vector.shape_cast %parallel_loop3A_633 : vector<16x1xi32> to vector<16xi32>
        %parallel_loop3A_635 = tpu.dynamic_gather %parallel_loop3A_175[%parallel_loop3A_634] in [0] : vector<16xf32>, vector<16xi32> -> vector<16xf32>
        %parallel_loop3A_636 = arith.constant 28 : i32
        %parallel_loop3A_637 = arith.index_cast %parallel_loop3A_636 : i32 to index
        %parallel_loop3A_638 = arith.index_cast %parallel_loop3A_177 : i32 to index
        %parallel_loop3A_639 = arith.index_cast %parallel_loop3A_179 : i32 to index
        %parallel_loop3A_640 = arith.constant 0 : index
        %parallel_loop3A_641 = tpu.vector_load %arg9[%parallel_loop3A_637, %parallel_loop3A_638, %parallel_loop3A_639, %parallel_loop3A_640] {strides = array<i32>} : memref<50x8x8x16xf32, #tpu.memory_space<vmem>>, vector<1x1x1x16xf32>,
        %parallel_loop3A_642 = vector.shape_cast %parallel_loop3A_641 : vector<1x1x1x16xf32> to vector<16xf32>
        %parallel_loop3A_643 = vector.shape_cast %parallel_loop3A_635 : vector<16xf32> to vector<1x1x1x16xf32>
        tpu.vector_store %arg9[%parallel_loop3A_637, %parallel_loop3A_638, %parallel_loop3A_639, %parallel_loop3A_640], %parallel_loop3A_643 {strides = array<i32>} : memref<50x8x8x16xf32, #tpu.memory_space<vmem>>, vector<1x1x1x16xf32>,
        %parallel_loop3A_644 = arith.constant 29 : i32
        %parallel_loop3A_645 = arith.index_cast %parallel_loop3A_644 : i32 to index
        %parallel_loop3A_646 = arith.constant 0 : index
        %parallel_loop3A_647 = tpu.vector_load %arg7[%parallel_loop3A_645, %parallel_loop3A_646] {strides = array<i32>} : memref<50x16xi32, #tpu.memory_space<vmem>>, vector<1x16xi32>,
        %parallel_loop3A_648 = vector.shape_cast %parallel_loop3A_647 : vector<1x16xi32> to vector<16xi32>
        %parallel_loop3A_649 = vector.shape_cast %parallel_loop3A_648 : vector<16xi32> to vector<16x1xi32>
        %parallel_loop3A_650 = vector.shape_cast %parallel_loop3A_649 : vector<16x1xi32> to vector<16xi32>
        %parallel_loop3A_651 = tpu.dynamic_gather %parallel_loop3A_175[%parallel_loop3A_650] in [0] : vector<16xf32>, vector<16xi32> -> vector<16xf32>
        %parallel_loop3A_652 = arith.constant 29 : i32
        %parallel_loop3A_653 = arith.index_cast %parallel_loop3A_652 : i32 to index
        %parallel_loop3A_654 = arith.index_cast %parallel_loop3A_177 : i32 to index
        %parallel_loop3A_655 = arith.index_cast %parallel_loop3A_179 : i32 to index
        %parallel_loop3A_656 = arith.constant 0 : index
        %parallel_loop3A_657 = tpu.vector_load %arg9[%parallel_loop3A_653, %parallel_loop3A_654, %parallel_loop3A_655, %parallel_loop3A_656] {strides = array<i32>} : memref<50x8x8x16xf32, #tpu.memory_space<vmem>>, vector<1x1x1x16xf32>,
        %parallel_loop3A_658 = vector.shape_cast %parallel_loop3A_657 : vector<1x1x1x16xf32> to vector<16xf32>
        %parallel_loop3A_659 = vector.shape_cast %parallel_loop3A_651 : vector<16xf32> to vector<1x1x1x16xf32>
        tpu.vector_store %arg9[%parallel_loop3A_653, %parallel_loop3A_654, %parallel_loop3A_655, %parallel_loop3A_656], %parallel_loop3A_659 {strides = array<i32>} : memref<50x8x8x16xf32, #tpu.memory_space<vmem>>, vector<1x1x1x16xf32>,
        %parallel_loop3A_660 = arith.constant 30 : i32
        %parallel_loop3A_661 = arith.index_cast %parallel_loop3A_660 : i32 to index
        %parallel_loop3A_662 = arith.constant 0 : index
        %parallel_loop3A_663 = tpu.vector_load %arg7[%parallel_loop3A_661, %parallel_loop3A_662] {strides = array<i32>} : memref<50x16xi32, #tpu.memory_space<vmem>>, vector<1x16xi32>,
        %parallel_loop3A_664 = vector.shape_cast %parallel_loop3A_663 : vector<1x16xi32> to vector<16xi32>
        %parallel_loop3A_665 = vector.shape_cast %parallel_loop3A_664 : vector<16xi32> to vector<16x1xi32>
        %parallel_loop3A_666 = vector.shape_cast %parallel_loop3A_665 : vector<16x1xi32> to vector<16xi32>
        %parallel_loop3A_667 = tpu.dynamic_gather %parallel_loop3A_175[%parallel_loop3A_666] in [0] : vector<16xf32>, vector<16xi32> -> vector<16xf32>
        %parallel_loop3A_668 = arith.constant 30 : i32
        %parallel_loop3A_669 = arith.index_cast %parallel_loop3A_668 : i32 to index
        %parallel_loop3A_670 = arith.index_cast %parallel_loop3A_177 : i32 to index
        %parallel_loop3A_671 = arith.index_cast %parallel_loop3A_179 : i32 to index
        %parallel_loop3A_672 = arith.constant 0 : index
        %parallel_loop3A_673 = tpu.vector_load %arg9[%parallel_loop3A_669, %parallel_loop3A_670, %parallel_loop3A_671, %parallel_loop3A_672] {strides = array<i32>} : memref<50x8x8x16xf32, #tpu.memory_space<vmem>>, vector<1x1x1x16xf32>,
        %parallel_loop3A_674 = vector.shape_cast %parallel_loop3A_673 : vector<1x1x1x16xf32> to vector<16xf32>
        %parallel_loop3A_675 = vector.shape_cast %parallel_loop3A_667 : vector<16xf32> to vector<1x1x1x16xf32>
        tpu.vector_store %arg9[%parallel_loop3A_669, %parallel_loop3A_670, %parallel_loop3A_671, %parallel_loop3A_672], %parallel_loop3A_675 {strides = array<i32>} : memref<50x8x8x16xf32, #tpu.memory_space<vmem>>, vector<1x1x1x16xf32>,
        %parallel_loop3A_676 = arith.constant 31 : i32
        %parallel_loop3A_677 = arith.index_cast %parallel_loop3A_676 : i32 to index
        %parallel_loop3A_678 = arith.constant 0 : index
        %parallel_loop3A_679 = tpu.vector_load %arg7[%parallel_loop3A_677, %parallel_loop3A_678] {strides = array<i32>} : memref<50x16xi32, #tpu.memory_space<vmem>>, vector<1x16xi32>,
        %parallel_loop3A_680 = vector.shape_cast %parallel_loop3A_679 : vector<1x16xi32> to vector<16xi32>
        %parallel_loop3A_681 = vector.shape_cast %parallel_loop3A_680 : vector<16xi32> to vector<16x1xi32>
        %parallel_loop3A_682 = vector.shape_cast %parallel_loop3A_681 : vector<16x1xi32> to vector<16xi32>
        %parallel_loop3A_683 = tpu.dynamic_gather %parallel_loop3A_175[%parallel_loop3A_682] in [0] : vector<16xf32>, vector<16xi32> -> vector<16xf32>
        %parallel_loop3A_684 = arith.constant 31 : i32
        %parallel_loop3A_685 = arith.index_cast %parallel_loop3A_684 : i32 to index
        %parallel_loop3A_686 = arith.index_cast %parallel_loop3A_177 : i32 to index
        %parallel_loop3A_687 = arith.index_cast %parallel_loop3A_179 : i32 to index
        %parallel_loop3A_688 = arith.constant 0 : index
        %parallel_loop3A_689 = tpu.vector_load %arg9[%parallel_loop3A_685, %parallel_loop3A_686, %parallel_loop3A_687, %parallel_loop3A_688] {strides = array<i32>} : memref<50x8x8x16xf32, #tpu.memory_space<vmem>>, vector<1x1x1x16xf32>,
        %parallel_loop3A_690 = vector.shape_cast %parallel_loop3A_689 : vector<1x1x1x16xf32> to vector<16xf32>
        %parallel_loop3A_691 = vector.shape_cast %parallel_loop3A_683 : vector<16xf32> to vector<1x1x1x16xf32>
        tpu.vector_store %arg9[%parallel_loop3A_685, %parallel_loop3A_686, %parallel_loop3A_687, %parallel_loop3A_688], %parallel_loop3A_691 {strides = array<i32>} : memref<50x8x8x16xf32, #tpu.memory_space<vmem>>, vector<1x1x1x16xf32>,
        %parallel_loop3A_692 = arith.constant 32 : i32
        %parallel_loop3A_693 = arith.index_cast %parallel_loop3A_692 : i32 to index
        %parallel_loop3A_694 = arith.constant 0 : index
        %parallel_loop3A_695 = tpu.vector_load %arg7[%parallel_loop3A_693, %parallel_loop3A_694] {strides = array<i32>} : memref<50x16xi32, #tpu.memory_space<vmem>>, vector<1x16xi32>,
        %parallel_loop3A_696 = vector.shape_cast %parallel_loop3A_695 : vector<1x16xi32> to vector<16xi32>
        %parallel_loop3A_697 = vector.shape_cast %parallel_loop3A_696 : vector<16xi32> to vector<16x1xi32>
        %parallel_loop3A_698 = vector.shape_cast %parallel_loop3A_697 : vector<16x1xi32> to vector<16xi32>
        %parallel_loop3A_699 = tpu.dynamic_gather %parallel_loop3A_175[%parallel_loop3A_698] in [0] : vector<16xf32>, vector<16xi32> -> vector<16xf32>
        %parallel_loop3A_700 = arith.constant 32 : i32
        %parallel_loop3A_701 = arith.index_cast %parallel_loop3A_700 : i32 to index
        %parallel_loop3A_702 = arith.index_cast %parallel_loop3A_177 : i32 to index
        %parallel_loop3A_703 = arith.index_cast %parallel_loop3A_179 : i32 to index
        %parallel_loop3A_704 = arith.constant 0 : index
        %parallel_loop3A_705 = tpu.vector_load %arg9[%parallel_loop3A_701, %parallel_loop3A_702, %parallel_loop3A_703, %parallel_loop3A_704] {strides = array<i32>} : memref<50x8x8x16xf32, #tpu.memory_space<vmem>>, vector<1x1x1x16xf32>,
        %parallel_loop3A_706 = vector.shape_cast %parallel_loop3A_705 : vector<1x1x1x16xf32> to vector<16xf32>
        %parallel_loop3A_707 = vector.shape_cast %parallel_loop3A_699 : vector<16xf32> to vector<1x1x1x16xf32>
        tpu.vector_store %arg9[%parallel_loop3A_701, %parallel_loop3A_702, %parallel_loop3A_703, %parallel_loop3A_704], %parallel_loop3A_707 {strides = array<i32>} : memref<50x8x8x16xf32, #tpu.memory_space<vmem>>, vector<1x1x1x16xf32>,
        %parallel_loop3A_708 = arith.constant 33 : i32
        %parallel_loop3A_709 = arith.index_cast %parallel_loop3A_708 : i32 to index
        %parallel_loop3A_710 = arith.constant 0 : index
        %parallel_loop3A_711 = tpu.vector_load %arg7[%parallel_loop3A_709, %parallel_loop3A_710] {strides = array<i32>} : memref<50x16xi32, #tpu.memory_space<vmem>>, vector<1x16xi32>,
        %parallel_loop3A_712 = vector.shape_cast %parallel_loop3A_711 : vector<1x16xi32> to vector<16xi32>
        %parallel_loop3A_713 = vector.shape_cast %parallel_loop3A_712 : vector<16xi32> to vector<16x1xi32>
        %parallel_loop3A_714 = vector.shape_cast %parallel_loop3A_713 : vector<16x1xi32> to vector<16xi32>
        %parallel_loop3A_715 = tpu.dynamic_gather %parallel_loop3A_175[%parallel_loop3A_714] in [0] : vector<16xf32>, vector<16xi32> -> vector<16xf32>
        %parallel_loop3A_716 = arith.constant 33 : i32
        %parallel_loop3A_717 = arith.index_cast %parallel_loop3A_716 : i32 to index
        %parallel_loop3A_718 = arith.index_cast %parallel_loop3A_177 : i32 to index
        %parallel_loop3A_719 = arith.index_cast %parallel_loop3A_179 : i32 to index
        %parallel_loop3A_720 = arith.constant 0 : index
        %parallel_loop3A_721 = tpu.vector_load %arg9[%parallel_loop3A_717, %parallel_loop3A_718, %parallel_loop3A_719, %parallel_loop3A_720] {strides = array<i32>} : memref<50x8x8x16xf32, #tpu.memory_space<vmem>>, vector<1x1x1x16xf32>,
        %parallel_loop3A_722 = vector.shape_cast %parallel_loop3A_721 : vector<1x1x1x16xf32> to vector<16xf32>
        %parallel_loop3A_723 = vector.shape_cast %parallel_loop3A_715 : vector<16xf32> to vector<1x1x1x16xf32>
        tpu.vector_store %arg9[%parallel_loop3A_717, %parallel_loop3A_718, %parallel_loop3A_719, %parallel_loop3A_720], %parallel_loop3A_723 {strides = array<i32>} : memref<50x8x8x16xf32, #tpu.memory_space<vmem>>, vector<1x1x1x16xf32>,
        %parallel_loop3A_724 = arith.constant 34 : i32
        %parallel_loop3A_725 = arith.index_cast %parallel_loop3A_724 : i32 to index
        %parallel_loop3A_726 = arith.constant 0 : index
        %parallel_loop3A_727 = tpu.vector_load %arg7[%parallel_loop3A_725, %parallel_loop3A_726] {strides = array<i32>} : memref<50x16xi32, #tpu.memory_space<vmem>>, vector<1x16xi32>,
        %parallel_loop3A_728 = vector.shape_cast %parallel_loop3A_727 : vector<1x16xi32> to vector<16xi32>
        %parallel_loop3A_729 = vector.shape_cast %parallel_loop3A_728 : vector<16xi32> to vector<16x1xi32>
        %parallel_loop3A_730 = vector.shape_cast %parallel_loop3A_729 : vector<16x1xi32> to vector<16xi32>
        %parallel_loop3A_731 = tpu.dynamic_gather %parallel_loop3A_175[%parallel_loop3A_730] in [0] : vector<16xf32>, vector<16xi32> -> vector<16xf32>
        %parallel_loop3A_732 = arith.constant 34 : i32
        %parallel_loop3A_733 = arith.index_cast %parallel_loop3A_732 : i32 to index
        %parallel_loop3A_734 = arith.index_cast %parallel_loop3A_177 : i32 to index
        %parallel_loop3A_735 = arith.index_cast %parallel_loop3A_179 : i32 to index
        %parallel_loop3A_736 = arith.constant 0 : index
        %parallel_loop3A_737 = tpu.vector_load %arg9[%parallel_loop3A_733, %parallel_loop3A_734, %parallel_loop3A_735, %parallel_loop3A_736] {strides = array<i32>} : memref<50x8x8x16xf32, #tpu.memory_space<vmem>>, vector<1x1x1x16xf32>,
        %parallel_loop3A_738 = vector.shape_cast %parallel_loop3A_737 : vector<1x1x1x16xf32> to vector<16xf32>
        %parallel_loop3A_739 = vector.shape_cast %parallel_loop3A_731 : vector<16xf32> to vector<1x1x1x16xf32>
        tpu.vector_store %arg9[%parallel_loop3A_733, %parallel_loop3A_734, %parallel_loop3A_735, %parallel_loop3A_736], %parallel_loop3A_739 {strides = array<i32>} : memref<50x8x8x16xf32, #tpu.memory_space<vmem>>, vector<1x1x1x16xf32>,
        %parallel_loop3A_740 = arith.constant 35 : i32
        %parallel_loop3A_741 = arith.index_cast %parallel_loop3A_740 : i32 to index
        %parallel_loop3A_742 = arith.constant 0 : index
        %parallel_loop3A_743 = tpu.vector_load %arg7[%parallel_loop3A_741, %parallel_loop3A_742] {strides = array<i32>} : memref<50x16xi32, #tpu.memory_space<vmem>>, vector<1x16xi32>,
        %parallel_loop3A_744 = vector.shape_cast %parallel_loop3A_743 : vector<1x16xi32> to vector<16xi32>
        %parallel_loop3A_745 = vector.shape_cast %parallel_loop3A_744 : vector<16xi32> to vector<16x1xi32>
        %parallel_loop3A_746 = vector.shape_cast %parallel_loop3A_745 : vector<16x1xi32> to vector<16xi32>
        %parallel_loop3A_747 = tpu.dynamic_gather %parallel_loop3A_175[%parallel_loop3A_746] in [0] : vector<16xf32>, vector<16xi32> -> vector<16xf32>
        %parallel_loop3A_748 = arith.constant 35 : i32
        %parallel_loop3A_749 = arith.index_cast %parallel_loop3A_748 : i32 to index
        %parallel_loop3A_750 = arith.index_cast %parallel_loop3A_177 : i32 to index
        %parallel_loop3A_751 = arith.index_cast %parallel_loop3A_179 : i32 to index
        %parallel_loop3A_752 = arith.constant 0 : index
        %parallel_loop3A_753 = tpu.vector_load %arg9[%parallel_loop3A_749, %parallel_loop3A_750, %parallel_loop3A_751, %parallel_loop3A_752] {strides = array<i32>} : memref<50x8x8x16xf32, #tpu.memory_space<vmem>>, vector<1x1x1x16xf32>,
        %parallel_loop3A_754 = vector.shape_cast %parallel_loop3A_753 : vector<1x1x1x16xf32> to vector<16xf32>
        %parallel_loop3A_755 = vector.shape_cast %parallel_loop3A_747 : vector<16xf32> to vector<1x1x1x16xf32>
        tpu.vector_store %arg9[%parallel_loop3A_749, %parallel_loop3A_750, %parallel_loop3A_751, %parallel_loop3A_752], %parallel_loop3A_755 {strides = array<i32>} : memref<50x8x8x16xf32, #tpu.memory_space<vmem>>, vector<1x1x1x16xf32>,
        %parallel_loop3A_756 = arith.constant 36 : i32
        %parallel_loop3A_757 = arith.index_cast %parallel_loop3A_756 : i32 to index
        %parallel_loop3A_758 = arith.constant 0 : index
        %parallel_loop3A_759 = tpu.vector_load %arg7[%parallel_loop3A_757, %parallel_loop3A_758] {strides = array<i32>} : memref<50x16xi32, #tpu.memory_space<vmem>>, vector<1x16xi32>,
        %parallel_loop3A_760 = vector.shape_cast %parallel_loop3A_759 : vector<1x16xi32> to vector<16xi32>
        %parallel_loop3A_761 = vector.shape_cast %parallel_loop3A_760 : vector<16xi32> to vector<16x1xi32>
        %parallel_loop3A_762 = vector.shape_cast %parallel_loop3A_761 : vector<16x1xi32> to vector<16xi32>
        %parallel_loop3A_763 = tpu.dynamic_gather %parallel_loop3A_175[%parallel_loop3A_762] in [0] : vector<16xf32>, vector<16xi32> -> vector<16xf32>
        %parallel_loop3A_764 = arith.constant 36 : i32
        %parallel_loop3A_765 = arith.index_cast %parallel_loop3A_764 : i32 to index
        %parallel_loop3A_766 = arith.index_cast %parallel_loop3A_177 : i32 to index
        %parallel_loop3A_767 = arith.index_cast %parallel_loop3A_179 : i32 to index
        %parallel_loop3A_768 = arith.constant 0 : index
        %parallel_loop3A_769 = tpu.vector_load %arg9[%parallel_loop3A_765, %parallel_loop3A_766, %parallel_loop3A_767, %parallel_loop3A_768] {strides = array<i32>} : memref<50x8x8x16xf32, #tpu.memory_space<vmem>>, vector<1x1x1x16xf32>,
        %parallel_loop3A_770 = vector.shape_cast %parallel_loop3A_769 : vector<1x1x1x16xf32> to vector<16xf32>
        %parallel_loop3A_771 = vector.shape_cast %parallel_loop3A_763 : vector<16xf32> to vector<1x1x1x16xf32>
        tpu.vector_store %arg9[%parallel_loop3A_765, %parallel_loop3A_766, %parallel_loop3A_767, %parallel_loop3A_768], %parallel_loop3A_771 {strides = array<i32>} : memref<50x8x8x16xf32, #tpu.memory_space<vmem>>, vector<1x1x1x16xf32>,
        %parallel_loop3A_772 = arith.constant 37 : i32
        %parallel_loop3A_773 = arith.index_cast %parallel_loop3A_772 : i32 to index
        %parallel_loop3A_774 = arith.constant 0 : index
        %parallel_loop3A_775 = tpu.vector_load %arg7[%parallel_loop3A_773, %parallel_loop3A_774] {strides = array<i32>} : memref<50x16xi32, #tpu.memory_space<vmem>>, vector<1x16xi32>,
        %parallel_loop3A_776 = vector.shape_cast %parallel_loop3A_775 : vector<1x16xi32> to vector<16xi32>
        %parallel_loop3A_777 = vector.shape_cast %parallel_loop3A_776 : vector<16xi32> to vector<16x1xi32>
        %parallel_loop3A_778 = vector.shape_cast %parallel_loop3A_777 : vector<16x1xi32> to vector<16xi32>
        %parallel_loop3A_779 = tpu.dynamic_gather %parallel_loop3A_175[%parallel_loop3A_778] in [0] : vector<16xf32>, vector<16xi32> -> vector<16xf32>
        %parallel_loop3A_780 = arith.constant 37 : i32
        %parallel_loop3A_781 = arith.index_cast %parallel_loop3A_780 : i32 to index
        %parallel_loop3A_782 = arith.index_cast %parallel_loop3A_177 : i32 to index
        %parallel_loop3A_783 = arith.index_cast %parallel_loop3A_179 : i32 to index
        %parallel_loop3A_784 = arith.constant 0 : index
        %parallel_loop3A_785 = tpu.vector_load %arg9[%parallel_loop3A_781, %parallel_loop3A_782, %parallel_loop3A_783, %parallel_loop3A_784] {strides = array<i32>} : memref<50x8x8x16xf32, #tpu.memory_space<vmem>>, vector<1x1x1x16xf32>,
        %parallel_loop3A_786 = vector.shape_cast %parallel_loop3A_785 : vector<1x1x1x16xf32> to vector<16xf32>
        %parallel_loop3A_787 = vector.shape_cast %parallel_loop3A_779 : vector<16xf32> to vector<1x1x1x16xf32>
        tpu.vector_store %arg9[%parallel_loop3A_781, %parallel_loop3A_782, %parallel_loop3A_783, %parallel_loop3A_784], %parallel_loop3A_787 {strides = array<i32>} : memref<50x8x8x16xf32, #tpu.memory_space<vmem>>, vector<1x1x1x16xf32>,
        %parallel_loop3A_788 = arith.constant 38 : i32
        %parallel_loop3A_789 = arith.index_cast %parallel_loop3A_788 : i32 to index
        %parallel_loop3A_790 = arith.constant 0 : index
        %parallel_loop3A_791 = tpu.vector_load %arg7[%parallel_loop3A_789, %parallel_loop3A_790] {strides = array<i32>} : memref<50x16xi32, #tpu.memory_space<vmem>>, vector<1x16xi32>,
        %parallel_loop3A_792 = vector.shape_cast %parallel_loop3A_791 : vector<1x16xi32> to vector<16xi32>
        %parallel_loop3A_793 = vector.shape_cast %parallel_loop3A_792 : vector<16xi32> to vector<16x1xi32>
        %parallel_loop3A_794 = vector.shape_cast %parallel_loop3A_793 : vector<16x1xi32> to vector<16xi32>
        %parallel_loop3A_795 = tpu.dynamic_gather %parallel_loop3A_175[%parallel_loop3A_794] in [0] : vector<16xf32>, vector<16xi32> -> vector<16xf32>
        %parallel_loop3A_796 = arith.constant 38 : i32
        %parallel_loop3A_797 = arith.index_cast %parallel_loop3A_796 : i32 to index
        %parallel_loop3A_798 = arith.index_cast %parallel_loop3A_177 : i32 to index
        %parallel_loop3A_799 = arith.index_cast %parallel_loop3A_179 : i32 to index
        %parallel_loop3A_800 = arith.constant 0 : index
        %parallel_loop3A_801 = tpu.vector_load %arg9[%parallel_loop3A_797, %parallel_loop3A_798, %parallel_loop3A_799, %parallel_loop3A_800] {strides = array<i32>} : memref<50x8x8x16xf32, #tpu.memory_space<vmem>>, vector<1x1x1x16xf32>,
        %parallel_loop3A_802 = vector.shape_cast %parallel_loop3A_801 : vector<1x1x1x16xf32> to vector<16xf32>
        %parallel_loop3A_803 = vector.shape_cast %parallel_loop3A_795 : vector<16xf32> to vector<1x1x1x16xf32>
        tpu.vector_store %arg9[%parallel_loop3A_797, %parallel_loop3A_798, %parallel_loop3A_799, %parallel_loop3A_800], %parallel_loop3A_803 {strides = array<i32>} : memref<50x8x8x16xf32, #tpu.memory_space<vmem>>, vector<1x1x1x16xf32>,
        %parallel_loop3A_804 = arith.constant 39 : i32
        %parallel_loop3A_805 = arith.index_cast %parallel_loop3A_804 : i32 to index
        %parallel_loop3A_806 = arith.constant 0 : index
        %parallel_loop3A_807 = tpu.vector_load %arg7[%parallel_loop3A_805, %parallel_loop3A_806] {strides = array<i32>} : memref<50x16xi32, #tpu.memory_space<vmem>>, vector<1x16xi32>,
        %parallel_loop3A_808 = vector.shape_cast %parallel_loop3A_807 : vector<1x16xi32> to vector<16xi32>
        %parallel_loop3A_809 = vector.shape_cast %parallel_loop3A_808 : vector<16xi32> to vector<16x1xi32>
        %parallel_loop3A_810 = vector.shape_cast %parallel_loop3A_809 : vector<16x1xi32> to vector<16xi32>
        %parallel_loop3A_811 = tpu.dynamic_gather %parallel_loop3A_175[%parallel_loop3A_810] in [0] : vector<16xf32>, vector<16xi32> -> vector<16xf32>
        %parallel_loop3A_812 = arith.constant 39 : i32
        %parallel_loop3A_813 = arith.index_cast %parallel_loop3A_812 : i32 to index
        %parallel_loop3A_814 = arith.index_cast %parallel_loop3A_177 : i32 to index
        %parallel_loop3A_815 = arith.index_cast %parallel_loop3A_179 : i32 to index
        %parallel_loop3A_816 = arith.constant 0 : index
        %parallel_loop3A_817 = tpu.vector_load %arg9[%parallel_loop3A_813, %parallel_loop3A_814, %parallel_loop3A_815, %parallel_loop3A_816] {strides = array<i32>} : memref<50x8x8x16xf32, #tpu.memory_space<vmem>>, vector<1x1x1x16xf32>,
        %parallel_loop3A_818 = vector.shape_cast %parallel_loop3A_817 : vector<1x1x1x16xf32> to vector<16xf32>
        %parallel_loop3A_819 = vector.shape_cast %parallel_loop3A_811 : vector<16xf32> to vector<1x1x1x16xf32>
        tpu.vector_store %arg9[%parallel_loop3A_813, %parallel_loop3A_814, %parallel_loop3A_815, %parallel_loop3A_816], %parallel_loop3A_819 {strides = array<i32>} : memref<50x8x8x16xf32, #tpu.memory_space<vmem>>, vector<1x1x1x16xf32>,
        %parallel_loop3A_820 = arith.constant 40 : i32
        %parallel_loop3A_821 = arith.index_cast %parallel_loop3A_820 : i32 to index
        %parallel_loop3A_822 = arith.constant 0 : index
        %parallel_loop3A_823 = tpu.vector_load %arg7[%parallel_loop3A_821, %parallel_loop3A_822] {strides = array<i32>} : memref<50x16xi32, #tpu.memory_space<vmem>>, vector<1x16xi32>,
        %parallel_loop3A_824 = vector.shape_cast %parallel_loop3A_823 : vector<1x16xi32> to vector<16xi32>
        %parallel_loop3A_825 = vector.shape_cast %parallel_loop3A_824 : vector<16xi32> to vector<16x1xi32>
        %parallel_loop3A_826 = vector.shape_cast %parallel_loop3A_825 : vector<16x1xi32> to vector<16xi32>
        %parallel_loop3A_827 = tpu.dynamic_gather %parallel_loop3A_175[%parallel_loop3A_826] in [0] : vector<16xf32>, vector<16xi32> -> vector<16xf32>
        %parallel_loop3A_828 = arith.constant 40 : i32
        %parallel_loop3A_829 = arith.index_cast %parallel_loop3A_828 : i32 to index
        %parallel_loop3A_830 = arith.index_cast %parallel_loop3A_177 : i32 to index
        %parallel_loop3A_831 = arith.index_cast %parallel_loop3A_179 : i32 to index
        %parallel_loop3A_832 = arith.constant 0 : index
        %parallel_loop3A_833 = tpu.vector_load %arg9[%parallel_loop3A_829, %parallel_loop3A_830, %parallel_loop3A_831, %parallel_loop3A_832] {strides = array<i32>} : memref<50x8x8x16xf32, #tpu.memory_space<vmem>>, vector<1x1x1x16xf32>,
        %parallel_loop3A_834 = vector.shape_cast %parallel_loop3A_833 : vector<1x1x1x16xf32> to vector<16xf32>
        %parallel_loop3A_835 = vector.shape_cast %parallel_loop3A_827 : vector<16xf32> to vector<1x1x1x16xf32>
        tpu.vector_store %arg9[%parallel_loop3A_829, %parallel_loop3A_830, %parallel_loop3A_831, %parallel_loop3A_832], %parallel_loop3A_835 {strides = array<i32>} : memref<50x8x8x16xf32, #tpu.memory_space<vmem>>, vector<1x1x1x16xf32>,
        %parallel_loop3A_836 = arith.constant 41 : i32
        %parallel_loop3A_837 = arith.index_cast %parallel_loop3A_836 : i32 to index
        %parallel_loop3A_838 = arith.constant 0 : index
        %parallel_loop3A_839 = tpu.vector_load %arg7[%parallel_loop3A_837, %parallel_loop3A_838] {strides = array<i32>} : memref<50x16xi32, #tpu.memory_space<vmem>>, vector<1x16xi32>,
        %parallel_loop3A_840 = vector.shape_cast %parallel_loop3A_839 : vector<1x16xi32> to vector<16xi32>
        %parallel_loop3A_841 = vector.shape_cast %parallel_loop3A_840 : vector<16xi32> to vector<16x1xi32>
        %parallel_loop3A_842 = vector.shape_cast %parallel_loop3A_841 : vector<16x1xi32> to vector<16xi32>
        %parallel_loop3A_843 = tpu.dynamic_gather %parallel_loop3A_175[%parallel_loop3A_842] in [0] : vector<16xf32>, vector<16xi32> -> vector<16xf32>
        %parallel_loop3A_844 = arith.constant 41 : i32
        %parallel_loop3A_845 = arith.index_cast %parallel_loop3A_844 : i32 to index
        %parallel_loop3A_846 = arith.index_cast %parallel_loop3A_177 : i32 to index
        %parallel_loop3A_847 = arith.index_cast %parallel_loop3A_179 : i32 to index
        %parallel_loop3A_848 = arith.constant 0 : index
        %parallel_loop3A_849 = tpu.vector_load %arg9[%parallel_loop3A_845, %parallel_loop3A_846, %parallel_loop3A_847, %parallel_loop3A_848] {strides = array<i32>} : memref<50x8x8x16xf32, #tpu.memory_space<vmem>>, vector<1x1x1x16xf32>,
        %parallel_loop3A_850 = vector.shape_cast %parallel_loop3A_849 : vector<1x1x1x16xf32> to vector<16xf32>
        %parallel_loop3A_851 = vector.shape_cast %parallel_loop3A_843 : vector<16xf32> to vector<1x1x1x16xf32>
        tpu.vector_store %arg9[%parallel_loop3A_845, %parallel_loop3A_846, %parallel_loop3A_847, %parallel_loop3A_848], %parallel_loop3A_851 {strides = array<i32>} : memref<50x8x8x16xf32, #tpu.memory_space<vmem>>, vector<1x1x1x16xf32>,
        %parallel_loop3A_852 = arith.constant 42 : i32
        %parallel_loop3A_853 = arith.index_cast %parallel_loop3A_852 : i32 to index
        %parallel_loop3A_854 = arith.constant 0 : index
        %parallel_loop3A_855 = tpu.vector_load %arg7[%parallel_loop3A_853, %parallel_loop3A_854] {strides = array<i32>} : memref<50x16xi32, #tpu.memory_space<vmem>>, vector<1x16xi32>,
        %parallel_loop3A_856 = vector.shape_cast %parallel_loop3A_855 : vector<1x16xi32> to vector<16xi32>
        %parallel_loop3A_857 = vector.shape_cast %parallel_loop3A_856 : vector<16xi32> to vector<16x1xi32>
        %parallel_loop3A_858 = vector.shape_cast %parallel_loop3A_857 : vector<16x1xi32> to vector<16xi32>
        %parallel_loop3A_859 = tpu.dynamic_gather %parallel_loop3A_175[%parallel_loop3A_858] in [0] : vector<16xf32>, vector<16xi32> -> vector<16xf32>
        %parallel_loop3A_860 = arith.constant 42 : i32
        %parallel_loop3A_861 = arith.index_cast %parallel_loop3A_860 : i32 to index
        %parallel_loop3A_862 = arith.index_cast %parallel_loop3A_177 : i32 to index
        %parallel_loop3A_863 = arith.index_cast %parallel_loop3A_179 : i32 to index
        %parallel_loop3A_864 = arith.constant 0 : index
        %parallel_loop3A_865 = tpu.vector_load %arg9[%parallel_loop3A_861, %parallel_loop3A_862, %parallel_loop3A_863, %parallel_loop3A_864] {strides = array<i32>} : memref<50x8x8x16xf32, #tpu.memory_space<vmem>>, vector<1x1x1x16xf32>,
        %parallel_loop3A_866 = vector.shape_cast %parallel_loop3A_865 : vector<1x1x1x16xf32> to vector<16xf32>
        %parallel_loop3A_867 = vector.shape_cast %parallel_loop3A_859 : vector<16xf32> to vector<1x1x1x16xf32>
        tpu.vector_store %arg9[%parallel_loop3A_861, %parallel_loop3A_862, %parallel_loop3A_863, %parallel_loop3A_864], %parallel_loop3A_867 {strides = array<i32>} : memref<50x8x8x16xf32, #tpu.memory_space<vmem>>, vector<1x1x1x16xf32>,
        %parallel_loop3A_868 = arith.constant 43 : i32
        %parallel_loop3A_869 = arith.index_cast %parallel_loop3A_868 : i32 to index
        %parallel_loop3A_870 = arith.constant 0 : index
        %parallel_loop3A_871 = tpu.vector_load %arg7[%parallel_loop3A_869, %parallel_loop3A_870] {strides = array<i32>} : memref<50x16xi32, #tpu.memory_space<vmem>>, vector<1x16xi32>,
        %parallel_loop3A_872 = vector.shape_cast %parallel_loop3A_871 : vector<1x16xi32> to vector<16xi32>
        %parallel_loop3A_873 = vector.shape_cast %parallel_loop3A_872 : vector<16xi32> to vector<16x1xi32>
        %parallel_loop3A_874 = vector.shape_cast %parallel_loop3A_873 : vector<16x1xi32> to vector<16xi32>
        %parallel_loop3A_875 = tpu.dynamic_gather %parallel_loop3A_175[%parallel_loop3A_874] in [0] : vector<16xf32>, vector<16xi32> -> vector<16xf32>
        %parallel_loop3A_876 = arith.constant 43 : i32
        %parallel_loop3A_877 = arith.index_cast %parallel_loop3A_876 : i32 to index
        %parallel_loop3A_878 = arith.index_cast %parallel_loop3A_177 : i32 to index
        %parallel_loop3A_879 = arith.index_cast %parallel_loop3A_179 : i32 to index
        %parallel_loop3A_880 = arith.constant 0 : index
        %parallel_loop3A_881 = tpu.vector_load %arg9[%parallel_loop3A_877, %parallel_loop3A_878, %parallel_loop3A_879, %parallel_loop3A_880] {strides = array<i32>} : memref<50x8x8x16xf32, #tpu.memory_space<vmem>>, vector<1x1x1x16xf32>,
        %parallel_loop3A_882 = vector.shape_cast %parallel_loop3A_881 : vector<1x1x1x16xf32> to vector<16xf32>
        %parallel_loop3A_883 = vector.shape_cast %parallel_loop3A_875 : vector<16xf32> to vector<1x1x1x16xf32>
        tpu.vector_store %arg9[%parallel_loop3A_877, %parallel_loop3A_878, %parallel_loop3A_879, %parallel_loop3A_880], %parallel_loop3A_883 {strides = array<i32>} : memref<50x8x8x16xf32, #tpu.memory_space<vmem>>, vector<1x1x1x16xf32>,
        %parallel_loop3A_884 = arith.constant 44 : i32
        %parallel_loop3A_885 = arith.index_cast %parallel_loop3A_884 : i32 to index
        %parallel_loop3A_886 = arith.constant 0 : index
        %parallel_loop3A_887 = tpu.vector_load %arg7[%parallel_loop3A_885, %parallel_loop3A_886] {strides = array<i32>} : memref<50x16xi32, #tpu.memory_space<vmem>>, vector<1x16xi32>,
        %parallel_loop3A_888 = vector.shape_cast %parallel_loop3A_887 : vector<1x16xi32> to vector<16xi32>
        %parallel_loop3A_889 = vector.shape_cast %parallel_loop3A_888 : vector<16xi32> to vector<16x1xi32>
        %parallel_loop3A_890 = vector.shape_cast %parallel_loop3A_889 : vector<16x1xi32> to vector<16xi32>
        %parallel_loop3A_891 = tpu.dynamic_gather %parallel_loop3A_175[%parallel_loop3A_890] in [0] : vector<16xf32>, vector<16xi32> -> vector<16xf32>
        %parallel_loop3A_892 = arith.constant 44 : i32
        %parallel_loop3A_893 = arith.index_cast %parallel_loop3A_892 : i32 to index
        %parallel_loop3A_894 = arith.index_cast %parallel_loop3A_177 : i32 to index
        %parallel_loop3A_895 = arith.index_cast %parallel_loop3A_179 : i32 to index
        %parallel_loop3A_896 = arith.constant 0 : index
        %parallel_loop3A_897 = tpu.vector_load %arg9[%parallel_loop3A_893, %parallel_loop3A_894, %parallel_loop3A_895, %parallel_loop3A_896] {strides = array<i32>} : memref<50x8x8x16xf32, #tpu.memory_space<vmem>>, vector<1x1x1x16xf32>,
        %parallel_loop3A_898 = vector.shape_cast %parallel_loop3A_897 : vector<1x1x1x16xf32> to vector<16xf32>
        %parallel_loop3A_899 = vector.shape_cast %parallel_loop3A_891 : vector<16xf32> to vector<1x1x1x16xf32>
        tpu.vector_store %arg9[%parallel_loop3A_893, %parallel_loop3A_894, %parallel_loop3A_895, %parallel_loop3A_896], %parallel_loop3A_899 {strides = array<i32>} : memref<50x8x8x16xf32, #tpu.memory_space<vmem>>, vector<1x1x1x16xf32>,
        %parallel_loop3A_900 = arith.constant 45 : i32
        %parallel_loop3A_901 = arith.index_cast %parallel_loop3A_900 : i32 to index
        %parallel_loop3A_902 = arith.constant 0 : index
        %parallel_loop3A_903 = tpu.vector_load %arg7[%parallel_loop3A_901, %parallel_loop3A_902] {strides = array<i32>} : memref<50x16xi32, #tpu.memory_space<vmem>>, vector<1x16xi32>,
        %parallel_loop3A_904 = vector.shape_cast %parallel_loop3A_903 : vector<1x16xi32> to vector<16xi32>
        %parallel_loop3A_905 = vector.shape_cast %parallel_loop3A_904 : vector<16xi32> to vector<16x1xi32>
        %parallel_loop3A_906 = vector.shape_cast %parallel_loop3A_905 : vector<16x1xi32> to vector<16xi32>
        %parallel_loop3A_907 = tpu.dynamic_gather %parallel_loop3A_175[%parallel_loop3A_906] in [0] : vector<16xf32>, vector<16xi32> -> vector<16xf32>
        %parallel_loop3A_908 = arith.constant 45 : i32
        %parallel_loop3A_909 = arith.index_cast %parallel_loop3A_908 : i32 to index
        %parallel_loop3A_910 = arith.index_cast %parallel_loop3A_177 : i32 to index
        %parallel_loop3A_911 = arith.index_cast %parallel_loop3A_179 : i32 to index
        %parallel_loop3A_912 = arith.constant 0 : index
        %parallel_loop3A_913 = tpu.vector_load %arg9[%parallel_loop3A_909, %parallel_loop3A_910, %parallel_loop3A_911, %parallel_loop3A_912] {strides = array<i32>} : memref<50x8x8x16xf32, #tpu.memory_space<vmem>>, vector<1x1x1x16xf32>,
        %parallel_loop3A_914 = vector.shape_cast %parallel_loop3A_913 : vector<1x1x1x16xf32> to vector<16xf32>
        %parallel_loop3A_915 = vector.shape_cast %parallel_loop3A_907 : vector<16xf32> to vector<1x1x1x16xf32>
        tpu.vector_store %arg9[%parallel_loop3A_909, %parallel_loop3A_910, %parallel_loop3A_911, %parallel_loop3A_912], %parallel_loop3A_915 {strides = array<i32>} : memref<50x8x8x16xf32, #tpu.memory_space<vmem>>, vector<1x1x1x16xf32>,
        %parallel_loop3A_916 = arith.constant 46 : i32
        %parallel_loop3A_917 = arith.index_cast %parallel_loop3A_916 : i32 to index
        %parallel_loop3A_918 = arith.constant 0 : index
        %parallel_loop3A_919 = tpu.vector_load %arg7[%parallel_loop3A_917, %parallel_loop3A_918] {strides = array<i32>} : memref<50x16xi32, #tpu.memory_space<vmem>>, vector<1x16xi32>,
        %parallel_loop3A_920 = vector.shape_cast %parallel_loop3A_919 : vector<1x16xi32> to vector<16xi32>
        %parallel_loop3A_921 = vector.shape_cast %parallel_loop3A_920 : vector<16xi32> to vector<16x1xi32>
        %parallel_loop3A_922 = vector.shape_cast %parallel_loop3A_921 : vector<16x1xi32> to vector<16xi32>
        %parallel_loop3A_923 = tpu.dynamic_gather %parallel_loop3A_175[%parallel_loop3A_922] in [0] : vector<16xf32>, vector<16xi32> -> vector<16xf32>
        %parallel_loop3A_924 = arith.constant 46 : i32
        %parallel_loop3A_925 = arith.index_cast %parallel_loop3A_924 : i32 to index
        %parallel_loop3A_926 = arith.index_cast %parallel_loop3A_177 : i32 to index
        %parallel_loop3A_927 = arith.index_cast %parallel_loop3A_179 : i32 to index
        %parallel_loop3A_928 = arith.constant 0 : index
        %parallel_loop3A_929 = tpu.vector_load %arg9[%parallel_loop3A_925, %parallel_loop3A_926, %parallel_loop3A_927, %parallel_loop3A_928] {strides = array<i32>} : memref<50x8x8x16xf32, #tpu.memory_space<vmem>>, vector<1x1x1x16xf32>,
        %parallel_loop3A_930 = vector.shape_cast %parallel_loop3A_929 : vector<1x1x1x16xf32> to vector<16xf32>
        %parallel_loop3A_931 = vector.shape_cast %parallel_loop3A_923 : vector<16xf32> to vector<1x1x1x16xf32>
        tpu.vector_store %arg9[%parallel_loop3A_925, %parallel_loop3A_926, %parallel_loop3A_927, %parallel_loop3A_928], %parallel_loop3A_931 {strides = array<i32>} : memref<50x8x8x16xf32, #tpu.memory_space<vmem>>, vector<1x1x1x16xf32>,
        %parallel_loop3A_932 = arith.constant 47 : i32
        %parallel_loop3A_933 = arith.index_cast %parallel_loop3A_932 : i32 to index
        %parallel_loop3A_934 = arith.constant 0 : index
        %parallel_loop3A_935 = tpu.vector_load %arg7[%parallel_loop3A_933, %parallel_loop3A_934] {strides = array<i32>} : memref<50x16xi32, #tpu.memory_space<vmem>>, vector<1x16xi32>,
        %parallel_loop3A_936 = vector.shape_cast %parallel_loop3A_935 : vector<1x16xi32> to vector<16xi32>
        %parallel_loop3A_937 = vector.shape_cast %parallel_loop3A_936 : vector<16xi32> to vector<16x1xi32>
        %parallel_loop3A_938 = vector.shape_cast %parallel_loop3A_937 : vector<16x1xi32> to vector<16xi32>
        %parallel_loop3A_939 = tpu.dynamic_gather %parallel_loop3A_175[%parallel_loop3A_938] in [0] : vector<16xf32>, vector<16xi32> -> vector<16xf32>
        %parallel_loop3A_940 = arith.constant 47 : i32
        %parallel_loop3A_941 = arith.index_cast %parallel_loop3A_940 : i32 to index
        %parallel_loop3A_942 = arith.index_cast %parallel_loop3A_177 : i32 to index
        %parallel_loop3A_943 = arith.index_cast %parallel_loop3A_179 : i32 to index
        %parallel_loop3A_944 = arith.constant 0 : index
        %parallel_loop3A_945 = tpu.vector_load %arg9[%parallel_loop3A_941, %parallel_loop3A_942, %parallel_loop3A_943, %parallel_loop3A_944] {strides = array<i32>} : memref<50x8x8x16xf32, #tpu.memory_space<vmem>>, vector<1x1x1x16xf32>,
        %parallel_loop3A_946 = vector.shape_cast %parallel_loop3A_945 : vector<1x1x1x16xf32> to vector<16xf32>
        %parallel_loop3A_947 = vector.shape_cast %parallel_loop3A_939 : vector<16xf32> to vector<1x1x1x16xf32>
        tpu.vector_store %arg9[%parallel_loop3A_941, %parallel_loop3A_942, %parallel_loop3A_943, %parallel_loop3A_944], %parallel_loop3A_947 {strides = array<i32>} : memref<50x8x8x16xf32, #tpu.memory_space<vmem>>, vector<1x1x1x16xf32>,
        %parallel_loop3A_948 = arith.constant 48 : i32
        %parallel_loop3A_949 = arith.index_cast %parallel_loop3A_948 : i32 to index
        %parallel_loop3A_950 = arith.constant 0 : index
        %parallel_loop3A_951 = tpu.vector_load %arg7[%parallel_loop3A_949, %parallel_loop3A_950] {strides = array<i32>} : memref<50x16xi32, #tpu.memory_space<vmem>>, vector<1x16xi32>,
        %parallel_loop3A_952 = vector.shape_cast %parallel_loop3A_951 : vector<1x16xi32> to vector<16xi32>
        %parallel_loop3A_953 = vector.shape_cast %parallel_loop3A_952 : vector<16xi32> to vector<16x1xi32>
        %parallel_loop3A_954 = vector.shape_cast %parallel_loop3A_953 : vector<16x1xi32> to vector<16xi32>
        %parallel_loop3A_955 = tpu.dynamic_gather %parallel_loop3A_175[%parallel_loop3A_954] in [0] : vector<16xf32>, vector<16xi32> -> vector<16xf32>
        %parallel_loop3A_956 = arith.constant 48 : i32
        %parallel_loop3A_957 = arith.index_cast %parallel_loop3A_956 : i32 to index
        %parallel_loop3A_958 = arith.index_cast %parallel_loop3A_177 : i32 to index
        %parallel_loop3A_959 = arith.index_cast %parallel_loop3A_179 : i32 to index
        %parallel_loop3A_960 = arith.constant 0 : index
        %parallel_loop3A_961 = tpu.vector_load %arg9[%parallel_loop3A_957, %parallel_loop3A_958, %parallel_loop3A_959, %parallel_loop3A_960] {strides = array<i32>} : memref<50x8x8x16xf32, #tpu.memory_space<vmem>>, vector<1x1x1x16xf32>,
        %parallel_loop3A_962 = vector.shape_cast %parallel_loop3A_961 : vector<1x1x1x16xf32> to vector<16xf32>
        %parallel_loop3A_963 = vector.shape_cast %parallel_loop3A_955 : vector<16xf32> to vector<1x1x1x16xf32>
        tpu.vector_store %arg9[%parallel_loop3A_957, %parallel_loop3A_958, %parallel_loop3A_959, %parallel_loop3A_960], %parallel_loop3A_963 {strides = array<i32>} : memref<50x8x8x16xf32, #tpu.memory_space<vmem>>, vector<1x1x1x16xf32>,
        %parallel_loop3A_964 = arith.constant 49 : i32
        %parallel_loop3A_965 = arith.index_cast %parallel_loop3A_964 : i32 to index
        %parallel_loop3A_966 = arith.constant 0 : index
        %parallel_loop3A_967 = tpu.vector_load %arg7[%parallel_loop3A_965, %parallel_loop3A_966] {strides = array<i32>} : memref<50x16xi32, #tpu.memory_space<vmem>>, vector<1x16xi32>,
        %parallel_loop3A_968 = vector.shape_cast %parallel_loop3A_967 : vector<1x16xi32> to vector<16xi32>
        %parallel_loop3A_969 = vector.shape_cast %parallel_loop3A_968 : vector<16xi32> to vector<16x1xi32>
        %parallel_loop3A_970 = vector.shape_cast %parallel_loop3A_969 : vector<16x1xi32> to vector<16xi32>
        %parallel_loop3A_971 = tpu.dynamic_gather %parallel_loop3A_175[%parallel_loop3A_970] in [0] : vector<16xf32>, vector<16xi32> -> vector<16xf32>
        %parallel_loop3A_972 = arith.constant 49 : i32
        %parallel_loop3A_973 = arith.index_cast %parallel_loop3A_972 : i32 to index
        %parallel_loop3A_974 = arith.index_cast %parallel_loop3A_177 : i32 to index
        %parallel_loop3A_975 = arith.index_cast %parallel_loop3A_179 : i32 to index
        %parallel_loop3A_976 = arith.constant 0 : index
        %parallel_loop3A_977 = tpu.vector_load %arg9[%parallel_loop3A_973, %parallel_loop3A_974, %parallel_loop3A_975, %parallel_loop3A_976] {strides = array<i32>} : memref<50x8x8x16xf32, #tpu.memory_space<vmem>>, vector<1x1x1x16xf32>,
        %parallel_loop3A_978 = vector.shape_cast %parallel_loop3A_977 : vector<1x1x1x16xf32> to vector<16xf32>
        %parallel_loop3A_979 = vector.shape_cast %parallel_loop3A_971 : vector<16xf32> to vector<1x1x1x16xf32>
        tpu.vector_store %arg9[%parallel_loop3A_973, %parallel_loop3A_974, %parallel_loop3A_975, %parallel_loop3A_976], %parallel_loop3A_979 {strides = array<i32>} : memref<50x8x8x16xf32, #tpu.memory_space<vmem>>, vector<1x1x1x16xf32>,
      } {sc.loop_unroll_factor = 4 : i64, sc.parallel_access}
      %dma_start3A_161 = arith.constant 0 : i32
      %dma_start3A_162 = arith.constant 0 : i32
      %dma_start3A_163 = arith.constant 0 : i32
      %dma_start3A_164 = tpu.memref_slice %arg4[%dma_start3A_161, %dma_start3A_162, %shift_right_logical3A_112, %dma_start3A_163, %multiple_of3A_115] : memref<50x8x64x8x128xf32, #tpu.memory_space<hbm>> -> memref<50x8x1x8x16xf32, #tpu.memory_space<hbm>>
      %dma_start3A_165 = tpu.memref_squeeze %dma_start3A_164 : memref<50x8x1x8x16xf32, #tpu.memory_space<hbm>> -> memref<50x8x8x16xf32, #tpu.memory_space<hbm>>
      %dma_start3A_166 = arith.constant 0 : i32
      %dma_start3A_167 = arith.constant 0 : i32
      %dma_start3A_168 = arith.constant 0 : i32
      %dma_start3A_169 = tpu.memref_slice %arg4[%dma_start3A_166, %dma_start3A_167, %shift_right_logical3A_112, %dma_start3A_168, %multiple_of3A_115] : memref<50x8x64x8x128xf32, #tpu.memory_space<hbm>> -> memref<50x8x1x8x16xf32, #tpu.memory_space<hbm>>
      %dma_start3A_170 = tpu.memref_squeeze %dma_start3A_169 : memref<50x8x1x8x16xf32, #tpu.memory_space<hbm>> -> memref<50x8x8x16xf32, #tpu.memory_space<hbm>>
      tpu.enqueue_dma source(%arg9 : memref<50x8x8x16xf32, #tpu.memory_space<vmem>>) target(%dma_start3A_170 : memref<50x8x8x16xf32, #tpu.memory_space<hbm>>) target_semaphore(%arg14 : memref<!tpu.dma_semaphore, #tpu.memory_space<semaphore_mem>>)
    }
    %scan3A_18 = arith.constant 8 : i32
    %shift_right_logical3A = arith.constant 7 : i32
    %shift_right_logical3A_19 = arith.shrui %mul3A_2, %shift_right_logical3A : i32
    %and3A = arith.constant 127 : i32
    %and3A_20 = arith.andi %mul3A_2, %and3A : i32
    %multiple_of3A = tpu.assume_multiple %and3A_20, 16 : i32
    %dma_wait3A = arith.constant 0 : i32
    %dma_wait3A_21 = arith.constant 0 : i32
    %dma_wait3A_22 = arith.constant 0 : i32
    %dma_wait3A_23 = tpu.memref_slice %arg4[%dma_wait3A, %dma_wait3A_21, %shift_right_logical3A_19, %dma_wait3A_22, %multiple_of3A] : memref<50x8x64x8x128xf32, #tpu.memory_space<hbm>> -> memref<50x8x1x8x16xf32, #tpu.memory_space<hbm>>
    %dma_wait3A_24 = tpu.memref_squeeze %dma_wait3A_23 : memref<50x8x1x8x16xf32, #tpu.memory_space<hbm>> -> memref<50x8x8x16xf32, #tpu.memory_space<hbm>>
    %dma_wait3A_25 = arith.constant 0 : i32
    %dma_wait3A_26 = arith.constant 0 : i32
    %dma_wait3A_27 = arith.constant 0 : i32
    %dma_wait3A_28 = tpu.memref_slice %arg4[%dma_wait3A_25, %dma_wait3A_26, %shift_right_logical3A_19, %dma_wait3A_27, %multiple_of3A] : memref<50x8x64x8x128xf32, #tpu.memory_space<hbm>> -> memref<50x8x1x8x16xf32, #tpu.memory_space<hbm>>
    %dma_wait3A_29 = tpu.memref_squeeze %dma_wait3A_28 : memref<50x8x1x8x16xf32, #tpu.memory_space<hbm>> -> memref<50x8x8x16xf32, #tpu.memory_space<hbm>>
    tpu.wait_dma2 semaphore(%arg13 : memref<!tpu.dma_semaphore, #tpu.memory_space<semaphore_mem>>) src(%arg8 : memref<50x8x8x16xf32, #tpu.memory_space<vmem>>) dst(%dma_wait3A_29 : memref<50x8x8x16xf32, #tpu.memory_space<hbm>>)
    %dma_wait3A_30 = arith.constant 0 : i32
    %dma_wait3A_31 = arith.constant 0 : i32
    %dma_wait3A_32 = arith.constant 0 : i32
    %dma_wait3A_33 = tpu.memref_slice %arg4[%dma_wait3A_30, %dma_wait3A_31, %shift_right_logical3A_19, %dma_wait3A_32, %multiple_of3A] : memref<50x8x64x8x128xf32, #tpu.memory_space<hbm>> -> memref<50x8x1x8x16xf32, #tpu.memory_space<hbm>>
    %dma_wait3A_34 = tpu.memref_squeeze %dma_wait3A_33 : memref<50x8x1x8x16xf32, #tpu.memory_space<hbm>> -> memref<50x8x8x16xf32, #tpu.memory_space<hbm>>
    %dma_wait3A_35 = arith.constant 0 : i32
    %dma_wait3A_36 = arith.constant 0 : i32
    %dma_wait3A_37 = arith.constant 0 : i32
    %dma_wait3A_38 = tpu.memref_slice %arg4[%dma_wait3A_35, %dma_wait3A_36, %shift_right_logical3A_19, %dma_wait3A_37, %multiple_of3A] : memref<50x8x64x8x128xf32, #tpu.memory_space<hbm>> -> memref<50x8x1x8x16xf32, #tpu.memory_space<hbm>>
    %dma_wait3A_39 = tpu.memref_squeeze %dma_wait3A_38 : memref<50x8x1x8x16xf32, #tpu.memory_space<hbm>> -> memref<50x8x8x16xf32, #tpu.memory_space<hbm>>
    tpu.wait_dma2 semaphore(%arg14 : memref<!tpu.dma_semaphore, #tpu.memory_space<semaphore_mem>>) src(%arg9 : memref<50x8x8x16xf32, #tpu.memory_space<vmem>>) dst(%dma_wait3A_39 : memref<50x8x8x16xf32, #tpu.memory_space<hbm>>)
    %dma_wait3A_40 = arith.constant 0 : i32
    %dma_wait3A_41 = tpu.memref_slice %arg2[%dma_wait3A_40, %mul3A_2] : memref<64x8192xi32, #tpu.memory_space<hbm>> -> memref<64x16xi32, #tpu.memory_space<hbm>>
    %dma_wait3A_42 = arith.constant 0 : i32
    %dma_wait3A_43 = tpu.memref_slice %arg2[%dma_wait3A_42, %mul3A_2] : memref<64x8192xi32, #tpu.memory_space<hbm>> -> memref<64x16xi32, #tpu.memory_space<hbm>>
    tpu.wait_dma2 semaphore(%arg11 : memref<!tpu.dma_semaphore, #tpu.memory_space<semaphore_mem>>) src(%dma_wait3A_43 : memref<64x16xi32, #tpu.memory_space<hbm>>) dst(%arg5 : memref<64x16xi32, #tpu.memory_space<vmem>>)
    %dma_wait3A_44 = arith.constant 0 : i32
    %dma_wait3A_45 = tpu.memref_slice %arg2[%dma_wait3A_44, %mul3A_2] : memref<64x8192xi32, #tpu.memory_space<hbm>> -> memref<64x16xi32, #tpu.memory_space<hbm>>
    %dma_wait3A_46 = arith.constant 0 : i32
    %dma_wait3A_47 = tpu.memref_slice %arg2[%dma_wait3A_46, %mul3A_2] : memref<64x8192xi32, #tpu.memory_space<hbm>> -> memref<64x16xi32, #tpu.memory_space<hbm>>
    tpu.wait_dma2 semaphore(%arg12 : memref<!tpu.dma_semaphore, #tpu.memory_space<semaphore_mem>>) src(%dma_wait3A_47 : memref<64x16xi32, #tpu.memory_space<hbm>>) dst(%arg6 : memref<64x16xi32, #tpu.memory_space<vmem>>)
    return
  }
}

</mosaic_0001>

<sc_bundles>
// kernel: kernel.3.cloned.1.call-start
scs
__scs_entry_jumppad:
0x0: {  	(pc) =	sbr.rel $0x88, $3  }
0x1: {  	(tag) =	ssettag $0x0;
	lr =	simm.s32 $0x1  }
0x2: {  	[smem:$0x3F9F] =	sst lr;
	_ =	strace $0xD0000000  }
0x3: {  	_ = 	snop  }
0x4: {  	_ = 	snop  }
0x5: {  	_ = 	snop  }
0x6: {  	_ = 	snop  }
0x7: {  	_ = 	snop  }
__scs_overlays_trampoline_lowered:
0x8: {  	[smem:$0x3FAE] =	sst s0  }
0x9: {  	[smem:$0x3FAF] =	sst s1  }
0xa: {  	[smem:$0x3FB0] =	sst s2  }
0xb: {  	[smem:$0x3FB1] =	sst s3  }
0xc: {  	[smem:$0x3FB2] =	sst s4  }
0xd: {  	[smem:$0x3FB3] =	sst s5  }
0xe: {  	[smem:$0x3FB4] =	sst s6  }
0xf: {  	[smem:$0x3FB5] =	sst s7  }
0x10: {  	[smem:$0x3FB6] =	sst s8  }
0x11: {  	[smem:$0x3FB7] =	sst s9;
	s0 =	simm.s32 @!p0 $0x0  }
0x12: {  	s1 =	sld [smem:$0x3F9D];
	s0 =	simm.s32 @p0 $0x1  }
0x13: {  	[smem:$0x3FB8] =	sst s0;
	s0 =	simm.s32 @!p1 $0x0  }
0x14: {  	s2 =	sld [smem:$0x3F9C];
	s0 =	simm.s32 @p1 $0x1  }
0x15: {  	[smem:$0x3FB9] =	sst s0;
	s0 =	simm.s32 @!p2 $0x0  }
0x16: {  	s3 =	sld [smem:$0x3FDB];
	s0 =	simm.s32 @p2 $0x1  }
0x17: {  	s4 =	simm.s32 $0x1BF5;
	[smem:$0x3FBB] =	sst s0  }
0x18: {  	s0 =	sld [smem:$0x3F9E];
	_ =	swait.ge [sflag:s4], $0x0  }
0x19: {  	s7 =	sld [smem:$0x3F9F]  }
0x1a: {  	s8 =	sadd.s32 $0xFFFFE003, lr  }
0x1b: {  	s9 =	sadd.s32 $0xFFFFFEF7, lr;
	s5 =	simm.s32 $0xFFFFFFFF;
	p2 =	slt.u32 s8, $0xFFFFF086  }
0x1c: {  	p1 =	slt.u32 s9, $0xF7A;
	s5 =	simm.s32 @!p2 $0x0  }
0x1d: {  	s5 =	simm.s32 @p1 $0x1;
	p0 =	seq.s32 s7, s2  }
0x1e: {  	s7 =	smul.u32 @!p0 $0xF7A, s2;
	p2 =	seq.s32 @!p0 s5, $0x0  }
0x1f: {  	s9 =	smul.u32 $0xF7A, s1;
	s8 =	simm.s32 @!p0 $0x1BF5;
	p2 =	por !p2, p0  }
0x20: {  	[sflag:s8] =	ssyncset.s32 @!p0 $0xFFFFF086;
	s6 =	sadd.s32 @!p0 s3, s7;
	s7 =	simm.s32 @!p0 $0x108  }
0x21: {  	s3 =	sadd.s32 s3, s9;
	s6 =	sadd.s32 @!p0 $0x88, s6;
	s7 =	simm.s32 @p2 $0x1082  }
0x22: {  	[simem:s7], [sflag:s8] =	dma.local @!p0 [hbm:s6], $0xF7A  }
0x23: {  	s9 =	sor.u32 $0xD0000000, s2;
	s6 =	simm.s32 $0x108;
	_ =	swait.ge @!p0 [sflag:s8], $0x0  }
0x24: {  	s3 =	sadd.s32 $0x88, s3;
	s6 =	simm.s32 @!p1 $0x1082;
	[sflag:s4] =	ssyncset.s32 $0xFFFFF086  }
0x25: {  	[simem:s6], [sflag:s4] =	dma.local [hbm:s3], $0xF7A  }
0x26: {  	[smem:$0x3F9F] =	sst s1;
	(tag) =	ssettag s2;
	_ =	strace s9  }
0x27: {  	s1 =	sld [smem:$0x3FAF]  }
0x28: {  	s2 =	sld [smem:$0x3FB0]  }
0x29: {  	s4 =	sld [smem:$0x3FB2]  }
0x2a: {  	p0 =	seq.s32 s5, $0x0;
	s5 =	sld [smem:$0x3FB3]  }
0x2b: {  	s6 =	sld [smem:$0x3FB4]  }
0x2c: {  	s7 =	sld [smem:$0x3FB5]  }
0x2d: {  	s3 =	simm.s32 $0x108;
	s8 =	sld [smem:$0x3FB6]  }
0x2e: {  	s3 =	simm.s32 @!p0 $0x1082;
	s9 =	sld [smem:$0x3FB7]  }
0x2f: {  	lr =	sadd.s32 s0, s3;
	s0 =	sld [smem:$0x3FAE]  }
0x30: {  	s3 =	sld [smem:$0x3FB1]  }
0x31: {  	[smem:$0x3FBA] =	sst s10  }
0x32: {  	s10 =	sld [smem:$0x3FB8];
	_ =	sdelay $0x3  }
0x33: {  	p0 =	seq.s32 s10, $0x1;
	s10 =	sld [smem:$0x3FBA];
	_ =	sdelay $0x3  }
0x34: {  	[smem:$0x3FBA] =	sst s10  }
0x35: {  	s10 =	sld [smem:$0x3FB9];
	_ =	sdelay $0x3  }
0x36: {  	p1 =	seq.s32 s10, $0x1;
	s10 =	sld [smem:$0x3FBA];
	_ =	sdelay $0x3  }
0x37: {  	[smem:$0x3FBA] =	sst s10  }
0x38: {  	s10 =	sld [smem:$0x3FBB]  }
0x39: {  	_ = 	snop;
	(pc) =	sbr.ind lr, $3  }
0x3a: {  	_ = 	snop  }
0x3b: {  	_ = 	snop  }
0x3c: {  	p2 =	seq.s32 s10, $0x1;
	s10 =	sld [smem:$0x3FBA]  }
0x3d: {  	_ =	shalt  }
0x3e: {  	_ =	shalt  }
0x3f: {  	_ =	shalt  }
0x40: {  	_ =	shalt  }
0x41: {  	_ =	shalt  }
0x42: {  	_ =	shalt  }
0x43: {  	_ =	shalt  }
0x44: {  	_ =	shalt  }
0x45: {  	_ =	shalt  }
0x46: {  	_ =	shalt  }
0x47: {  	_ =	shalt  }
0x48: {  	_ =	shalt  }
0x49: {  	_ =	shalt  }
0x4a: {  	_ =	shalt  }
0x4b: {  	_ =	shalt  }
0x4c: {  	_ =	shalt  }
0x4d: {  	_ =	shalt  }
0x4e: {  	_ =	shalt  }
0x4f: {  	_ =	shalt  }
0x50: {  	_ =	shalt  }
0x51: {  	_ =	shalt  }
0x52: {  	_ =	shalt  }
0x53: {  	_ =	shalt  }
0x54: {  	_ =	shalt  }
0x55: {  	_ =	shalt  }
0x56: {  	_ =	shalt  }
0x57: {  	_ =	shalt  }
0x58: {  	_ =	shalt  }
0x59: {  	_ =	shalt  }
0x5a: {  	_ =	shalt  }
0x5b: {  	_ =	shalt  }
0x5c: {  	_ =	shalt  }
0x5d: {  	_ =	shalt  }
0x5e: {  	_ =	shalt  }
0x5f: {  	_ =	shalt  }
0x60: {  	_ =	shalt  }
0x61: {  	_ =	shalt  }
0x62: {  	_ =	shalt  }
0x63: {  	_ =	shalt  }
0x64: {  	_ =	shalt  }
0x65: {  	_ =	shalt  }
0x66: {  	_ =	shalt  }
0x67: {  	_ =	shalt  }
0x68: {  	_ =	shalt  }
0x69: {  	_ =	shalt  }
0x6a: {  	_ =	shalt  }
0x6b: {  	_ =	shalt  }
0x6c: {  	_ =	shalt  }
0x6d: {  	_ =	shalt  }
0x6e: {  	_ =	shalt  }
0x6f: {  	_ =	shalt  }
0x70: {  	_ =	shalt  }
0x71: {  	_ =	shalt  }
0x72: {  	_ =	shalt  }
0x73: {  	_ =	shalt  }
0x74: {  	_ =	shalt  }
0x75: {  	_ =	shalt  }
0x76: {  	_ =	shalt  }
0x77: {  	_ =	shalt  }
0x78: {  	_ =	shalt  }
0x79: {  	_ =	shalt  }
0x7a: {  	_ =	shalt  }
0x7b: {  	_ =	shalt  }
0x7c: {  	_ =	shalt  }
0x7d: {  	_ =	shalt  }
0x7e: {  	_ =	shalt  }
0x7f: {  	_ =	shalt  }
0x80: {  	_ =	shalt  }
0x81: {  	_ =	shalt  }
0x82: {  	_ =	shalt  }
0x83: {  	_ =	shalt  }
0x84: {  	_ =	shalt  }
0x85: {  	_ =	shalt  }
0x86: {  	_ =	shalt  }
0x87: {  	_ =	shalt  }
.Lfunc_end0:
.L_simem_size_0:
called_computation_lowered:
.L_overlay_start_0:
0x88: {  	s2 =	sld [smem:$0x3FD9]  }
0x89: {  	s3 =	sld [smem:$0x3FFE];
	_ =	sdelay $0x1  }
0x8a: {  	s1 =	srdreg.scid  }
0x8b: {  	s0 =	sand.u32 $0x1, s1  }
0x8c: {  	s17 =	sshll.u32 s0, $0xA;
	s2 =	sadd.s32 s3, s2  }
0x8d: {  	s2 =	sadd.s32 s2, s17  }
0x8e: {  	[smem:$0x3FC6] =	sst s2  }
0x8f: {  	_ = 	snop  }
0x90: {  	s2 =	sld [smem:$0x3FD0];
	(tm) =	ssettm $0x1  }
0x91: {  	s18 =	sld [smem:$0x3FFB];
	_ =	sdelay $0x3  }
0x92: {  	_ =	strace s18  }
0x93: {  	s3 =	sld [smem:$0x3FFC];
	_ =	sdelay $0x3  }
0x94: {  	_ =	strace s3  }
0x95: {  	s3 =	sld [smem:$0x3FFD];
	_ =	sdelay $0x3  }
0x96: {  	_ =	strace s3  }
0x97: {  	_ =	strace $0x8FFFFFFF  }
0x98: {  	s19 =	sld [smem:$0x3FDB];
	_ =	sdelay $0x1  }
0x99: {  	s4 =	simm.s32 $_scs_section_size  }
0x9a: {  	s5 =	simm.s32 $_size__tile_overlayer_lowered;
	s6 =	simm.s32 $_tile_overlayer_lowered  }
0x9b: {  	s22 =	simm.s32 $0x1BFF;
	s21 =	sshll.u32 s6, $0x1;
	s3 =	sadd.s32 s4, s19  }
0x9c: {  	s7 =	simm.s32 $0x0;
	s20 =	sshll.u32 s5, $0x1;
	s5 =	sadd.s32 s21, s3  }
0x9d: {  	[timem:s7], [sflag:s22] =	dma.local [hbm:s5], s20  }
0x9e: {  	_ =	swait.ge [sflag:s22], s20  }
0x9f: {  	s4 =	ssub.s32 $0x0, s20;
	[sflag:s22] =	ssyncset.done $0x0  }
0xa0: {  	[sflag:s22] =	ssyncadd.s32 s4;
	_ =	sdelay $0x1  }
0xa1: {  	s23 =	simm.s32 $0x1B8B  }
0xa2: {  	_ =	swait.ge [sflag:s23], $0x1  }
0xa3: {  	[sflag:s23] =	ssyncset.done $0x0  }
0xa4: {  	s25 =	simm.s32 $0x1B8E;
	s24 =	sld [smem:$0x3FFE];
	[sflag:s23] =	ssyncadd.s32 $0xFFFFFFFF  }
0xa5: {  	s26 =	simm.s32 $execute0_lowered;
	[smem:$0x3FD2] =	sst s25  }
0xa6: {  	s5 =	sshll.u32 s26, $0x1;
	_ =	strace $0x80000046;
	[dreg:$0x1] =	wrdreg $0xFFFFFFFF  }
0xa7: {  	s28 =	simm.s32 $_size_execute0_lowered;
	s3 =	sadd.s32 s3, s5;
	[dreg:$0x0] =	wrdreg $0x0  }
0xa8: {  	s5 =	sshll.u32 s28, $0x1;
	[dreg:$0x2] =	wrdreg s3  }
0xa9: {  	[dreg:$0x3] =	wrdreg s5  }
0xaa: {  	[dreg:$0x4] =	wrdreg $0xC0  }
0xab: {  	_ =	task [dreg:s7], $0x5FFFF  }
0xac: {  	[dreg:$0x1] =	wrdreg $0xFFFFFFFF  }
0xad: {  	[dreg:$0x0] =	wrdreg $0x60  }
0xae: {  	[dreg:$0x2] =	wrdreg s24  }
0xaf: {  	[dreg:$0x3] =	wrdreg s2  }
0xb0: {  	[dreg:$0x4] =	wrdreg $0x9  }
0xb1: {  	_ =	task.clear_ibuf [dreg:s7], $0x5FFFF;
	_ =	strace $0x90000046  }
0xb2: {  	s29 =	simm.s32 $0x9;
	_ =	strace $0x80000048  }
0xb3: {  	_ =	swait.ge [sflag:s29], $0x1  }
0xb4: {  	[sflag:s29] =	ssyncadd.s32 $0xFFFFFFFF  }
0xb5: {  	_ =	strace $0x90000048  }
0xb6: {  	_ =	sfence  }
0xb7: {  	s30 =	sld [smem:$0x0];
	_ =	sdelay $0x2  }
0xb8: {  	s31 =	sshll.u32 s1, $0xD;
	s1 =	sshrl.u32 s1, $0x2  }
0xb9: {  	s3 =	sand.u32 $0x4000, s31;
	s1 =	sadd.s32 s1, s30  }
0xba: {  	s0 =	sor.u32 s3, s0;
	s1 =	sshll.u32 s1, $0x11  }
0xbb: {  	s0 =	sor.u32 s1, s0  }
0xbc: {  	s0 =	sadd.s32 $0x8F2B, s0  }
0xbd: {  	[sflag:s0] =	ssyncadd.remote.s32 $0x1  }
0xbe: {  	_ =	sfence.sel $0xFFFF  }
0xbf: {  	[dreg:$0x0] =	wrdreg $0xFFFFFFFF;
	(pc) =	sbr.abs _section_cstart, $3  }
0xc0: {  	[dreg:$0x1] =	wrdreg $0xFFFFFFFF  }
0xc1: {  	_ =	task.clear_ibuf [dreg:s7], $0x2FFFF;
	_ =	strace $0x9FFFFFFF  }
0xc2: {  	(tm) =	ssettm $0x7FFFFFFF  }
0xc3: {  	_ =	shalt  }
tec
execute0_lowered:
.L_overlay_start_1:
0x0: {  	(tag) =	ssettag $0x1  }
0x1: {  	s0 =	rddreg [dreg:$0x0];
	s1 =	srdreg.scid  }
0x2: {  	s2 =	stileid.u32;
	s3 =	simm.s32 $0x0;
	s12 =	simm.s32 $0x10  }
0x3: {  	s13 =	simm.s32 $0x2000;
	s1 =	sand.u32 $0x1, s1;
	s4 =	sshll.u32 s2, $0x9  }
0x4: {  	[smem:$0x7FF] =	sst s3;
	s5 =	sshll.u32 s1, $0x8;
	s1 =	ssub.s32 $0x2, s1  }
0x5: {  	_ =	strace $0x80000047;
	s4 =	sor.u32 s5, s4;
	s5 =	sadd.s32 $0x400, s0  }
0x6: {  	s7 =	sshrl.u32 s1, $0x1;
	s0 =	sadd.s32 $0x10400, s0;
	s6 =	sshrl.u32 s4, $0x3  }
0x7: {  	[dreg:$0x4] =	wrdreg s0;
	s30 =	ssub.s32 s1, s7;
	s29 =	sadd.s32 s5, s6  }
0x8: {  	s15 =	simm.s32 $0x1;
	s0 =	smax.u32 s30, $0x1;
	[dreg:$0x3] =	wrdreg s29  }
0x9: {  	s16 =	simm.s32 $0x80;
	s31 =	sadd.s32 $0x2, s29;
	[dreg:$0x6] =	wrdreg s0  }
0xa: {  	s17 =	simm.s32 $0x2;
	v0 =	vlaneseq.u32;
	v1 =	vimm.s32 $0x0;
	s1 =	simm.s32 $0x0;
	[dreg:$0x5] =	wrdreg s31  }
.LBB2_1:
0xb: {  	[dreg:$0x7] =	wrdreg s1;
	s0 =	simm.s32 $0x0  }
0xc: {  	s26 =	rddreg [dreg:$0x4];
	s2 =	simm.s32 $0x19B20;
	s28 =	simm.s32 $0x5  }
0xd: {  	[tilespmem:s2], [sflag:$0x5] =	stream.linear.gather [hbm4b:s26+s0], $0x2000, $0x38;
	[tilespmem:$0x1BB20] =	vst v63  }
0xe: {  	_ =	swait.ge [sflag:s28], $0x2000  }
0xf: {  	[sflag:s28] =	ssyncset.done $0x0  }
0x10: {  	s29 =	rddreg [dreg:$0x3];
	[sflag:s28] =	ssyncadd.s32 $0xFFFFE000  }
0x11: {  	[tilespmem:s0], [sflag:$0x1] =	stream.strided.gather [hbm4b:s29+s12], $0x400, s13, s12, $0x38;
	[tilespmem:$0x1BB20] =	vst v63  }
0x12: {  	s31 =	simm.s32 $0x400;
	s21 =	simm.s32 $0x0;
	s30 =	rddreg [dreg:$0x5]  }
0x13: {  	[tilespmem:s31], [sflag:$0x2] =	stream.strided.gather [hbm4b:s30+s12], $0x400, s13, s12, $0x38;
	[tilespmem:$0x1BB20] =	vst v63  }
.LBB2_2:
0x14: {  	_ =	swait.ge [sflag:s15], $0x400  }
0x15: {  	[sflag:s15] =	ssyncset.done $0x0  }
0x16: {  	s0 =	simm.s32 $0x0;
	[sflag:s15] =	ssyncadd.s32 $0xFFFFFC00  }
0x17: {  	v3 =	vld [tilespmem:s0+$0x0];
	_ =	sdelay $0x1  }
0x18: {  	s22 =	sshll.u32 s21, $0x5  }
0x19: {  	s23 =	sor.u32 s4, s22  }
0x1a: {  	v2 =	vor.u32 s23, v0  }
0x1b: {  	v3 =	vsub.s32 v2, v3  }
0x1c: {  	vm0 =	vgt.s32 v3, $0x1;
	vm1 =	vgt.s32 v3, $0x2  }
0x1d: {  	s1 =	simm.s32 $0x10;
	s6 =	simm.s32 $0x80;
	v4 =	vsel vm0, $0x1, v1;
	v5 =	vsel vm1, $0x1, v1;
	vm0 =	vgt.s32 v3, $0x3  }
.LBB2_3:
0x1e: {  	p0 =	sne.s32 s6, $0xC40;
	v6 =	vld [tilespmem:s1+$0x0];
	v4 =	vadd.s32 v5, v4;
	v5 =	vsel vm0, $0x1, v1;
	vm0 =	vgt.s32 v3, $0x4  }
0x1f: {  	v4 =	vadd.s32 v5, v4;
	v5 =	vsel vm0, $0x1, v1;
	vm0 =	vgt.s32 v3, $0x7  }
0x20: {  	v4 =	vadd.s32 v5, v4;
	v5 =	vsel vm0, $0x1, v1;
	vm0 =	vgt.s32 v3, $0xF  }
.Ltmp0:
0x21: {  	v4 =	vadd.s32 v5, v4;
	v5 =	vsel vm0, $0x1, v1;
	vm0 =	vgt.s32 v3, $0x1F;
	(pc) =	sbr.rel @p0 .LBB2_3-.Ltmp0, $4  }
0x22: {  	v4 =	vadd.s32 v5, v4;
	v5 =	vsel vm0, $0x1, v1;
	vm0 =	vgt.s32 v3, $0x3F  }
0x23: {  	v3 =	vsub.s32 v2, v6;
	v4 =	vadd.s32 v5, v4;
	v5 =	vsel vm0, $0x1, v1  }
0x24: {  	vm0 =	vgt.s32 v3, $0x1;
	vm1 =	vgt.s32 v3, $0x2;
	v6 =	vadd.s32 v5, v4  }
0x25: {  	v4 =	vsel vm0, $0x1, v1;
	v5 =	vsel vm1, $0x1, v1;
	vm0 =	vgt.s32 v3, $0x3;
	[tilespmem:s0+$0x800] =	vst v6;
	s0 =	smov.u32 s1;
	s1 =	sshra.s32 s6, $0x2;
	s6 =	sadd.s32 $0x40, s6  }
0x26: {  	v6 =	vld [tilespmem:s1+$0x0];
	v4 =	vadd.s32 v5, v4;
	v5 =	vsel vm0, $0x1, v1;
	vm4 =	vgt.s32 v3, $0x4  }
0x27: {  	vm5 =	vgt.s32 v3, $0x7;
	v4 =	vadd.s32 v5, v4;
	v5 =	vsel vm4, $0x1, v1  }
0x28: {  	vm6 =	vgt.s32 v3, $0xF;
	v4 =	vadd.s32 v5, v4;
	v5 =	vsel vm5, $0x1, v1  }
0x29: {  	vm7 =	vgt.s32 v3, $0x1F;
	v4 =	vadd.s32 v5, v4;
	v5 =	vsel vm6, $0x1, v1  }
0x2a: {  	v4 =	vadd.s32 v5, v4;
	v5 =	vsel vm7, $0x1, v1  }
0x2b: {  	vm8 =	vgt.s32 v3, $0x3F;
	v2 =	vsub.s32 v2, v6;
	v3 =	vadd.s32 v5, v4  }
0x2c: {  	v4 =	vsel vm8, $0x1, v1;
	vm9 =	vgt.s32 v2, $0x1;
	vm1 =	vgt.s32 v2, $0x2  }
0x2d: {  	vm10 =	vgt.s32 v2, $0x3;
	v5 =	vsel vm9, $0x1, v1;
	v6 =	vsel vm1, $0x1, v1  }
0x2e: {  	vm11 =	vgt.s32 v2, $0x4;
	v5 =	vadd.s32 v6, v5;
	v6 =	vsel vm10, $0x1, v1  }
0x2f: {  	vm12 =	vgt.s32 v2, $0x7;
	v5 =	vadd.s32 v6, v5;
	v6 =	vsel vm11, $0x1, v1  }
0x30: {  	vm13 =	vgt.s32 v2, $0xF;
	v5 =	vadd.s32 v6, v5;
	v6 =	vsel vm12, $0x1, v1  }
0x31: {  	s6 =	sadd.s32 $0x20, s22;
	vm14 =	vgt.s32 v2, $0x1F;
	v5 =	vadd.s32 v6, v5;
	v6 =	vsel vm13, $0x1, v1  }
0x32: {  	s6 =	sand.u32 $0xE0, s6;
	vm15 =	vgt.s32 v2, $0x3F;
	v5 =	vadd.s32 v6, v5;
	v6 =	vsel vm14, $0x1, v1  }
0x33: {  	s6 =	sor.u32 s4, s6;
	v2 =	vadd.s32 v4, v3;
	v4 =	vsel vm15, $0x1, v1;
	v3 =	vadd.s32 v6, v5  }
0x34: {  	s14 =	sshrl.u32 s6, $0x3;
	[tilespmem:s0+$0x800] =	vst v2;
	v2 =	vadd.s32 v4, v3  }
0x35: {  	s18 =	simm.s32 $0x0;
	p0 =	seq.s32 s21, $0x0;
	s0 =	sadd.s32 s5, s14;
	[tilespmem:s1+$0x800] =	vst v2  }
0x36: {  	[tilespmem:s18], [sflag:$0x1] =	stream.strided.gather [hbm4b:s0+s12], $0x400, s13, s12, $0x38;
	[tilespmem:$0x1BB20] =	vst v63  }
0x37: {  	s0 =	simm.s32 @!p0 $0x3  }
0x38: {  	_ =	swait.ge @!p0 [sflag:s0], $0xC800  }
0x39: {  	[sflag:s0] =	ssyncset.done @!p0 $0x0  }
0x3a: {  	[sflag:s0] =	ssyncadd.s32 @!p0 $0xFFFF3800  }
0x3b: {  	v3 =	vld [tilespmem:$0x800]  }
0x3c: {  	s19 =	simm.s32 $0x19C20;
	v4 =	vld [tilespmem:$0x800]  }
0x3d: {  	v9 =	vld [tilespmem:s19+$0x80]  }
0x3e: {  	v2 =	vld [tilespmem:s19+$0xFFFFFF80];
	_ =	sdelay $0x1  }
0x3f: {  	s8 =	simm.s32 $0x0  }
0x40: {  	s20 =	simm.s32 $0x30;
	s0 =	sand.u32 $0x380, s8;
	v5 =	vand.u32 $0xF, v4  }
0x41: {  	s7 =	simm.s32 $0x10;
	s1 =	sand.u32 $0x70, s20;
	s9 =	sadd.s32 $0xB20, s0;
	v6 =	vand.u32 $0xF, v3;
	v7 =	vperm.xlane v9, v5  }
0x42: {  	s10 =	sand.u32 $0x50, s7;
	s24 =	sadd.s32 s1, s9;
	v3 =	vld [tilespmem:s19+$0x0];
	v8 =	vperm.xlane v2, v6  }
0x43: {  	s25 =	sor.u32 s10, s9;
	v4 =	vld [tilespmem:s19+$0xFFFFFF00];
	[tilespmem:s24+$0x0] =	vst v7  }
0x44: {  	[tilespmem:s25+$0x0] =	vst v8;
	v7 =	vld [tilespmem:$0x810]  }
0x45: {  	v8 =	vld [tilespmem:$0x810]  }
0x46: {  	s26 =	simm.s32 $0x20  }
0x47: {  	s7 =	sand.u32 $0x60, s26;
	v5 =	vperm.xlane v3, v5  }
0x48: {  	s8 =	sand.u32 $0x40, s8;
	s6 =	sadd.s32 s7, s9;
	v6 =	vperm.xlane v4, v6  }
0x49: {  	s2 =	sadd.s32 $0xF20, s0;
	s9 =	sor.u32 s8, s9;
	[tilespmem:s6+$0x0] =	vst v5;
	v5 =	vperm.xlane v9, v7  }
0x4a: {  	s3 =	sadd.s32 s1, s2;
	[tilespmem:s9+$0x0] =	vst v6;
	v6 =	vld [tilespmem:$0x810];
	v7 =	vperm.xlane v2, v8  }
0x4b: {  	s11 =	sor.u32 s10, s2;
	v8 =	vld [tilespmem:$0x810];
	[tilespmem:s3+$0x0] =	vst v5  }
0x4c: {  	[tilespmem:s11+$0x0] =	vst v7;
	v5 =	vld [tilespmem:$0x820]  }
0x4d: {  	v7 =	vld [tilespmem:$0x820];
	_ =	sdelay $0x1  }
0x4e: {  	v6 =	vperm.xlane v3, v6  }
0x4f: {  	s11 =	sadd.s32 s7, s2;
	v8 =	vperm.xlane v4, v8  }
0x50: {  	s14 =	sadd.s32 $0x1320, s0;
	s6 =	sor.u32 s8, s2;
	[tilespmem:s11+$0x0] =	vst v6;
	v5 =	vperm.xlane v9, v5  }
0x51: {  	s18 =	sadd.s32 s1, s14;
	[tilespmem:s6+$0x0] =	vst v8;
	v6 =	vld [tilespmem:$0x820];
	v7 =	vperm.xlane v2, v7  }
0x52: {  	s19 =	sor.u32 s10, s14;
	v8 =	vld [tilespmem:$0x820];
	[tilespmem:s18+$0x0] =	vst v5  }
0x53: {  	[tilespmem:s19+$0x0] =	vst v7;
	v5 =	vld [tilespmem:$0x830]  }
0x54: {  	v7 =	vld [tilespmem:$0x830];
	_ =	sdelay $0x1  }
0x55: {  	v6 =	vperm.xlane v3, v6  }
0x56: {  	s20 =	sadd.s32 s7, s14;
	v8 =	vperm.xlane v4, v8  }
0x57: {  	s24 =	sadd.s32 $0x1720, s0;
	s9 =	sor.u32 s8, s14;
	[tilespmem:s20+$0x0] =	vst v6;
	v5 =	vperm.xlane v9, v5  }
0x58: {  	s25 =	sadd.s32 s1, s24;
	[tilespmem:s9+$0x0] =	vst v8;
	v6 =	vld [tilespmem:$0x830];
	v7 =	vperm.xlane v2, v7  }
0x59: {  	s26 =	sor.u32 s10, s24;
	v8 =	vld [tilespmem:$0x830];
	[tilespmem:s25+$0x0] =	vst v5  }
0x5a: {  	[tilespmem:s26+$0x0] =	vst v7;
	v5 =	vld [tilespmem:$0x840]  }
0x5b: {  	v7 =	vld [tilespmem:$0x840];
	_ =	sdelay $0x1  }
0x5c: {  	v6 =	vperm.xlane v3, v6  }
0x5d: {  	s2 =	sadd.s32 s7, s24;
	v8 =	vperm.xlane v4, v8  }
0x5e: {  	s3 =	sadd.s32 $0x1B20, s0;
	s6 =	sor.u32 s8, s24;
	[tilespmem:s2+$0x0] =	vst v6;
	v5 =	vperm.xlane v9, v5  }
0x5f: {  	s11 =	sadd.s32 s1, s3;
	[tilespmem:s6+$0x0] =	vst v8;
	v6 =	vld [tilespmem:$0x840];
	v7 =	vperm.xlane v2, v7  }
0x60: {  	s14 =	sor.u32 s10, s3;
	v8 =	vld [tilespmem:$0x840];
	[tilespmem:s11+$0x0] =	vst v5  }
0x61: {  	[tilespmem:s14+$0x0] =	vst v7;
	v5 =	vld [tilespmem:$0x850]  }
0x62: {  	v7 =	vld [tilespmem:$0x850];
	_ =	sdelay $0x1  }
0x63: {  	v6 =	vperm.xlane v3, v6  }
0x64: {  	s18 =	sadd.s32 s7, s3;
	v8 =	vperm.xlane v4, v8  }
0x65: {  	s19 =	sadd.s32 $0x1F20, s0;
	s9 =	sor.u32 s8, s3;
	[tilespmem:s18+$0x0] =	vst v6;
	v5 =	vperm.xlane v9, v5  }
0x66: {  	s20 =	sadd.s32 s1, s19;
	[tilespmem:s9+$0x0] =	vst v8;
	v6 =	vld [tilespmem:$0x850];
	v7 =	vperm.xlane v2, v7  }
0x67: {  	s24 =	sor.u32 s10, s19;
	v8 =	vld [tilespmem:$0x850];
	[tilespmem:s20+$0x0] =	vst v5  }
0x68: {  	[tilespmem:s24+$0x0] =	vst v7;
	v5 =	vld [tilespmem:$0x860]  }
0x69: {  	v7 =	vld [tilespmem:$0x860];
	_ =	sdelay $0x1  }
0x6a: {  	v6 =	vperm.xlane v3, v6  }
0x6b: {  	s25 =	sadd.s32 s7, s19;
	v8 =	vperm.xlane v4, v8  }
0x6c: {  	s26 =	sadd.s32 $0x2320, s0;
	s6 =	sor.u32 s8, s19;
	[tilespmem:s25+$0x0] =	vst v6;
	v5 =	vperm.xlane v9, v5  }
0x6d: {  	s2 =	sadd.s32 s1, s26;
	[tilespmem:s6+$0x0] =	vst v8;
	v6 =	vld [tilespmem:$0x860];
	v7 =	vperm.xlane v2, v7  }
0x6e: {  	s3 =	sor.u32 s10, s26;
	v8 =	vld [tilespmem:$0x860];
	[tilespmem:s2+$0x0] =	vst v5  }
0x6f: {  	[tilespmem:s3+$0x0] =	vst v7;
	v5 =	vld [tilespmem:$0x870]  }
0x70: {  	v7 =	vld [tilespmem:$0x870];
	_ =	sdelay $0x1  }
0x71: {  	v6 =	vperm.xlane v3, v6  }
0x72: {  	s11 =	sadd.s32 s7, s26;
	v8 =	vperm.xlane v4, v8  }
0x73: {  	s14 =	sadd.s32 $0x2720, s0;
	s9 =	sor.u32 s8, s26;
	[tilespmem:s11+$0x0] =	vst v6;
	v5 =	vperm.xlane v9, v5  }
0x74: {  	s18 =	sadd.s32 s1, s14;
	[tilespmem:s9+$0x0] =	vst v8;
	v6 =	vld [tilespmem:$0x870];
	v7 =	vperm.xlane v2, v7  }
0x75: {  	s19 =	sor.u32 s10, s14;
	v8 =	vld [tilespmem:$0x870];
	[tilespmem:s18+$0x0] =	vst v5  }
0x76: {  	[tilespmem:s19+$0x0] =	vst v7;
	v5 =	vld [tilespmem:$0x880]  }
0x77: {  	v7 =	vld [tilespmem:$0x880];
	_ =	sdelay $0x1  }
0x78: {  	v6 =	vperm.xlane v3, v6  }
0x79: {  	s20 =	sadd.s32 s7, s14;
	v8 =	vperm.xlane v4, v8  }
0x7a: {  	s24 =	sadd.s32 $0x2B20, s0;
	s6 =	sor.u32 s8, s14;
	[tilespmem:s20+$0x0] =	vst v6;
	v5 =	vperm.xlane v9, v5  }
0x7b: {  	s25 =	sadd.s32 s1, s24;
	[tilespmem:s6+$0x0] =	vst v8;
	v6 =	vld [tilespmem:$0x880];
	v7 =	vperm.xlane v2, v7  }
0x7c: {  	s26 =	sor.u32 s10, s24;
	v8 =	vld [tilespmem:$0x880];
	[tilespmem:s25+$0x0] =	vst v5  }
0x7d: {  	[tilespmem:s26+$0x0] =	vst v7;
	v5 =	vld [tilespmem:$0x890]  }
0x7e: {  	v7 =	vld [tilespmem:$0x890];
	_ =	sdelay $0x1  }
0x7f: {  	v6 =	vperm.xlane v3, v6  }
0x80: {  	s2 =	sadd.s32 s7, s24;
	v8 =	vperm.xlane v4, v8  }
0x81: {  	s3 =	sadd.s32 $0x2F20, s0;
	s9 =	sor.u32 s8, s24;
	[tilespmem:s2+$0x0] =	vst v6;
	v5 =	vperm.xlane v9, v5  }
0x82: {  	s11 =	sadd.s32 s1, s3;
	[tilespmem:s9+$0x0] =	vst v8;
	v6 =	vld [tilespmem:$0x890];
	v7 =	vperm.xlane v2, v7  }
0x83: {  	s14 =	sor.u32 s10, s3;
	v8 =	vld [tilespmem:$0x890];
	[tilespmem:s11+$0x0] =	vst v5  }
0x84: {  	[tilespmem:s14+$0x0] =	vst v7;
	v5 =	vld [tilespmem:$0x8A0]  }
0x85: {  	v7 =	vld [tilespmem:$0x8A0];
	_ =	sdelay $0x1  }
0x86: {  	v6 =	vperm.xlane v3, v6  }
0x87: {  	s18 =	sadd.s32 s7, s3;
	v8 =	vperm.xlane v4, v8  }
0x88: {  	s19 =	sadd.s32 $0x3320, s0;
	s6 =	sor.u32 s8, s3;
	[tilespmem:s18+$0x0] =	vst v6;
	v5 =	vperm.xlane v9, v5  }
0x89: {  	s20 =	sadd.s32 s1, s19;
	[tilespmem:s6+$0x0] =	vst v8;
	v6 =	vld [tilespmem:$0x8A0];
	v7 =	vperm.xlane v2, v7  }
0x8a: {  	s24 =	sor.u32 s10, s19;
	v8 =	vld [tilespmem:$0x8A0];
	[tilespmem:s20+$0x0] =	vst v5  }
0x8b: {  	[tilespmem:s24+$0x0] =	vst v7;
	v5 =	vld [tilespmem:$0x8B0]  }
0x8c: {  	v7 =	vld [tilespmem:$0x8B0];
	_ =	sdelay $0x1  }
0x8d: {  	v6 =	vperm.xlane v3, v6  }
0x8e: {  	s25 =	sadd.s32 s7, s19;
	v8 =	vperm.xlane v4, v8  }
0x8f: {  	s26 =	sadd.s32 $0x3720, s0;
	s9 =	sor.u32 s8, s19;
	[tilespmem:s25+$0x0] =	vst v6;
	v5 =	vperm.xlane v9, v5  }
0x90: {  	s2 =	sadd.s32 s1, s26;
	[tilespmem:s9+$0x0] =	vst v8;
	v7 =	vperm.xlane v2, v7  }
0x91: {  	s3 =	sor.u32 s10, s26;
	v8 =	vld [tilespmem:$0x8B0];
	[tilespmem:s2+$0x0] =	vst v5  }
0x92: {  	v6 =	vld [tilespmem:$0x8B0];
	[tilespmem:s3+$0x0] =	vst v7  }
0x93: {  	v5 =	vld [tilespmem:$0x8C0];
	_ =	sdelay $0x2  }
0x94: {  	v7 =	vperm.xlane v4, v8  }
0x95: {  	s6 =	sor.u32 s8, s26;
	v6 =	vperm.xlane v3, v6  }
0x96: {  	s14 =	sadd.s32 s7, s26;
	s18 =	sadd.s32 $0x3B20, s0;
	v8 =	vld [tilespmem:$0x8C0];
	[tilespmem:s6+$0x0] =	vst v7;
	v5 =	vperm.xlane v9, v5  }
0x97: {  	s19 =	sadd.s32 s1, s18;
	[tilespmem:s14+$0x0] =	vst v6;
	v7 =	vld [tilespmem:$0x8C0]  }
0x98: {  	v6 =	vld [tilespmem:$0x8C0];
	[tilespmem:s19+$0x0] =	vst v5  }
0x99: {  	v5 =	vld [tilespmem:$0x8D0];
	_ =	sdelay $0x1  }
0x9a: {  	v8 =	vperm.xlane v2, v8  }
0x9b: {  	s20 =	sor.u32 s10, s18;
	v7 =	vperm.xlane v4, v7  }
0x9c: {  	s6 =	sor.u32 s8, s18;
	v6 =	vperm.xlane v3, v6;
	[tilespmem:s20+$0x0] =	vst v8  }
0x9d: {  	s24 =	sadd.s32 s7, s18;
	s25 =	sadd.s32 $0x3F20, s0;
	v8 =	vld [tilespmem:$0x8D0];
	[tilespmem:s6+$0x0] =	vst v7;
	v5 =	vperm.xlane v9, v5  }
0x9e: {  	s26 =	sadd.s32 s1, s25;
	[tilespmem:s24+$0x0] =	vst v6;
	v7 =	vld [tilespmem:$0x8D0]  }
0x9f: {  	v6 =	vld [tilespmem:$0x8D0];
	[tilespmem:s26+$0x0] =	vst v5  }
0xa0: {  	v5 =	vld [tilespmem:$0x8E0];
	_ =	sdelay $0x1  }
0xa1: {  	v8 =	vperm.xlane v2, v8  }
0xa2: {  	s2 =	sor.u32 s10, s25;
	v7 =	vperm.xlane v4, v7  }
0xa3: {  	s6 =	sor.u32 s8, s25;
	v6 =	vperm.xlane v3, v6;
	[tilespmem:s2+$0x0] =	vst v8  }
0xa4: {  	s11 =	sadd.s32 $0x4320, s0;
	s3 =	sadd.s32 s7, s25;
	v8 =	vld [tilespmem:$0x8E0];
	[tilespmem:s6+$0x0] =	vst v7;
	v5 =	vperm.xlane v9, v5  }
0xa5: {  	s14 =	sadd.s32 s1, s11;
	[tilespmem:s3+$0x0] =	vst v6;
	v7 =	vld [tilespmem:$0x8E0]  }
0xa6: {  	v6 =	vld [tilespmem:$0x8E0];
	[tilespmem:s14+$0x0] =	vst v5  }
0xa7: {  	v5 =	vld [tilespmem:$0x8F0];
	_ =	sdelay $0x1  }
0xa8: {  	v8 =	vperm.xlane v2, v8  }
0xa9: {  	s18 =	sor.u32 s10, s11;
	v7 =	vperm.xlane v4, v7  }
0xaa: {  	s6 =	sor.u32 s8, s11;
	v6 =	vperm.xlane v3, v6;
	[tilespmem:s18+$0x0] =	vst v8  }
0xab: {  	s19 =	sadd.s32 s7, s11;
	s20 =	sadd.s32 $0x4720, s0;
	v8 =	vld [tilespmem:$0x8F0];
	[tilespmem:s6+$0x0] =	vst v7;
	v5 =	vperm.xlane v9, v5  }
0xac: {  	s24 =	sadd.s32 s1, s20;
	[tilespmem:s19+$0x0] =	vst v6;
	v7 =	vld [tilespmem:$0x8F0]  }
0xad: {  	v6 =	vld [tilespmem:$0x8F0];
	[tilespmem:s24+$0x0] =	vst v5  }
0xae: {  	v5 =	vld [tilespmem:$0x900];
	_ =	sdelay $0x1  }
0xaf: {  	v8 =	vperm.xlane v2, v8  }
0xb0: {  	s25 =	sor.u32 s10, s20;
	v7 =	vperm.xlane v4, v7  }
0xb1: {  	s6 =	sor.u32 s8, s20;
	v6 =	vperm.xlane v3, v6;
	[tilespmem:s25+$0x0] =	vst v8  }
0xb2: {  	s26 =	sadd.s32 s7, s20;
	s2 =	sadd.s32 $0x4B20, s0;
	v8 =	vld [tilespmem:$0x900];
	[tilespmem:s6+$0x0] =	vst v7;
	v5 =	vperm.xlane v9, v5  }
0xb3: {  	s3 =	sadd.s32 s1, s2;
	[tilespmem:s26+$0x0] =	vst v6;
	v7 =	vld [tilespmem:$0x900]  }
0xb4: {  	v6 =	vld [tilespmem:$0x900];
	[tilespmem:s3+$0x0] =	vst v5  }
0xb5: {  	v5 =	vld [tilespmem:$0x910];
	_ =	sdelay $0x1  }
0xb6: {  	v8 =	vperm.xlane v2, v8  }
0xb7: {  	s11 =	sor.u32 s10, s2;
	v7 =	vperm.xlane v4, v7  }
0xb8: {  	s6 =	sor.u32 s8, s2;
	v6 =	vperm.xlane v3, v6;
	[tilespmem:s11+$0x0] =	vst v8  }
0xb9: {  	s14 =	sadd.s32 s7, s2;
	s18 =	sadd.s32 $0x4F20, s0;
	v8 =	vld [tilespmem:$0x910];
	[tilespmem:s6+$0x0] =	vst v7;
	v5 =	vperm.xlane v9, v5  }
0xba: {  	s19 =	sadd.s32 s1, s18;
	[tilespmem:s14+$0x0] =	vst v6;
	v7 =	vld [tilespmem:$0x910]  }
0xbb: {  	v6 =	vld [tilespmem:$0x910];
	[tilespmem:s19+$0x0] =	vst v5  }
0xbc: {  	v5 =	vld [tilespmem:$0x920];
	_ =	sdelay $0x1  }
0xbd: {  	v8 =	vperm.xlane v2, v8  }
0xbe: {  	s20 =	sor.u32 s10, s18;
	v7 =	vperm.xlane v4, v7  }
0xbf: {  	s6 =	sor.u32 s8, s18;
	v6 =	vperm.xlane v3, v6;
	[tilespmem:s20+$0x0] =	vst v8  }
0xc0: {  	s24 =	sadd.s32 s7, s18;
	s25 =	sadd.s32 $0x5320, s0;
	v8 =	vld [tilespmem:$0x920];
	[tilespmem:s6+$0x0] =	vst v7;
	v5 =	vperm.xlane v9, v5  }
0xc1: {  	s26 =	sadd.s32 s1, s25;
	[tilespmem:s24+$0x0] =	vst v6;
	v7 =	vld [tilespmem:$0x920]  }
0xc2: {  	v6 =	vld [tilespmem:$0x920];
	[tilespmem:s26+$0x0] =	vst v5  }
0xc3: {  	v5 =	vld [tilespmem:$0x930];
	_ =	sdelay $0x1  }
0xc4: {  	v8 =	vperm.xlane v2, v8  }
0xc5: {  	s2 =	sor.u32 s10, s25;
	v7 =	vperm.xlane v4, v7  }
0xc6: {  	s6 =	sor.u32 s8, s25;
	v6 =	vperm.xlane v3, v6;
	[tilespmem:s2+$0x0] =	vst v8  }
0xc7: {  	s3 =	sadd.s32 s7, s25;
	s11 =	sadd.s32 $0x5720, s0;
	v8 =	vld [tilespmem:$0x930];
	[tilespmem:s6+$0x0] =	vst v7;
	v5 =	vperm.xlane v9, v5  }
0xc8: {  	s14 =	sadd.s32 s1, s11;
	[tilespmem:s3+$0x0] =	vst v6;
	v7 =	vld [tilespmem:$0x930]  }
0xc9: {  	v6 =	vld [tilespmem:$0x930];
	[tilespmem:s14+$0x0] =	vst v5  }
0xca: {  	v5 =	vld [tilespmem:$0x940];
	_ =	sdelay $0x1  }
0xcb: {  	v8 =	vperm.xlane v2, v8  }
0xcc: {  	s18 =	sor.u32 s10, s11;
	v7 =	vperm.xlane v4, v7  }
0xcd: {  	s6 =	sor.u32 s8, s11;
	v6 =	vperm.xlane v3, v6;
	[tilespmem:s18+$0x0] =	vst v8  }
0xce: {  	s19 =	sadd.s32 s7, s11;
	s20 =	sadd.s32 $0x5B20, s0;
	v8 =	vld [tilespmem:$0x940];
	[tilespmem:s6+$0x0] =	vst v7;
	v5 =	vperm.xlane v9, v5  }
0xcf: {  	s24 =	sadd.s32 s1, s20;
	[tilespmem:s19+$0x0] =	vst v6;
	v7 =	vld [tilespmem:$0x940]  }
0xd0: {  	v6 =	vld [tilespmem:$0x940];
	[tilespmem:s24+$0x0] =	vst v5  }
0xd1: {  	v5 =	vld [tilespmem:$0x950];
	_ =	sdelay $0x1  }
0xd2: {  	v8 =	vperm.xlane v2, v8  }
0xd3: {  	s25 =	sor.u32 s10, s20;
	v7 =	vperm.xlane v4, v7  }
0xd4: {  	s6 =	sor.u32 s8, s20;
	v6 =	vperm.xlane v3, v6;
	[tilespmem:s25+$0x0] =	vst v8  }
0xd5: {  	s26 =	sadd.s32 s7, s20;
	s2 =	sadd.s32 $0x5F20, s0;
	v8 =	vld [tilespmem:$0x950];
	[tilespmem:s6+$0x0] =	vst v7;
	v5 =	vperm.xlane v9, v5  }
0xd6: {  	s3 =	sadd.s32 s1, s2;
	[tilespmem:s26+$0x0] =	vst v6;
	v7 =	vld [tilespmem:$0x950]  }
0xd7: {  	v6 =	vld [tilespmem:$0x950];
	[tilespmem:s3+$0x0] =	vst v5  }
0xd8: {  	v5 =	vld [tilespmem:$0x960];
	_ =	sdelay $0x1  }
0xd9: {  	v8 =	vperm.xlane v2, v8  }
0xda: {  	s11 =	sor.u32 s10, s2;
	v7 =	vperm.xlane v4, v7  }
0xdb: {  	s6 =	sor.u32 s8, s2;
	v6 =	vperm.xlane v3, v6;
	[tilespmem:s11+$0x0] =	vst v8  }
0xdc: {  	s14 =	sadd.s32 s7, s2;
	s18 =	sadd.s32 $0x6320, s0;
	v8 =	vld [tilespmem:$0x960];
	[tilespmem:s6+$0x0] =	vst v7;
	v5 =	vperm.xlane v9, v5  }
0xdd: {  	s19 =	sadd.s32 s1, s18;
	[tilespmem:s14+$0x0] =	vst v6;
	v7 =	vld [tilespmem:$0x960]  }
0xde: {  	v6 =	vld [tilespmem:$0x960];
	[tilespmem:s19+$0x0] =	vst v5  }
0xdf: {  	v5 =	vld [tilespmem:$0x970];
	_ =	sdelay $0x1  }
0xe0: {  	v8 =	vperm.xlane v2, v8  }
0xe1: {  	s20 =	sor.u32 s10, s18;
	v7 =	vperm.xlane v4, v7  }
0xe2: {  	s6 =	sor.u32 s8, s18;
	v6 =	vperm.xlane v3, v6;
	[tilespmem:s20+$0x0] =	vst v8  }
0xe3: {  	s24 =	sadd.s32 s7, s18;
	s25 =	sadd.s32 $0x6720, s0;
	v8 =	vld [tilespmem:$0x970];
	[tilespmem:s6+$0x0] =	vst v7;
	v5 =	vperm.xlane v9, v5  }
0xe4: {  	s26 =	sadd.s32 s1, s25;
	[tilespmem:s24+$0x0] =	vst v6;
	v7 =	vld [tilespmem:$0x970]  }
0xe5: {  	v6 =	vld [tilespmem:$0x970];
	[tilespmem:s26+$0x0] =	vst v5  }
0xe6: {  	v5 =	vld [tilespmem:$0x980];
	_ =	sdelay $0x1  }
0xe7: {  	v8 =	vperm.xlane v2, v8  }
0xe8: {  	s2 =	sor.u32 s10, s25;
	v7 =	vperm.xlane v4, v7  }
0xe9: {  	v11 =	vld [tilespmem:$0x800];
	s6 =	sor.u32 s8, s25;
	v6 =	vperm.xlane v3, v6;
	[tilespmem:s2+$0x0] =	vst v8  }
0xea: {  	v13 =	vld [tilespmem:$0x800];
	s3 =	sadd.s32 s7, s25;
	s11 =	sadd.s32 $0x6B20, s0;
	[tilespmem:s6+$0x0] =	vst v7;
	v5 =	vperm.xlane v9, v5  }
0xeb: {  	s14 =	sadd.s32 s1, s11;
	[tilespmem:s3+$0x0] =	vst v6;
	v6 =	vld [tilespmem:$0x980]  }
0xec: {  	v8 =	vld [tilespmem:$0x980];
	[tilespmem:s14+$0x0] =	vst v5  }
0xed: {  	v12 =	vld [tilespmem:$0x990]  }
0xee: {  	s30 =	simm.s32 $0x19E20;
	v10 =	vld [tilespmem:$0x980]  }
0xef: {  	v7 =	vld [tilespmem:s30+$0x80]  }
0xf0: {  	v14 =	vperm.xlane v4, v6;
	v6 =	vld [tilespmem:s30+$0xFFFFFF80]  }
0xf1: {  	s31 =	simm.s32 $0x70;
	s18 =	sor.u32 s8, s11;
	v15 =	vperm.xlane v2, v8;
	v5 =	vld [tilespmem:s30+$0x0]  }
0xf2: {  	s19 =	sor.u32 s10, s11;
	s20 =	simm.s32 $0x40;
	v8 =	vld [tilespmem:s30+$0xFFFFFF00];
	[tilespmem:s18+$0x0] =	vst v14;
	s18 =	sadd.s32 $0x6F20, s0;
	v12 =	vperm.xlane v9, v12  }
0xf3: {  	s28 =	sand.u32 $0x70, s31;
	v13 =	vand.u32 $0xF, v13;
	s24 =	sand.u32 $0x380, s20;
	v10 =	vperm.xlane v3, v10;
	[tilespmem:s19+$0x0] =	vst v15;
	v14 =	vld [tilespmem:$0x990];
	s26 =	sadd.s32 s1, s18  }
0xf4: {  	v11 =	vand.u32 $0xF, v11;
	s25 =	simm.s32 $0x50;
	s6 =	sadd.s32 s7, s11;
	s19 =	sadd.s32 $0xB20, s24;
	v15 =	vperm.xlane v7, v13;
	v16 =	vld [tilespmem:$0x990];
	[tilespmem:s26+$0x0] =	vst v12  }
0xf5: {  	s29 =	sand.u32 $0x50, s25;
	s2 =	simm.s32 $0x60;
	s3 =	sadd.s32 s28, s19;
	[tilespmem:s6+$0x0] =	vst v10;
	v10 =	vperm.xlane v6, v11;
	v12 =	vld [tilespmem:$0x9A0]  }
0xf6: {  	s11 =	sor.u32 s29, s19;
	[tilespmem:s3+$0x0] =	vst v15;
	v13 =	vperm.xlane v5, v13;
	v15 =	vld [tilespmem:$0x990];
	s26 =	sand.u32 $0x60, s2  }
0xf7: {  	s25 =	sand.u32 $0x40, s20;
	s14 =	sadd.s32 s26, s19;
	[tilespmem:s11+$0x0] =	vst v10;
	v10 =	vperm.xlane v8, v11;
	v11 =	vld [tilespmem:$0x810]  }
0xf8: {  	s9 =	sor.u32 s25, s19;
	[tilespmem:s14+$0x0] =	vst v13;
	v17 =	vld [tilespmem:$0x810];
	v13 =	vperm.xlane v4, v14  }
0xf9: {  	s19 =	sor.u32 s8, s18;
	v14 =	vperm.xlane v2, v16;
	[tilespmem:s9+$0x0] =	vst v10;
	v10 =	vld [tilespmem:$0x810]  }
0xfa: {  	s6 =	sadd.s32 $0x7320, s0;
	s20 =	sor.u32 s10, s18;
	v16 =	vld [tilespmem:$0x810];
	[tilespmem:s19+$0x0] =	vst v13;
	v12 =	vperm.xlane v9, v12  }
0xfb: {  	s2 =	sadd.s32 s1, s6;
	[tilespmem:s20+$0x0] =	vst v14;
	v14 =	vperm.xlane v3, v15;
	v13 =	vld [tilespmem:$0x9A0]  }
0xfc: {  	s3 =	sadd.s32 s7, s18;
	s14 =	sadd.s32 $0xF20, s24;
	v11 =	vperm.xlane v7, v11;
	[tilespmem:s2+$0x0] =	vst v12;
	v12 =	vld [tilespmem:$0x9A0]  }
0xfd: {  	s18 =	sadd.s32 s28, s14;
	[tilespmem:s3+$0x0] =	vst v14;
	v15 =	vperm.xlane v6, v17;
	v14 =	vld [tilespmem:$0x9B0]  }
0xfe: {  	s19 =	sor.u32 s29, s14;
	[tilespmem:s18+$0x0] =	vst v11;
	v10 =	vperm.xlane v5, v10;
	v11 =	vld [tilespmem:$0x9A0]  }
0xff: {  	s20 =	sadd.s32 s26, s14;
	[tilespmem:s19+$0x0] =	vst v15;
	v15 =	vperm.xlane v8, v16;
	v16 =	vld [tilespmem:$0x820]  }
0x100: {  	s9 =	sor.u32 s25, s14;
	v17 =	vld [tilespmem:$0x820];
	[tilespmem:s20+$0x0] =	vst v10;
	v10 =	vperm.xlane v4, v13  }
0x101: {  	s2 =	sor.u32 s8, s6;
	[tilespmem:s9+$0x0] =	vst v15;
	v13 =	vld [tilespmem:$0x820];
	v12 =	vperm.xlane v2, v12  }
0x102: {  	s11 =	sadd.s32 $0x7720, s0;
	s3 =	sor.u32 s10, s6;
	v15 =	vld [tilespmem:$0x820];
	[tilespmem:s2+$0x0] =	vst v10;
	v10 =	vperm.xlane v9, v14  }
0x103: {  	s14 =	sadd.s32 s1, s11;
	v14 =	vld [tilespmem:$0x9B0];
	v11 =	vperm.xlane v3, v11;
	[tilespmem:s3+$0x0] =	vst v12  }
0x104: {  	s6 =	sadd.s32 s7, s6;
	s18 =	sadd.s32 $0x1320, s24;
	[tilespmem:s14+$0x0] =	vst v10;
	v10 =	vperm.xlane v7, v16;
	v12 =	vld [tilespmem:$0x9B0]  }
0x105: {  	s19 =	sadd.s32 s28, s18;
	v16 =	vperm.xlane v6, v17;
	[tilespmem:s6+$0x0] =	vst v11;
	v11 =	vld [tilespmem:$0x9C0]  }
0x106: {  	s20 =	sor.u32 s29, s18;
	[tilespmem:s19+$0x0] =	vst v10;
	v10 =	vperm.xlane v5, v13;
	v13 =	vld [tilespmem:$0x9B0]  }
0x107: {  	s2 =	sadd.s32 s26, s18;
	[tilespmem:s20+$0x0] =	vst v16;
	v15 =	vperm.xlane v8, v15;
	v16 =	vld [tilespmem:$0x830]  }
0x108: {  	s9 =	sor.u32 s25, s18;
	v17 =	vld [tilespmem:$0x830];
	[tilespmem:s2+$0x0] =	vst v10;
	v10 =	vperm.xlane v4, v14  }
0x109: {  	s3 =	sor.u32 s8, s11;
	[tilespmem:s9+$0x0] =	vst v15;
	v14 =	vld [tilespmem:$0x830];
	v12 =	vperm.xlane v2, v12  }
0x10a: {  	s14 =	sor.u32 s10, s11;
	s6 =	sadd.s32 $0x7B20, s0;
	v15 =	vld [tilespmem:$0x830];
	[tilespmem:s3+$0x0] =	vst v10;
	v10 =	vperm.xlane v9, v11  }
0x10b: {  	s18 =	sadd.s32 s1, s6;
	v11 =	vld [tilespmem:$0x9C0];
	[tilespmem:s14+$0x0] =	vst v12;
	v12 =	vperm.xlane v3, v13  }
0x10c: {  	s11 =	sadd.s32 s7, s11;
	s19 =	sadd.s32 $0x1720, s24;
	[tilespmem:s18+$0x0] =	vst v10;
	v10 =	vperm.xlane v7, v16;
	v13 =	vld [tilespmem:$0x9C0]  }
0x10d: {  	s20 =	sadd.s32 s28, s19;
	v16 =	vperm.xlane v6, v17;
	[tilespmem:s11+$0x0] =	vst v12;
	v12 =	vld [tilespmem:$0x9D0]  }
0x10e: {  	s2 =	sor.u32 s29, s19;
	[tilespmem:s20+$0x0] =	vst v10;
	v10 =	vperm.xlane v5, v14;
	v14 =	vld [tilespmem:$0x9C0]  }
0x10f: {  	s3 =	sadd.s32 s26, s19;
	[tilespmem:s2+$0x0] =	vst v16;
	v15 =	vperm.xlane v8, v15;
	v16 =	vld [tilespmem:$0x840]  }
0x110: {  	s9 =	sor.u32 s25, s19;
	v17 =	vld [tilespmem:$0x840];
	[tilespmem:s3+$0x0] =	vst v10;
	v10 =	vperm.xlane v4, v11  }
0x111: {  	s14 =	sor.u32 s8, s6;
	[tilespmem:s9+$0x0] =	vst v15;
	v11 =	vld [tilespmem:$0x840];
	v13 =	vperm.xlane v2, v13  }
0x112: {  	s18 =	sor.u32 s10, s6;
	s11 =	sadd.s32 $0x7F20, s0;
	v15 =	vld [tilespmem:$0x840];
	[tilespmem:s14+$0x0] =	vst v10;
	v10 =	vperm.xlane v9, v12  }
0x113: {  	s19 =	sadd.s32 s1, s11;
	v12 =	vld [tilespmem:$0x9D0];
	[tilespmem:s18+$0x0] =	vst v13;
	v13 =	vperm.xlane v3, v14  }
0x114: {  	s6 =	sadd.s32 s7, s6;
	s20 =	sadd.s32 $0x1B20, s24;
	[tilespmem:s19+$0x0] =	vst v10;
	v10 =	vperm.xlane v7, v16;
	v14 =	vld [tilespmem:$0x9D0]  }
0x115: {  	s2 =	sadd.s32 s28, s20;
	v16 =	vperm.xlane v6, v17;
	[tilespmem:s6+$0x0] =	vst v13;
	v13 =	vld [tilespmem:$0x9E0]  }
0x116: {  	s3 =	sor.u32 s29, s20;
	[tilespmem:s2+$0x0] =	vst v10;
	v10 =	vperm.xlane v5, v11;
	v11 =	vld [tilespmem:$0x9D0]  }
0x117: {  	s14 =	sadd.s32 s26, s20;
	[tilespmem:s3+$0x0] =	vst v16;
	v15 =	vperm.xlane v8, v15;
	v16 =	vld [tilespmem:$0x850]  }
0x118: {  	s9 =	sor.u32 s25, s20;
	v17 =	vld [tilespmem:$0x850];
	[tilespmem:s14+$0x0] =	vst v10;
	v10 =	vperm.xlane v4, v12  }
0x119: {  	s18 =	sor.u32 s8, s11;
	[tilespmem:s9+$0x0] =	vst v15;
	v12 =	vld [tilespmem:$0x850];
	v14 =	vperm.xlane v2, v14  }
0x11a: {  	s19 =	sor.u32 s10, s11;
	s6 =	sadd.s32 $0x8320, s0;
	v15 =	vld [tilespmem:$0x850];
	[tilespmem:s18+$0x0] =	vst v10;
	v10 =	vperm.xlane v9, v13  }
0x11b: {  	s20 =	sadd.s32 s1, s6;
	v13 =	vld [tilespmem:$0x9E0];
	[tilespmem:s19+$0x0] =	vst v14;
	v11 =	vperm.xlane v3, v11  }
0x11c: {  	s11 =	sadd.s32 s7, s11;
	s2 =	sadd.s32 $0x1F20, s24;
	[tilespmem:s20+$0x0] =	vst v10;
	v10 =	vperm.xlane v7, v16;
	v14 =	vld [tilespmem:$0x9E0]  }
0x11d: {  	s3 =	sadd.s32 s28, s2;
	v16 =	vperm.xlane v6, v17;
	[tilespmem:s11+$0x0] =	vst v11;
	v11 =	vld [tilespmem:$0x9F0]  }
0x11e: {  	s14 =	sor.u32 s29, s2;
	[tilespmem:s3+$0x0] =	vst v10;
	v10 =	vperm.xlane v5, v12;
	v12 =	vld [tilespmem:$0x9E0]  }
0x11f: {  	s18 =	sadd.s32 s26, s2;
	[tilespmem:s14+$0x0] =	vst v16;
	v15 =	vperm.xlane v8, v15;
	v16 =	vld [tilespmem:$0x860]  }
0x120: {  	s9 =	sor.u32 s25, s2;
	v17 =	vld [tilespmem:$0x860];
	[tilespmem:s18+$0x0] =	vst v10;
	v10 =	vperm.xlane v4, v13  }
0x121: {  	s19 =	sor.u32 s8, s6;
	[tilespmem:s9+$0x0] =	vst v15;
	v13 =	vld [tilespmem:$0x860];
	v14 =	vperm.xlane v2, v14  }
0x122: {  	s20 =	sor.u32 s10, s6;
	s11 =	sadd.s32 $0x8720, s0;
	v15 =	vld [tilespmem:$0x860];
	[tilespmem:s19+$0x0] =	vst v10;
	v10 =	vperm.xlane v9, v11  }
0x123: {  	s2 =	sadd.s32 s1, s11;
	v11 =	vld [tilespmem:$0x9F0];
	[tilespmem:s20+$0x0] =	vst v14;
	v12 =	vperm.xlane v3, v12  }
0x124: {  	s6 =	sadd.s32 s7, s6;
	s3 =	sadd.s32 $0x2320, s24;
	[tilespmem:s2+$0x0] =	vst v10;
	v10 =	vperm.xlane v7, v16;
	v14 =	vld [tilespmem:$0x9F0]  }
0x125: {  	s14 =	sadd.s32 s28, s3;
	v16 =	vperm.xlane v6, v17;
	[tilespmem:s6+$0x0] =	vst v12;
	v12 =	vld [tilespmem:$0xA00]  }
0x126: {  	s18 =	sor.u32 s29, s3;
	[tilespmem:s14+$0x0] =	vst v10;
	v10 =	vperm.xlane v5, v13;
	v13 =	vld [tilespmem:$0x9F0]  }
0x127: {  	s19 =	sadd.s32 s26, s3;
	[tilespmem:s18+$0x0] =	vst v16;
	v15 =	vperm.xlane v8, v15;
	v16 =	vld [tilespmem:$0x870]  }
0x128: {  	s9 =	sor.u32 s25, s3;
	v17 =	vld [tilespmem:$0x870];
	[tilespmem:s19+$0x0] =	vst v10;
	v10 =	vperm.xlane v4, v11  }
0x129: {  	s20 =	sor.u32 s8, s11;
	[tilespmem:s9+$0x0] =	vst v15;
	v11 =	vld [tilespmem:$0x870];
	v14 =	vperm.xlane v2, v14  }
0x12a: {  	s2 =	sor.u32 s10, s11;
	s6 =	sadd.s32 $0x8B20, s0;
	v15 =	vld [tilespmem:$0x870];
	[tilespmem:s20+$0x0] =	vst v10;
	v10 =	vperm.xlane v9, v12  }
0x12b: {  	s3 =	sadd.s32 s1, s6;
	v12 =	vld [tilespmem:$0xA00];
	[tilespmem:s2+$0x0] =	vst v14;
	v13 =	vperm.xlane v3, v13  }
0x12c: {  	s11 =	sadd.s32 s7, s11;
	s14 =	sadd.s32 $0x2720, s24;
	[tilespmem:s3+$0x0] =	vst v10;
	v10 =	vperm.xlane v7, v16;
	v14 =	vld [tilespmem:$0xA00]  }
0x12d: {  	s18 =	sadd.s32 s28, s14;
	v16 =	vperm.xlane v6, v17;
	[tilespmem:s11+$0x0] =	vst v13;
	v13 =	vld [tilespmem:$0xA10]  }
0x12e: {  	s19 =	sor.u32 s29, s14;
	[tilespmem:s18+$0x0] =	vst v10;
	v10 =	vperm.xlane v5, v11;
	v11 =	vld [tilespmem:$0xA00]  }
0x12f: {  	s20 =	sadd.s32 s26, s14;
	[tilespmem:s19+$0x0] =	vst v16;
	v15 =	vperm.xlane v8, v15;
	v16 =	vld [tilespmem:$0x880]  }
0x130: {  	s9 =	sor.u32 s25, s14;
	v17 =	vld [tilespmem:$0x880];
	[tilespmem:s20+$0x0] =	vst v10;
	v10 =	vperm.xlane v4, v12  }
0x131: {  	s2 =	sor.u32 s8, s6;
	[tilespmem:s9+$0x0] =	vst v15;
	v12 =	vld [tilespmem:$0x880];
	v14 =	vperm.xlane v2, v14  }
0x132: {  	s3 =	sor.u32 s10, s6;
	s11 =	sadd.s32 $0x8F20, s0;
	v15 =	vld [tilespmem:$0x880];
	[tilespmem:s2+$0x0] =	vst v10;
	v10 =	vperm.xlane v9, v13  }
0x133: {  	s14 =	sadd.s32 s1, s11;
	v13 =	vld [tilespmem:$0xA10];
	[tilespmem:s3+$0x0] =	vst v14;
	v11 =	vperm.xlane v3, v11  }
0x134: {  	s6 =	sadd.s32 s7, s6;
	s18 =	sadd.s32 $0x2B20, s24;
	[tilespmem:s14+$0x0] =	vst v10;
	v10 =	vperm.xlane v7, v16;
	v14 =	vld [tilespmem:$0xA10]  }
0x135: {  	s19 =	sadd.s32 s28, s18;
	v16 =	vperm.xlane v6, v17;
	[tilespmem:s6+$0x0] =	vst v11;
	v11 =	vld [tilespmem:$0xA20]  }
0x136: {  	s20 =	sor.u32 s29, s18;
	[tilespmem:s19+$0x0] =	vst v10;
	v10 =	vperm.xlane v5, v12;
	v12 =	vld [tilespmem:$0xA10]  }
0x137: {  	s2 =	sadd.s32 s26, s18;
	[tilespmem:s20+$0x0] =	vst v16;
	v15 =	vperm.xlane v8, v15;
	v16 =	vld [tilespmem:$0x890]  }
0x138: {  	s9 =	sor.u32 s25, s18;
	v17 =	vld [tilespmem:$0x890];
	[tilespmem:s2+$0x0] =	vst v10;
	v10 =	vperm.xlane v4, v13  }
0x139: {  	s3 =	sor.u32 s8, s11;
	[tilespmem:s9+$0x0] =	vst v15;
	v13 =	vld [tilespmem:$0x890];
	v14 =	vperm.xlane v2, v14  }
0x13a: {  	s14 =	sor.u32 s10, s11;
	s6 =	sadd.s32 $0x9320, s0;
	v15 =	vld [tilespmem:$0x890];
	[tilespmem:s3+$0x0] =	vst v10;
	v10 =	vperm.xlane v9, v11  }
0x13b: {  	s18 =	sadd.s32 s1, s6;
	v11 =	vld [tilespmem:$0xA20];
	[tilespmem:s14+$0x0] =	vst v14;
	v12 =	vperm.xlane v3, v12  }
0x13c: {  	s11 =	sadd.s32 s7, s11;
	s19 =	sadd.s32 $0x2F20, s24;
	[tilespmem:s18+$0x0] =	vst v10;
	v10 =	vperm.xlane v7, v16;
	v14 =	vld [tilespmem:$0xA20]  }
0x13d: {  	s20 =	sadd.s32 s28, s19;
	v16 =	vperm.xlane v6, v17;
	[tilespmem:s11+$0x0] =	vst v12;
	v12 =	vld [tilespmem:$0xA30]  }
0x13e: {  	s2 =	sor.u32 s29, s19;
	[tilespmem:s20+$0x0] =	vst v10;
	v10 =	vperm.xlane v5, v13;
	v13 =	vld [tilespmem:$0xA20]  }
0x13f: {  	s3 =	sadd.s32 s26, s19;
	[tilespmem:s2+$0x0] =	vst v16;
	v15 =	vperm.xlane v8, v15;
	v16 =	vld [tilespmem:$0x8A0]  }
0x140: {  	s9 =	sor.u32 s25, s19;
	v17 =	vld [tilespmem:$0x8A0];
	[tilespmem:s3+$0x0] =	vst v10;
	v10 =	vperm.xlane v4, v11  }
0x141: {  	s14 =	sor.u32 s8, s6;
	[tilespmem:s9+$0x0] =	vst v15;
	v11 =	vld [tilespmem:$0x8A0];
	v14 =	vperm.xlane v2, v14  }
0x142: {  	s18 =	sor.u32 s10, s6;
	s11 =	sadd.s32 $0x9720, s0;
	v15 =	vld [tilespmem:$0x8A0];
	[tilespmem:s14+$0x0] =	vst v10;
	v10 =	vperm.xlane v9, v12  }
0x143: {  	s19 =	sadd.s32 s1, s11;
	v12 =	vld [tilespmem:$0xA30];
	[tilespmem:s18+$0x0] =	vst v14;
	v13 =	vperm.xlane v3, v13  }
0x144: {  	s6 =	sadd.s32 s7, s6;
	s20 =	sadd.s32 $0x3320, s24;
	[tilespmem:s19+$0x0] =	vst v10;
	v10 =	vperm.xlane v7, v16;
	v14 =	vld [tilespmem:$0xA30]  }
0x145: {  	s2 =	sadd.s32 s28, s20;
	v16 =	vperm.xlane v6, v17;
	[tilespmem:s6+$0x0] =	vst v13;
	v13 =	vld [tilespmem:$0xA40]  }
0x146: {  	s3 =	sor.u32 s29, s20;
	[tilespmem:s2+$0x0] =	vst v10;
	v10 =	vperm.xlane v5, v11;
	v11 =	vld [tilespmem:$0xA30]  }
0x147: {  	s14 =	sadd.s32 s26, s20;
	[tilespmem:s3+$0x0] =	vst v16;
	v15 =	vperm.xlane v8, v15;
	v16 =	vld [tilespmem:$0x8B0]  }
0x148: {  	s9 =	sor.u32 s25, s20;
	v17 =	vld [tilespmem:$0x8B0];
	[tilespmem:s14+$0x0] =	vst v10;
	v10 =	vperm.xlane v4, v12  }
0x149: {  	s18 =	sor.u32 s8, s11;
	[tilespmem:s9+$0x0] =	vst v15;
	v12 =	vld [tilespmem:$0x8B0];
	v14 =	vperm.xlane v2, v14  }
0x14a: {  	s19 =	sor.u32 s10, s11;
	s6 =	sadd.s32 $0x9B20, s0;
	v15 =	vld [tilespmem:$0x8B0];
	[tilespmem:s18+$0x0] =	vst v10;
	v10 =	vperm.xlane v9, v13  }
0x14b: {  	s20 =	sadd.s32 s1, s6;
	v13 =	vld [tilespmem:$0xA40];
	[tilespmem:s19+$0x0] =	vst v14;
	v11 =	vperm.xlane v3, v11  }
0x14c: {  	s11 =	sadd.s32 s7, s11;
	s2 =	sadd.s32 $0x3720, s24;
	[tilespmem:s20+$0x0] =	vst v10;
	v10 =	vperm.xlane v7, v16;
	v14 =	vld [tilespmem:$0xA40]  }
0x14d: {  	s3 =	sadd.s32 s28, s2;
	v16 =	vperm.xlane v6, v17;
	[tilespmem:s11+$0x0] =	vst v11;
	v11 =	vld [tilespmem:$0xA50]  }
0x14e: {  	s14 =	sor.u32 s29, s2;
	[tilespmem:s3+$0x0] =	vst v10;
	v10 =	vperm.xlane v5, v12;
	v12 =	vld [tilespmem:$0xA40]  }
0x14f: {  	s18 =	sadd.s32 s26, s2;
	[tilespmem:s14+$0x0] =	vst v16;
	v15 =	vperm.xlane v8, v15;
	v16 =	vld [tilespmem:$0x8C0]  }
0x150: {  	s9 =	sor.u32 s25, s2;
	v17 =	vld [tilespmem:$0x8C0];
	[tilespmem:s18+$0x0] =	vst v10;
	v10 =	vperm.xlane v4, v13  }
0x151: {  	s19 =	sor.u32 s8, s6;
	[tilespmem:s9+$0x0] =	vst v15;
	v13 =	vld [tilespmem:$0x8C0];
	v14 =	vperm.xlane v2, v14  }
0x152: {  	s20 =	sor.u32 s10, s6;
	s11 =	sadd.s32 $0x9F20, s0;
	v15 =	vld [tilespmem:$0x8C0];
	[tilespmem:s19+$0x0] =	vst v10;
	v10 =	vperm.xlane v9, v11  }
0x153: {  	s2 =	sadd.s32 s1, s11;
	v11 =	vld [tilespmem:$0xA50];
	[tilespmem:s20+$0x0] =	vst v14;
	v12 =	vperm.xlane v3, v12  }
0x154: {  	s6 =	sadd.s32 s7, s6;
	s3 =	sadd.s32 $0x3B20, s24;
	[tilespmem:s2+$0x0] =	vst v10;
	v10 =	vperm.xlane v7, v16;
	v14 =	vld [tilespmem:$0xA50]  }
0x155: {  	s14 =	sadd.s32 s28, s3;
	v16 =	vperm.xlane v6, v17;
	[tilespmem:s6+$0x0] =	vst v12;
	v12 =	vld [tilespmem:$0xA60]  }
0x156: {  	s18 =	sor.u32 s29, s3;
	[tilespmem:s14+$0x0] =	vst v10;
	v10 =	vperm.xlane v5, v13;
	v13 =	vld [tilespmem:$0xA50]  }
0x157: {  	s19 =	sadd.s32 s26, s3;
	[tilespmem:s18+$0x0] =	vst v16;
	v15 =	vperm.xlane v8, v15;
	v16 =	vld [tilespmem:$0x8D0]  }
0x158: {  	s9 =	sor.u32 s25, s3;
	v17 =	vld [tilespmem:$0x8D0];
	[tilespmem:s19+$0x0] =	vst v10;
	v10 =	vperm.xlane v4, v11  }
0x159: {  	s20 =	sor.u32 s8, s11;
	[tilespmem:s9+$0x0] =	vst v15;
	v11 =	vld [tilespmem:$0x8D0];
	v14 =	vperm.xlane v2, v14  }
0x15a: {  	s2 =	sor.u32 s10, s11;
	s6 =	sadd.s32 $0xA320, s0;
	v15 =	vld [tilespmem:$0x8D0];
	[tilespmem:s20+$0x0] =	vst v10;
	v10 =	vperm.xlane v9, v12  }
0x15b: {  	s3 =	sadd.s32 s1, s6;
	v12 =	vld [tilespmem:$0xA60];
	[tilespmem:s2+$0x0] =	vst v14;
	v13 =	vperm.xlane v3, v13  }
0x15c: {  	s11 =	sadd.s32 s7, s11;
	s14 =	sadd.s32 $0x3F20, s24;
	[tilespmem:s3+$0x0] =	vst v10;
	v10 =	vperm.xlane v7, v16;
	v14 =	vld [tilespmem:$0xA60]  }
0x15d: {  	s18 =	sadd.s32 s28, s14;
	v16 =	vperm.xlane v6, v17;
	[tilespmem:s11+$0x0] =	vst v13;
	v13 =	vld [tilespmem:$0xA70]  }
0x15e: {  	s19 =	sor.u32 s29, s14;
	[tilespmem:s18+$0x0] =	vst v10;
	v10 =	vperm.xlane v5, v11;
	v11 =	vld [tilespmem:$0xA60]  }
0x15f: {  	s20 =	sadd.s32 s26, s14;
	[tilespmem:s19+$0x0] =	vst v16;
	v15 =	vperm.xlane v8, v15;
	v16 =	vld [tilespmem:$0x8E0]  }
0x160: {  	s9 =	sor.u32 s25, s14;
	v17 =	vld [tilespmem:$0x8E0];
	[tilespmem:s20+$0x0] =	vst v10;
	v10 =	vperm.xlane v4, v12  }
0x161: {  	s2 =	sor.u32 s8, s6;
	[tilespmem:s9+$0x0] =	vst v15;
	v12 =	vld [tilespmem:$0x8E0];
	v14 =	vperm.xlane v2, v14  }
0x162: {  	s3 =	sor.u32 s10, s6;
	s11 =	sadd.s32 $0xA720, s0;
	v15 =	vld [tilespmem:$0x8E0];
	[tilespmem:s2+$0x0] =	vst v10;
	v10 =	vperm.xlane v9, v13  }
0x163: {  	s14 =	sadd.s32 s1, s11;
	v13 =	vld [tilespmem:$0xA70];
	[tilespmem:s3+$0x0] =	vst v14;
	v11 =	vperm.xlane v3, v11  }
0x164: {  	s6 =	sadd.s32 s7, s6;
	s18 =	sadd.s32 $0x4320, s24;
	[tilespmem:s14+$0x0] =	vst v10;
	v10 =	vperm.xlane v7, v16;
	v14 =	vld [tilespmem:$0xA70]  }
0x165: {  	s19 =	sadd.s32 s28, s18;
	v16 =	vperm.xlane v6, v17;
	[tilespmem:s6+$0x0] =	vst v11;
	v11 =	vld [tilespmem:$0xA80]  }
0x166: {  	s20 =	sor.u32 s29, s18;
	[tilespmem:s19+$0x0] =	vst v10;
	v10 =	vperm.xlane v5, v12;
	v12 =	vld [tilespmem:$0xA70]  }
0x167: {  	s2 =	sadd.s32 s26, s18;
	[tilespmem:s20+$0x0] =	vst v16;
	v15 =	vperm.xlane v8, v15;
	v16 =	vld [tilespmem:$0x8F0]  }
0x168: {  	s9 =	sor.u32 s25, s18;
	v17 =	vld [tilespmem:$0x8F0];
	[tilespmem:s2+$0x0] =	vst v10;
	v10 =	vperm.xlane v4, v13  }
0x169: {  	s3 =	sor.u32 s8, s11;
	[tilespmem:s9+$0x0] =	vst v15;
	v13 =	vld [tilespmem:$0x8F0];
	v14 =	vperm.xlane v2, v14  }
0x16a: {  	s14 =	sor.u32 s10, s11;
	s6 =	sadd.s32 $0xAB20, s0;
	v15 =	vld [tilespmem:$0x8F0];
	[tilespmem:s3+$0x0] =	vst v10;
	v10 =	vperm.xlane v9, v11  }
0x16b: {  	s18 =	sadd.s32 s1, s6;
	v11 =	vld [tilespmem:$0xA80];
	[tilespmem:s14+$0x0] =	vst v14;
	v12 =	vperm.xlane v3, v12  }
0x16c: {  	s11 =	sadd.s32 s7, s11;
	s19 =	sadd.s32 $0x4720, s24;
	[tilespmem:s18+$0x0] =	vst v10;
	v10 =	vperm.xlane v7, v16;
	v14 =	vld [tilespmem:$0xA80]  }
0x16d: {  	s20 =	sadd.s32 s28, s19;
	v16 =	vperm.xlane v6, v17;
	[tilespmem:s11+$0x0] =	vst v12;
	v12 =	vld [tilespmem:$0xA90]  }
0x16e: {  	s2 =	sor.u32 s29, s19;
	[tilespmem:s20+$0x0] =	vst v10;
	v10 =	vperm.xlane v5, v13;
	v13 =	vld [tilespmem:$0xA80]  }
0x16f: {  	s3 =	sadd.s32 s26, s19;
	[tilespmem:s2+$0x0] =	vst v16;
	v15 =	vperm.xlane v8, v15;
	v16 =	vld [tilespmem:$0x900]  }
0x170: {  	s9 =	sor.u32 s25, s19;
	v17 =	vld [tilespmem:$0x900];
	[tilespmem:s3+$0x0] =	vst v10;
	v10 =	vperm.xlane v4, v11  }
0x171: {  	s14 =	sor.u32 s8, s6;
	[tilespmem:s9+$0x0] =	vst v15;
	v11 =	vld [tilespmem:$0x900];
	v14 =	vperm.xlane v2, v14  }
0x172: {  	s18 =	sor.u32 s10, s6;
	s11 =	sadd.s32 $0xAF20, s0;
	v15 =	vld [tilespmem:$0x900];
	[tilespmem:s14+$0x0] =	vst v10;
	v10 =	vperm.xlane v9, v12  }
0x173: {  	s19 =	sadd.s32 s1, s11;
	v12 =	vld [tilespmem:$0xA90];
	[tilespmem:s18+$0x0] =	vst v14;
	v13 =	vperm.xlane v3, v13  }
0x174: {  	s6 =	sadd.s32 s7, s6;
	s20 =	sadd.s32 $0x4B20, s24;
	[tilespmem:s19+$0x0] =	vst v10;
	v10 =	vperm.xlane v7, v16;
	v14 =	vld [tilespmem:$0xA90]  }
0x175: {  	s2 =	sadd.s32 s28, s20;
	v16 =	vperm.xlane v6, v17;
	[tilespmem:s6+$0x0] =	vst v13;
	v13 =	vld [tilespmem:$0xAA0]  }
0x176: {  	s3 =	sor.u32 s29, s20;
	[tilespmem:s2+$0x0] =	vst v10;
	v10 =	vperm.xlane v5, v11;
	v11 =	vld [tilespmem:$0xA90]  }
0x177: {  	s14 =	sadd.s32 s26, s20;
	[tilespmem:s3+$0x0] =	vst v16;
	v15 =	vperm.xlane v8, v15;
	v16 =	vld [tilespmem:$0x910]  }
0x178: {  	s9 =	sor.u32 s25, s20;
	v17 =	vld [tilespmem:$0x910];
	[tilespmem:s14+$0x0] =	vst v10;
	v10 =	vperm.xlane v4, v12  }
0x179: {  	s18 =	sor.u32 s8, s11;
	[tilespmem:s9+$0x0] =	vst v15;
	v12 =	vld [tilespmem:$0x910];
	v14 =	vperm.xlane v2, v14  }
0x17a: {  	s19 =	sor.u32 s10, s11;
	s6 =	sadd.s32 $0xB320, s0;
	v15 =	vld [tilespmem:$0x910];
	[tilespmem:s18+$0x0] =	vst v10;
	v10 =	vperm.xlane v9, v13  }
0x17b: {  	s20 =	sadd.s32 s1, s6;
	v13 =	vld [tilespmem:$0xAA0];
	[tilespmem:s19+$0x0] =	vst v14;
	v11 =	vperm.xlane v3, v11  }
0x17c: {  	s11 =	sadd.s32 s7, s11;
	s2 =	sadd.s32 $0x4F20, s24;
	[tilespmem:s20+$0x0] =	vst v10;
	v10 =	vperm.xlane v7, v16;
	v14 =	vld [tilespmem:$0xAA0]  }
0x17d: {  	s3 =	sadd.s32 s28, s2;
	v16 =	vperm.xlane v6, v17;
	[tilespmem:s11+$0x0] =	vst v11;
	v11 =	vld [tilespmem:$0xAB0]  }
0x17e: {  	s14 =	sor.u32 s29, s2;
	[tilespmem:s3+$0x0] =	vst v10;
	v10 =	vperm.xlane v5, v12;
	v12 =	vld [tilespmem:$0xAA0]  }
0x17f: {  	s18 =	sadd.s32 s26, s2;
	[tilespmem:s14+$0x0] =	vst v16;
	v15 =	vperm.xlane v8, v15;
	v16 =	vld [tilespmem:$0x920]  }
0x180: {  	s9 =	sor.u32 s25, s2;
	v17 =	vld [tilespmem:$0x920];
	[tilespmem:s18+$0x0] =	vst v10;
	v10 =	vperm.xlane v4, v13  }
0x181: {  	s19 =	sor.u32 s8, s6;
	[tilespmem:s9+$0x0] =	vst v15;
	v13 =	vld [tilespmem:$0x920];
	v14 =	vperm.xlane v2, v14  }
0x182: {  	s20 =	sor.u32 s10, s6;
	s11 =	sadd.s32 $0xB720, s0;
	v15 =	vld [tilespmem:$0x920];
	[tilespmem:s19+$0x0] =	vst v10;
	v10 =	vperm.xlane v9, v11  }
0x183: {  	s2 =	sadd.s32 s1, s11;
	v11 =	vld [tilespmem:$0xAB0];
	[tilespmem:s20+$0x0] =	vst v14;
	v12 =	vperm.xlane v3, v12  }
0x184: {  	s6 =	sadd.s32 s7, s6;
	s3 =	sadd.s32 $0x5320, s24;
	[tilespmem:s2+$0x0] =	vst v10;
	v10 =	vperm.xlane v7, v16;
	v14 =	vld [tilespmem:$0xAB0]  }
0x185: {  	s14 =	sadd.s32 s28, s3;
	v16 =	vperm.xlane v6, v17;
	[tilespmem:s6+$0x0] =	vst v12;
	v12 =	vld [tilespmem:$0xAC0]  }
0x186: {  	s18 =	sor.u32 s29, s3;
	[tilespmem:s14+$0x0] =	vst v10;
	v10 =	vperm.xlane v5, v13;
	v13 =	vld [tilespmem:$0xAB0]  }
0x187: {  	s19 =	sadd.s32 s26, s3;
	[tilespmem:s18+$0x0] =	vst v16;
	v15 =	vperm.xlane v8, v15;
	v16 =	vld [tilespmem:$0x930]  }
0x188: {  	s9 =	sor.u32 s25, s3;
	v17 =	vld [tilespmem:$0x930];
	[tilespmem:s19+$0x0] =	vst v10;
	v10 =	vperm.xlane v4, v11  }
0x189: {  	s20 =	sor.u32 s8, s11;
	[tilespmem:s9+$0x0] =	vst v15;
	v11 =	vld [tilespmem:$0x930];
	v14 =	vperm.xlane v2, v14  }
0x18a: {  	s2 =	sor.u32 s10, s11;
	s6 =	sadd.s32 $0xBB20, s0;
	v15 =	vld [tilespmem:$0x930];
	[tilespmem:s20+$0x0] =	vst v10;
	v10 =	vperm.xlane v9, v12  }
0x18b: {  	s3 =	sadd.s32 s1, s6;
	v12 =	vld [tilespmem:$0xAC0];
	[tilespmem:s2+$0x0] =	vst v14;
	v13 =	vperm.xlane v3, v13  }
0x18c: {  	s11 =	sadd.s32 s7, s11;
	s14 =	sadd.s32 $0x5720, s24;
	[tilespmem:s3+$0x0] =	vst v10;
	v10 =	vperm.xlane v7, v16;
	v14 =	vld [tilespmem:$0xAC0]  }
0x18d: {  	s18 =	sadd.s32 s28, s14;
	v16 =	vperm.xlane v6, v17;
	[tilespmem:s11+$0x0] =	vst v13;
	v13 =	vld [tilespmem:$0xAD0]  }
0x18e: {  	s19 =	sor.u32 s29, s14;
	[tilespmem:s18+$0x0] =	vst v10;
	v10 =	vperm.xlane v5, v11;
	v11 =	vld [tilespmem:$0xAC0]  }
0x18f: {  	s20 =	sadd.s32 s26, s14;
	[tilespmem:s19+$0x0] =	vst v16;
	v15 =	vperm.xlane v8, v15;
	v16 =	vld [tilespmem:$0x940]  }
0x190: {  	s9 =	sor.u32 s25, s14;
	v17 =	vld [tilespmem:$0x940];
	[tilespmem:s20+$0x0] =	vst v10;
	v10 =	vperm.xlane v4, v12  }
0x191: {  	s2 =	sor.u32 s8, s6;
	[tilespmem:s9+$0x0] =	vst v15;
	v12 =	vld [tilespmem:$0x940];
	v14 =	vperm.xlane v2, v14  }
0x192: {  	s3 =	sor.u32 s10, s6;
	s11 =	sadd.s32 $0xBF20, s0;
	v15 =	vld [tilespmem:$0x940];
	[tilespmem:s2+$0x0] =	vst v10;
	v10 =	vperm.xlane v9, v13  }
0x193: {  	s14 =	sadd.s32 s1, s11;
	v13 =	vld [tilespmem:$0xAD0];
	[tilespmem:s3+$0x0] =	vst v14;
	v11 =	vperm.xlane v3, v11  }
0x194: {  	s6 =	sadd.s32 s7, s6;
	s18 =	sadd.s32 $0x5B20, s24;
	[tilespmem:s14+$0x0] =	vst v10;
	v10 =	vperm.xlane v7, v16;
	v14 =	vld [tilespmem:$0xAD0]  }
0x195: {  	s19 =	sadd.s32 s28, s18;
	v16 =	vperm.xlane v6, v17;
	[tilespmem:s6+$0x0] =	vst v11;
	v11 =	vld [tilespmem:$0xAE0]  }
0x196: {  	s20 =	sor.u32 s29, s18;
	[tilespmem:s19+$0x0] =	vst v10;
	v10 =	vperm.xlane v5, v12;
	v12 =	vld [tilespmem:$0xAD0]  }
0x197: {  	s2 =	sadd.s32 s26, s18;
	[tilespmem:s20+$0x0] =	vst v16;
	v15 =	vperm.xlane v8, v15;
	v16 =	vld [tilespmem:$0x950]  }
0x198: {  	s9 =	sor.u32 s25, s18;
	v17 =	vld [tilespmem:$0x950];
	[tilespmem:s2+$0x0] =	vst v10;
	v10 =	vperm.xlane v4, v13  }
0x199: {  	s3 =	sor.u32 s8, s11;
	[tilespmem:s9+$0x0] =	vst v15;
	v13 =	vld [tilespmem:$0x950];
	v14 =	vperm.xlane v2, v14  }
0x19a: {  	s14 =	sor.u32 s10, s11;
	s6 =	sadd.s32 $0xC320, s0;
	v15 =	vld [tilespmem:$0x950];
	[tilespmem:s3+$0x0] =	vst v10;
	v10 =	vperm.xlane v9, v11  }
0x19b: {  	s18 =	sadd.s32 s1, s6;
	v11 =	vld [tilespmem:$0xAE0];
	[tilespmem:s14+$0x0] =	vst v14;
	v12 =	vperm.xlane v3, v12  }
0x19c: {  	s11 =	sadd.s32 s7, s11;
	s19 =	sadd.s32 $0x5F20, s24;
	[tilespmem:s18+$0x0] =	vst v10;
	v10 =	vperm.xlane v7, v16;
	v14 =	vld [tilespmem:$0xAE0]  }
0x19d: {  	s20 =	sadd.s32 s28, s19;
	v16 =	vperm.xlane v6, v17;
	[tilespmem:s11+$0x0] =	vst v12;
	v12 =	vld [tilespmem:$0xAF0]  }
0x19e: {  	s2 =	sor.u32 s29, s19;
	[tilespmem:s20+$0x0] =	vst v10;
	v10 =	vperm.xlane v5, v13;
	v13 =	vld [tilespmem:$0xAE0]  }
0x19f: {  	s3 =	sadd.s32 s26, s19;
	[tilespmem:s2+$0x0] =	vst v16;
	v15 =	vperm.xlane v8, v15;
	v16 =	vld [tilespmem:$0x960]  }
0x1a0: {  	s9 =	sor.u32 s25, s19;
	v17 =	vld [tilespmem:$0x960];
	[tilespmem:s3+$0x0] =	vst v10;
	v10 =	vperm.xlane v4, v11  }
0x1a1: {  	s14 =	sor.u32 s8, s6;
	[tilespmem:s9+$0x0] =	vst v15;
	v11 =	vld [tilespmem:$0x960];
	v14 =	vperm.xlane v2, v14  }
0x1a2: {  	s18 =	sor.u32 s10, s6;
	s11 =	sadd.s32 $0xC720, s0;
	v15 =	vld [tilespmem:$0x960];
	[tilespmem:s14+$0x0] =	vst v10;
	v10 =	vperm.xlane v9, v12  }
0x1a3: {  	s19 =	sadd.s32 s1, s11;
	v12 =	vld [tilespmem:$0xAF0];
	[tilespmem:s18+$0x0] =	vst v14;
	v13 =	vperm.xlane v3, v13  }
0x1a4: {  	s6 =	sadd.s32 s7, s6;
	s20 =	sadd.s32 $0x6320, s24;
	[tilespmem:s19+$0x0] =	vst v10;
	v10 =	vperm.xlane v7, v16;
	v14 =	vld [tilespmem:$0xAF0]  }
0x1a5: {  	s2 =	sadd.s32 s28, s20;
	v16 =	vperm.xlane v6, v17;
	[tilespmem:s6+$0x0] =	vst v13;
	v13 =	vld [tilespmem:$0xB00]  }
0x1a6: {  	s3 =	sor.u32 s29, s20;
	[tilespmem:s2+$0x0] =	vst v10;
	v10 =	vperm.xlane v5, v11;
	v11 =	vld [tilespmem:$0xAF0]  }
0x1a7: {  	s14 =	sadd.s32 s26, s20;
	[tilespmem:s3+$0x0] =	vst v16;
	v15 =	vperm.xlane v8, v15;
	v16 =	vld [tilespmem:$0x970]  }
0x1a8: {  	s9 =	sor.u32 s25, s20;
	v17 =	vld [tilespmem:$0x970];
	[tilespmem:s14+$0x0] =	vst v10;
	v10 =	vperm.xlane v4, v12  }
0x1a9: {  	s18 =	sor.u32 s8, s11;
	[tilespmem:s9+$0x0] =	vst v15;
	v12 =	vld [tilespmem:$0x970];
	v14 =	vperm.xlane v2, v14  }
0x1aa: {  	s19 =	sor.u32 s10, s11;
	s6 =	sadd.s32 $0xCB20, s0;
	v15 =	vld [tilespmem:$0x970];
	[tilespmem:s18+$0x0] =	vst v10;
	v10 =	vperm.xlane v9, v13  }
0x1ab: {  	s20 =	sadd.s32 s1, s6;
	v13 =	vld [tilespmem:$0xB00];
	[tilespmem:s19+$0x0] =	vst v14;
	v11 =	vperm.xlane v3, v11  }
0x1ac: {  	s11 =	sadd.s32 s7, s11;
	s2 =	sadd.s32 $0x6720, s24;
	[tilespmem:s20+$0x0] =	vst v10;
	v10 =	vperm.xlane v7, v16;
	v14 =	vld [tilespmem:$0xB00]  }
0x1ad: {  	s3 =	sadd.s32 s28, s2;
	v16 =	vperm.xlane v6, v17;
	[tilespmem:s11+$0x0] =	vst v11;
	v11 =	vld [tilespmem:$0xB10]  }
0x1ae: {  	s14 =	sor.u32 s29, s2;
	[tilespmem:s3+$0x0] =	vst v10;
	v10 =	vperm.xlane v5, v12;
	v17 =	vld [tilespmem:$0xB00]  }
0x1af: {  	s18 =	sadd.s32 s26, s2;
	[tilespmem:s14+$0x0] =	vst v16;
	v15 =	vperm.xlane v8, v15;
	v16 =	vld [tilespmem:$0x980]  }
0x1b0: {  	s9 =	sor.u32 s25, s2;
	v12 =	vld [tilespmem:$0x980];
	[tilespmem:s18+$0x0] =	vst v10;
	v10 =	vperm.xlane v4, v13  }
0x1b1: {  	s0 =	sadd.s32 $0xCF20, s0;
	s19 =	sor.u32 s8, s6;
	[tilespmem:s9+$0x0] =	vst v15;
	v13 =	vld [tilespmem:$0x980];
	v15 =	vperm.xlane v2, v14  }
0x1b2: {  	s1 =	sadd.s32 s1, s0;
	s20 =	sor.u32 s10, s6;
	v14 =	vld [tilespmem:$0x980];
	[tilespmem:s19+$0x0] =	vst v10;
	v10 =	vperm.xlane v9, v11  }
0x1b3: {  	s10 =	sor.u32 s10, s0;
	s11 =	sor.u32 s8, s0;
	s18 =	sadd.s32 s7, s6;
	[tilespmem:s20+$0x0] =	vst v15;
	v9 =	vld [tilespmem:$0xB10];
	v11 =	vperm.xlane v3, v17  }
0x1b4: {  	s6 =	sadd.s32 s7, s0;
	s0 =	simm.s32 $0x4;
	[tilespmem:s1+$0x0] =	vst v10;
	s1 =	sadd.s32 $0x6B20, s24;
	v15 =	vperm.xlane v7, v16;
	v10 =	vld [tilespmem:$0xB10]  }
.LBB2_5:
0x1b5: {  	v16 =	vld [tilespmem:$0x800];
	s9 =	sor.u32 s25, s1;
	v12 =	vperm.xlane v6, v12;
	s7 =	sor.u32 s29, s1;
	s8 =	sadd.s32 s28, s1;
	[tilespmem:s18+$0x0] =	vst v11  }
0x1b6: {  	s18 =	sadd.s32 s26, s1;
	s1 =	smov.u32 s28;
	v11 =	vperm.xlane v5, v13;
	[tilespmem:s8+$0x0] =	vst v15;
	v13 =	vld [tilespmem:$0xB10];
	s8 =	smov.u32 s29  }
0x1b7: {  	v14 =	vperm.xlane v8, v14;
	[tilespmem:s7+$0x0] =	vst v12;
	v12 =	vld [tilespmem:$0x990];
	s7 =	smov.u32 s26  }
0x1b8: {  	s0 =	sadd.s32 $0x4, s0;
	s30 =	sadd.s32 $0x200, s30;
	v15 =	vld [tilespmem:$0x800];
	[tilespmem:s18+$0x0] =	vst v11;
	v11 =	vperm.xlane v4, v9;
	v4 =	vmov v8  }
0x1b9: {  	p1 =	slt.u32 s0, $0x3C;
	v9 =	vld [tilespmem:s30+$0x80];
	[tilespmem:s9+$0x0] =	vst v14;
	v8 =	vperm.xlane v2, v10;
	v2 =	vmov v6  }
0x1ba: {  	v6 =	vld [tilespmem:s30+$0xFFFFFF80];
	[tilespmem:s11+$0x0] =	vst v11  }
0x1bb: {  	s31 =	sadd.s32 $0x40, s31;
	[tilespmem:s10+$0x0] =	vst v8;
	v10 =	vperm.xlane v3, v13;
	v3 =	vmov v5;
	v5 =	vld [tilespmem:s30+$0x0]  }
0x1bc: {  	s18 =	sadd.s32 $0x6F20, s24;
	s9 =	sadd.s32 $0xFFFFFFD0, s31;
	s11 =	sadd.s32 $0xFFFFFFE0, s31;
	v8 =	vld [tilespmem:s30+$0xFFFFFF00];
	v11 =	vperm.xlane v7, v12  }
0x1bd: {  	s19 =	sadd.s32 $0xFFFFFFF0, s31;
	s26 =	sadd.s32 s1, s18;
	s10 =	sand.u32 $0x380, s9;
	v12 =	vand.u32 $0xF, v15;
	v13 =	vld [tilespmem:$0x990];
	[tilespmem:s6+$0x0] =	vst v10  }
0x1be: {  	s28 =	sand.u32 $0x70, s31;
	s9 =	sand.u32 $0x40, s9;
	v10 =	vand.u32 $0xF, v16;
	s6 =	sadd.s32 $0xB20, s10;
	v14 =	vperm.xlane v9, v12;
	v15 =	vld [tilespmem:$0x990];
	[tilespmem:s26+$0x0] =	vst v11  }
0x1bf: {  	s29 =	sand.u32 $0x50, s11;
	s26 =	sand.u32 $0x60, s19;
	s11 =	sadd.s32 s28, s6;
	v11 =	vperm.xlane v6, v10;
	v16 =	vld [tilespmem:$0x9A0]  }
0x1c0: {  	s19 =	sor.u32 s9, s6;
	s20 =	sor.u32 s29, s6;
	s6 =	sadd.s32 s26, s6;
	v12 =	vperm.xlane v5, v12;
	[tilespmem:s11+$0x0] =	vst v14;
	v14 =	vld [tilespmem:$0x990]  }
0x1c1: {  	s11 =	sor.u32 s25, s18;
	v10 =	vperm.xlane v8, v10;
	[tilespmem:s20+$0x0] =	vst v11;
	v11 =	vld [tilespmem:$0x810];
	s20 =	sor.u32 s8, s18;
	s18 =	sadd.s32 s7, s18  }
0x1c2: {  	v17 =	vld [tilespmem:$0x810];
	[tilespmem:s6+$0x0] =	vst v12;
	v12 =	vperm.xlane v4, v13  }
0x1c3: {  	[tilespmem:s19+$0x0] =	vst v10;
	v10 =	vld [tilespmem:$0x810];
	v13 =	vperm.xlane v2, v15  }
0x1c4: {  	s6 =	sadd.s32 $0x7320, s24;
	v15 =	vld [tilespmem:$0x810];
	[tilespmem:s11+$0x0] =	vst v12;
	v12 =	vperm.xlane v7, v16  }
0x1c5: {  	s19 =	sor.u32 s8, s6;
	s11 =	sor.u32 s25, s6;
	v16 =	vld [tilespmem:$0x9A0];
	[tilespmem:s20+$0x0] =	vst v13;
	v13 =	vperm.xlane v3, v14;
	s20 =	sadd.s32 s1, s6  }
0x1c6: {  	s14 =	sadd.s32 $0xF20, s10;
	s6 =	sadd.s32 s7, s6;
	v11 =	vperm.xlane v9, v11;
	v14 =	vld [tilespmem:$0x9A0];
	[tilespmem:s20+$0x0] =	vst v12  }
0x1c7: {  	s3 =	sor.u32 s29, s14;
	s2 =	sadd.s32 s28, s14;
	s20 =	sor.u32 s9, s14;
	v12 =	vperm.xlane v6, v17;
	[tilespmem:s18+$0x0] =	vst v13;
	v13 =	vld [tilespmem:$0x9B0]  }
0x1c8: {  	s14 =	sadd.s32 s26, s14;
	v10 =	vperm.xlane v5, v10;
	[tilespmem:s2+$0x0] =	vst v11;
	v11 =	vld [tilespmem:$0x9A0]  }
0x1c9: {  	v15 =	vperm.xlane v8, v15;
	[tilespmem:s3+$0x0] =	vst v12;
	v12 =	vld [tilespmem:$0x820]  }
0x1ca: {  	v17 =	vld [tilespmem:$0x820];
	[tilespmem:s14+$0x0] =	vst v10;
	v10 =	vperm.xlane v4, v16  }
0x1cb: {  	[tilespmem:s20+$0x0] =	vst v15;
	v15 =	vld [tilespmem:$0x820];
	v14 =	vperm.xlane v2, v14  }
0x1cc: {  	s2 =	sadd.s32 $0x7720, s24;
	v16 =	vld [tilespmem:$0x820];
	[tilespmem:s11+$0x0] =	vst v10;
	v10 =	vperm.xlane v7, v13  }
0x1cd: {  	s3 =	sor.u32 s25, s2;
	s14 =	sadd.s32 s1, s2;
	s11 =	sor.u32 s8, s2;
	v13 =	vld [tilespmem:$0x9B0];
	[tilespmem:s19+$0x0] =	vst v14;
	v11 =	vperm.xlane v3, v11  }
0x1ce: {  	s18 =	sadd.s32 $0x1320, s10;
	s2 =	sadd.s32 s7, s2;
	v12 =	vperm.xlane v9, v12;
	v14 =	vld [tilespmem:$0x9B0];
	[tilespmem:s14+$0x0] =	vst v10  }
0x1cf: {  	s20 =	sadd.s32 s28, s18;
	s19 =	sor.u32 s29, s18;
	s14 =	sor.u32 s9, s18;
	v10 =	vperm.xlane v6, v17;
	[tilespmem:s6+$0x0] =	vst v11;
	v11 =	vld [tilespmem:$0x9C0]  }
0x1d0: {  	s6 =	sadd.s32 s26, s18;
	v15 =	vperm.xlane v5, v15;
	[tilespmem:s20+$0x0] =	vst v12;
	v12 =	vld [tilespmem:$0x9B0]  }
0x1d1: {  	v16 =	vperm.xlane v8, v16;
	[tilespmem:s19+$0x0] =	vst v10;
	v10 =	vld [tilespmem:$0x830]  }
0x1d2: {  	v17 =	vld [tilespmem:$0x830];
	[tilespmem:s6+$0x0] =	vst v15;
	v13 =	vperm.xlane v4, v13  }
0x1d3: {  	[tilespmem:s14+$0x0] =	vst v16;
	v15 =	vld [tilespmem:$0x830];
	v14 =	vperm.xlane v2, v14  }
0x1d4: {  	v16 =	vld [tilespmem:$0x830];
	[tilespmem:s3+$0x0] =	vst v13;
	s3 =	sadd.s32 $0x7B20, s24;
	v11 =	vperm.xlane v7, v11  }
0x1d5: {  	v13 =	vld [tilespmem:$0x9C0];
	s6 =	sor.u32 s25, s3;
	[tilespmem:s11+$0x0] =	vst v14;
	s11 =	sor.u32 s8, s3;
	v12 =	vperm.xlane v3, v12;
	s14 =	sadd.s32 s1, s3  }
0x1d6: {  	s18 =	sadd.s32 $0x1720, s10;
	s3 =	sadd.s32 s7, s3;
	v10 =	vperm.xlane v9, v10;
	v14 =	vld [tilespmem:$0x9C0];
	[tilespmem:s14+$0x0] =	vst v11  }
0x1d7: {  	s20 =	sadd.s32 s28, s18;
	s19 =	sor.u32 s29, s18;
	s14 =	sor.u32 s9, s18;
	v11 =	vperm.xlane v6, v17;
	[tilespmem:s2+$0x0] =	vst v12;
	v12 =	vld [tilespmem:$0x9D0]  }
0x1d8: {  	s2 =	sadd.s32 s26, s18;
	v15 =	vperm.xlane v5, v15;
	[tilespmem:s20+$0x0] =	vst v10;
	v10 =	vld [tilespmem:$0x9C0]  }
0x1d9: {  	v16 =	vperm.xlane v8, v16;
	[tilespmem:s19+$0x0] =	vst v11;
	v11 =	vld [tilespmem:$0x840]  }
0x1da: {  	v17 =	vld [tilespmem:$0x840];
	[tilespmem:s2+$0x0] =	vst v15;
	v13 =	vperm.xlane v4, v13  }
0x1db: {  	[tilespmem:s14+$0x0] =	vst v16;
	v15 =	vld [tilespmem:$0x840];
	v14 =	vperm.xlane v2, v14  }
0x1dc: {  	s2 =	sadd.s32 $0x7F20, s24;
	v16 =	vld [tilespmem:$0x840];
	[tilespmem:s6+$0x0] =	vst v13;
	v12 =	vperm.xlane v7, v12  }
0x1dd: {  	s14 =	sadd.s32 s1, s2;
	s6 =	sor.u32 s25, s2;
	v13 =	vld [tilespmem:$0x9D0];
	[tilespmem:s11+$0x0] =	vst v14;
	s11 =	sor.u32 s8, s2;
	v10 =	vperm.xlane v3, v10  }
0x1de: {  	s18 =	sadd.s32 $0x1B20, s10;
	s2 =	sadd.s32 s7, s2;
	v11 =	vperm.xlane v9, v11;
	v14 =	vld [tilespmem:$0x9D0];
	[tilespmem:s14+$0x0] =	vst v12  }
0x1df: {  	s20 =	sadd.s32 s28, s18;
	s19 =	sor.u32 s29, s18;
	s14 =	sor.u32 s9, s18;
	v12 =	vperm.xlane v6, v17;
	[tilespmem:s3+$0x0] =	vst v10;
	v10 =	vld [tilespmem:$0x9E0]  }
0x1e0: {  	s3 =	sadd.s32 s26, s18;
	v15 =	vperm.xlane v5, v15;
	[tilespmem:s20+$0x0] =	vst v11;
	v11 =	vld [tilespmem:$0x9D0]  }
0x1e1: {  	v16 =	vperm.xlane v8, v16;
	[tilespmem:s19+$0x0] =	vst v12;
	v12 =	vld [tilespmem:$0x850]  }
0x1e2: {  	v17 =	vld [tilespmem:$0x850];
	[tilespmem:s3+$0x0] =	vst v15;
	v13 =	vperm.xlane v4, v13  }
0x1e3: {  	[tilespmem:s14+$0x0] =	vst v16;
	v15 =	vld [tilespmem:$0x850];
	v14 =	vperm.xlane v2, v14  }
0x1e4: {  	s3 =	sadd.s32 $0x8320, s24;
	v16 =	vld [tilespmem:$0x850];
	[tilespmem:s6+$0x0] =	vst v13;
	v10 =	vperm.xlane v7, v10  }
0x1e5: {  	s14 =	sadd.s32 s1, s3;
	s6 =	sor.u32 s25, s3;
	v13 =	vld [tilespmem:$0x9E0];
	[tilespmem:s11+$0x0] =	vst v14;
	s11 =	sor.u32 s8, s3;
	v11 =	vperm.xlane v3, v11  }
0x1e6: {  	s18 =	sadd.s32 $0x1F20, s10;
	s3 =	sadd.s32 s7, s3;
	v12 =	vperm.xlane v9, v12;
	v14 =	vld [tilespmem:$0x9E0];
	[tilespmem:s14+$0x0] =	vst v10  }
0x1e7: {  	s20 =	sadd.s32 s28, s18;
	s19 =	sor.u32 s29, s18;
	s14 =	sor.u32 s9, s18;
	v10 =	vperm.xlane v6, v17;
	[tilespmem:s2+$0x0] =	vst v11;
	v11 =	vld [tilespmem:$0x9F0]  }
0x1e8: {  	s2 =	sadd.s32 s26, s18;
	v15 =	vperm.xlane v5, v15;
	[tilespmem:s20+$0x0] =	vst v12;
	v12 =	vld [tilespmem:$0x9E0]  }
0x1e9: {  	v16 =	vperm.xlane v8, v16;
	[tilespmem:s19+$0x0] =	vst v10;
	v10 =	vld [tilespmem:$0x860]  }
0x1ea: {  	v17 =	vld [tilespmem:$0x860];
	[tilespmem:s2+$0x0] =	vst v15;
	v13 =	vperm.xlane v4, v13  }
0x1eb: {  	[tilespmem:s14+$0x0] =	vst v16;
	v15 =	vld [tilespmem:$0x860];
	v14 =	vperm.xlane v2, v14  }
0x1ec: {  	s2 =	sadd.s32 $0x8720, s24;
	v16 =	vld [tilespmem:$0x860];
	[tilespmem:s6+$0x0] =	vst v13;
	v11 =	vperm.xlane v7, v11  }
0x1ed: {  	s14 =	sadd.s32 s1, s2;
	s6 =	sor.u32 s25, s2;
	v13 =	vld [tilespmem:$0x9F0];
	[tilespmem:s11+$0x0] =	vst v14;
	s11 =	sor.u32 s8, s2;
	v12 =	vperm.xlane v3, v12  }
0x1ee: {  	s18 =	sadd.s32 $0x2320, s10;
	s2 =	sadd.s32 s7, s2;
	v10 =	vperm.xlane v9, v10;
	v14 =	vld [tilespmem:$0x9F0];
	[tilespmem:s14+$0x0] =	vst v11  }
0x1ef: {  	s20 =	sadd.s32 s28, s18;
	s19 =	sor.u32 s29, s18;
	s14 =	sor.u32 s9, s18;
	v11 =	vperm.xlane v6, v17;
	[tilespmem:s3+$0x0] =	vst v12;
	v12 =	vld [tilespmem:$0xA00]  }
0x1f0: {  	s3 =	sadd.s32 s26, s18;
	v15 =	vperm.xlane v5, v15;
	[tilespmem:s20+$0x0] =	vst v10;
	v10 =	vld [tilespmem:$0x9F0]  }
0x1f1: {  	v16 =	vperm.xlane v8, v16;
	[tilespmem:s19+$0x0] =	vst v11;
	v11 =	vld [tilespmem:$0x870]  }
0x1f2: {  	v17 =	vld [tilespmem:$0x870];
	[tilespmem:s3+$0x0] =	vst v15;
	v13 =	vperm.xlane v4, v13  }
0x1f3: {  	[tilespmem:s14+$0x0] =	vst v16;
	v15 =	vld [tilespmem:$0x870];
	v14 =	vperm.xlane v2, v14  }
0x1f4: {  	s3 =	sadd.s32 $0x8B20, s24;
	v16 =	vld [tilespmem:$0x870];
	[tilespmem:s6+$0x0] =	vst v13;
	v12 =	vperm.xlane v7, v12  }
0x1f5: {  	s14 =	sadd.s32 s1, s3;
	s6 =	sor.u32 s25, s3;
	v13 =	vld [tilespmem:$0xA00];
	[tilespmem:s11+$0x0] =	vst v14;
	s11 =	sor.u32 s8, s3;
	v10 =	vperm.xlane v3, v10  }
0x1f6: {  	s18 =	sadd.s32 $0x2720, s10;
	s3 =	sadd.s32 s7, s3;
	v11 =	vperm.xlane v9, v11;
	v14 =	vld [tilespmem:$0xA00];
	[tilespmem:s14+$0x0] =	vst v12  }
0x1f7: {  	s20 =	sadd.s32 s28, s18;
	s19 =	sor.u32 s29, s18;
	s14 =	sor.u32 s9, s18;
	v12 =	vperm.xlane v6, v17;
	[tilespmem:s2+$0x0] =	vst v10;
	v10 =	vld [tilespmem:$0xA10]  }
0x1f8: {  	s2 =	sadd.s32 s26, s18;
	v15 =	vperm.xlane v5, v15;
	[tilespmem:s20+$0x0] =	vst v11;
	v11 =	vld [tilespmem:$0xA00]  }
0x1f9: {  	v16 =	vperm.xlane v8, v16;
	[tilespmem:s19+$0x0] =	vst v12;
	v12 =	vld [tilespmem:$0x880]  }
0x1fa: {  	v17 =	vld [tilespmem:$0x880];
	[tilespmem:s2+$0x0] =	vst v15;
	v13 =	vperm.xlane v4, v13  }
0x1fb: {  	[tilespmem:s14+$0x0] =	vst v16;
	v15 =	vld [tilespmem:$0x880];
	v14 =	vperm.xlane v2, v14  }
0x1fc: {  	s2 =	sadd.s32 $0x8F20, s24;
	v16 =	vld [tilespmem:$0x880];
	[tilespmem:s6+$0x0] =	vst v13;
	v10 =	vperm.xlane v7, v10  }
0x1fd: {  	s14 =	sadd.s32 s1, s2;
	s6 =	sor.u32 s25, s2;
	v13 =	vld [tilespmem:$0xA10];
	[tilespmem:s11+$0x0] =	vst v14;
	s11 =	sor.u32 s8, s2;
	v11 =	vperm.xlane v3, v11  }
0x1fe: {  	s18 =	sadd.s32 $0x2B20, s10;
	s2 =	sadd.s32 s7, s2;
	v12 =	vperm.xlane v9, v12;
	v14 =	vld [tilespmem:$0xA10];
	[tilespmem:s14+$0x0] =	vst v10  }
0x1ff: {  	s20 =	sadd.s32 s28, s18;
	s19 =	sor.u32 s29, s18;
	s14 =	sor.u32 s9, s18;
	v10 =	vperm.xlane v6, v17;
	[tilespmem:s3+$0x0] =	vst v11;
	v11 =	vld [tilespmem:$0xA20]  }
0x200: {  	s3 =	sadd.s32 s26, s18;
	v15 =	vperm.xlane v5, v15;
	[tilespmem:s20+$0x0] =	vst v12;
	v12 =	vld [tilespmem:$0xA10]  }
0x201: {  	v16 =	vperm.xlane v8, v16;
	[tilespmem:s19+$0x0] =	vst v10;
	v10 =	vld [tilespmem:$0x890]  }
0x202: {  	v17 =	vld [tilespmem:$0x890];
	[tilespmem:s3+$0x0] =	vst v15;
	v13 =	vperm.xlane v4, v13  }
0x203: {  	[tilespmem:s14+$0x0] =	vst v16;
	v15 =	vld [tilespmem:$0x890];
	v14 =	vperm.xlane v2, v14  }
0x204: {  	s3 =	sadd.s32 $0x9320, s24;
	v16 =	vld [tilespmem:$0x890];
	[tilespmem:s6+$0x0] =	vst v13;
	v11 =	vperm.xlane v7, v11  }
0x205: {  	s14 =	sadd.s32 s1, s3;
	s6 =	sor.u32 s25, s3;
	v13 =	vld [tilespmem:$0xA20];
	[tilespmem:s11+$0x0] =	vst v14;
	s11 =	sor.u32 s8, s3;
	v12 =	vperm.xlane v3, v12  }
0x206: {  	s18 =	sadd.s32 $0x2F20, s10;
	s3 =	sadd.s32 s7, s3;
	v10 =	vperm.xlane v9, v10;
	v14 =	vld [tilespmem:$0xA20];
	[tilespmem:s14+$0x0] =	vst v11  }
0x207: {  	s20 =	sadd.s32 s28, s18;
	s19 =	sor.u32 s29, s18;
	s14 =	sor.u32 s9, s18;
	v11 =	vperm.xlane v6, v17;
	[tilespmem:s2+$0x0] =	vst v12;
	v12 =	vld [tilespmem:$0xA30]  }
0x208: {  	s2 =	sadd.s32 s26, s18;
	v15 =	vperm.xlane v5, v15;
	[tilespmem:s20+$0x0] =	vst v10;
	v10 =	vld [tilespmem:$0xA20]  }
0x209: {  	v16 =	vperm.xlane v8, v16;
	[tilespmem:s19+$0x0] =	vst v11;
	v11 =	vld [tilespmem:$0x8A0]  }
0x20a: {  	v17 =	vld [tilespmem:$0x8A0];
	[tilespmem:s2+$0x0] =	vst v15;
	v13 =	vperm.xlane v4, v13  }
0x20b: {  	[tilespmem:s14+$0x0] =	vst v16;
	v15 =	vld [tilespmem:$0x8A0];
	v14 =	vperm.xlane v2, v14  }
0x20c: {  	s2 =	sadd.s32 $0x9720, s24;
	v16 =	vld [tilespmem:$0x8A0];
	[tilespmem:s6+$0x0] =	vst v13;
	v12 =	vperm.xlane v7, v12  }
0x20d: {  	s14 =	sadd.s32 s1, s2;
	s6 =	sor.u32 s25, s2;
	v13 =	vld [tilespmem:$0xA30];
	[tilespmem:s11+$0x0] =	vst v14;
	s11 =	sor.u32 s8, s2;
	v10 =	vperm.xlane v3, v10  }
0x20e: {  	s18 =	sadd.s32 $0x3320, s10;
	s2 =	sadd.s32 s7, s2;
	v11 =	vperm.xlane v9, v11;
	v14 =	vld [tilespmem:$0xA30];
	[tilespmem:s14+$0x0] =	vst v12  }
0x20f: {  	s20 =	sadd.s32 s28, s18;
	s19 =	sor.u32 s29, s18;
	s14 =	sor.u32 s9, s18;
	v12 =	vperm.xlane v6, v17;
	[tilespmem:s3+$0x0] =	vst v10;
	v10 =	vld [tilespmem:$0xA40]  }
0x210: {  	s3 =	sadd.s32 s26, s18;
	v15 =	vperm.xlane v5, v15;
	[tilespmem:s20+$0x0] =	vst v11;
	v11 =	vld [tilespmem:$0xA30]  }
0x211: {  	v16 =	vperm.xlane v8, v16;
	[tilespmem:s19+$0x0] =	vst v12;
	v12 =	vld [tilespmem:$0x8B0]  }
0x212: {  	v17 =	vld [tilespmem:$0x8B0];
	[tilespmem:s3+$0x0] =	vst v15;
	v13 =	vperm.xlane v4, v13  }
0x213: {  	[tilespmem:s14+$0x0] =	vst v16;
	v15 =	vld [tilespmem:$0x8B0];
	v14 =	vperm.xlane v2, v14  }
0x214: {  	s3 =	sadd.s32 $0x9B20, s24;
	v16 =	vld [tilespmem:$0x8B0];
	[tilespmem:s6+$0x0] =	vst v13;
	v10 =	vperm.xlane v7, v10  }
0x215: {  	s14 =	sadd.s32 s1, s3;
	s6 =	sor.u32 s25, s3;
	v13 =	vld [tilespmem:$0xA40];
	[tilespmem:s11+$0x0] =	vst v14;
	s11 =	sor.u32 s8, s3;
	v11 =	vperm.xlane v3, v11  }
0x216: {  	s18 =	sadd.s32 $0x3720, s10;
	s3 =	sadd.s32 s7, s3;
	v12 =	vperm.xlane v9, v12;
	v14 =	vld [tilespmem:$0xA40];
	[tilespmem:s14+$0x0] =	vst v10  }
0x217: {  	s20 =	sadd.s32 s28, s18;
	s19 =	sor.u32 s29, s18;
	s14 =	sor.u32 s9, s18;
	v10 =	vperm.xlane v6, v17;
	[tilespmem:s2+$0x0] =	vst v11;
	v11 =	vld [tilespmem:$0xA50]  }
0x218: {  	s2 =	sadd.s32 s26, s18;
	v15 =	vperm.xlane v5, v15;
	[tilespmem:s20+$0x0] =	vst v12;
	v12 =	vld [tilespmem:$0xA40]  }
0x219: {  	v16 =	vperm.xlane v8, v16;
	[tilespmem:s19+$0x0] =	vst v10;
	v10 =	vld [tilespmem:$0x8C0]  }
0x21a: {  	v17 =	vld [tilespmem:$0x8C0];
	[tilespmem:s2+$0x0] =	vst v15;
	v13 =	vperm.xlane v4, v13  }
0x21b: {  	[tilespmem:s14+$0x0] =	vst v16;
	v15 =	vld [tilespmem:$0x8C0];
	v14 =	vperm.xlane v2, v14  }
0x21c: {  	s2 =	sadd.s32 $0x9F20, s24;
	v16 =	vld [tilespmem:$0x8C0];
	[tilespmem:s6+$0x0] =	vst v13;
	v11 =	vperm.xlane v7, v11  }
0x21d: {  	s14 =	sadd.s32 s1, s2;
	s6 =	sor.u32 s25, s2;
	v13 =	vld [tilespmem:$0xA50];
	[tilespmem:s11+$0x0] =	vst v14;
	s11 =	sor.u32 s8, s2;
	v12 =	vperm.xlane v3, v12  }
0x21e: {  	s18 =	sadd.s32 $0x3B20, s10;
	s2 =	sadd.s32 s7, s2;
	v10 =	vperm.xlane v9, v10;
	v14 =	vld [tilespmem:$0xA50];
	[tilespmem:s14+$0x0] =	vst v11  }
0x21f: {  	s20 =	sadd.s32 s28, s18;
	s19 =	sor.u32 s29, s18;
	s14 =	sor.u32 s9, s18;
	v11 =	vperm.xlane v6, v17;
	[tilespmem:s3+$0x0] =	vst v12;
	v12 =	vld [tilespmem:$0xA60]  }
0x220: {  	s3 =	sadd.s32 s26, s18;
	v15 =	vperm.xlane v5, v15;
	[tilespmem:s20+$0x0] =	vst v10;
	v10 =	vld [tilespmem:$0xA50]  }
0x221: {  	v16 =	vperm.xlane v8, v16;
	[tilespmem:s19+$0x0] =	vst v11;
	v11 =	vld [tilespmem:$0x8D0]  }
0x222: {  	v17 =	vld [tilespmem:$0x8D0];
	[tilespmem:s3+$0x0] =	vst v15;
	v13 =	vperm.xlane v4, v13  }
0x223: {  	[tilespmem:s14+$0x0] =	vst v16;
	v15 =	vld [tilespmem:$0x8D0];
	v14 =	vperm.xlane v2, v14  }
0x224: {  	s3 =	sadd.s32 $0xA320, s24;
	v16 =	vld [tilespmem:$0x8D0];
	[tilespmem:s6+$0x0] =	vst v13;
	v12 =	vperm.xlane v7, v12  }
0x225: {  	s14 =	sadd.s32 s1, s3;
	s6 =	sor.u32 s25, s3;
	v13 =	vld [tilespmem:$0xA60];
	[tilespmem:s11+$0x0] =	vst v14;
	s11 =	sor.u32 s8, s3;
	v10 =	vperm.xlane v3, v10  }
0x226: {  	s18 =	sadd.s32 $0x3F20, s10;
	s3 =	sadd.s32 s7, s3;
	v11 =	vperm.xlane v9, v11;
	v14 =	vld [tilespmem:$0xA60];
	[tilespmem:s14+$0x0] =	vst v12  }
0x227: {  	s20 =	sadd.s32 s28, s18;
	s19 =	sor.u32 s29, s18;
	s14 =	sor.u32 s9, s18;
	v12 =	vperm.xlane v6, v17;
	[tilespmem:s2+$0x0] =	vst v10;
	v10 =	vld [tilespmem:$0xA70]  }
0x228: {  	s2 =	sadd.s32 s26, s18;
	v15 =	vperm.xlane v5, v15;
	[tilespmem:s20+$0x0] =	vst v11;
	v11 =	vld [tilespmem:$0xA60]  }
0x229: {  	v16 =	vperm.xlane v8, v16;
	[tilespmem:s19+$0x0] =	vst v12;
	v12 =	vld [tilespmem:$0x8E0]  }
0x22a: {  	v17 =	vld [tilespmem:$0x8E0];
	[tilespmem:s2+$0x0] =	vst v15;
	v13 =	vperm.xlane v4, v13  }
0x22b: {  	[tilespmem:s14+$0x0] =	vst v16;
	v15 =	vld [tilespmem:$0x8E0];
	v14 =	vperm.xlane v2, v14  }
0x22c: {  	s2 =	sadd.s32 $0xA720, s24;
	v16 =	vld [tilespmem:$0x8E0];
	[tilespmem:s6+$0x0] =	vst v13;
	v10 =	vperm.xlane v7, v10  }
0x22d: {  	s14 =	sadd.s32 s1, s2;
	s6 =	sor.u32 s25, s2;
	v13 =	vld [tilespmem:$0xA70];
	[tilespmem:s11+$0x0] =	vst v14;
	s11 =	sor.u32 s8, s2;
	v11 =	vperm.xlane v3, v11  }
0x22e: {  	s18 =	sadd.s32 $0x4320, s10;
	s2 =	sadd.s32 s7, s2;
	v12 =	vperm.xlane v9, v12;
	v14 =	vld [tilespmem:$0xA70];
	[tilespmem:s14+$0x0] =	vst v10  }
0x22f: {  	s20 =	sadd.s32 s28, s18;
	s19 =	sor.u32 s29, s18;
	s14 =	sor.u32 s9, s18;
	v10 =	vperm.xlane v6, v17;
	[tilespmem:s3+$0x0] =	vst v11;
	v11 =	vld [tilespmem:$0xA80]  }
0x230: {  	s3 =	sadd.s32 s26, s18;
	v15 =	vperm.xlane v5, v15;
	[tilespmem:s20+$0x0] =	vst v12;
	v12 =	vld [tilespmem:$0xA70]  }
0x231: {  	v16 =	vperm.xlane v8, v16;
	[tilespmem:s19+$0x0] =	vst v10;
	v10 =	vld [tilespmem:$0x8F0]  }
0x232: {  	v17 =	vld [tilespmem:$0x8F0];
	[tilespmem:s3+$0x0] =	vst v15;
	v13 =	vperm.xlane v4, v13  }
0x233: {  	[tilespmem:s14+$0x0] =	vst v16;
	v15 =	vld [tilespmem:$0x8F0];
	v14 =	vperm.xlane v2, v14  }
0x234: {  	s3 =	sadd.s32 $0xAB20, s24;
	v16 =	vld [tilespmem:$0x8F0];
	[tilespmem:s6+$0x0] =	vst v13;
	v11 =	vperm.xlane v7, v11  }
0x235: {  	s14 =	sadd.s32 s1, s3;
	s6 =	sor.u32 s25, s3;
	v13 =	vld [tilespmem:$0xA80];
	[tilespmem:s11+$0x0] =	vst v14;
	s11 =	sor.u32 s8, s3;
	v12 =	vperm.xlane v3, v12  }
0x236: {  	s18 =	sadd.s32 $0x4720, s10;
	s3 =	sadd.s32 s7, s3;
	v10 =	vperm.xlane v9, v10;
	v14 =	vld [tilespmem:$0xA80];
	[tilespmem:s14+$0x0] =	vst v11  }
0x237: {  	s20 =	sadd.s32 s28, s18;
	s19 =	sor.u32 s29, s18;
	s14 =	sor.u32 s9, s18;
	v11 =	vperm.xlane v6, v17;
	[tilespmem:s2+$0x0] =	vst v12;
	v12 =	vld [tilespmem:$0xA90]  }
0x238: {  	s2 =	sadd.s32 s26, s18;
	v15 =	vperm.xlane v5, v15;
	[tilespmem:s20+$0x0] =	vst v10;
	v10 =	vld [tilespmem:$0xA80]  }
0x239: {  	v16 =	vperm.xlane v8, v16;
	[tilespmem:s19+$0x0] =	vst v11;
	v11 =	vld [tilespmem:$0x900]  }
0x23a: {  	v17 =	vld [tilespmem:$0x900];
	[tilespmem:s2+$0x0] =	vst v15;
	v13 =	vperm.xlane v4, v13  }
0x23b: {  	[tilespmem:s14+$0x0] =	vst v16;
	v15 =	vld [tilespmem:$0x900];
	v14 =	vperm.xlane v2, v14  }
0x23c: {  	s2 =	sadd.s32 $0xAF20, s24;
	v16 =	vld [tilespmem:$0x900];
	[tilespmem:s6+$0x0] =	vst v13;
	v12 =	vperm.xlane v7, v12  }
0x23d: {  	s14 =	sadd.s32 s1, s2;
	s6 =	sor.u32 s25, s2;
	v13 =	vld [tilespmem:$0xA90];
	[tilespmem:s11+$0x0] =	vst v14;
	s11 =	sor.u32 s8, s2;
	v10 =	vperm.xlane v3, v10  }
0x23e: {  	s18 =	sadd.s32 $0x4B20, s10;
	s2 =	sadd.s32 s7, s2;
	v11 =	vperm.xlane v9, v11;
	v14 =	vld [tilespmem:$0xA90];
	[tilespmem:s14+$0x0] =	vst v12  }
0x23f: {  	s20 =	sadd.s32 s28, s18;
	s19 =	sor.u32 s29, s18;
	s14 =	sor.u32 s9, s18;
	v12 =	vperm.xlane v6, v17;
	[tilespmem:s3+$0x0] =	vst v10;
	v10 =	vld [tilespmem:$0xAA0]  }
0x240: {  	s3 =	sadd.s32 s26, s18;
	v15 =	vperm.xlane v5, v15;
	[tilespmem:s20+$0x0] =	vst v11;
	v11 =	vld [tilespmem:$0xA90]  }
0x241: {  	v16 =	vperm.xlane v8, v16;
	[tilespmem:s19+$0x0] =	vst v12;
	v12 =	vld [tilespmem:$0x910]  }
0x242: {  	v17 =	vld [tilespmem:$0x910];
	[tilespmem:s3+$0x0] =	vst v15;
	v13 =	vperm.xlane v4, v13  }
0x243: {  	[tilespmem:s14+$0x0] =	vst v16;
	v15 =	vld [tilespmem:$0x910];
	v14 =	vperm.xlane v2, v14  }
0x244: {  	s3 =	sadd.s32 $0xB320, s24;
	v16 =	vld [tilespmem:$0x910];
	[tilespmem:s6+$0x0] =	vst v13;
	v10 =	vperm.xlane v7, v10  }
0x245: {  	s14 =	sadd.s32 s1, s3;
	s6 =	sor.u32 s25, s3;
	v13 =	vld [tilespmem:$0xAA0];
	[tilespmem:s11+$0x0] =	vst v14;
	s11 =	sor.u32 s8, s3;
	v11 =	vperm.xlane v3, v11  }
0x246: {  	s18 =	sadd.s32 $0x4F20, s10;
	s3 =	sadd.s32 s7, s3;
	v12 =	vperm.xlane v9, v12;
	v14 =	vld [tilespmem:$0xAA0];
	[tilespmem:s14+$0x0] =	vst v10  }
0x247: {  	s20 =	sadd.s32 s28, s18;
	s19 =	sor.u32 s29, s18;
	s14 =	sor.u32 s9, s18;
	v10 =	vperm.xlane v6, v17;
	[tilespmem:s2+$0x0] =	vst v11;
	v11 =	vld [tilespmem:$0xAB0]  }
0x248: {  	s2 =	sadd.s32 s26, s18;
	v15 =	vperm.xlane v5, v15;
	[tilespmem:s20+$0x0] =	vst v12;
	v12 =	vld [tilespmem:$0xAA0]  }
0x249: {  	v16 =	vperm.xlane v8, v16;
	[tilespmem:s19+$0x0] =	vst v10;
	v10 =	vld [tilespmem:$0x920]  }
0x24a: {  	v17 =	vld [tilespmem:$0x920];
	[tilespmem:s2+$0x0] =	vst v15;
	v13 =	vperm.xlane v4, v13  }
0x24b: {  	[tilespmem:s14+$0x0] =	vst v16;
	v15 =	vld [tilespmem:$0x920];
	v14 =	vperm.xlane v2, v14  }
0x24c: {  	s2 =	sadd.s32 $0xB720, s24;
	v16 =	vld [tilespmem:$0x920];
	[tilespmem:s6+$0x0] =	vst v13;
	v11 =	vperm.xlane v7, v11  }
0x24d: {  	s14 =	sadd.s32 s1, s2;
	s6 =	sor.u32 s25, s2;
	v13 =	vld [tilespmem:$0xAB0];
	[tilespmem:s11+$0x0] =	vst v14;
	s11 =	sor.u32 s8, s2;
	v12 =	vperm.xlane v3, v12  }
0x24e: {  	s18 =	sadd.s32 $0x5320, s10;
	s2 =	sadd.s32 s7, s2;
	v10 =	vperm.xlane v9, v10;
	v14 =	vld [tilespmem:$0xAB0];
	[tilespmem:s14+$0x0] =	vst v11  }
0x24f: {  	s20 =	sadd.s32 s28, s18;
	s19 =	sor.u32 s29, s18;
	s14 =	sor.u32 s9, s18;
	v11 =	vperm.xlane v6, v17;
	[tilespmem:s3+$0x0] =	vst v12;
	v12 =	vld [tilespmem:$0xAC0]  }
0x250: {  	s3 =	sadd.s32 s26, s18;
	v15 =	vperm.xlane v5, v15;
	[tilespmem:s20+$0x0] =	vst v10;
	v10 =	vld [tilespmem:$0xAB0]  }
0x251: {  	v16 =	vperm.xlane v8, v16;
	[tilespmem:s19+$0x0] =	vst v11;
	v11 =	vld [tilespmem:$0x930]  }
0x252: {  	v17 =	vld [tilespmem:$0x930];
	[tilespmem:s3+$0x0] =	vst v15;
	v13 =	vperm.xlane v4, v13  }
0x253: {  	[tilespmem:s14+$0x0] =	vst v16;
	v15 =	vld [tilespmem:$0x930];
	v14 =	vperm.xlane v2, v14  }
0x254: {  	s3 =	sadd.s32 $0xBB20, s24;
	v16 =	vld [tilespmem:$0x930];
	[tilespmem:s6+$0x0] =	vst v13;
	v12 =	vperm.xlane v7, v12  }
0x255: {  	s14 =	sadd.s32 s1, s3;
	s6 =	sor.u32 s25, s3;
	v13 =	vld [tilespmem:$0xAC0];
	[tilespmem:s11+$0x0] =	vst v14;
	s11 =	sor.u32 s8, s3;
	v10 =	vperm.xlane v3, v10  }
0x256: {  	s18 =	sadd.s32 $0x5720, s10;
	s3 =	sadd.s32 s7, s3;
	v11 =	vperm.xlane v9, v11;
	v14 =	vld [tilespmem:$0xAC0];
	[tilespmem:s14+$0x0] =	vst v12  }
0x257: {  	s20 =	sadd.s32 s28, s18;
	s19 =	sor.u32 s29, s18;
	s14 =	sor.u32 s9, s18;
	v12 =	vperm.xlane v6, v17;
	[tilespmem:s2+$0x0] =	vst v10;
	v10 =	vld [tilespmem:$0xAD0]  }
0x258: {  	s2 =	sadd.s32 s26, s18;
	v15 =	vperm.xlane v5, v15;
	[tilespmem:s20+$0x0] =	vst v11;
	v11 =	vld [tilespmem:$0xAC0]  }
0x259: {  	v16 =	vperm.xlane v8, v16;
	[tilespmem:s19+$0x0] =	vst v12;
	v12 =	vld [tilespmem:$0x940]  }
0x25a: {  	v17 =	vld [tilespmem:$0x940];
	[tilespmem:s2+$0x0] =	vst v15;
	v13 =	vperm.xlane v4, v13  }
0x25b: {  	[tilespmem:s14+$0x0] =	vst v16;
	v15 =	vld [tilespmem:$0x940];
	v14 =	vperm.xlane v2, v14  }
0x25c: {  	s2 =	sadd.s32 $0xBF20, s24;
	v16 =	vld [tilespmem:$0x940];
	[tilespmem:s6+$0x0] =	vst v13;
	v10 =	vperm.xlane v7, v10  }
0x25d: {  	s14 =	sadd.s32 s1, s2;
	s6 =	sor.u32 s25, s2;
	v13 =	vld [tilespmem:$0xAD0];
	[tilespmem:s11+$0x0] =	vst v14;
	s11 =	sor.u32 s8, s2;
	v11 =	vperm.xlane v3, v11  }
0x25e: {  	s18 =	sadd.s32 $0x5B20, s10;
	s2 =	sadd.s32 s7, s2;
	v12 =	vperm.xlane v9, v12;
	v14 =	vld [tilespmem:$0xAD0];
	[tilespmem:s14+$0x0] =	vst v10  }
0x25f: {  	s20 =	sadd.s32 s28, s18;
	s19 =	sor.u32 s29, s18;
	s14 =	sor.u32 s9, s18;
	v10 =	vperm.xlane v6, v17;
	[tilespmem:s3+$0x0] =	vst v11;
	v11 =	vld [tilespmem:$0xAE0]  }
0x260: {  	s3 =	sadd.s32 s26, s18;
	v15 =	vperm.xlane v5, v15;
	[tilespmem:s20+$0x0] =	vst v12;
	v12 =	vld [tilespmem:$0xAD0]  }
0x261: {  	v16 =	vperm.xlane v8, v16;
	[tilespmem:s19+$0x0] =	vst v10;
	v10 =	vld [tilespmem:$0x950]  }
0x262: {  	v17 =	vld [tilespmem:$0x950];
	[tilespmem:s3+$0x0] =	vst v15;
	v13 =	vperm.xlane v4, v13  }
0x263: {  	[tilespmem:s14+$0x0] =	vst v16;
	v15 =	vld [tilespmem:$0x950];
	v14 =	vperm.xlane v2, v14  }
0x264: {  	s3 =	sadd.s32 $0xC320, s24;
	v16 =	vld [tilespmem:$0x950];
	[tilespmem:s6+$0x0] =	vst v13;
	v11 =	vperm.xlane v7, v11  }
0x265: {  	s14 =	sadd.s32 s1, s3;
	s6 =	sor.u32 s25, s3;
	v13 =	vld [tilespmem:$0xAE0];
	[tilespmem:s11+$0x0] =	vst v14;
	s11 =	sor.u32 s8, s3;
	v12 =	vperm.xlane v3, v12  }
0x266: {  	s18 =	sadd.s32 $0x5F20, s10;
	s3 =	sadd.s32 s7, s3;
	v10 =	vperm.xlane v9, v10;
	v14 =	vld [tilespmem:$0xAE0];
	[tilespmem:s14+$0x0] =	vst v11  }
0x267: {  	s20 =	sadd.s32 s28, s18;
	s19 =	sor.u32 s29, s18;
	s14 =	sor.u32 s9, s18;
	v11 =	vperm.xlane v6, v17;
	[tilespmem:s2+$0x0] =	vst v12;
	v12 =	vld [tilespmem:$0xAF0]  }
0x268: {  	s2 =	sadd.s32 s26, s18;
	v15 =	vperm.xlane v5, v15;
	[tilespmem:s20+$0x0] =	vst v10;
	v10 =	vld [tilespmem:$0xAE0]  }
0x269: {  	v16 =	vperm.xlane v8, v16;
	[tilespmem:s19+$0x0] =	vst v11;
	v11 =	vld [tilespmem:$0x960]  }
0x26a: {  	v17 =	vld [tilespmem:$0x960];
	[tilespmem:s2+$0x0] =	vst v15;
	v13 =	vperm.xlane v4, v13  }
0x26b: {  	[tilespmem:s14+$0x0] =	vst v16;
	v15 =	vld [tilespmem:$0x960];
	v14 =	vperm.xlane v2, v14  }
0x26c: {  	s2 =	sadd.s32 $0xC720, s24;
	v16 =	vld [tilespmem:$0x960];
	[tilespmem:s6+$0x0] =	vst v13;
	v12 =	vperm.xlane v7, v12  }
0x26d: {  	s14 =	sadd.s32 s1, s2;
	s6 =	sor.u32 s25, s2;
	v13 =	vld [tilespmem:$0xAF0];
	[tilespmem:s11+$0x0] =	vst v14;
	s11 =	sor.u32 s8, s2;
	v10 =	vperm.xlane v3, v10  }
0x26e: {  	s18 =	sadd.s32 $0x6320, s10;
	s2 =	sadd.s32 s7, s2;
	v11 =	vperm.xlane v9, v11;
	v14 =	vld [tilespmem:$0xAF0];
	[tilespmem:s14+$0x0] =	vst v12  }
0x26f: {  	s20 =	sadd.s32 s28, s18;
	s19 =	sor.u32 s29, s18;
	s14 =	sor.u32 s9, s18;
	v12 =	vperm.xlane v6, v17;
	[tilespmem:s3+$0x0] =	vst v10;
	v10 =	vld [tilespmem:$0xB00]  }
0x270: {  	s3 =	sadd.s32 s26, s18;
	v15 =	vperm.xlane v5, v15;
	[tilespmem:s20+$0x0] =	vst v11;
	v11 =	vld [tilespmem:$0xAF0]  }
0x271: {  	v16 =	vperm.xlane v8, v16;
	[tilespmem:s19+$0x0] =	vst v12;
	v12 =	vld [tilespmem:$0x970]  }
0x272: {  	v17 =	vld [tilespmem:$0x970];
	[tilespmem:s3+$0x0] =	vst v15;
	v13 =	vperm.xlane v4, v13  }
0x273: {  	[tilespmem:s14+$0x0] =	vst v16;
	v15 =	vld [tilespmem:$0x970];
	v14 =	vperm.xlane v2, v14  }
0x274: {  	s3 =	sadd.s32 $0xCB20, s24;
	v16 =	vld [tilespmem:$0x970];
	[tilespmem:s6+$0x0] =	vst v13;
	v10 =	vperm.xlane v7, v10  }
0x275: {  	s14 =	sor.u32 s8, s3;
	s6 =	sor.u32 s25, s3;
	v13 =	vld [tilespmem:$0xB00];
	[tilespmem:s11+$0x0] =	vst v14;
	v11 =	vperm.xlane v3, v11;
	s11 =	sadd.s32 s1, s3  }
0x276: {  	s19 =	sadd.s32 $0x6720, s10;
	s18 =	sadd.s32 s7, s3;
	v12 =	vperm.xlane v9, v12;
	v14 =	vld [tilespmem:$0xB00];
	[tilespmem:s11+$0x0] =	vst v10  }
0x277: {  	s20 =	sadd.s32 s28, s19;
	s3 =	sor.u32 s9, s19;
	s11 =	sor.u32 s29, s19;
	v10 =	vperm.xlane v6, v17;
	[tilespmem:s2+$0x0] =	vst v11;
	v11 =	vld [tilespmem:$0xB10]  }
0x278: {  	s2 =	sadd.s32 s26, s19;
	v15 =	vperm.xlane v5, v15;
	[tilespmem:s20+$0x0] =	vst v12;
	v17 =	vld [tilespmem:$0xB00]  }
0x279: {  	v16 =	vperm.xlane v8, v16;
	[tilespmem:s11+$0x0] =	vst v10;
	v10 =	vld [tilespmem:$0x980]  }
.Ltmp1:
0x27a: {  	v12 =	vld [tilespmem:$0x980];
	[tilespmem:s2+$0x0] =	vst v15;
	v15 =	vperm.xlane v4, v13;
	(pc) =	sbr.rel @p1 .LBB2_5-.Ltmp1, $4  }
0x27b: {  	[tilespmem:s3+$0x0] =	vst v16;
	v13 =	vld [tilespmem:$0x980];
	v16 =	vperm.xlane v2, v14  }
0x27c: {  	s2 =	sadd.s32 $0xCF20, s24;
	s24 =	smov.u32 s10;
	v14 =	vld [tilespmem:$0x980];
	[tilespmem:s6+$0x0] =	vst v15;
	v18 =	vperm.xlane v7, v11;
	v7 =	vmov v9  }
0x27d: {  	s11 =	sor.u32 s25, s2;
	s10 =	sor.u32 s8, s2;
	s3 =	sadd.s32 s1, s2;
	v9 =	vld [tilespmem:$0xB10];
	[tilespmem:s14+$0x0] =	vst v16;
	v11 =	vperm.xlane v3, v17  }
0x27e: {  	s1 =	sadd.s32 $0x6B20, s24;
	s25 =	smov.u32 s9;
	s6 =	sadd.s32 s7, s2;
	v15 =	vperm.xlane v7, v10;
	v10 =	vld [tilespmem:$0xB10];
	[tilespmem:s3+$0x0] =	vst v18  }
0x27f: {  	_ =	sdelay $0x1  }
0x280: {  	s0 =	sadd.s32 s28, s1;
	v14 =	vperm.xlane v8, v14  }
0x281: {  	s2 =	sor.u32 s25, s1;
	v12 =	vperm.xlane v6, v12;
	[tilespmem:s0+$0x0] =	vst v15  }
0x282: {  	s8 =	sor.u32 s29, s1;
	v13 =	vperm.xlane v5, v13;
	v15 =	vld [tilespmem:$0x990];
	[tilespmem:s2+$0x0] =	vst v14  }
0x283: {  	s9 =	sadd.s32 s26, s1;
	[tilespmem:s8+$0x0] =	vst v12;
	v53 =	vld [tilespmem:$0x990]  }
0x284: {  	[tilespmem:s9+$0x0] =	vst v13;
	v54 =	vld [tilespmem:$0x990]  }
0x285: {  	v55 =	vld [tilespmem:$0x990];
	_ =	sdelay $0x1  }
0x286: {  	s14 =	sadd.s32 $0x6F20, s24;
	v15 =	vperm.xlane v7, v15  }
0x287: {  	s19 =	sadd.s32 s28, s14;
	v12 =	vperm.xlane v8, v53  }
0x288: {  	s20 =	sor.u32 s25, s14;
	v13 =	vperm.xlane v6, v54;
	[tilespmem:s19+$0x0] =	vst v15  }
0x289: {  	s30 =	sor.u32 s29, s14;
	v56 =	vperm.xlane v5, v55;
	v15 =	vld [tilespmem:$0x9A0];
	[tilespmem:s20+$0x0] =	vst v12  }
0x28a: {  	s0 =	sadd.s32 s26, s14;
	[tilespmem:s30+$0x0] =	vst v13;
	v57 =	vld [tilespmem:$0x9A0]  }
0x28b: {  	v13 =	vld [tilespmem:$0x9A0];
	[tilespmem:s0+$0x0] =	vst v56  }
0x28c: {  	v12 =	vld [tilespmem:$0x9A0];
	_ =	sdelay $0x1  }
0x28d: {  	s31 =	sadd.s32 $0x7320, s24;
	v15 =	vperm.xlane v7, v15  }
0x28e: {  	s2 =	sadd.s32 s28, s31;
	v14 =	vperm.xlane v8, v57  }
0x28f: {  	s3 =	sor.u32 s25, s31;
	v13 =	vperm.xlane v6, v13;
	[tilespmem:s2+$0x0] =	vst v15  }
0x290: {  	s7 =	sor.u32 s29, s31;
	v12 =	vperm.xlane v5, v12;
	v15 =	vld [tilespmem:$0x9B0];
	[tilespmem:s3+$0x0] =	vst v14  }
0x291: {  	s0 =	sadd.s32 s26, s31;
	[tilespmem:s7+$0x0] =	vst v13;
	v14 =	vld [tilespmem:$0x9B0]  }
0x292: {  	v13 =	vld [tilespmem:$0x9B0];
	[tilespmem:s0+$0x0] =	vst v12  }
0x293: {  	v12 =	vld [tilespmem:$0x9B0];
	_ =	sdelay $0x1  }
0x294: {  	s8 =	sadd.s32 $0x7720, s24;
	v15 =	vperm.xlane v7, v15  }
0x295: {  	s9 =	sadd.s32 s28, s8;
	v14 =	vperm.xlane v8, v14  }
0x296: {  	s14 =	sor.u32 s25, s8;
	v13 =	vperm.xlane v6, v13;
	[tilespmem:s9+$0x0] =	vst v15  }
0x297: {  	s19 =	sor.u32 s29, s8;
	v12 =	vperm.xlane v5, v12;
	v15 =	vld [tilespmem:$0x9C0];
	[tilespmem:s14+$0x0] =	vst v14  }
0x298: {  	s0 =	sadd.s32 s26, s8;
	[tilespmem:s19+$0x0] =	vst v13;
	v14 =	vld [tilespmem:$0x9C0]  }
0x299: {  	v13 =	vld [tilespmem:$0x9C0];
	[tilespmem:s0+$0x0] =	vst v12  }
0x29a: {  	v12 =	vld [tilespmem:$0x9C0];
	_ =	sdelay $0x1  }
0x29b: {  	s20 =	sadd.s32 $0x7B20, s24;
	v15 =	vperm.xlane v7, v15  }
0x29c: {  	s30 =	sadd.s32 s28, s20;
	v14 =	vperm.xlane v8, v14  }
0x29d: {  	s31 =	sor.u32 s25, s20;
	v13 =	vperm.xlane v6, v13;
	[tilespmem:s30+$0x0] =	vst v15  }
0x29e: {  	s3 =	sor.u32 s29, s20;
	v12 =	vperm.xlane v5, v12;
	v15 =	vld [tilespmem:$0x9D0];
	[tilespmem:s31+$0x0] =	vst v14  }
0x29f: {  	s0 =	sadd.s32 s26, s20;
	[tilespmem:s3+$0x0] =	vst v13;
	v14 =	vld [tilespmem:$0x9D0]  }
0x2a0: {  	v13 =	vld [tilespmem:$0x9D0];
	[tilespmem:s0+$0x0] =	vst v12  }
0x2a1: {  	v12 =	vld [tilespmem:$0x9D0];
	_ =	sdelay $0x1  }
0x2a2: {  	s7 =	sadd.s32 $0x7F20, s24;
	v15 =	vperm.xlane v7, v15  }
0x2a3: {  	s8 =	sadd.s32 s28, s7;
	v14 =	vperm.xlane v8, v14  }
0x2a4: {  	s9 =	sor.u32 s25, s7;
	v13 =	vperm.xlane v6, v13;
	[tilespmem:s8+$0x0] =	vst v15  }
0x2a5: {  	s14 =	sor.u32 s29, s7;
	v12 =	vperm.xlane v5, v12;
	v15 =	vld [tilespmem:$0x9E0];
	[tilespmem:s9+$0x0] =	vst v14  }
0x2a6: {  	s0 =	sadd.s32 s26, s7;
	[tilespmem:s14+$0x0] =	vst v13;
	v14 =	vld [tilespmem:$0x9E0]  }
0x2a7: {  	v13 =	vld [tilespmem:$0x9E0];
	[tilespmem:s0+$0x0] =	vst v12  }
0x2a8: {  	v12 =	vld [tilespmem:$0x9E0];
	_ =	sdelay $0x1  }
0x2a9: {  	s19 =	sadd.s32 $0x8320, s24;
	v15 =	vperm.xlane v7, v15  }
0x2aa: {  	s20 =	sadd.s32 s28, s19;
	v14 =	vperm.xlane v8, v14  }
0x2ab: {  	s30 =	sor.u32 s25, s19;
	v13 =	vperm.xlane v6, v13;
	[tilespmem:s20+$0x0] =	vst v15  }
0x2ac: {  	s31 =	sor.u32 s29, s19;
	v12 =	vperm.xlane v5, v12;
	v15 =	vld [tilespmem:$0x9F0];
	[tilespmem:s30+$0x0] =	vst v14  }
0x2ad: {  	s0 =	sadd.s32 s26, s19;
	[tilespmem:s31+$0x0] =	vst v13;
	v14 =	vld [tilespmem:$0x9F0]  }
0x2ae: {  	v13 =	vld [tilespmem:$0x9F0];
	[tilespmem:s0+$0x0] =	vst v12  }
0x2af: {  	v12 =	vld [tilespmem:$0x9F0];
	_ =	sdelay $0x1  }
0x2b0: {  	s3 =	sadd.s32 $0x8720, s24;
	v15 =	vperm.xlane v7, v15  }
0x2b1: {  	s7 =	sadd.s32 s28, s3;
	v14 =	vperm.xlane v8, v14  }
0x2b2: {  	s8 =	sor.u32 s25, s3;
	v13 =	vperm.xlane v6, v13;
	[tilespmem:s7+$0x0] =	vst v15  }
0x2b3: {  	s9 =	sor.u32 s29, s3;
	v12 =	vperm.xlane v5, v12;
	v15 =	vld [tilespmem:$0xA00];
	[tilespmem:s8+$0x0] =	vst v14  }
0x2b4: {  	s0 =	sadd.s32 s26, s3;
	[tilespmem:s9+$0x0] =	vst v13;
	v14 =	vld [tilespmem:$0xA00]  }
0x2b5: {  	v13 =	vld [tilespmem:$0xA00];
	[tilespmem:s0+$0x0] =	vst v12  }
0x2b6: {  	v12 =	vld [tilespmem:$0xA00];
	_ =	sdelay $0x1  }
0x2b7: {  	s14 =	sadd.s32 $0x8B20, s24;
	v15 =	vperm.xlane v7, v15  }
0x2b8: {  	s19 =	sadd.s32 s28, s14;
	v14 =	vperm.xlane v8, v14  }
0x2b9: {  	s20 =	sor.u32 s25, s14;
	v13 =	vperm.xlane v6, v13;
	[tilespmem:s19+$0x0] =	vst v15  }
0x2ba: {  	s30 =	sor.u32 s29, s14;
	v12 =	vperm.xlane v5, v12;
	v15 =	vld [tilespmem:$0xA10];
	[tilespmem:s20+$0x0] =	vst v14  }
0x2bb: {  	s0 =	sadd.s32 s26, s14;
	[tilespmem:s30+$0x0] =	vst v13;
	v14 =	vld [tilespmem:$0xA10]  }
0x2bc: {  	v13 =	vld [tilespmem:$0xA10];
	[tilespmem:s0+$0x0] =	vst v12  }
0x2bd: {  	v12 =	vld [tilespmem:$0xA10];
	_ =	sdelay $0x1  }
0x2be: {  	s31 =	sadd.s32 $0x8F20, s24;
	v15 =	vperm.xlane v7, v15  }
0x2bf: {  	s2 =	sadd.s32 s28, s31;
	v14 =	vperm.xlane v8, v14  }
0x2c0: {  	s3 =	sor.u32 s25, s31;
	v13 =	vperm.xlane v6, v13;
	[tilespmem:s2+$0x0] =	vst v15  }
0x2c1: {  	s7 =	sor.u32 s29, s31;
	v12 =	vperm.xlane v5, v12;
	v15 =	vld [tilespmem:$0xA20];
	[tilespmem:s3+$0x0] =	vst v14  }
0x2c2: {  	s0 =	sadd.s32 s26, s31;
	[tilespmem:s7+$0x0] =	vst v13;
	v14 =	vld [tilespmem:$0xA20]  }
0x2c3: {  	v13 =	vld [tilespmem:$0xA20];
	[tilespmem:s0+$0x0] =	vst v12  }
0x2c4: {  	v12 =	vld [tilespmem:$0xA20];
	_ =	sdelay $0x1  }
0x2c5: {  	s8 =	sadd.s32 $0x9320, s24;
	v15 =	vperm.xlane v7, v15  }
0x2c6: {  	s9 =	sadd.s32 s28, s8;
	v14 =	vperm.xlane v8, v14  }
0x2c7: {  	s14 =	sor.u32 s25, s8;
	v13 =	vperm.xlane v6, v13;
	[tilespmem:s9+$0x0] =	vst v15  }
0x2c8: {  	s19 =	sor.u32 s29, s8;
	v12 =	vperm.xlane v5, v12;
	v15 =	vld [tilespmem:$0xA30];
	[tilespmem:s14+$0x0] =	vst v14  }
0x2c9: {  	s0 =	sadd.s32 s26, s8;
	[tilespmem:s19+$0x0] =	vst v13;
	v14 =	vld [tilespmem:$0xA30]  }
0x2ca: {  	v13 =	vld [tilespmem:$0xA30];
	[tilespmem:s0+$0x0] =	vst v12  }
0x2cb: {  	v12 =	vld [tilespmem:$0xA30];
	_ =	sdelay $0x1  }
0x2cc: {  	s20 =	sadd.s32 $0x9720, s24;
	v15 =	vperm.xlane v7, v15  }
0x2cd: {  	s30 =	sadd.s32 s28, s20;
	v14 =	vperm.xlane v8, v14  }
0x2ce: {  	s31 =	sor.u32 s25, s20;
	v13 =	vperm.xlane v6, v13;
	[tilespmem:s30+$0x0] =	vst v15  }
0x2cf: {  	s3 =	sor.u32 s29, s20;
	v12 =	vperm.xlane v5, v12;
	v15 =	vld [tilespmem:$0xA40];
	[tilespmem:s31+$0x0] =	vst v14  }
0x2d0: {  	s0 =	sadd.s32 s26, s20;
	[tilespmem:s3+$0x0] =	vst v13;
	v14 =	vld [tilespmem:$0xA40]  }
0x2d1: {  	v13 =	vld [tilespmem:$0xA40];
	[tilespmem:s0+$0x0] =	vst v12  }
0x2d2: {  	v12 =	vld [tilespmem:$0xA40];
	_ =	sdelay $0x1  }
0x2d3: {  	s7 =	sadd.s32 $0x9B20, s24;
	v15 =	vperm.xlane v7, v15  }
0x2d4: {  	s8 =	sadd.s32 s28, s7;
	v14 =	vperm.xlane v8, v14  }
0x2d5: {  	s9 =	sor.u32 s25, s7;
	v13 =	vperm.xlane v6, v13;
	[tilespmem:s8+$0x0] =	vst v15  }
0x2d6: {  	s14 =	sor.u32 s29, s7;
	v12 =	vperm.xlane v5, v12;
	v15 =	vld [tilespmem:$0xA50];
	[tilespmem:s9+$0x0] =	vst v14  }
0x2d7: {  	s0 =	sadd.s32 s26, s7;
	[tilespmem:s14+$0x0] =	vst v13;
	v14 =	vld [tilespmem:$0xA50]  }
0x2d8: {  	v13 =	vld [tilespmem:$0xA50];
	[tilespmem:s0+$0x0] =	vst v12  }
0x2d9: {  	v12 =	vld [tilespmem:$0xA50];
	_ =	sdelay $0x1  }
0x2da: {  	s19 =	sadd.s32 $0x9F20, s24;
	v15 =	vperm.xlane v7, v15  }
0x2db: {  	s20 =	sadd.s32 s28, s19;
	v14 =	vperm.xlane v8, v14  }
0x2dc: {  	s30 =	sor.u32 s25, s19;
	v13 =	vperm.xlane v6, v13;
	[tilespmem:s20+$0x0] =	vst v15  }
0x2dd: {  	s31 =	sor.u32 s29, s19;
	v12 =	vperm.xlane v5, v12;
	v15 =	vld [tilespmem:$0xA60];
	[tilespmem:s30+$0x0] =	vst v14  }
0x2de: {  	s0 =	sadd.s32 s26, s19;
	[tilespmem:s31+$0x0] =	vst v13;
	v14 =	vld [tilespmem:$0xA60]  }
0x2df: {  	v13 =	vld [tilespmem:$0xA60];
	[tilespmem:s0+$0x0] =	vst v12  }
0x2e0: {  	v12 =	vld [tilespmem:$0xA60];
	_ =	sdelay $0x1  }
0x2e1: {  	s3 =	sadd.s32 $0xA320, s24;
	v15 =	vperm.xlane v7, v15  }
0x2e2: {  	s7 =	sadd.s32 s28, s3;
	v14 =	vperm.xlane v8, v14  }
0x2e3: {  	s8 =	sor.u32 s25, s3;
	v13 =	vperm.xlane v6, v13;
	[tilespmem:s7+$0x0] =	vst v15  }
0x2e4: {  	s9 =	sor.u32 s29, s3;
	v12 =	vperm.xlane v5, v12;
	v15 =	vld [tilespmem:$0xA70];
	[tilespmem:s8+$0x0] =	vst v14  }
0x2e5: {  	s0 =	sadd.s32 s26, s3;
	[tilespmem:s9+$0x0] =	vst v13;
	v14 =	vld [tilespmem:$0xA70]  }
0x2e6: {  	v13 =	vld [tilespmem:$0xA70];
	[tilespmem:s0+$0x0] =	vst v12  }
0x2e7: {  	v12 =	vld [tilespmem:$0xA70];
	_ =	sdelay $0x1  }
0x2e8: {  	s14 =	sadd.s32 $0xA720, s24;
	v15 =	vperm.xlane v7, v15  }
0x2e9: {  	s19 =	sadd.s32 s28, s14;
	v14 =	vperm.xlane v8, v14  }
0x2ea: {  	s20 =	sor.u32 s25, s14;
	v13 =	vperm.xlane v6, v13;
	[tilespmem:s19+$0x0] =	vst v15  }
0x2eb: {  	s30 =	sor.u32 s29, s14;
	v12 =	vperm.xlane v5, v12;
	v15 =	vld [tilespmem:$0xA80];
	[tilespmem:s20+$0x0] =	vst v14  }
0x2ec: {  	s0 =	sadd.s32 s26, s14;
	[tilespmem:s30+$0x0] =	vst v13;
	v14 =	vld [tilespmem:$0xA80]  }
0x2ed: {  	v13 =	vld [tilespmem:$0xA80];
	[tilespmem:s0+$0x0] =	vst v12  }
0x2ee: {  	v12 =	vld [tilespmem:$0xA80];
	_ =	sdelay $0x1  }
0x2ef: {  	s31 =	sadd.s32 $0xAB20, s24;
	v15 =	vperm.xlane v7, v15  }
0x2f0: {  	s2 =	sadd.s32 s28, s31;
	v14 =	vperm.xlane v8, v14  }
0x2f1: {  	s3 =	sor.u32 s25, s31;
	v13 =	vperm.xlane v6, v13;
	[tilespmem:s2+$0x0] =	vst v15  }
0x2f2: {  	s7 =	sor.u32 s29, s31;
	v12 =	vperm.xlane v5, v12;
	v15 =	vld [tilespmem:$0xA90];
	[tilespmem:s3+$0x0] =	vst v14  }
0x2f3: {  	s0 =	sadd.s32 s26, s31;
	[tilespmem:s7+$0x0] =	vst v13;
	v14 =	vld [tilespmem:$0xA90]  }
0x2f4: {  	v13 =	vld [tilespmem:$0xA90];
	[tilespmem:s0+$0x0] =	vst v12  }
0x2f5: {  	v12 =	vld [tilespmem:$0xA90];
	_ =	sdelay $0x1  }
0x2f6: {  	s8 =	sadd.s32 $0xAF20, s24;
	v15 =	vperm.xlane v7, v15  }
0x2f7: {  	s9 =	sadd.s32 s28, s8;
	v14 =	vperm.xlane v8, v14  }
0x2f8: {  	s14 =	sor.u32 s25, s8;
	v13 =	vperm.xlane v6, v13;
	[tilespmem:s9+$0x0] =	vst v15  }
0x2f9: {  	s19 =	sor.u32 s29, s8;
	v12 =	vperm.xlane v5, v12;
	v15 =	vld [tilespmem:$0xAA0];
	[tilespmem:s14+$0x0] =	vst v14  }
0x2fa: {  	s0 =	sadd.s32 s26, s8;
	[tilespmem:s19+$0x0] =	vst v13;
	v14 =	vld [tilespmem:$0xAA0]  }
0x2fb: {  	v13 =	vld [tilespmem:$0xAA0];
	[tilespmem:s0+$0x0] =	vst v12  }
0x2fc: {  	v12 =	vld [tilespmem:$0xAA0];
	_ =	sdelay $0x1  }
0x2fd: {  	s20 =	sadd.s32 $0xB320, s24;
	v15 =	vperm.xlane v7, v15  }
0x2fe: {  	s30 =	sadd.s32 s28, s20;
	v14 =	vperm.xlane v8, v14  }
0x2ff: {  	s31 =	sor.u32 s25, s20;
	v13 =	vperm.xlane v6, v13;
	[tilespmem:s30+$0x0] =	vst v15  }
0x300: {  	s3 =	sor.u32 s29, s20;
	v12 =	vperm.xlane v5, v12;
	v15 =	vld [tilespmem:$0xAB0];
	[tilespmem:s31+$0x0] =	vst v14  }
0x301: {  	s0 =	sadd.s32 s26, s20;
	[tilespmem:s3+$0x0] =	vst v13;
	v14 =	vld [tilespmem:$0xAB0]  }
0x302: {  	v13 =	vld [tilespmem:$0xAB0];
	[tilespmem:s0+$0x0] =	vst v12  }
0x303: {  	v12 =	vld [tilespmem:$0xAB0];
	_ =	sdelay $0x1  }
0x304: {  	s7 =	sadd.s32 $0xB720, s24;
	v15 =	vperm.xlane v7, v15  }
0x305: {  	s8 =	sadd.s32 s28, s7;
	v14 =	vperm.xlane v8, v14  }
0x306: {  	s9 =	sor.u32 s25, s7;
	v13 =	vperm.xlane v6, v13;
	[tilespmem:s8+$0x0] =	vst v15  }
0x307: {  	s14 =	sor.u32 s29, s7;
	v12 =	vperm.xlane v5, v12;
	v15 =	vld [tilespmem:$0xAC0];
	[tilespmem:s9+$0x0] =	vst v14  }
0x308: {  	s0 =	sadd.s32 s26, s7;
	[tilespmem:s14+$0x0] =	vst v13;
	v14 =	vld [tilespmem:$0xAC0]  }
0x309: {  	v13 =	vld [tilespmem:$0xAC0];
	[tilespmem:s0+$0x0] =	vst v12  }
0x30a: {  	v12 =	vld [tilespmem:$0xAC0];
	_ =	sdelay $0x1  }
0x30b: {  	s19 =	sadd.s32 $0xBB20, s24;
	v15 =	vperm.xlane v7, v15  }
0x30c: {  	s20 =	sadd.s32 s28, s19;
	v14 =	vperm.xlane v8, v14  }
0x30d: {  	s30 =	sor.u32 s25, s19;
	v13 =	vperm.xlane v6, v13;
	[tilespmem:s20+$0x0] =	vst v15  }
0x30e: {  	s31 =	sor.u32 s29, s19;
	v12 =	vperm.xlane v5, v12;
	v15 =	vld [tilespmem:$0xAD0];
	[tilespmem:s30+$0x0] =	vst v14  }
0x30f: {  	s0 =	sadd.s32 s26, s19;
	[tilespmem:s31+$0x0] =	vst v13;
	v14 =	vld [tilespmem:$0xAD0]  }
0x310: {  	v13 =	vld [tilespmem:$0xAD0];
	[tilespmem:s0+$0x0] =	vst v12  }
0x311: {  	v12 =	vld [tilespmem:$0xAD0];
	_ =	sdelay $0x1  }
0x312: {  	s3 =	sadd.s32 $0xBF20, s24;
	v15 =	vperm.xlane v7, v15  }
0x313: {  	s7 =	sadd.s32 s28, s3;
	v14 =	vperm.xlane v8, v14  }
0x314: {  	s8 =	sor.u32 s25, s3;
	v13 =	vperm.xlane v6, v13;
	[tilespmem:s7+$0x0] =	vst v15  }
0x315: {  	s9 =	sor.u32 s29, s3;
	v12 =	vperm.xlane v5, v12;
	v15 =	vld [tilespmem:$0xAE0];
	[tilespmem:s8+$0x0] =	vst v14  }
0x316: {  	s0 =	sadd.s32 s26, s3;
	[tilespmem:s9+$0x0] =	vst v13;
	v14 =	vld [tilespmem:$0xAE0]  }
0x317: {  	v13 =	vld [tilespmem:$0xAE0];
	[tilespmem:s0+$0x0] =	vst v12  }
0x318: {  	v12 =	vld [tilespmem:$0xAE0];
	_ =	sdelay $0x1  }
0x319: {  	s14 =	sadd.s32 $0xC320, s24;
	v15 =	vperm.xlane v7, v15  }
0x31a: {  	s19 =	sadd.s32 s28, s14;
	v14 =	vperm.xlane v8, v14  }
0x31b: {  	s20 =	sor.u32 s25, s14;
	v13 =	vperm.xlane v6, v13;
	[tilespmem:s19+$0x0] =	vst v15  }
0x31c: {  	s30 =	sor.u32 s29, s14;
	v12 =	vperm.xlane v5, v12;
	v15 =	vld [tilespmem:$0xAF0];
	[tilespmem:s20+$0x0] =	vst v14  }
0x31d: {  	s0 =	sadd.s32 s26, s14;
	[tilespmem:s30+$0x0] =	vst v13;
	v14 =	vld [tilespmem:$0xAF0]  }
0x31e: {  	v13 =	vld [tilespmem:$0xAF0];
	[tilespmem:s0+$0x0] =	vst v12  }
0x31f: {  	v12 =	vld [tilespmem:$0xAF0];
	_ =	sdelay $0x1  }
0x320: {  	s31 =	sadd.s32 $0xC720, s24;
	v15 =	vperm.xlane v7, v15  }
0x321: {  	s2 =	sadd.s32 s28, s31;
	v14 =	vperm.xlane v8, v14  }
0x322: {  	s3 =	sor.u32 s25, s31;
	v13 =	vperm.xlane v6, v13;
	[tilespmem:s2+$0x0] =	vst v15  }
0x323: {  	s7 =	sor.u32 s29, s31;
	v12 =	vperm.xlane v5, v12;
	v15 =	vld [tilespmem:$0xB00];
	[tilespmem:s3+$0x0] =	vst v14  }
0x324: {  	s0 =	sadd.s32 s26, s31;
	[tilespmem:s7+$0x0] =	vst v13;
	v14 =	vld [tilespmem:$0xB00]  }
0x325: {  	v13 =	vld [tilespmem:$0xB00];
	[tilespmem:s0+$0x0] =	vst v12  }
0x326: {  	v12 =	vld [tilespmem:$0xB00];
	_ =	sdelay $0x1  }
0x327: {  	s8 =	sadd.s32 $0xCB20, s24;
	v15 =	vperm.xlane v7, v15  }
0x328: {  	[tilespmem:s18+$0x0] =	vst v11;
	s9 =	sadd.s32 s28, s8;
	v58 =	vperm.xlane v8, v14  }
0x329: {  	v59 =	vld [tilespmem:$0xB10];
	s14 =	sor.u32 s25, s8;
	v13 =	vperm.xlane v6, v13;
	[tilespmem:s9+$0x0] =	vst v15  }
0x32a: {  	s18 =	sor.u32 s29, s8;
	v60 =	vperm.xlane v5, v12;
	v15 =	vld [tilespmem:$0xB10];
	[tilespmem:s14+$0x0] =	vst v58  }
0x32b: {  	s0 =	sadd.s32 s26, s8;
	[tilespmem:s18+$0x0] =	vst v13;
	v61 =	vld [tilespmem:$0xB10]  }
0x32c: {  	v4 =	vperm.xlane v4, v9;
	v62 =	vld [tilespmem:$0xB10];
	[tilespmem:s0+$0x0] =	vst v60  }
0x32d: {  	v2 =	vperm.xlane v2, v10;
	v63 =	vld [tilespmem:$0xB10]  }
0x32e: {  	[tilespmem:s11+$0x0] =	vst v4;
	v3 =	vperm.xlane v3, v59  }
0x32f: {  	[tilespmem:s10+$0x0] =	vst v2;
	s19 =	sadd.s32 $0xCF20, s24;
	v2 =	vperm.xlane v7, v15  }
0x330: {  	[tilespmem:s6+$0x0] =	vst v3;
	s24 =	sshll.u32 s23, $0x3;
	s20 =	sadd.s32 s28, s19;
	v3 =	vperm.xlane v8, v61  }
0x331: {  	s28 =	sand.u32 $0x60, s22;
	s3 =	sor.u32 s25, s19;
	s25 =	sand.u32 $0xFC00, s24;
	[tilespmem:s20+$0x0] =	vst v2;
	v2 =	vperm.xlane v6, v62  }
0x332: {  	s29 =	sor.u32 s29, s19;
	s1 =	sor.u32 s28, s25;
	[tilespmem:s3+$0x0] =	vst v3;
	v3 =	vperm.xlane v5, v63  }
0x333: {  	s30 =	rddreg [dreg:$0x1];
	s1 =	sshrl.u32 s1, $0x3;
	s0 =	sadd.s32 s26, s19;
	[tilespmem:s29+$0x0] =	vst v2  }
0x334: {  	s31 =	simm.s32 $0xB20;
	[tilespmem:s0+$0x0] =	vst v3;
	s0 =	sadd.s32 s30, s1;
	s1 =	simm.s32 $0x200  }
0x335: {  	[hbm4b:s0+s12] =	stream.strided.scatter [tilespmem:s31], [sflag:$0x3], $0x80, s16, s12, $0x38;
	[tilespmem:$0x1BB20] =	vst v63  }
.LBB2_7:
0x336: {  	p1 =	sne.s32 s1, $0x31E00  }
.Ltmp2:
0x337: {  	_ = 	snop;
	(pc) =	sbr.rel @p1 .LBB2_7-.Ltmp2, $4  }
0x338: {  	_ = 	snop  }
0x339: {  	s2 =	sshra.s32 s1, $0x2;
	s1 =	sadd.s32 $0x200, s1  }
0x33a: {  	s0 =	sadd.s32 $0x2000, s0;
	s2 =	sadd.s32 $0xB20, s2  }
0x33b: {  	[hbm4b:s0+s12] =	stream.strided.scatter [tilespmem:s2], [sflag:$0x3], $0x80, s16, s12, $0x38;
	[tilespmem:$0x1BB20] =	vst v63  }
0x33c: {  	_ =	swait.ge [sflag:s17], $0x400  }
0x33d: {  	[sflag:s17] =	ssyncset.done $0x0  }
0x33e: {  	s0 =	simm.s32 $0x0;
	[sflag:s17] =	ssyncadd.s32 $0xFFFFFC00  }
0x33f: {  	v3 =	vld [tilespmem:s0+$0x400];
	_ =	sdelay $0x1  }
0x340: {  	s23 =	sor.u32 $0x10, s22  }
0x341: {  	s24 =	sor.u32 s4, s23  }
0x342: {  	v2 =	vor.u32 s24, v0  }
0x343: {  	v3 =	vsub.s32 v2, v3  }
0x344: {  	vm0 =	vgt.s32 v3, $0x1;
	vm1 =	vgt.s32 v3, $0x2  }
0x345: {  	s1 =	simm.s32 $0x10;
	s6 =	simm.s32 $0x80;
	v4 =	vsel vm0, $0x1, v1;
	v5 =	vsel vm1, $0x1, v1;
	vm0 =	vgt.s32 v3, $0x3  }
.LBB2_9:
0x346: {  	p1 =	sne.s32 s6, $0xC40;
	v6 =	vld [tilespmem:s1+$0x400];
	v4 =	vadd.s32 v5, v4;
	v5 =	vsel vm0, $0x1, v1;
	vm0 =	vgt.s32 v3, $0x4  }
0x347: {  	v4 =	vadd.s32 v5, v4;
	v5 =	vsel vm0, $0x1, v1;
	vm0 =	vgt.s32 v3, $0x7  }
0x348: {  	v4 =	vadd.s32 v5, v4;
	v5 =	vsel vm0, $0x1, v1;
	vm0 =	vgt.s32 v3, $0xF  }
.Ltmp3:
0x349: {  	v4 =	vadd.s32 v5, v4;
	v5 =	vsel vm0, $0x1, v1;
	vm0 =	vgt.s32 v3, $0x1F;
	(pc) =	sbr.rel @p1 .LBB2_9-.Ltmp3, $4  }
0x34a: {  	v4 =	vadd.s32 v5, v4;
	v5 =	vsel vm0, $0x1, v1;
	vm0 =	vgt.s32 v3, $0x3F  }
0x34b: {  	v3 =	vsub.s32 v2, v6;
	v4 =	vadd.s32 v5, v4;
	v5 =	vsel vm0, $0x1, v1  }
0x34c: {  	vm0 =	vgt.s32 v3, $0x1;
	vm1 =	vgt.s32 v3, $0x2;
	v6 =	vadd.s32 v5, v4  }
0x34d: {  	v4 =	vsel vm0, $0x1, v1;
	v5 =	vsel vm1, $0x1, v1;
	vm0 =	vgt.s32 v3, $0x3;
	[tilespmem:s0+$0x800] =	vst v6;
	s0 =	smov.u32 s1;
	s1 =	sshra.s32 s6, $0x2;
	s6 =	sadd.s32 $0x40, s6  }
0x34e: {  	v6 =	vld [tilespmem:s1+$0x400];
	v4 =	vadd.s32 v5, v4;
	v5 =	vsel vm0, $0x1, v1;
	vm4 =	vgt.s32 v3, $0x4  }
0x34f: {  	vm5 =	vgt.s32 v3, $0x7;
	v4 =	vadd.s32 v5, v4;
	v5 =	vsel vm4, $0x1, v1  }
0x350: {  	vm6 =	vgt.s32 v3, $0xF;
	v4 =	vadd.s32 v5, v4;
	v5 =	vsel vm5, $0x1, v1  }
0x351: {  	vm7 =	vgt.s32 v3, $0x1F;
	v4 =	vadd.s32 v5, v4;
	v5 =	vsel vm6, $0x1, v1  }
0x352: {  	v4 =	vadd.s32 v5, v4;
	v5 =	vsel vm7, $0x1, v1  }
0x353: {  	vm8 =	vgt.s32 v3, $0x3F;
	v2 =	vsub.s32 v2, v6;
	v3 =	vadd.s32 v5, v4  }
0x354: {  	v4 =	vsel vm8, $0x1, v1;
	vm9 =	vgt.s32 v2, $0x1;
	vm1 =	vgt.s32 v2, $0x2  }
0x355: {  	vm10 =	vgt.s32 v2, $0x3;
	v5 =	vsel vm9, $0x1, v1;
	v6 =	vsel vm1, $0x1, v1  }
0x356: {  	vm11 =	vgt.s32 v2, $0x4;
	v5 =	vadd.s32 v6, v5;
	v6 =	vsel vm10, $0x1, v1  }
0x357: {  	vm12 =	vgt.s32 v2, $0x7;
	v5 =	vadd.s32 v6, v5;
	v6 =	vsel vm11, $0x1, v1  }
0x358: {  	vm13 =	vgt.s32 v2, $0xF;
	v5 =	vadd.s32 v6, v5;
	v6 =	vsel vm12, $0x1, v1  }
0x359: {  	s2 =	sadd.s32 $0x30, s22;
	vm14 =	vgt.s32 v2, $0x1F;
	v5 =	vadd.s32 v6, v5;
	v6 =	vsel vm13, $0x1, v1  }
0x35a: {  	s2 =	sand.u32 $0xF0, s2;
	vm15 =	vgt.s32 v2, $0x3F;
	v5 =	vadd.s32 v6, v5;
	v6 =	vsel vm14, $0x1, v1  }
0x35b: {  	s2 =	sor.u32 s4, s2;
	v2 =	vadd.s32 v4, v3;
	v4 =	vsel vm15, $0x1, v1;
	v3 =	vadd.s32 v6, v5  }
0x35c: {  	s19 =	sshrl.u32 s2, $0x3;
	[tilespmem:s0+$0x800] =	vst v2;
	v2 =	vadd.s32 v4, v3  }
0x35d: {  	s20 =	simm.s32 $0x400;
	s0 =	sadd.s32 s5, s19;
	[tilespmem:s1+$0x800] =	vst v2  }
0x35e: {  	[tilespmem:s20], [sflag:$0x2] =	stream.strided.gather [hbm4b:s0+s12], $0x400, s13, s12, $0x38;
	[tilespmem:$0x1BB20] =	vst v63  }
0x35f: {  	s0 =	simm.s32 @!p0 $0x4  }
0x360: {  	_ =	swait.ge @!p0 [sflag:s0], $0xC800  }
0x361: {  	[sflag:s0] =	ssyncset.done @!p0 $0x0  }
0x362: {  	[sflag:s0] =	ssyncadd.s32 @!p0 $0xFFFF3800  }
0x363: {  	v3 =	vld [tilespmem:$0x800]  }
0x364: {  	s22 =	simm.s32 $0x19C20;
	v4 =	vld [tilespmem:$0x800]  }
0x365: {  	v9 =	vld [tilespmem:s22+$0x80]  }
0x366: {  	v2 =	vld [tilespmem:s22+$0xFFFFFF80];
	_ =	sdelay $0x1  }
0x367: {  	s3 =	simm.s32 $0x0  }
0x368: {  	s25 =	simm.s32 $0x30;
	s0 =	sand.u32 $0x380, s3;
	v5 =	vand.u32 $0xF, v4  }
0x369: {  	s6 =	simm.s32 $0x10;
	s1 =	sand.u32 $0x70, s25;
	s9 =	sadd.s32 $0xD320, s0;
	v6 =	vand.u32 $0xF, v3;
	v7 =	vperm.xlane v9, v5  }
0x36a: {  	s10 =	sand.u32 $0x50, s6;
	s26 =	sadd.s32 s1, s9;
	v3 =	vld [tilespmem:s22+$0x0];
	v8 =	vperm.xlane v2, v6  }
0x36b: {  	s7 =	sor.u32 s10, s9;
	v4 =	vld [tilespmem:s22+$0xFFFFFF00];
	[tilespmem:s26+$0x0] =	vst v7  }
0x36c: {  	[tilespmem:s7+$0x0] =	vst v8;
	v7 =	vld [tilespmem:$0x810]  }
0x36d: {  	v8 =	vld [tilespmem:$0x810]  }
0x36e: {  	s8 =	simm.s32 $0x20  }
0x36f: {  	s7 =	sand.u32 $0x60, s8;
	v5 =	vperm.xlane v3, v5  }
0x370: {  	s8 =	sand.u32 $0x40, s3;
	s2 =	sadd.s32 s7, s9;
	v6 =	vperm.xlane v4, v6  }
0x371: {  	s3 =	sor.u32 s8, s9;
	s9 =	sadd.s32 $0xD720, s0;
	[tilespmem:s2+$0x0] =	vst v5;
	v5 =	vperm.xlane v9, v7  }
0x372: {  	s11 =	sadd.s32 s1, s9;
	[tilespmem:s3+$0x0] =	vst v6;
	v6 =	vld [tilespmem:$0x810];
	v7 =	vperm.xlane v2, v8  }
0x373: {  	s14 =	sor.u32 s10, s9;
	v8 =	vld [tilespmem:$0x810];
	[tilespmem:s11+$0x0] =	vst v5  }
0x374: {  	[tilespmem:s14+$0x0] =	vst v7;
	v5 =	vld [tilespmem:$0x820]  }
0x375: {  	v7 =	vld [tilespmem:$0x820];
	_ =	sdelay $0x1  }
0x376: {  	v6 =	vperm.xlane v3, v6  }
0x377: {  	s18 =	sadd.s32 s7, s9;
	v8 =	vperm.xlane v4, v8  }
0x378: {  	s19 =	sadd.s32 $0xDB20, s0;
	s2 =	sor.u32 s8, s9;
	[tilespmem:s18+$0x0] =	vst v6;
	v5 =	vperm.xlane v9, v5  }
0x379: {  	s20 =	sadd.s32 s1, s19;
	[tilespmem:s2+$0x0] =	vst v8;
	v6 =	vld [tilespmem:$0x820];
	v7 =	vperm.xlane v2, v7  }
0x37a: {  	s22 =	sor.u32 s10, s19;
	v8 =	vld [tilespmem:$0x820];
	[tilespmem:s20+$0x0] =	vst v5  }
0x37b: {  	[tilespmem:s22+$0x0] =	vst v7;
	v5 =	vld [tilespmem:$0x830]  }
0x37c: {  	v7 =	vld [tilespmem:$0x830];
	_ =	sdelay $0x1  }
0x37d: {  	v6 =	vperm.xlane v3, v6  }
0x37e: {  	s25 =	sadd.s32 s7, s19;
	v8 =	vperm.xlane v4, v8  }
0x37f: {  	s26 =	sadd.s32 $0xDF20, s0;
	s3 =	sor.u32 s8, s19;
	[tilespmem:s25+$0x0] =	vst v6;
	v5 =	vperm.xlane v9, v5  }
0x380: {  	s6 =	sadd.s32 s1, s26;
	[tilespmem:s3+$0x0] =	vst v8;
	v6 =	vld [tilespmem:$0x830];
	v7 =	vperm.xlane v2, v7  }
0x381: {  	s9 =	sor.u32 s10, s26;
	v8 =	vld [tilespmem:$0x830];
	[tilespmem:s6+$0x0] =	vst v5  }
0x382: {  	[tilespmem:s9+$0x0] =	vst v7;
	v5 =	vld [tilespmem:$0x840]  }
0x383: {  	v7 =	vld [tilespmem:$0x840];
	_ =	sdelay $0x1  }
0x384: {  	v6 =	vperm.xlane v3, v6  }
0x385: {  	s11 =	sadd.s32 s7, s26;
	v8 =	vperm.xlane v4, v8  }
0x386: {  	s14 =	sadd.s32 $0xE320, s0;
	s2 =	sor.u32 s8, s26;
	[tilespmem:s11+$0x0] =	vst v6;
	v5 =	vperm.xlane v9, v5  }
0x387: {  	s18 =	sadd.s32 s1, s14;
	[tilespmem:s2+$0x0] =	vst v8;
	v6 =	vld [tilespmem:$0x840];
	v7 =	vperm.xlane v2, v7  }
0x388: {  	s19 =	sor.u32 s10, s14;
	v8 =	vld [tilespmem:$0x840];
	[tilespmem:s18+$0x0] =	vst v5  }
0x389: {  	[tilespmem:s19+$0x0] =	vst v7;
	v5 =	vld [tilespmem:$0x850]  }
0x38a: {  	v7 =	vld [tilespmem:$0x850];
	_ =	sdelay $0x1  }
0x38b: {  	v6 =	vperm.xlane v3, v6  }
0x38c: {  	s20 =	sadd.s32 s7, s14;
	v8 =	vperm.xlane v4, v8  }
0x38d: {  	s22 =	sadd.s32 $0xE720, s0;
	s3 =	sor.u32 s8, s14;
	[tilespmem:s20+$0x0] =	vst v6;
	v5 =	vperm.xlane v9, v5  }
0x38e: {  	s25 =	sadd.s32 s1, s22;
	[tilespmem:s3+$0x0] =	vst v8;
	v6 =	vld [tilespmem:$0x850];
	v7 =	vperm.xlane v2, v7  }
0x38f: {  	s26 =	sor.u32 s10, s22;
	v8 =	vld [tilespmem:$0x850];
	[tilespmem:s25+$0x0] =	vst v5  }
0x390: {  	[tilespmem:s26+$0x0] =	vst v7;
	v5 =	vld [tilespmem:$0x860]  }
0x391: {  	v7 =	vld [tilespmem:$0x860];
	_ =	sdelay $0x1  }
0x392: {  	v6 =	vperm.xlane v3, v6  }
0x393: {  	s6 =	sadd.s32 s7, s22;
	v8 =	vperm.xlane v4, v8  }
0x394: {  	s9 =	sadd.s32 $0xEB20, s0;
	s2 =	sor.u32 s8, s22;
	[tilespmem:s6+$0x0] =	vst v6;
	v5 =	vperm.xlane v9, v5  }
0x395: {  	s11 =	sadd.s32 s1, s9;
	[tilespmem:s2+$0x0] =	vst v8;
	v6 =	vld [tilespmem:$0x860];
	v7 =	vperm.xlane v2, v7  }
0x396: {  	s14 =	sor.u32 s10, s9;
	v8 =	vld [tilespmem:$0x860];
	[tilespmem:s11+$0x0] =	vst v5  }
0x397: {  	[tilespmem:s14+$0x0] =	vst v7;
	v5 =	vld [tilespmem:$0x870]  }
0x398: {  	v7 =	vld [tilespmem:$0x870];
	_ =	sdelay $0x1  }
0x399: {  	v6 =	vperm.xlane v3, v6  }
0x39a: {  	s18 =	sadd.s32 s7, s9;
	v8 =	vperm.xlane v4, v8  }
0x39b: {  	s19 =	sadd.s32 $0xEF20, s0;
	s3 =	sor.u32 s8, s9;
	[tilespmem:s18+$0x0] =	vst v6;
	v5 =	vperm.xlane v9, v5  }
0x39c: {  	s20 =	sadd.s32 s1, s19;
	[tilespmem:s3+$0x0] =	vst v8;
	v6 =	vld [tilespmem:$0x870];
	v7 =	vperm.xlane v2, v7  }
0x39d: {  	s22 =	sor.u32 s10, s19;
	v8 =	vld [tilespmem:$0x870];
	[tilespmem:s20+$0x0] =	vst v5  }
0x39e: {  	[tilespmem:s22+$0x0] =	vst v7;
	v5 =	vld [tilespmem:$0x880]  }
0x39f: {  	v7 =	vld [tilespmem:$0x880];
	_ =	sdelay $0x1  }
0x3a0: {  	v6 =	vperm.xlane v3, v6  }
0x3a1: {  	s25 =	sadd.s32 s7, s19;
	v8 =	vperm.xlane v4, v8  }
0x3a2: {  	s26 =	sadd.s32 $0xF320, s0;
	s2 =	sor.u32 s8, s19;
	[tilespmem:s25+$0x0] =	vst v6;
	v5 =	vperm.xlane v9, v5  }
0x3a3: {  	s6 =	sadd.s32 s1, s26;
	[tilespmem:s2+$0x0] =	vst v8;
	v6 =	vld [tilespmem:$0x880];
	v7 =	vperm.xlane v2, v7  }
0x3a4: {  	s9 =	sor.u32 s10, s26;
	v8 =	vld [tilespmem:$0x880];
	[tilespmem:s6+$0x0] =	vst v5  }
0x3a5: {  	[tilespmem:s9+$0x0] =	vst v7;
	v5 =	vld [tilespmem:$0x890]  }
0x3a6: {  	v7 =	vld [tilespmem:$0x890];
	_ =	sdelay $0x1  }
0x3a7: {  	v6 =	vperm.xlane v3, v6  }
0x3a8: {  	s11 =	sadd.s32 s7, s26;
	v8 =	vperm.xlane v4, v8  }
0x3a9: {  	s14 =	sadd.s32 $0xF720, s0;
	s3 =	sor.u32 s8, s26;
	[tilespmem:s11+$0x0] =	vst v6;
	v5 =	vperm.xlane v9, v5  }
0x3aa: {  	s18 =	sadd.s32 s1, s14;
	[tilespmem:s3+$0x0] =	vst v8;
	v6 =	vld [tilespmem:$0x890];
	v7 =	vperm.xlane v2, v7  }
0x3ab: {  	s19 =	sor.u32 s10, s14;
	v8 =	vld [tilespmem:$0x890];
	[tilespmem:s18+$0x0] =	vst v5  }
0x3ac: {  	[tilespmem:s19+$0x0] =	vst v7;
	v5 =	vld [tilespmem:$0x8A0]  }
0x3ad: {  	v7 =	vld [tilespmem:$0x8A0];
	_ =	sdelay $0x1  }
0x3ae: {  	v6 =	vperm.xlane v3, v6  }
0x3af: {  	s20 =	sadd.s32 s7, s14;
	v8 =	vperm.xlane v4, v8  }
0x3b0: {  	s22 =	sadd.s32 $0xFB20, s0;
	s2 =	sor.u32 s8, s14;
	[tilespmem:s20+$0x0] =	vst v6;
	v5 =	vperm.xlane v9, v5  }
0x3b1: {  	s25 =	sadd.s32 s1, s22;
	[tilespmem:s2+$0x0] =	vst v8;
	v6 =	vld [tilespmem:$0x8A0];
	v7 =	vperm.xlane v2, v7  }
0x3b2: {  	s26 =	sor.u32 s10, s22;
	v8 =	vld [tilespmem:$0x8A0];
	[tilespmem:s25+$0x0] =	vst v5  }
0x3b3: {  	[tilespmem:s26+$0x0] =	vst v7;
	v5 =	vld [tilespmem:$0x8B0]  }
0x3b4: {  	v7 =	vld [tilespmem:$0x8B0];
	_ =	sdelay $0x1  }
0x3b5: {  	v6 =	vperm.xlane v3, v6  }
0x3b6: {  	s9 =	sadd.s32 s7, s22;
	v8 =	vperm.xlane v4, v8  }
0x3b7: {  	s11 =	sadd.s32 $0xFF20, s0;
	s3 =	sor.u32 s8, s22;
	[tilespmem:s9+$0x0] =	vst v6;
	v5 =	vperm.xlane v9, v5  }
0x3b8: {  	s14 =	sadd.s32 s1, s11;
	[tilespmem:s3+$0x0] =	vst v8;
	v7 =	vperm.xlane v2, v7  }
0x3b9: {  	s18 =	sor.u32 s10, s11;
	v8 =	vld [tilespmem:$0x8B0];
	[tilespmem:s14+$0x0] =	vst v5  }
0x3ba: {  	v6 =	vld [tilespmem:$0x8B0];
	[tilespmem:s18+$0x0] =	vst v7  }
0x3bb: {  	v5 =	vld [tilespmem:$0x8C0];
	_ =	sdelay $0x2  }
0x3bc: {  	v7 =	vperm.xlane v4, v8  }
0x3bd: {  	s2 =	sor.u32 s8, s11;
	v6 =	vperm.xlane v3, v6  }
0x3be: {  	s19 =	sadd.s32 s7, s11;
	s20 =	sadd.s32 $0x10320, s0;
	v8 =	vld [tilespmem:$0x8C0];
	[tilespmem:s2+$0x0] =	vst v7;
	v5 =	vperm.xlane v9, v5  }
0x3bf: {  	s22 =	sadd.s32 s1, s20;
	[tilespmem:s19+$0x0] =	vst v6;
	v7 =	vld [tilespmem:$0x8C0]  }
0x3c0: {  	v6 =	vld [tilespmem:$0x8C0];
	[tilespmem:s22+$0x0] =	vst v5  }
0x3c1: {  	v5 =	vld [tilespmem:$0x8D0];
	_ =	sdelay $0x1  }
0x3c2: {  	v8 =	vperm.xlane v2, v8  }
0x3c3: {  	s25 =	sor.u32 s10, s20;
	v7 =	vperm.xlane v4, v7  }
0x3c4: {  	s2 =	sor.u32 s8, s20;
	v6 =	vperm.xlane v3, v6;
	[tilespmem:s25+$0x0] =	vst v8  }
0x3c5: {  	s6 =	sadd.s32 $0x10720, s0;
	s26 =	sadd.s32 s7, s20;
	v8 =	vld [tilespmem:$0x8D0];
	[tilespmem:s2+$0x0] =	vst v7;
	v5 =	vperm.xlane v9, v5  }
0x3c6: {  	s9 =	sadd.s32 s1, s6;
	[tilespmem:s26+$0x0] =	vst v6;
	v7 =	vld [tilespmem:$0x8D0]  }
0x3c7: {  	v6 =	vld [tilespmem:$0x8D0];
	[tilespmem:s9+$0x0] =	vst v5  }
0x3c8: {  	v5 =	vld [tilespmem:$0x8E0];
	_ =	sdelay $0x1  }
0x3c9: {  	v8 =	vperm.xlane v2, v8  }
0x3ca: {  	s11 =	sor.u32 s10, s6;
	v7 =	vperm.xlane v4, v7  }
0x3cb: {  	s2 =	sor.u32 s8, s6;
	v6 =	vperm.xlane v3, v6;
	[tilespmem:s11+$0x0] =	vst v8  }
0x3cc: {  	s14 =	sadd.s32 s7, s6;
	s18 =	sadd.s32 $0x10B20, s0;
	v8 =	vld [tilespmem:$0x8E0];
	[tilespmem:s2+$0x0] =	vst v7;
	v5 =	vperm.xlane v9, v5  }
0x3cd: {  	s19 =	sadd.s32 s1, s18;
	[tilespmem:s14+$0x0] =	vst v6;
	v7 =	vld [tilespmem:$0x8E0]  }
0x3ce: {  	v6 =	vld [tilespmem:$0x8E0];
	[tilespmem:s19+$0x0] =	vst v5  }
0x3cf: {  	v5 =	vld [tilespmem:$0x8F0];
	_ =	sdelay $0x1  }
0x3d0: {  	v8 =	vperm.xlane v2, v8  }
0x3d1: {  	s20 =	sor.u32 s10, s18;
	v7 =	vperm.xlane v4, v7  }
0x3d2: {  	s2 =	sor.u32 s8, s18;
	v6 =	vperm.xlane v3, v6;
	[tilespmem:s20+$0x0] =	vst v8  }
0x3d3: {  	s22 =	sadd.s32 s7, s18;
	s25 =	sadd.s32 $0x10F20, s0;
	v8 =	vld [tilespmem:$0x8F0];
	[tilespmem:s2+$0x0] =	vst v7;
	v5 =	vperm.xlane v9, v5  }
0x3d4: {  	s26 =	sadd.s32 s1, s25;
	[tilespmem:s22+$0x0] =	vst v6;
	v7 =	vld [tilespmem:$0x8F0]  }
0x3d5: {  	v6 =	vld [tilespmem:$0x8F0];
	[tilespmem:s26+$0x0] =	vst v5  }
0x3d6: {  	v5 =	vld [tilespmem:$0x900];
	_ =	sdelay $0x1  }
0x3d7: {  	v8 =	vperm.xlane v2, v8  }
0x3d8: {  	s6 =	sor.u32 s10, s25;
	v7 =	vperm.xlane v4, v7  }
0x3d9: {  	s2 =	sor.u32 s8, s25;
	v6 =	vperm.xlane v3, v6;
	[tilespmem:s6+$0x0] =	vst v8  }
0x3da: {  	s9 =	sadd.s32 s7, s25;
	s11 =	sadd.s32 $0x11320, s0;
	v8 =	vld [tilespmem:$0x900];
	[tilespmem:s2+$0x0] =	vst v7;
	v5 =	vperm.xlane v9, v5  }
0x3db: {  	s14 =	sadd.s32 s1, s11;
	[tilespmem:s9+$0x0] =	vst v6;
	v7 =	vld [tilespmem:$0x900]  }
0x3dc: {  	v6 =	vld [tilespmem:$0x900];
	[tilespmem:s14+$0x0] =	vst v5  }
0x3dd: {  	v5 =	vld [tilespmem:$0x910];
	_ =	sdelay $0x1  }
0x3de: {  	v8 =	vperm.xlane v2, v8  }
0x3df: {  	s18 =	sor.u32 s10, s11;
	v7 =	vperm.xlane v4, v7  }
0x3e0: {  	s2 =	sor.u32 s8, s11;
	v6 =	vperm.xlane v3, v6;
	[tilespmem:s18+$0x0] =	vst v8  }
0x3e1: {  	s19 =	sadd.s32 s7, s11;
	s20 =	sadd.s32 $0x11720, s0;
	v8 =	vld [tilespmem:$0x910];
	[tilespmem:s2+$0x0] =	vst v7;
	v5 =	vperm.xlane v9, v5  }
0x3e2: {  	s22 =	sadd.s32 s1, s20;
	[tilespmem:s19+$0x0] =	vst v6;
	v7 =	vld [tilespmem:$0x910]  }
0x3e3: {  	v6 =	vld [tilespmem:$0x910];
	[tilespmem:s22+$0x0] =	vst v5  }
0x3e4: {  	v5 =	vld [tilespmem:$0x920];
	_ =	sdelay $0x1  }
0x3e5: {  	v8 =	vperm.xlane v2, v8  }
0x3e6: {  	s25 =	sor.u32 s10, s20;
	v7 =	vperm.xlane v4, v7  }
0x3e7: {  	s2 =	sor.u32 s8, s20;
	v6 =	vperm.xlane v3, v6;
	[tilespmem:s25+$0x0] =	vst v8  }
0x3e8: {  	s26 =	sadd.s32 s7, s20;
	s6 =	sadd.s32 $0x11B20, s0;
	v8 =	vld [tilespmem:$0x920];
	[tilespmem:s2+$0x0] =	vst v7;
	v5 =	vperm.xlane v9, v5  }
0x3e9: {  	s9 =	sadd.s32 s1, s6;
	[tilespmem:s26+$0x0] =	vst v6;
	v7 =	vld [tilespmem:$0x920]  }
0x3ea: {  	v6 =	vld [tilespmem:$0x920];
	[tilespmem:s9+$0x0] =	vst v5  }
0x3eb: {  	v5 =	vld [tilespmem:$0x930];
	_ =	sdelay $0x1  }
0x3ec: {  	v8 =	vperm.xlane v2, v8  }
0x3ed: {  	s11 =	sor.u32 s10, s6;
	v7 =	vperm.xlane v4, v7  }
0x3ee: {  	s2 =	sor.u32 s8, s6;
	v6 =	vperm.xlane v3, v6;
	[tilespmem:s11+$0x0] =	vst v8  }
0x3ef: {  	s14 =	sadd.s32 s7, s6;
	s18 =	sadd.s32 $0x11F20, s0;
	v8 =	vld [tilespmem:$0x930];
	[tilespmem:s2+$0x0] =	vst v7;
	v5 =	vperm.xlane v9, v5  }
0x3f0: {  	s19 =	sadd.s32 s1, s18;
	[tilespmem:s14+$0x0] =	vst v6;
	v7 =	vld [tilespmem:$0x930]  }
0x3f1: {  	v6 =	vld [tilespmem:$0x930];
	[tilespmem:s19+$0x0] =	vst v5  }
0x3f2: {  	v5 =	vld [tilespmem:$0x940];
	_ =	sdelay $0x1  }
0x3f3: {  	v8 =	vperm.xlane v2, v8  }
0x3f4: {  	s20 =	sor.u32 s10, s18;
	v7 =	vperm.xlane v4, v7  }
0x3f5: {  	s2 =	sor.u32 s8, s18;
	v6 =	vperm.xlane v3, v6;
	[tilespmem:s20+$0x0] =	vst v8  }
0x3f6: {  	s22 =	sadd.s32 s7, s18;
	s25 =	sadd.s32 $0x12320, s0;
	v8 =	vld [tilespmem:$0x940];
	[tilespmem:s2+$0x0] =	vst v7;
	v5 =	vperm.xlane v9, v5  }
0x3f7: {  	s26 =	sadd.s32 s1, s25;
	[tilespmem:s22+$0x0] =	vst v6;
	v7 =	vld [tilespmem:$0x940]  }
0x3f8: {  	v6 =	vld [tilespmem:$0x940];
	[tilespmem:s26+$0x0] =	vst v5  }
0x3f9: {  	v5 =	vld [tilespmem:$0x950];
	_ =	sdelay $0x1  }
0x3fa: {  	v8 =	vperm.xlane v2, v8  }
0x3fb: {  	s6 =	sor.u32 s10, s25;
	v7 =	vperm.xlane v4, v7  }
0x3fc: {  	s2 =	sor.u32 s8, s25;
	v6 =	vperm.xlane v3, v6;
	[tilespmem:s6+$0x0] =	vst v8  }
0x3fd: {  	s9 =	sadd.s32 s7, s25;
	s11 =	sadd.s32 $0x12720, s0;
	v8 =	vld [tilespmem:$0x950];
	[tilespmem:s2+$0x0] =	vst v7;
	v5 =	vperm.xlane v9, v5  }
0x3fe: {  	s14 =	sadd.s32 s1, s11;
	[tilespmem:s9+$0x0] =	vst v6;
	v7 =	vld [tilespmem:$0x950]  }
0x3ff: {  	v6 =	vld [tilespmem:$0x950];
	[tilespmem:s14+$0x0] =	vst v5  }
0x400: {  	v5 =	vld [tilespmem:$0x960];
	_ =	sdelay $0x1  }
0x401: {  	v8 =	vperm.xlane v2, v8  }
0x402: {  	s18 =	sor.u32 s10, s11;
	v7 =	vperm.xlane v4, v7  }
0x403: {  	s2 =	sor.u32 s8, s11;
	v6 =	vperm.xlane v3, v6;
	[tilespmem:s18+$0x0] =	vst v8  }
0x404: {  	s19 =	sadd.s32 s7, s11;
	s20 =	sadd.s32 $0x12B20, s0;
	v8 =	vld [tilespmem:$0x960];
	[tilespmem:s2+$0x0] =	vst v7;
	v5 =	vperm.xlane v9, v5  }
0x405: {  	s22 =	sadd.s32 s1, s20;
	[tilespmem:s19+$0x0] =	vst v6;
	v7 =	vld [tilespmem:$0x960]  }
0x406: {  	v6 =	vld [tilespmem:$0x960];
	[tilespmem:s22+$0x0] =	vst v5  }
0x407: {  	v5 =	vld [tilespmem:$0x970];
	_ =	sdelay $0x1  }
0x408: {  	v8 =	vperm.xlane v2, v8  }
0x409: {  	s25 =	sor.u32 s10, s20;
	v7 =	vperm.xlane v4, v7  }
0x40a: {  	s2 =	sor.u32 s8, s20;
	v6 =	vperm.xlane v3, v6;
	[tilespmem:s25+$0x0] =	vst v8  }
0x40b: {  	s26 =	sadd.s32 s7, s20;
	s6 =	sadd.s32 $0x12F20, s0;
	v8 =	vld [tilespmem:$0x970];
	[tilespmem:s2+$0x0] =	vst v7;
	v5 =	vperm.xlane v9, v5  }
0x40c: {  	s9 =	sadd.s32 s1, s6;
	[tilespmem:s26+$0x0] =	vst v6;
	v7 =	vld [tilespmem:$0x970]  }
0x40d: {  	v6 =	vld [tilespmem:$0x970];
	[tilespmem:s9+$0x0] =	vst v5  }
0x40e: {  	v5 =	vld [tilespmem:$0x980];
	_ =	sdelay $0x1  }
0x40f: {  	v8 =	vperm.xlane v2, v8  }
0x410: {  	s11 =	sor.u32 s10, s6;
	v7 =	vperm.xlane v4, v7  }
0x411: {  	v11 =	vld [tilespmem:$0x800];
	s2 =	sor.u32 s8, s6;
	v6 =	vperm.xlane v3, v6;
	[tilespmem:s11+$0x0] =	vst v8  }
0x412: {  	v13 =	vld [tilespmem:$0x800];
	s14 =	sadd.s32 s7, s6;
	s18 =	sadd.s32 $0x13320, s0;
	[tilespmem:s2+$0x0] =	vst v7;
	v5 =	vperm.xlane v9, v5  }
0x413: {  	s19 =	sadd.s32 s1, s18;
	[tilespmem:s14+$0x0] =	vst v6;
	v6 =	vld [tilespmem:$0x980]  }
0x414: {  	v8 =	vld [tilespmem:$0x980];
	[tilespmem:s19+$0x0] =	vst v5  }
0x415: {  	v12 =	vld [tilespmem:$0x990]  }
0x416: {  	s30 =	simm.s32 $0x19E20;
	v10 =	vld [tilespmem:$0x980]  }
0x417: {  	v7 =	vld [tilespmem:s30+$0x80]  }
0x418: {  	v14 =	vperm.xlane v4, v6;
	v6 =	vld [tilespmem:s30+$0xFFFFFF80]  }
0x419: {  	s31 =	simm.s32 $0x70;
	s20 =	sor.u32 s8, s18;
	v15 =	vperm.xlane v2, v8;
	v5 =	vld [tilespmem:s30+$0x0]  }
0x41a: {  	s22 =	sor.u32 s10, s18;
	s25 =	simm.s32 $0x40;
	s9 =	sadd.s32 $0x13720, s0;
	v8 =	vld [tilespmem:s30+$0xFFFFFF00];
	[tilespmem:s20+$0x0] =	vst v14;
	v12 =	vperm.xlane v9, v12  }
0x41b: {  	s28 =	sand.u32 $0x70, s31;
	v13 =	vand.u32 $0xF, v13;
	s26 =	sadd.s32 s1, s9;
	v10 =	vperm.xlane v3, v10;
	[tilespmem:s22+$0x0] =	vst v15;
	s22 =	sand.u32 $0x380, s25;
	v14 =	vld [tilespmem:$0x990]  }
0x41c: {  	v11 =	vand.u32 $0xF, v11;
	s11 =	simm.s32 $0x50;
	s2 =	sadd.s32 s7, s18;
	v15 =	vperm.xlane v7, v13;
	s14 =	sadd.s32 $0xD320, s22;
	v16 =	vld [tilespmem:$0x990];
	[tilespmem:s26+$0x0] =	vst v12  }
0x41d: {  	s6 =	simm.s32 $0x60;
	s29 =	sand.u32 $0x50, s11;
	[tilespmem:s2+$0x0] =	vst v10;
	s18 =	sadd.s32 s28, s14;
	v10 =	vperm.xlane v6, v11;
	v12 =	vld [tilespmem:$0x9A0]  }
0x41e: {  	s19 =	sor.u32 s29, s14;
	v13 =	vperm.xlane v5, v13;
	[tilespmem:s18+$0x0] =	vst v15;
	v15 =	vld [tilespmem:$0x990];
	s26 =	sand.u32 $0x60, s6  }
0x41f: {  	s25 =	sand.u32 $0x40, s25;
	v11 =	vperm.xlane v8, v11;
	s20 =	sadd.s32 s26, s14;
	[tilespmem:s19+$0x0] =	vst v10;
	v10 =	vld [tilespmem:$0x810]  }
0x420: {  	s6 =	sor.u32 s25, s14;
	[tilespmem:s20+$0x0] =	vst v13;
	v17 =	vld [tilespmem:$0x810];
	v13 =	vperm.xlane v4, v14  }
0x421: {  	s11 =	sor.u32 s8, s9;
	[tilespmem:s6+$0x0] =	vst v11;
	v11 =	vld [tilespmem:$0x810];
	v14 =	vperm.xlane v2, v16  }
0x422: {  	s3 =	sadd.s32 $0x13B20, s0;
	s14 =	sor.u32 s10, s9;
	v16 =	vld [tilespmem:$0x810];
	[tilespmem:s11+$0x0] =	vst v13;
	v12 =	vperm.xlane v9, v12  }
0x423: {  	s18 =	sadd.s32 s1, s3;
	[tilespmem:s14+$0x0] =	vst v14;
	v14 =	vperm.xlane v3, v15;
	v13 =	vld [tilespmem:$0x9A0]  }
0x424: {  	s19 =	sadd.s32 s7, s9;
	s20 =	sadd.s32 $0xD720, s22;
	v15 =	vld [tilespmem:$0x9A0];
	v10 =	vperm.xlane v7, v10;
	[tilespmem:s18+$0x0] =	vst v12  }
0x425: {  	s11 =	sadd.s32 s28, s20;
	[tilespmem:s19+$0x0] =	vst v14;
	v12 =	vperm.xlane v6, v17;
	v14 =	vld [tilespmem:$0x9B0]  }
0x426: {  	s14 =	sor.u32 s29, s20;
	v11 =	vperm.xlane v5, v11;
	[tilespmem:s11+$0x0] =	vst v10;
	v10 =	vld [tilespmem:$0x9A0]  }
0x427: {  	s18 =	sadd.s32 s26, s20;
	v16 =	vperm.xlane v8, v16;
	[tilespmem:s14+$0x0] =	vst v12;
	v12 =	vld [tilespmem:$0x820]  }
0x428: {  	s19 =	sor.u32 s25, s20;
	[tilespmem:s18+$0x0] =	vst v11;
	v17 =	vld [tilespmem:$0x820];
	v11 =	vperm.xlane v4, v13  }
0x429: {  	s20 =	sor.u32 s8, s3;
	[tilespmem:s19+$0x0] =	vst v16;
	v13 =	vld [tilespmem:$0x820];
	v15 =	vperm.xlane v2, v15  }
0x42a: {  	s2 =	sadd.s32 $0x13F20, s0;
	s9 =	sor.u32 s10, s3;
	v16 =	vld [tilespmem:$0x820];
	[tilespmem:s20+$0x0] =	vst v11;
	v11 =	vperm.xlane v9, v14  }
0x42b: {  	s11 =	sadd.s32 s1, s2;
	[tilespmem:s9+$0x0] =	vst v15;
	v14 =	vld [tilespmem:$0x9B0];
	v10 =	vperm.xlane v3, v10  }
0x42c: {  	s3 =	sadd.s32 s7, s3;
	s14 =	sadd.s32 $0xDB20, s22;
	v15 =	vld [tilespmem:$0x9B0];
	v12 =	vperm.xlane v7, v12;
	[tilespmem:s11+$0x0] =	vst v11  }
0x42d: {  	s18 =	sadd.s32 s28, s14;
	v11 =	vperm.xlane v6, v17;
	[tilespmem:s3+$0x0] =	vst v10;
	v10 =	vld [tilespmem:$0x9C0]  }
0x42e: {  	s19 =	sor.u32 s29, s14;
	v13 =	vperm.xlane v5, v13;
	[tilespmem:s18+$0x0] =	vst v12;
	v12 =	vld [tilespmem:$0x9B0]  }
0x42f: {  	s20 =	sadd.s32 s26, s14;
	v16 =	vperm.xlane v8, v16;
	[tilespmem:s19+$0x0] =	vst v11;
	v11 =	vld [tilespmem:$0x830]  }
0x430: {  	s11 =	sor.u32 s25, s14;
	[tilespmem:s20+$0x0] =	vst v13;
	v17 =	vld [tilespmem:$0x830];
	v13 =	vperm.xlane v4, v14  }
0x431: {  	s14 =	sor.u32 s8, s2;
	[tilespmem:s11+$0x0] =	vst v16;
	v14 =	vld [tilespmem:$0x830];
	v15 =	vperm.xlane v2, v15  }
0x432: {  	s6 =	sadd.s32 $0x14320, s0;
	s18 =	sor.u32 s10, s2;
	v16 =	vld [tilespmem:$0x830];
	[tilespmem:s14+$0x0] =	vst v13;
	v10 =	vperm.xlane v9, v10  }
0x433: {  	s19 =	sadd.s32 s1, s6;
	[tilespmem:s18+$0x0] =	vst v15;
	v13 =	vld [tilespmem:$0x9C0];
	v12 =	vperm.xlane v3, v12  }
0x434: {  	s2 =	sadd.s32 s7, s2;
	s20 =	sadd.s32 $0xDF20, s22;
	v15 =	vld [tilespmem:$0x9C0];
	v11 =	vperm.xlane v7, v11;
	[tilespmem:s19+$0x0] =	vst v10  }
0x435: {  	s11 =	sadd.s32 s28, s20;
	v10 =	vperm.xlane v6, v17;
	[tilespmem:s2+$0x0] =	vst v12;
	v12 =	vld [tilespmem:$0x9D0]  }
0x436: {  	s14 =	sor.u32 s29, s20;
	v14 =	vperm.xlane v5, v14;
	[tilespmem:s11+$0x0] =	vst v11;
	v11 =	vld [tilespmem:$0x9C0]  }
0x437: {  	s18 =	sadd.s32 s26, s20;
	v16 =	vperm.xlane v8, v16;
	[tilespmem:s14+$0x0] =	vst v10;
	v10 =	vld [tilespmem:$0x840]  }
0x438: {  	s19 =	sor.u32 s25, s20;
	[tilespmem:s18+$0x0] =	vst v14;
	v17 =	vld [tilespmem:$0x840];
	v13 =	vperm.xlane v4, v13  }
0x439: {  	s20 =	sor.u32 s8, s6;
	[tilespmem:s19+$0x0] =	vst v16;
	v14 =	vld [tilespmem:$0x840];
	v15 =	vperm.xlane v2, v15  }
0x43a: {  	s9 =	sor.u32 s10, s6;
	s3 =	sadd.s32 $0x14720, s0;
	v16 =	vld [tilespmem:$0x840];
	[tilespmem:s20+$0x0] =	vst v13;
	v12 =	vperm.xlane v9, v12  }
0x43b: {  	s11 =	sadd.s32 s1, s3;
	[tilespmem:s9+$0x0] =	vst v15;
	v13 =	vld [tilespmem:$0x9D0];
	v11 =	vperm.xlane v3, v11  }
0x43c: {  	s6 =	sadd.s32 s7, s6;
	s14 =	sadd.s32 $0xE320, s22;
	v15 =	vld [tilespmem:$0x9D0];
	v10 =	vperm.xlane v7, v10;
	[tilespmem:s11+$0x0] =	vst v12  }
0x43d: {  	s18 =	sadd.s32 s28, s14;
	v12 =	vperm.xlane v6, v17;
	[tilespmem:s6+$0x0] =	vst v11;
	v11 =	vld [tilespmem:$0x9E0]  }
0x43e: {  	s19 =	sor.u32 s29, s14;
	v14 =	vperm.xlane v5, v14;
	[tilespmem:s18+$0x0] =	vst v10;
	v10 =	vld [tilespmem:$0x9D0]  }
0x43f: {  	s20 =	sadd.s32 s26, s14;
	v16 =	vperm.xlane v8, v16;
	[tilespmem:s19+$0x0] =	vst v12;
	v12 =	vld [tilespmem:$0x850]  }
0x440: {  	s11 =	sor.u32 s25, s14;
	[tilespmem:s20+$0x0] =	vst v14;
	v17 =	vld [tilespmem:$0x850];
	v13 =	vperm.xlane v4, v13  }
0x441: {  	s14 =	sor.u32 s8, s3;
	[tilespmem:s11+$0x0] =	vst v16;
	v14 =	vld [tilespmem:$0x850];
	v15 =	vperm.xlane v2, v15  }
0x442: {  	s2 =	sadd.s32 $0x14B20, s0;
	s18 =	sor.u32 s10, s3;
	v16 =	vld [tilespmem:$0x850];
	[tilespmem:s14+$0x0] =	vst v13;
	v11 =	vperm.xlane v9, v11  }
0x443: {  	s19 =	sadd.s32 s1, s2;
	[tilespmem:s18+$0x0] =	vst v15;
	v13 =	vld [tilespmem:$0x9E0];
	v10 =	vperm.xlane v3, v10  }
0x444: {  	s3 =	sadd.s32 s7, s3;
	s20 =	sadd.s32 $0xE720, s22;
	v15 =	vld [tilespmem:$0x9E0];
	v12 =	vperm.xlane v7, v12;
	[tilespmem:s19+$0x0] =	vst v11  }
0x445: {  	s11 =	sadd.s32 s28, s20;
	v11 =	vperm.xlane v6, v17;
	[tilespmem:s3+$0x0] =	vst v10;
	v10 =	vld [tilespmem:$0x9F0]  }
0x446: {  	s14 =	sor.u32 s29, s20;
	v14 =	vperm.xlane v5, v14;
	[tilespmem:s11+$0x0] =	vst v12;
	v12 =	vld [tilespmem:$0x9E0]  }
0x447: {  	s18 =	sadd.s32 s26, s20;
	v16 =	vperm.xlane v8, v16;
	[tilespmem:s14+$0x0] =	vst v11;
	v11 =	vld [tilespmem:$0x860]  }
0x448: {  	s19 =	sor.u32 s25, s20;
	[tilespmem:s18+$0x0] =	vst v14;
	v17 =	vld [tilespmem:$0x860];
	v13 =	vperm.xlane v4, v13  }
0x449: {  	s20 =	sor.u32 s8, s2;
	[tilespmem:s19+$0x0] =	vst v16;
	v14 =	vld [tilespmem:$0x860];
	v15 =	vperm.xlane v2, v15  }
0x44a: {  	s9 =	sor.u32 s10, s2;
	s6 =	sadd.s32 $0x14F20, s0;
	v16 =	vld [tilespmem:$0x860];
	[tilespmem:s20+$0x0] =	vst v13;
	v10 =	vperm.xlane v9, v10  }
0x44b: {  	s11 =	sadd.s32 s1, s6;
	[tilespmem:s9+$0x0] =	vst v15;
	v13 =	vld [tilespmem:$0x9F0];
	v12 =	vperm.xlane v3, v12  }
0x44c: {  	s2 =	sadd.s32 s7, s2;
	s14 =	sadd.s32 $0xEB20, s22;
	v15 =	vld [tilespmem:$0x9F0];
	v11 =	vperm.xlane v7, v11;
	[tilespmem:s11+$0x0] =	vst v10  }
0x44d: {  	s18 =	sadd.s32 s28, s14;
	v10 =	vperm.xlane v6, v17;
	[tilespmem:s2+$0x0] =	vst v12;
	v12 =	vld [tilespmem:$0xA00]  }
0x44e: {  	s19 =	sor.u32 s29, s14;
	v14 =	vperm.xlane v5, v14;
	[tilespmem:s18+$0x0] =	vst v11;
	v11 =	vld [tilespmem:$0x9F0]  }
0x44f: {  	s20 =	sadd.s32 s26, s14;
	v16 =	vperm.xlane v8, v16;
	[tilespmem:s19+$0x0] =	vst v10;
	v10 =	vld [tilespmem:$0x870]  }
0x450: {  	s11 =	sor.u32 s25, s14;
	[tilespmem:s20+$0x0] =	vst v14;
	v17 =	vld [tilespmem:$0x870];
	v13 =	vperm.xlane v4, v13  }
0x451: {  	s14 =	sor.u32 s8, s6;
	[tilespmem:s11+$0x0] =	vst v16;
	v14 =	vld [tilespmem:$0x870];
	v15 =	vperm.xlane v2, v15  }
0x452: {  	s3 =	sadd.s32 $0x15320, s0;
	s18 =	sor.u32 s10, s6;
	v16 =	vld [tilespmem:$0x870];
	[tilespmem:s14+$0x0] =	vst v13;
	v12 =	vperm.xlane v9, v12  }
0x453: {  	s19 =	sadd.s32 s1, s3;
	[tilespmem:s18+$0x0] =	vst v15;
	v13 =	vld [tilespmem:$0xA00];
	v11 =	vperm.xlane v3, v11  }
0x454: {  	s6 =	sadd.s32 s7, s6;
	s20 =	sadd.s32 $0xEF20, s22;
	v15 =	vld [tilespmem:$0xA00];
	v10 =	vperm.xlane v7, v10;
	[tilespmem:s19+$0x0] =	vst v12  }
0x455: {  	s11 =	sadd.s32 s28, s20;
	v12 =	vperm.xlane v6, v17;
	[tilespmem:s6+$0x0] =	vst v11;
	v11 =	vld [tilespmem:$0xA10]  }
0x456: {  	s14 =	sor.u32 s29, s20;
	v14 =	vperm.xlane v5, v14;
	[tilespmem:s11+$0x0] =	vst v10;
	v10 =	vld [tilespmem:$0xA00]  }
0x457: {  	s18 =	sadd.s32 s26, s20;
	v16 =	vperm.xlane v8, v16;
	[tilespmem:s14+$0x0] =	vst v12;
	v12 =	vld [tilespmem:$0x880]  }
0x458: {  	s19 =	sor.u32 s25, s20;
	[tilespmem:s18+$0x0] =	vst v14;
	v17 =	vld [tilespmem:$0x880];
	v13 =	vperm.xlane v4, v13  }
0x459: {  	s20 =	sor.u32 s8, s3;
	[tilespmem:s19+$0x0] =	vst v16;
	v14 =	vld [tilespmem:$0x880];
	v15 =	vperm.xlane v2, v15  }
0x45a: {  	s9 =	sor.u32 s10, s3;
	s2 =	sadd.s32 $0x15720, s0;
	v16 =	vld [tilespmem:$0x880];
	[tilespmem:s20+$0x0] =	vst v13;
	v11 =	vperm.xlane v9, v11  }
0x45b: {  	s11 =	sadd.s32 s1, s2;
	[tilespmem:s9+$0x0] =	vst v15;
	v13 =	vld [tilespmem:$0xA10];
	v10 =	vperm.xlane v3, v10  }
0x45c: {  	s3 =	sadd.s32 s7, s3;
	s14 =	sadd.s32 $0xF320, s22;
	v15 =	vld [tilespmem:$0xA10];
	v12 =	vperm.xlane v7, v12;
	[tilespmem:s11+$0x0] =	vst v11  }
0x45d: {  	s18 =	sadd.s32 s28, s14;
	v11 =	vperm.xlane v6, v17;
	[tilespmem:s3+$0x0] =	vst v10;
	v10 =	vld [tilespmem:$0xA20]  }
0x45e: {  	s19 =	sor.u32 s29, s14;
	v14 =	vperm.xlane v5, v14;
	[tilespmem:s18+$0x0] =	vst v12;
	v12 =	vld [tilespmem:$0xA10]  }
0x45f: {  	s20 =	sadd.s32 s26, s14;
	v16 =	vperm.xlane v8, v16;
	[tilespmem:s19+$0x0] =	vst v11;
	v11 =	vld [tilespmem:$0x890]  }
0x460: {  	s11 =	sor.u32 s25, s14;
	[tilespmem:s20+$0x0] =	vst v14;
	v17 =	vld [tilespmem:$0x890];
	v13 =	vperm.xlane v4, v13  }
0x461: {  	s14 =	sor.u32 s8, s2;
	[tilespmem:s11+$0x0] =	vst v16;
	v14 =	vld [tilespmem:$0x890];
	v15 =	vperm.xlane v2, v15  }
0x462: {  	s6 =	sadd.s32 $0x15B20, s0;
	s18 =	sor.u32 s10, s2;
	v16 =	vld [tilespmem:$0x890];
	[tilespmem:s14+$0x0] =	vst v13;
	v10 =	vperm.xlane v9, v10  }
0x463: {  	s19 =	sadd.s32 s1, s6;
	[tilespmem:s18+$0x0] =	vst v15;
	v13 =	vld [tilespmem:$0xA20];
	v12 =	vperm.xlane v3, v12  }
0x464: {  	s2 =	sadd.s32 s7, s2;
	s20 =	sadd.s32 $0xF720, s22;
	v15 =	vld [tilespmem:$0xA20];
	v11 =	vperm.xlane v7, v11;
	[tilespmem:s19+$0x0] =	vst v10  }
0x465: {  	s11 =	sadd.s32 s28, s20;
	v10 =	vperm.xlane v6, v17;
	[tilespmem:s2+$0x0] =	vst v12;
	v12 =	vld [tilespmem:$0xA30]  }
0x466: {  	s14 =	sor.u32 s29, s20;
	v14 =	vperm.xlane v5, v14;
	[tilespmem:s11+$0x0] =	vst v11;
	v11 =	vld [tilespmem:$0xA20]  }
0x467: {  	s18 =	sadd.s32 s26, s20;
	v16 =	vperm.xlane v8, v16;
	[tilespmem:s14+$0x0] =	vst v10;
	v10 =	vld [tilespmem:$0x8A0]  }
0x468: {  	s19 =	sor.u32 s25, s20;
	[tilespmem:s18+$0x0] =	vst v14;
	v17 =	vld [tilespmem:$0x8A0];
	v13 =	vperm.xlane v4, v13  }
0x469: {  	s20 =	sor.u32 s8, s6;
	[tilespmem:s19+$0x0] =	vst v16;
	v14 =	vld [tilespmem:$0x8A0];
	v15 =	vperm.xlane v2, v15  }
0x46a: {  	s9 =	sor.u32 s10, s6;
	s3 =	sadd.s32 $0x15F20, s0;
	v16 =	vld [tilespmem:$0x8A0];
	[tilespmem:s20+$0x0] =	vst v13;
	v12 =	vperm.xlane v9, v12  }
0x46b: {  	s11 =	sadd.s32 s1, s3;
	[tilespmem:s9+$0x0] =	vst v15;
	v13 =	vld [tilespmem:$0xA30];
	v11 =	vperm.xlane v3, v11  }
0x46c: {  	s6 =	sadd.s32 s7, s6;
	s14 =	sadd.s32 $0xFB20, s22;
	v15 =	vld [tilespmem:$0xA30];
	v10 =	vperm.xlane v7, v10;
	[tilespmem:s11+$0x0] =	vst v12  }
0x46d: {  	s18 =	sadd.s32 s28, s14;
	v12 =	vperm.xlane v6, v17;
	[tilespmem:s6+$0x0] =	vst v11;
	v11 =	vld [tilespmem:$0xA40]  }
0x46e: {  	s19 =	sor.u32 s29, s14;
	v14 =	vperm.xlane v5, v14;
	[tilespmem:s18+$0x0] =	vst v10;
	v10 =	vld [tilespmem:$0xA30]  }
0x46f: {  	s20 =	sadd.s32 s26, s14;
	v16 =	vperm.xlane v8, v16;
	[tilespmem:s19+$0x0] =	vst v12;
	v12 =	vld [tilespmem:$0x8B0]  }
0x470: {  	s11 =	sor.u32 s25, s14;
	[tilespmem:s20+$0x0] =	vst v14;
	v17 =	vld [tilespmem:$0x8B0];
	v13 =	vperm.xlane v4, v13  }
0x471: {  	s14 =	sor.u32 s8, s3;
	[tilespmem:s11+$0x0] =	vst v16;
	v14 =	vld [tilespmem:$0x8B0];
	v15 =	vperm.xlane v2, v15  }
0x472: {  	s2 =	sadd.s32 $0x16320, s0;
	s18 =	sor.u32 s10, s3;
	v16 =	vld [tilespmem:$0x8B0];
	[tilespmem:s14+$0x0] =	vst v13;
	v11 =	vperm.xlane v9, v11  }
0x473: {  	s19 =	sadd.s32 s1, s2;
	[tilespmem:s18+$0x0] =	vst v15;
	v13 =	vld [tilespmem:$0xA40];
	v10 =	vperm.xlane v3, v10  }
0x474: {  	s3 =	sadd.s32 s7, s3;
	s20 =	sadd.s32 $0xFF20, s22;
	v15 =	vld [tilespmem:$0xA40];
	v12 =	vperm.xlane v7, v12;
	[tilespmem:s19+$0x0] =	vst v11  }
0x475: {  	s11 =	sadd.s32 s28, s20;
	v11 =	vperm.xlane v6, v17;
	[tilespmem:s3+$0x0] =	vst v10;
	v10 =	vld [tilespmem:$0xA50]  }
0x476: {  	s14 =	sor.u32 s29, s20;
	v14 =	vperm.xlane v5, v14;
	[tilespmem:s11+$0x0] =	vst v12;
	v12 =	vld [tilespmem:$0xA40]  }
0x477: {  	s18 =	sadd.s32 s26, s20;
	v16 =	vperm.xlane v8, v16;
	[tilespmem:s14+$0x0] =	vst v11;
	v11 =	vld [tilespmem:$0x8C0]  }
0x478: {  	s19 =	sor.u32 s25, s20;
	[tilespmem:s18+$0x0] =	vst v14;
	v17 =	vld [tilespmem:$0x8C0];
	v13 =	vperm.xlane v4, v13  }
0x479: {  	s20 =	sor.u32 s8, s2;
	[tilespmem:s19+$0x0] =	vst v16;
	v14 =	vld [tilespmem:$0x8C0];
	v15 =	vperm.xlane v2, v15  }
0x47a: {  	s9 =	sor.u32 s10, s2;
	s6 =	sadd.s32 $0x16720, s0;
	v16 =	vld [tilespmem:$0x8C0];
	[tilespmem:s20+$0x0] =	vst v13;
	v10 =	vperm.xlane v9, v10  }
0x47b: {  	s11 =	sadd.s32 s1, s6;
	[tilespmem:s9+$0x0] =	vst v15;
	v13 =	vld [tilespmem:$0xA50];
	v12 =	vperm.xlane v3, v12  }
0x47c: {  	s2 =	sadd.s32 s7, s2;
	s14 =	sadd.s32 $0x10320, s22;
	v15 =	vld [tilespmem:$0xA50];
	v11 =	vperm.xlane v7, v11;
	[tilespmem:s11+$0x0] =	vst v10  }
0x47d: {  	s18 =	sadd.s32 s28, s14;
	v10 =	vperm.xlane v6, v17;
	[tilespmem:s2+$0x0] =	vst v12;
	v12 =	vld [tilespmem:$0xA60]  }
0x47e: {  	s19 =	sor.u32 s29, s14;
	v14 =	vperm.xlane v5, v14;
	[tilespmem:s18+$0x0] =	vst v11;
	v11 =	vld [tilespmem:$0xA50]  }
0x47f: {  	s20 =	sadd.s32 s26, s14;
	v16 =	vperm.xlane v8, v16;
	[tilespmem:s19+$0x0] =	vst v10;
	v10 =	vld [tilespmem:$0x8D0]  }
0x480: {  	s11 =	sor.u32 s25, s14;
	[tilespmem:s20+$0x0] =	vst v14;
	v17 =	vld [tilespmem:$0x8D0];
	v13 =	vperm.xlane v4, v13  }
0x481: {  	s14 =	sor.u32 s8, s6;
	[tilespmem:s11+$0x0] =	vst v16;
	v14 =	vld [tilespmem:$0x8D0];
	v15 =	vperm.xlane v2, v15  }
0x482: {  	s3 =	sadd.s32 $0x16B20, s0;
	s18 =	sor.u32 s10, s6;
	v16 =	vld [tilespmem:$0x8D0];
	[tilespmem:s14+$0x0] =	vst v13;
	v12 =	vperm.xlane v9, v12  }
0x483: {  	s19 =	sadd.s32 s1, s3;
	[tilespmem:s18+$0x0] =	vst v15;
	v13 =	vld [tilespmem:$0xA60];
	v11 =	vperm.xlane v3, v11  }
0x484: {  	s6 =	sadd.s32 s7, s6;
	s20 =	sadd.s32 $0x10720, s22;
	v15 =	vld [tilespmem:$0xA60];
	v10 =	vperm.xlane v7, v10;
	[tilespmem:s19+$0x0] =	vst v12  }
0x485: {  	s11 =	sadd.s32 s28, s20;
	v12 =	vperm.xlane v6, v17;
	[tilespmem:s6+$0x0] =	vst v11;
	v11 =	vld [tilespmem:$0xA70]  }
0x486: {  	s14 =	sor.u32 s29, s20;
	v14 =	vperm.xlane v5, v14;
	[tilespmem:s11+$0x0] =	vst v10;
	v10 =	vld [tilespmem:$0xA60]  }
0x487: {  	s18 =	sadd.s32 s26, s20;
	v16 =	vperm.xlane v8, v16;
	[tilespmem:s14+$0x0] =	vst v12;
	v12 =	vld [tilespmem:$0x8E0]  }
0x488: {  	s19 =	sor.u32 s25, s20;
	[tilespmem:s18+$0x0] =	vst v14;
	v17 =	vld [tilespmem:$0x8E0];
	v13 =	vperm.xlane v4, v13  }
0x489: {  	s20 =	sor.u32 s8, s3;
	[tilespmem:s19+$0x0] =	vst v16;
	v14 =	vld [tilespmem:$0x8E0];
	v15 =	vperm.xlane v2, v15  }
0x48a: {  	s9 =	sor.u32 s10, s3;
	s2 =	sadd.s32 $0x16F20, s0;
	v16 =	vld [tilespmem:$0x8E0];
	[tilespmem:s20+$0x0] =	vst v13;
	v11 =	vperm.xlane v9, v11  }
0x48b: {  	s11 =	sadd.s32 s1, s2;
	[tilespmem:s9+$0x0] =	vst v15;
	v13 =	vld [tilespmem:$0xA70];
	v10 =	vperm.xlane v3, v10  }
0x48c: {  	s3 =	sadd.s32 s7, s3;
	s14 =	sadd.s32 $0x10B20, s22;
	v15 =	vld [tilespmem:$0xA70];
	v12 =	vperm.xlane v7, v12;
	[tilespmem:s11+$0x0] =	vst v11  }
0x48d: {  	s18 =	sadd.s32 s28, s14;
	v11 =	vperm.xlane v6, v17;
	[tilespmem:s3+$0x0] =	vst v10;
	v10 =	vld [tilespmem:$0xA80]  }
0x48e: {  	s19 =	sor.u32 s29, s14;
	v14 =	vperm.xlane v5, v14;
	[tilespmem:s18+$0x0] =	vst v12;
	v12 =	vld [tilespmem:$0xA70]  }
0x48f: {  	s20 =	sadd.s32 s26, s14;
	v16 =	vperm.xlane v8, v16;
	[tilespmem:s19+$0x0] =	vst v11;
	v11 =	vld [tilespmem:$0x8F0]  }
0x490: {  	s11 =	sor.u32 s25, s14;
	[tilespmem:s20+$0x0] =	vst v14;
	v17 =	vld [tilespmem:$0x8F0];
	v13 =	vperm.xlane v4, v13  }
0x491: {  	s14 =	sor.u32 s8, s2;
	[tilespmem:s11+$0x0] =	vst v16;
	v14 =	vld [tilespmem:$0x8F0];
	v15 =	vperm.xlane v2, v15  }
0x492: {  	s6 =	sadd.s32 $0x17320, s0;
	s18 =	sor.u32 s10, s2;
	v16 =	vld [tilespmem:$0x8F0];
	[tilespmem:s14+$0x0] =	vst v13;
	v10 =	vperm.xlane v9, v10  }
0x493: {  	s19 =	sadd.s32 s1, s6;
	[tilespmem:s18+$0x0] =	vst v15;
	v13 =	vld [tilespmem:$0xA80];
	v12 =	vperm.xlane v3, v12  }
0x494: {  	s2 =	sadd.s32 s7, s2;
	s20 =	sadd.s32 $0x10F20, s22;
	v15 =	vld [tilespmem:$0xA80];
	v11 =	vperm.xlane v7, v11;
	[tilespmem:s19+$0x0] =	vst v10  }
0x495: {  	s11 =	sadd.s32 s28, s20;
	v10 =	vperm.xlane v6, v17;
	[tilespmem:s2+$0x0] =	vst v12;
	v12 =	vld [tilespmem:$0xA90]  }
0x496: {  	s14 =	sor.u32 s29, s20;
	v14 =	vperm.xlane v5, v14;
	[tilespmem:s11+$0x0] =	vst v11;
	v11 =	vld [tilespmem:$0xA80]  }
0x497: {  	s18 =	sadd.s32 s26, s20;
	v16 =	vperm.xlane v8, v16;
	[tilespmem:s14+$0x0] =	vst v10;
	v10 =	vld [tilespmem:$0x900]  }
0x498: {  	s19 =	sor.u32 s25, s20;
	[tilespmem:s18+$0x0] =	vst v14;
	v17 =	vld [tilespmem:$0x900];
	v13 =	vperm.xlane v4, v13  }
0x499: {  	s20 =	sor.u32 s8, s6;
	[tilespmem:s19+$0x0] =	vst v16;
	v14 =	vld [tilespmem:$0x900];
	v15 =	vperm.xlane v2, v15  }
0x49a: {  	s9 =	sor.u32 s10, s6;
	s3 =	sadd.s32 $0x17720, s0;
	v16 =	vld [tilespmem:$0x900];
	[tilespmem:s20+$0x0] =	vst v13;
	v12 =	vperm.xlane v9, v12  }
0x49b: {  	s11 =	sadd.s32 s1, s3;
	[tilespmem:s9+$0x0] =	vst v15;
	v13 =	vld [tilespmem:$0xA90];
	v11 =	vperm.xlane v3, v11  }
0x49c: {  	s6 =	sadd.s32 s7, s6;
	s14 =	sadd.s32 $0x11320, s22;
	v15 =	vld [tilespmem:$0xA90];
	v10 =	vperm.xlane v7, v10;
	[tilespmem:s11+$0x0] =	vst v12  }
0x49d: {  	s18 =	sadd.s32 s28, s14;
	v12 =	vperm.xlane v6, v17;
	[tilespmem:s6+$0x0] =	vst v11;
	v11 =	vld [tilespmem:$0xAA0]  }
0x49e: {  	s19 =	sor.u32 s29, s14;
	v14 =	vperm.xlane v5, v14;
	[tilespmem:s18+$0x0] =	vst v10;
	v10 =	vld [tilespmem:$0xA90]  }
0x49f: {  	s20 =	sadd.s32 s26, s14;
	v16 =	vperm.xlane v8, v16;
	[tilespmem:s19+$0x0] =	vst v12;
	v12 =	vld [tilespmem:$0x910]  }
0x4a0: {  	s11 =	sor.u32 s25, s14;
	[tilespmem:s20+$0x0] =	vst v14;
	v17 =	vld [tilespmem:$0x910];
	v13 =	vperm.xlane v4, v13  }
0x4a1: {  	s14 =	sor.u32 s8, s3;
	[tilespmem:s11+$0x0] =	vst v16;
	v14 =	vld [tilespmem:$0x910];
	v15 =	vperm.xlane v2, v15  }
0x4a2: {  	s2 =	sadd.s32 $0x17B20, s0;
	s18 =	sor.u32 s10, s3;
	v16 =	vld [tilespmem:$0x910];
	[tilespmem:s14+$0x0] =	vst v13;
	v11 =	vperm.xlane v9, v11  }
0x4a3: {  	s19 =	sadd.s32 s1, s2;
	[tilespmem:s18+$0x0] =	vst v15;
	v13 =	vld [tilespmem:$0xAA0];
	v10 =	vperm.xlane v3, v10  }
0x4a4: {  	s3 =	sadd.s32 s7, s3;
	s20 =	sadd.s32 $0x11720, s22;
	v15 =	vld [tilespmem:$0xAA0];
	v12 =	vperm.xlane v7, v12;
	[tilespmem:s19+$0x0] =	vst v11  }
0x4a5: {  	s11 =	sadd.s32 s28, s20;
	v11 =	vperm.xlane v6, v17;
	[tilespmem:s3+$0x0] =	vst v10;
	v10 =	vld [tilespmem:$0xAB0]  }
0x4a6: {  	s14 =	sor.u32 s29, s20;
	v14 =	vperm.xlane v5, v14;
	[tilespmem:s11+$0x0] =	vst v12;
	v12 =	vld [tilespmem:$0xAA0]  }
0x4a7: {  	s18 =	sadd.s32 s26, s20;
	v16 =	vperm.xlane v8, v16;
	[tilespmem:s14+$0x0] =	vst v11;
	v11 =	vld [tilespmem:$0x920]  }
0x4a8: {  	s19 =	sor.u32 s25, s20;
	[tilespmem:s18+$0x0] =	vst v14;
	v17 =	vld [tilespmem:$0x920];
	v13 =	vperm.xlane v4, v13  }
0x4a9: {  	s20 =	sor.u32 s8, s2;
	[tilespmem:s19+$0x0] =	vst v16;
	v14 =	vld [tilespmem:$0x920];
	v15 =	vperm.xlane v2, v15  }
0x4aa: {  	s9 =	sor.u32 s10, s2;
	s6 =	sadd.s32 $0x17F20, s0;
	v16 =	vld [tilespmem:$0x920];
	[tilespmem:s20+$0x0] =	vst v13;
	v10 =	vperm.xlane v9, v10  }
0x4ab: {  	s11 =	sadd.s32 s1, s6;
	[tilespmem:s9+$0x0] =	vst v15;
	v13 =	vld [tilespmem:$0xAB0];
	v12 =	vperm.xlane v3, v12  }
0x4ac: {  	s2 =	sadd.s32 s7, s2;
	s14 =	sadd.s32 $0x11B20, s22;
	v15 =	vld [tilespmem:$0xAB0];
	v11 =	vperm.xlane v7, v11;
	[tilespmem:s11+$0x0] =	vst v10  }
0x4ad: {  	s18 =	sadd.s32 s28, s14;
	v10 =	vperm.xlane v6, v17;
	[tilespmem:s2+$0x0] =	vst v12;
	v12 =	vld [tilespmem:$0xAC0]  }
0x4ae: {  	s19 =	sor.u32 s29, s14;
	v14 =	vperm.xlane v5, v14;
	[tilespmem:s18+$0x0] =	vst v11;
	v11 =	vld [tilespmem:$0xAB0]  }
0x4af: {  	s20 =	sadd.s32 s26, s14;
	v16 =	vperm.xlane v8, v16;
	[tilespmem:s19+$0x0] =	vst v10;
	v10 =	vld [tilespmem:$0x930]  }
0x4b0: {  	s11 =	sor.u32 s25, s14;
	[tilespmem:s20+$0x0] =	vst v14;
	v17 =	vld [tilespmem:$0x930];
	v13 =	vperm.xlane v4, v13  }
0x4b1: {  	s14 =	sor.u32 s8, s6;
	[tilespmem:s11+$0x0] =	vst v16;
	v14 =	vld [tilespmem:$0x930];
	v15 =	vperm.xlane v2, v15  }
0x4b2: {  	s3 =	sadd.s32 $0x18320, s0;
	s18 =	sor.u32 s10, s6;
	v16 =	vld [tilespmem:$0x930];
	[tilespmem:s14+$0x0] =	vst v13;
	v12 =	vperm.xlane v9, v12  }
0x4b3: {  	s19 =	sadd.s32 s1, s3;
	[tilespmem:s18+$0x0] =	vst v15;
	v13 =	vld [tilespmem:$0xAC0];
	v11 =	vperm.xlane v3, v11  }
0x4b4: {  	s6 =	sadd.s32 s7, s6;
	s20 =	sadd.s32 $0x11F20, s22;
	v15 =	vld [tilespmem:$0xAC0];
	v10 =	vperm.xlane v7, v10;
	[tilespmem:s19+$0x0] =	vst v12  }
0x4b5: {  	s11 =	sadd.s32 s28, s20;
	v12 =	vperm.xlane v6, v17;
	[tilespmem:s6+$0x0] =	vst v11;
	v11 =	vld [tilespmem:$0xAD0]  }
0x4b6: {  	s14 =	sor.u32 s29, s20;
	v14 =	vperm.xlane v5, v14;
	[tilespmem:s11+$0x0] =	vst v10;
	v10 =	vld [tilespmem:$0xAC0]  }
0x4b7: {  	s18 =	sadd.s32 s26, s20;
	v16 =	vperm.xlane v8, v16;
	[tilespmem:s14+$0x0] =	vst v12;
	v12 =	vld [tilespmem:$0x940]  }
0x4b8: {  	s19 =	sor.u32 s25, s20;
	[tilespmem:s18+$0x0] =	vst v14;
	v17 =	vld [tilespmem:$0x940];
	v13 =	vperm.xlane v4, v13  }
0x4b9: {  	s20 =	sor.u32 s8, s3;
	[tilespmem:s19+$0x0] =	vst v16;
	v14 =	vld [tilespmem:$0x940];
	v15 =	vperm.xlane v2, v15  }
0x4ba: {  	s9 =	sor.u32 s10, s3;
	s2 =	sadd.s32 $0x18720, s0;
	v16 =	vld [tilespmem:$0x940];
	[tilespmem:s20+$0x0] =	vst v13;
	v11 =	vperm.xlane v9, v11  }
0x4bb: {  	s11 =	sadd.s32 s1, s2;
	[tilespmem:s9+$0x0] =	vst v15;
	v13 =	vld [tilespmem:$0xAD0];
	v10 =	vperm.xlane v3, v10  }
0x4bc: {  	s3 =	sadd.s32 s7, s3;
	s14 =	sadd.s32 $0x12320, s22;
	v15 =	vld [tilespmem:$0xAD0];
	v12 =	vperm.xlane v7, v12;
	[tilespmem:s11+$0x0] =	vst v11  }
0x4bd: {  	s18 =	sadd.s32 s28, s14;
	v11 =	vperm.xlane v6, v17;
	[tilespmem:s3+$0x0] =	vst v10;
	v10 =	vld [tilespmem:$0xAE0]  }
0x4be: {  	s19 =	sor.u32 s29, s14;
	v14 =	vperm.xlane v5, v14;
	[tilespmem:s18+$0x0] =	vst v12;
	v12 =	vld [tilespmem:$0xAD0]  }
0x4bf: {  	s20 =	sadd.s32 s26, s14;
	v16 =	vperm.xlane v8, v16;
	[tilespmem:s19+$0x0] =	vst v11;
	v11 =	vld [tilespmem:$0x950]  }
0x4c0: {  	s9 =	sor.u32 s25, s14;
	[tilespmem:s20+$0x0] =	vst v14;
	v17 =	vld [tilespmem:$0x950];
	v13 =	vperm.xlane v4, v13  }
0x4c1: {  	s11 =	sor.u32 s8, s2;
	[tilespmem:s9+$0x0] =	vst v16;
	v14 =	vld [tilespmem:$0x950];
	v15 =	vperm.xlane v2, v15  }
0x4c2: {  	s6 =	sadd.s32 $0x18B20, s0;
	s14 =	sor.u32 s10, s2;
	v16 =	vld [tilespmem:$0x950];
	[tilespmem:s11+$0x0] =	vst v13;
	v10 =	vperm.xlane v9, v10  }
0x4c3: {  	s18 =	sadd.s32 s1, s6;
	[tilespmem:s14+$0x0] =	vst v15;
	v13 =	vld [tilespmem:$0xAE0];
	v12 =	vperm.xlane v3, v12  }
0x4c4: {  	s2 =	sadd.s32 s7, s2;
	s19 =	sadd.s32 $0x12720, s22;
	v15 =	vld [tilespmem:$0xAE0];
	v11 =	vperm.xlane v7, v11;
	[tilespmem:s18+$0x0] =	vst v10  }
0x4c5: {  	s20 =	sadd.s32 s28, s19;
	v10 =	vperm.xlane v6, v17;
	[tilespmem:s2+$0x0] =	vst v12;
	v12 =	vld [tilespmem:$0xAF0]  }
0x4c6: {  	s11 =	sor.u32 s29, s19;
	v14 =	vperm.xlane v5, v14;
	[tilespmem:s20+$0x0] =	vst v11;
	v11 =	vld [tilespmem:$0xAE0]  }
0x4c7: {  	s14 =	sadd.s32 s26, s19;
	v16 =	vperm.xlane v8, v16;
	[tilespmem:s11+$0x0] =	vst v10;
	v10 =	vld [tilespmem:$0x960]  }
0x4c8: {  	s18 =	sor.u32 s25, s19;
	[tilespmem:s14+$0x0] =	vst v14;
	v17 =	vld [tilespmem:$0x960];
	v13 =	vperm.xlane v4, v13  }
0x4c9: {  	s19 =	sor.u32 s8, s6;
	[tilespmem:s18+$0x0] =	vst v16;
	v14 =	vld [tilespmem:$0x960];
	v15 =	vperm.xlane v2, v15  }
0x4ca: {  	s3 =	sadd.s32 $0x18F20, s0;
	s20 =	sor.u32 s10, s6;
	v16 =	vld [tilespmem:$0x960];
	[tilespmem:s19+$0x0] =	vst v13;
	v12 =	vperm.xlane v9, v12  }
0x4cb: {  	s9 =	sadd.s32 s1, s3;
	[tilespmem:s20+$0x0] =	vst v15;
	v13 =	vld [tilespmem:$0xAF0];
	v11 =	vperm.xlane v3, v11  }
0x4cc: {  	s6 =	sadd.s32 s7, s6;
	s11 =	sadd.s32 $0x12B20, s22;
	v15 =	vld [tilespmem:$0xAF0];
	v10 =	vperm.xlane v7, v10;
	[tilespmem:s9+$0x0] =	vst v12  }
0x4cd: {  	s14 =	sadd.s32 s28, s11;
	v12 =	vperm.xlane v6, v17;
	[tilespmem:s6+$0x0] =	vst v11;
	v11 =	vld [tilespmem:$0xB00]  }
0x4ce: {  	s18 =	sor.u32 s29, s11;
	v14 =	vperm.xlane v5, v14;
	[tilespmem:s14+$0x0] =	vst v10;
	v10 =	vld [tilespmem:$0xAF0]  }
0x4cf: {  	s19 =	sadd.s32 s26, s11;
	v16 =	vperm.xlane v8, v16;
	[tilespmem:s18+$0x0] =	vst v12;
	v12 =	vld [tilespmem:$0x970]  }
0x4d0: {  	s20 =	sor.u32 s25, s11;
	[tilespmem:s19+$0x0] =	vst v14;
	v17 =	vld [tilespmem:$0x970];
	v13 =	vperm.xlane v4, v13  }
0x4d1: {  	s9 =	sor.u32 s8, s3;
	[tilespmem:s20+$0x0] =	vst v16;
	v14 =	vld [tilespmem:$0x970];
	v15 =	vperm.xlane v2, v15  }
0x4d2: {  	s2 =	sadd.s32 $0x19320, s0;
	s11 =	sor.u32 s10, s3;
	v16 =	vld [tilespmem:$0x970];
	[tilespmem:s9+$0x0] =	vst v13;
	v11 =	vperm.xlane v9, v11  }
0x4d3: {  	s14 =	sadd.s32 s1, s2;
	[tilespmem:s11+$0x0] =	vst v15;
	v13 =	vld [tilespmem:$0xB00];
	v10 =	vperm.xlane v3, v10  }
0x4d4: {  	s3 =	sadd.s32 s7, s3;
	s18 =	sadd.s32 $0x12F20, s22;
	v15 =	vld [tilespmem:$0xB00];
	v12 =	vperm.xlane v7, v12;
	[tilespmem:s14+$0x0] =	vst v11  }
0x4d5: {  	s19 =	sadd.s32 s28, s18;
	v11 =	vperm.xlane v6, v17;
	[tilespmem:s3+$0x0] =	vst v10;
	v10 =	vld [tilespmem:$0xB10]  }
0x4d6: {  	s20 =	sor.u32 s29, s18;
	v14 =	vperm.xlane v5, v14;
	[tilespmem:s19+$0x0] =	vst v12;
	v17 =	vld [tilespmem:$0xB00]  }
0x4d7: {  	s11 =	sadd.s32 s26, s18;
	v16 =	vperm.xlane v8, v16;
	[tilespmem:s20+$0x0] =	vst v11;
	v18 =	vld [tilespmem:$0x980]  }
0x4d8: {  	s14 =	sor.u32 s25, s18;
	[tilespmem:s11+$0x0] =	vst v14;
	v12 =	vld [tilespmem:$0x980];
	v11 =	vperm.xlane v4, v13  }
0x4d9: {  	s18 =	sor.u32 s8, s2;
	[tilespmem:s14+$0x0] =	vst v16;
	v13 =	vld [tilespmem:$0x980];
	v15 =	vperm.xlane v2, v15  }
0x4da: {  	s9 =	simm.s32 $0x4;
	s19 =	sor.u32 s10, s2;
	s20 =	sadd.s32 $0x19720, s0;
	v14 =	vld [tilespmem:$0x980];
	[tilespmem:s18+$0x0] =	vst v11;
	v16 =	vperm.xlane v9, v10  }
0x4db: {  	s0 =	sadd.s32 $0x13320, s22;
	s11 =	sor.u32 s8, s20;
	s1 =	sadd.s32 s1, s20;
	[tilespmem:s19+$0x0] =	vst v15;
	v9 =	vld [tilespmem:$0xB10];
	v11 =	vperm.xlane v3, v17  }
0x4dc: {  	s10 =	sor.u32 s10, s20;
	s6 =	sadd.s32 s7, s20;
	s18 =	sadd.s32 s7, s2;
	v10 =	vld [tilespmem:$0xB10];
	v15 =	vperm.xlane v7, v18;
	[tilespmem:s1+$0x0] =	vst v16  }
.LBB2_11:
0x4dd: {  	v16 =	vld [tilespmem:$0x800];
	s2 =	sor.u32 s25, s0;
	v12 =	vperm.xlane v6, v12;
	s1 =	sor.u32 s29, s0;
	s3 =	sadd.s32 s28, s0;
	[tilespmem:s18+$0x0] =	vst v11  }
0x4de: {  	s8 =	sadd.s32 s26, s0;
	s0 =	smov.u32 s28;
	s7 =	smov.u32 s29;
	v11 =	vperm.xlane v5, v13;
	[tilespmem:s3+$0x0] =	vst v15;
	v13 =	vld [tilespmem:$0xB10]  }
0x4df: {  	v14 =	vperm.xlane v8, v14;
	[tilespmem:s1+$0x0] =	vst v12;
	v12 =	vld [tilespmem:$0x990];
	s1 =	smov.u32 s26  }
0x4e0: {  	s9 =	sadd.s32 $0x4, s9;
	s30 =	sadd.s32 $0x200, s30;
	v15 =	vld [tilespmem:$0x800];
	[tilespmem:s8+$0x0] =	vst v11;
	v11 =	vperm.xlane v4, v9;
	v4 =	vmov v8  }
0x4e1: {  	p0 =	slt.u32 s9, $0x3C;
	v9 =	vld [tilespmem:s30+$0x80];
	[tilespmem:s2+$0x0] =	vst v14;
	v8 =	vperm.xlane v2, v10;
	v2 =	vmov v6  }
0x4e2: {  	v6 =	vld [tilespmem:s30+$0xFFFFFF80];
	[tilespmem:s11+$0x0] =	vst v11  }
0x4e3: {  	s31 =	sadd.s32 $0x40, s31;
	[tilespmem:s10+$0x0] =	vst v8;
	v10 =	vperm.xlane v3, v13;
	v3 =	vmov v5;
	v5 =	vld [tilespmem:s30+$0x0]  }
0x4e4: {  	s3 =	sadd.s32 $0xFFFFFFE0, s31;
	s2 =	sadd.s32 $0xFFFFFFD0, s31;
	s11 =	sadd.s32 $0x13720, s22;
	v8 =	vld [tilespmem:s30+$0xFFFFFF00];
	v11 =	vperm.xlane v7, v12  }
0x4e5: {  	s14 =	sadd.s32 $0xFFFFFFF0, s31;
	s10 =	sand.u32 $0x380, s2;
	s18 =	sadd.s32 s0, s11;
	v12 =	vand.u32 $0xF, v15;
	v13 =	vld [tilespmem:$0x990];
	[tilespmem:s6+$0x0] =	vst v10  }
0x4e6: {  	s28 =	sand.u32 $0x70, s31;
	s8 =	sand.u32 $0x40, s2;
	s2 =	sadd.s32 $0xD320, s10;
	v10 =	vand.u32 $0xF, v16;
	v14 =	vperm.xlane v9, v12;
	v15 =	vld [tilespmem:$0x990];
	[tilespmem:s18+$0x0] =	vst v11  }
0x4e7: {  	s29 =	sand.u32 $0x50, s3;
	s26 =	sand.u32 $0x60, s14;
	s3 =	sadd.s32 s28, s2;
	v11 =	vperm.xlane v6, v10;
	v16 =	vld [tilespmem:$0x9A0]  }
0x4e8: {  	s6 =	sor.u32 s8, s2;
	s14 =	sor.u32 s29, s2;
	s2 =	sadd.s32 s26, s2;
	v12 =	vperm.xlane v5, v12;
	[tilespmem:s3+$0x0] =	vst v14;
	v14 =	vld [tilespmem:$0x990]  }
0x4e9: {  	s3 =	sor.u32 s25, s11;
	v10 =	vperm.xlane v8, v10;
	[tilespmem:s14+$0x0] =	vst v11;
	v11 =	vld [tilespmem:$0x810];
	s14 =	sor.u32 s7, s11;
	s11 =	sadd.s32 s1, s11  }
0x4ea: {  	v17 =	vld [tilespmem:$0x810];
	[tilespmem:s2+$0x0] =	vst v12;
	v12 =	vperm.xlane v4, v13  }
0x4eb: {  	[tilespmem:s6+$0x0] =	vst v10;
	v10 =	vld [tilespmem:$0x810];
	v13 =	vperm.xlane v2, v15  }
0x4ec: {  	s2 =	sadd.s32 $0x13B20, s22;
	v15 =	vld [tilespmem:$0x810];
	[tilespmem:s3+$0x0] =	vst v12;
	v12 =	vperm.xlane v7, v16  }
0x4ed: {  	s6 =	sor.u32 s7, s2;
	s3 =	sor.u32 s25, s2;
	v16 =	vld [tilespmem:$0x9A0];
	[tilespmem:s14+$0x0] =	vst v13;
	v13 =	vperm.xlane v3, v14;
	s14 =	sadd.s32 s0, s2  }
0x4ee: {  	s18 =	sadd.s32 $0xD720, s10;
	s2 =	sadd.s32 s1, s2;
	v11 =	vperm.xlane v9, v11;
	v14 =	vld [tilespmem:$0x9A0];
	[tilespmem:s14+$0x0] =	vst v12  }
0x4ef: {  	s19 =	sor.u32 s29, s18;
	s20 =	sadd.s32 s28, s18;
	s14 =	sor.u32 s8, s18;
	v12 =	vperm.xlane v6, v17;
	[tilespmem:s11+$0x0] =	vst v13;
	v13 =	vld [tilespmem:$0x9B0]  }
0x4f0: {  	s11 =	sadd.s32 s26, s18;
	v10 =	vperm.xlane v5, v10;
	[tilespmem:s20+$0x0] =	vst v11;
	v11 =	vld [tilespmem:$0x9A0]  }
0x4f1: {  	v15 =	vperm.xlane v8, v15;
	[tilespmem:s19+$0x0] =	vst v12;
	v12 =	vld [tilespmem:$0x820]  }
0x4f2: {  	v17 =	vld [tilespmem:$0x820];
	[tilespmem:s11+$0x0] =	vst v10;
	v10 =	vperm.xlane v4, v16  }
0x4f3: {  	[tilespmem:s14+$0x0] =	vst v15;
	v15 =	vld [tilespmem:$0x820];
	v14 =	vperm.xlane v2, v14  }
0x4f4: {  	v16 =	vld [tilespmem:$0x820];
	[tilespmem:s3+$0x0] =	vst v10;
	s3 =	sadd.s32 $0x13F20, s22;
	v10 =	vperm.xlane v7, v13  }
0x4f5: {  	v13 =	vld [tilespmem:$0x9B0];
	s11 =	sor.u32 s25, s3;
	[tilespmem:s6+$0x0] =	vst v14;
	s6 =	sor.u32 s7, s3;
	v11 =	vperm.xlane v3, v11;
	s14 =	sadd.s32 s0, s3  }
0x4f6: {  	s18 =	sadd.s32 $0xDB20, s10;
	s3 =	sadd.s32 s1, s3;
	v12 =	vperm.xlane v9, v12;
	v14 =	vld [tilespmem:$0x9B0];
	[tilespmem:s14+$0x0] =	vst v10  }
0x4f7: {  	s20 =	sadd.s32 s28, s18;
	s19 =	sor.u32 s29, s18;
	s14 =	sor.u32 s8, s18;
	v10 =	vperm.xlane v6, v17;
	[tilespmem:s2+$0x0] =	vst v11;
	v11 =	vld [tilespmem:$0x9C0]  }
0x4f8: {  	s2 =	sadd.s32 s26, s18;
	v15 =	vperm.xlane v5, v15;
	[tilespmem:s20+$0x0] =	vst v12;
	v12 =	vld [tilespmem:$0x9B0]  }
0x4f9: {  	v16 =	vperm.xlane v8, v16;
	[tilespmem:s19+$0x0] =	vst v10;
	v10 =	vld [tilespmem:$0x830]  }
0x4fa: {  	v17 =	vld [tilespmem:$0x830];
	[tilespmem:s2+$0x0] =	vst v15;
	v13 =	vperm.xlane v4, v13  }
0x4fb: {  	[tilespmem:s14+$0x0] =	vst v16;
	v15 =	vld [tilespmem:$0x830];
	v14 =	vperm.xlane v2, v14  }
0x4fc: {  	s2 =	sadd.s32 $0x14320, s22;
	v16 =	vld [tilespmem:$0x830];
	[tilespmem:s11+$0x0] =	vst v13;
	v11 =	vperm.xlane v7, v11  }
0x4fd: {  	s14 =	sadd.s32 s0, s2;
	s11 =	sor.u32 s25, s2;
	v13 =	vld [tilespmem:$0x9C0];
	[tilespmem:s6+$0x0] =	vst v14;
	s6 =	sor.u32 s7, s2;
	v12 =	vperm.xlane v3, v12  }
0x4fe: {  	s18 =	sadd.s32 $0xDF20, s10;
	s2 =	sadd.s32 s1, s2;
	v10 =	vperm.xlane v9, v10;
	v14 =	vld [tilespmem:$0x9C0];
	[tilespmem:s14+$0x0] =	vst v11  }
0x4ff: {  	s20 =	sadd.s32 s28, s18;
	s19 =	sor.u32 s29, s18;
	s14 =	sor.u32 s8, s18;
	v11 =	vperm.xlane v6, v17;
	[tilespmem:s3+$0x0] =	vst v12;
	v12 =	vld [tilespmem:$0x9D0]  }
0x500: {  	s3 =	sadd.s32 s26, s18;
	v15 =	vperm.xlane v5, v15;
	[tilespmem:s20+$0x0] =	vst v10;
	v10 =	vld [tilespmem:$0x9C0]  }
0x501: {  	v16 =	vperm.xlane v8, v16;
	[tilespmem:s19+$0x0] =	vst v11;
	v11 =	vld [tilespmem:$0x840]  }
0x502: {  	v17 =	vld [tilespmem:$0x840];
	[tilespmem:s3+$0x0] =	vst v15;
	v13 =	vperm.xlane v4, v13  }
0x503: {  	[tilespmem:s14+$0x0] =	vst v16;
	v15 =	vld [tilespmem:$0x840];
	v14 =	vperm.xlane v2, v14  }
0x504: {  	s3 =	sadd.s32 $0x14720, s22;
	v16 =	vld [tilespmem:$0x840];
	[tilespmem:s11+$0x0] =	vst v13;
	v12 =	vperm.xlane v7, v12  }
0x505: {  	s14 =	sadd.s32 s0, s3;
	s11 =	sor.u32 s25, s3;
	v13 =	vld [tilespmem:$0x9D0];
	[tilespmem:s6+$0x0] =	vst v14;
	s6 =	sor.u32 s7, s3;
	v10 =	vperm.xlane v3, v10  }
0x506: {  	s18 =	sadd.s32 $0xE320, s10;
	s3 =	sadd.s32 s1, s3;
	v11 =	vperm.xlane v9, v11;
	v14 =	vld [tilespmem:$0x9D0];
	[tilespmem:s14+$0x0] =	vst v12  }
0x507: {  	s20 =	sadd.s32 s28, s18;
	s19 =	sor.u32 s29, s18;
	s14 =	sor.u32 s8, s18;
	v12 =	vperm.xlane v6, v17;
	[tilespmem:s2+$0x0] =	vst v10;
	v10 =	vld [tilespmem:$0x9E0]  }
0x508: {  	s2 =	sadd.s32 s26, s18;
	v15 =	vperm.xlane v5, v15;
	[tilespmem:s20+$0x0] =	vst v11;
	v11 =	vld [tilespmem:$0x9D0]  }
0x509: {  	v16 =	vperm.xlane v8, v16;
	[tilespmem:s19+$0x0] =	vst v12;
	v12 =	vld [tilespmem:$0x850]  }
0x50a: {  	v17 =	vld [tilespmem:$0x850];
	[tilespmem:s2+$0x0] =	vst v15;
	v13 =	vperm.xlane v4, v13  }
0x50b: {  	[tilespmem:s14+$0x0] =	vst v16;
	v15 =	vld [tilespmem:$0x850];
	v14 =	vperm.xlane v2, v14  }
0x50c: {  	s2 =	sadd.s32 $0x14B20, s22;
	v16 =	vld [tilespmem:$0x850];
	[tilespmem:s11+$0x0] =	vst v13;
	v10 =	vperm.xlane v7, v10  }
0x50d: {  	s14 =	sadd.s32 s0, s2;
	s11 =	sor.u32 s25, s2;
	v13 =	vld [tilespmem:$0x9E0];
	[tilespmem:s6+$0x0] =	vst v14;
	s6 =	sor.u32 s7, s2;
	v11 =	vperm.xlane v3, v11  }
0x50e: {  	s18 =	sadd.s32 $0xE720, s10;
	s2 =	sadd.s32 s1, s2;
	v12 =	vperm.xlane v9, v12;
	v14 =	vld [tilespmem:$0x9E0];
	[tilespmem:s14+$0x0] =	vst v10  }
0x50f: {  	s20 =	sadd.s32 s28, s18;
	s19 =	sor.u32 s29, s18;
	s14 =	sor.u32 s8, s18;
	v10 =	vperm.xlane v6, v17;
	[tilespmem:s3+$0x0] =	vst v11;
	v11 =	vld [tilespmem:$0x9F0]  }
0x510: {  	s3 =	sadd.s32 s26, s18;
	v15 =	vperm.xlane v5, v15;
	[tilespmem:s20+$0x0] =	vst v12;
	v12 =	vld [tilespmem:$0x9E0]  }
0x511: {  	v16 =	vperm.xlane v8, v16;
	[tilespmem:s19+$0x0] =	vst v10;
	v10 =	vld [tilespmem:$0x860]  }
0x512: {  	v17 =	vld [tilespmem:$0x860];
	[tilespmem:s3+$0x0] =	vst v15;
	v13 =	vperm.xlane v4, v13  }
0x513: {  	[tilespmem:s14+$0x0] =	vst v16;
	v15 =	vld [tilespmem:$0x860];
	v14 =	vperm.xlane v2, v14  }
0x514: {  	s3 =	sadd.s32 $0x14F20, s22;
	v16 =	vld [tilespmem:$0x860];
	[tilespmem:s11+$0x0] =	vst v13;
	v11 =	vperm.xlane v7, v11  }
0x515: {  	s14 =	sadd.s32 s0, s3;
	s11 =	sor.u32 s25, s3;
	v13 =	vld [tilespmem:$0x9F0];
	[tilespmem:s6+$0x0] =	vst v14;
	s6 =	sor.u32 s7, s3;
	v12 =	vperm.xlane v3, v12  }
0x516: {  	s18 =	sadd.s32 $0xEB20, s10;
	s3 =	sadd.s32 s1, s3;
	v10 =	vperm.xlane v9, v10;
	v14 =	vld [tilespmem:$0x9F0];
	[tilespmem:s14+$0x0] =	vst v11  }
0x517: {  	s20 =	sadd.s32 s28, s18;
	s19 =	sor.u32 s29, s18;
	s14 =	sor.u32 s8, s18;
	v11 =	vperm.xlane v6, v17;
	[tilespmem:s2+$0x0] =	vst v12;
	v12 =	vld [tilespmem:$0xA00]  }
0x518: {  	s2 =	sadd.s32 s26, s18;
	v15 =	vperm.xlane v5, v15;
	[tilespmem:s20+$0x0] =	vst v10;
	v10 =	vld [tilespmem:$0x9F0]  }
0x519: {  	v16 =	vperm.xlane v8, v16;
	[tilespmem:s19+$0x0] =	vst v11;
	v11 =	vld [tilespmem:$0x870]  }
0x51a: {  	v17 =	vld [tilespmem:$0x870];
	[tilespmem:s2+$0x0] =	vst v15;
	v13 =	vperm.xlane v4, v13  }
0x51b: {  	[tilespmem:s14+$0x0] =	vst v16;
	v15 =	vld [tilespmem:$0x870];
	v14 =	vperm.xlane v2, v14  }
0x51c: {  	s2 =	sadd.s32 $0x15320, s22;
	v16 =	vld [tilespmem:$0x870];
	[tilespmem:s11+$0x0] =	vst v13;
	v12 =	vperm.xlane v7, v12  }
0x51d: {  	s14 =	sadd.s32 s0, s2;
	s11 =	sor.u32 s25, s2;
	v13 =	vld [tilespmem:$0xA00];
	[tilespmem:s6+$0x0] =	vst v14;
	s6 =	sor.u32 s7, s2;
	v10 =	vperm.xlane v3, v10  }
0x51e: {  	s18 =	sadd.s32 $0xEF20, s10;
	s2 =	sadd.s32 s1, s2;
	v11 =	vperm.xlane v9, v11;
	v14 =	vld [tilespmem:$0xA00];
	[tilespmem:s14+$0x0] =	vst v12  }
0x51f: {  	s20 =	sadd.s32 s28, s18;
	s19 =	sor.u32 s29, s18;
	s14 =	sor.u32 s8, s18;
	v12 =	vperm.xlane v6, v17;
	[tilespmem:s3+$0x0] =	vst v10;
	v10 =	vld [tilespmem:$0xA10]  }
0x520: {  	s3 =	sadd.s32 s26, s18;
	v15 =	vperm.xlane v5, v15;
	[tilespmem:s20+$0x0] =	vst v11;
	v11 =	vld [tilespmem:$0xA00]  }
0x521: {  	v16 =	vperm.xlane v8, v16;
	[tilespmem:s19+$0x0] =	vst v12;
	v12 =	vld [tilespmem:$0x880]  }
0x522: {  	v17 =	vld [tilespmem:$0x880];
	[tilespmem:s3+$0x0] =	vst v15;
	v13 =	vperm.xlane v4, v13  }
0x523: {  	[tilespmem:s14+$0x0] =	vst v16;
	v15 =	vld [tilespmem:$0x880];
	v14 =	vperm.xlane v2, v14  }
0x524: {  	s3 =	sadd.s32 $0x15720, s22;
	v16 =	vld [tilespmem:$0x880];
	[tilespmem:s11+$0x0] =	vst v13;
	v10 =	vperm.xlane v7, v10  }
0x525: {  	s14 =	sadd.s32 s0, s3;
	s11 =	sor.u32 s25, s3;
	v13 =	vld [tilespmem:$0xA10];
	[tilespmem:s6+$0x0] =	vst v14;
	s6 =	sor.u32 s7, s3;
	v11 =	vperm.xlane v3, v11  }
0x526: {  	s18 =	sadd.s32 $0xF320, s10;
	s3 =	sadd.s32 s1, s3;
	v12 =	vperm.xlane v9, v12;
	v14 =	vld [tilespmem:$0xA10];
	[tilespmem:s14+$0x0] =	vst v10  }
0x527: {  	s20 =	sadd.s32 s28, s18;
	s19 =	sor.u32 s29, s18;
	s14 =	sor.u32 s8, s18;
	v10 =	vperm.xlane v6, v17;
	[tilespmem:s2+$0x0] =	vst v11;
	v11 =	vld [tilespmem:$0xA20]  }
0x528: {  	s2 =	sadd.s32 s26, s18;
	v15 =	vperm.xlane v5, v15;
	[tilespmem:s20+$0x0] =	vst v12;
	v12 =	vld [tilespmem:$0xA10]  }
0x529: {  	v16 =	vperm.xlane v8, v16;
	[tilespmem:s19+$0x0] =	vst v10;
	v10 =	vld [tilespmem:$0x890]  }
0x52a: {  	v17 =	vld [tilespmem:$0x890];
	[tilespmem:s2+$0x0] =	vst v15;
	v13 =	vperm.xlane v4, v13  }
0x52b: {  	[tilespmem:s14+$0x0] =	vst v16;
	v15 =	vld [tilespmem:$0x890];
	v14 =	vperm.xlane v2, v14  }
0x52c: {  	s2 =	sadd.s32 $0x15B20, s22;
	v16 =	vld [tilespmem:$0x890];
	[tilespmem:s11+$0x0] =	vst v13;
	v11 =	vperm.xlane v7, v11  }
0x52d: {  	s14 =	sadd.s32 s0, s2;
	s11 =	sor.u32 s25, s2;
	v13 =	vld [tilespmem:$0xA20];
	[tilespmem:s6+$0x0] =	vst v14;
	s6 =	sor.u32 s7, s2;
	v12 =	vperm.xlane v3, v12  }
0x52e: {  	s18 =	sadd.s32 $0xF720, s10;
	s2 =	sadd.s32 s1, s2;
	v10 =	vperm.xlane v9, v10;
	v14 =	vld [tilespmem:$0xA20];
	[tilespmem:s14+$0x0] =	vst v11  }
0x52f: {  	s20 =	sadd.s32 s28, s18;
	s19 =	sor.u32 s29, s18;
	s14 =	sor.u32 s8, s18;
	v11 =	vperm.xlane v6, v17;
	[tilespmem:s3+$0x0] =	vst v12;
	v12 =	vld [tilespmem:$0xA30]  }
0x530: {  	s3 =	sadd.s32 s26, s18;
	v15 =	vperm.xlane v5, v15;
	[tilespmem:s20+$0x0] =	vst v10;
	v10 =	vld [tilespmem:$0xA20]  }
0x531: {  	v16 =	vperm.xlane v8, v16;
	[tilespmem:s19+$0x0] =	vst v11;
	v11 =	vld [tilespmem:$0x8A0]  }
0x532: {  	v17 =	vld [tilespmem:$0x8A0];
	[tilespmem:s3+$0x0] =	vst v15;
	v13 =	vperm.xlane v4, v13  }
0x533: {  	[tilespmem:s14+$0x0] =	vst v16;
	v15 =	vld [tilespmem:$0x8A0];
	v14 =	vperm.xlane v2, v14  }
0x534: {  	s3 =	sadd.s32 $0x15F20, s22;
	v16 =	vld [tilespmem:$0x8A0];
	[tilespmem:s11+$0x0] =	vst v13;
	v12 =	vperm.xlane v7, v12  }
0x535: {  	s14 =	sadd.s32 s0, s3;
	s11 =	sor.u32 s25, s3;
	v13 =	vld [tilespmem:$0xA30];
	[tilespmem:s6+$0x0] =	vst v14;
	s6 =	sor.u32 s7, s3;
	v10 =	vperm.xlane v3, v10  }
0x536: {  	s18 =	sadd.s32 $0xFB20, s10;
	s3 =	sadd.s32 s1, s3;
	v11 =	vperm.xlane v9, v11;
	v14 =	vld [tilespmem:$0xA30];
	[tilespmem:s14+$0x0] =	vst v12  }
0x537: {  	s20 =	sadd.s32 s28, s18;
	s19 =	sor.u32 s29, s18;
	s14 =	sor.u32 s8, s18;
	v12 =	vperm.xlane v6, v17;
	[tilespmem:s2+$0x0] =	vst v10;
	v10 =	vld [tilespmem:$0xA40]  }
0x538: {  	s2 =	sadd.s32 s26, s18;
	v15 =	vperm.xlane v5, v15;
	[tilespmem:s20+$0x0] =	vst v11;
	v11 =	vld [tilespmem:$0xA30]  }
0x539: {  	v16 =	vperm.xlane v8, v16;
	[tilespmem:s19+$0x0] =	vst v12;
	v12 =	vld [tilespmem:$0x8B0]  }
0x53a: {  	v17 =	vld [tilespmem:$0x8B0];
	[tilespmem:s2+$0x0] =	vst v15;
	v13 =	vperm.xlane v4, v13  }
0x53b: {  	[tilespmem:s14+$0x0] =	vst v16;
	v15 =	vld [tilespmem:$0x8B0];
	v14 =	vperm.xlane v2, v14  }
0x53c: {  	s2 =	sadd.s32 $0x16320, s22;
	v16 =	vld [tilespmem:$0x8B0];
	[tilespmem:s11+$0x0] =	vst v13;
	v10 =	vperm.xlane v7, v10  }
0x53d: {  	s14 =	sadd.s32 s0, s2;
	s11 =	sor.u32 s25, s2;
	v13 =	vld [tilespmem:$0xA40];
	[tilespmem:s6+$0x0] =	vst v14;
	s6 =	sor.u32 s7, s2;
	v11 =	vperm.xlane v3, v11  }
0x53e: {  	s18 =	sadd.s32 $0xFF20, s10;
	s2 =	sadd.s32 s1, s2;
	v12 =	vperm.xlane v9, v12;
	v14 =	vld [tilespmem:$0xA40];
	[tilespmem:s14+$0x0] =	vst v10  }
0x53f: {  	s20 =	sadd.s32 s28, s18;
	s19 =	sor.u32 s29, s18;
	s14 =	sor.u32 s8, s18;
	v10 =	vperm.xlane v6, v17;
	[tilespmem:s3+$0x0] =	vst v11;
	v11 =	vld [tilespmem:$0xA50]  }
0x540: {  	s3 =	sadd.s32 s26, s18;
	v15 =	vperm.xlane v5, v15;
	[tilespmem:s20+$0x0] =	vst v12;
	v12 =	vld [tilespmem:$0xA40]  }
0x541: {  	v16 =	vperm.xlane v8, v16;
	[tilespmem:s19+$0x0] =	vst v10;
	v10 =	vld [tilespmem:$0x8C0]  }
0x542: {  	v17 =	vld [tilespmem:$0x8C0];
	[tilespmem:s3+$0x0] =	vst v15;
	v13 =	vperm.xlane v4, v13  }
0x543: {  	[tilespmem:s14+$0x0] =	vst v16;
	v15 =	vld [tilespmem:$0x8C0];
	v14 =	vperm.xlane v2, v14  }
0x544: {  	s3 =	sadd.s32 $0x16720, s22;
	v16 =	vld [tilespmem:$0x8C0];
	[tilespmem:s11+$0x0] =	vst v13;
	v11 =	vperm.xlane v7, v11  }
0x545: {  	s14 =	sadd.s32 s0, s3;
	s11 =	sor.u32 s25, s3;
	v13 =	vld [tilespmem:$0xA50];
	[tilespmem:s6+$0x0] =	vst v14;
	s6 =	sor.u32 s7, s3;
	v12 =	vperm.xlane v3, v12  }
0x546: {  	s18 =	sadd.s32 $0x10320, s10;
	s3 =	sadd.s32 s1, s3;
	v10 =	vperm.xlane v9, v10;
	v14 =	vld [tilespmem:$0xA50];
	[tilespmem:s14+$0x0] =	vst v11  }
0x547: {  	s20 =	sadd.s32 s28, s18;
	s19 =	sor.u32 s29, s18;
	s14 =	sor.u32 s8, s18;
	v11 =	vperm.xlane v6, v17;
	[tilespmem:s2+$0x0] =	vst v12;
	v12 =	vld [tilespmem:$0xA60]  }
0x548: {  	s2 =	sadd.s32 s26, s18;
	v15 =	vperm.xlane v5, v15;
	[tilespmem:s20+$0x0] =	vst v10;
	v10 =	vld [tilespmem:$0xA50]  }
0x549: {  	v16 =	vperm.xlane v8, v16;
	[tilespmem:s19+$0x0] =	vst v11;
	v11 =	vld [tilespmem:$0x8D0]  }
0x54a: {  	v17 =	vld [tilespmem:$0x8D0];
	[tilespmem:s2+$0x0] =	vst v15;
	v13 =	vperm.xlane v4, v13  }
0x54b: {  	[tilespmem:s14+$0x0] =	vst v16;
	v15 =	vld [tilespmem:$0x8D0];
	v14 =	vperm.xlane v2, v14  }
0x54c: {  	s2 =	sadd.s32 $0x16B20, s22;
	v16 =	vld [tilespmem:$0x8D0];
	[tilespmem:s11+$0x0] =	vst v13;
	v12 =	vperm.xlane v7, v12  }
0x54d: {  	s14 =	sadd.s32 s0, s2;
	s11 =	sor.u32 s25, s2;
	v13 =	vld [tilespmem:$0xA60];
	[tilespmem:s6+$0x0] =	vst v14;
	s6 =	sor.u32 s7, s2;
	v10 =	vperm.xlane v3, v10  }
0x54e: {  	s18 =	sadd.s32 $0x10720, s10;
	s2 =	sadd.s32 s1, s2;
	v11 =	vperm.xlane v9, v11;
	v14 =	vld [tilespmem:$0xA60];
	[tilespmem:s14+$0x0] =	vst v12  }
0x54f: {  	s20 =	sadd.s32 s28, s18;
	s19 =	sor.u32 s29, s18;
	s14 =	sor.u32 s8, s18;
	v12 =	vperm.xlane v6, v17;
	[tilespmem:s3+$0x0] =	vst v10;
	v10 =	vld [tilespmem:$0xA70]  }
0x550: {  	s3 =	sadd.s32 s26, s18;
	v15 =	vperm.xlane v5, v15;
	[tilespmem:s20+$0x0] =	vst v11;
	v11 =	vld [tilespmem:$0xA60]  }
0x551: {  	v16 =	vperm.xlane v8, v16;
	[tilespmem:s19+$0x0] =	vst v12;
	v12 =	vld [tilespmem:$0x8E0]  }
0x552: {  	v17 =	vld [tilespmem:$0x8E0];
	[tilespmem:s3+$0x0] =	vst v15;
	v13 =	vperm.xlane v4, v13  }
0x553: {  	[tilespmem:s14+$0x0] =	vst v16;
	v15 =	vld [tilespmem:$0x8E0];
	v14 =	vperm.xlane v2, v14  }
0x554: {  	s3 =	sadd.s32 $0x16F20, s22;
	v16 =	vld [tilespmem:$0x8E0];
	[tilespmem:s11+$0x0] =	vst v13;
	v10 =	vperm.xlane v7, v10  }
0x555: {  	s14 =	sadd.s32 s0, s3;
	s11 =	sor.u32 s25, s3;
	v13 =	vld [tilespmem:$0xA70];
	[tilespmem:s6+$0x0] =	vst v14;
	s6 =	sor.u32 s7, s3;
	v11 =	vperm.xlane v3, v11  }
0x556: {  	s18 =	sadd.s32 $0x10B20, s10;
	s3 =	sadd.s32 s1, s3;
	v12 =	vperm.xlane v9, v12;
	v14 =	vld [tilespmem:$0xA70];
	[tilespmem:s14+$0x0] =	vst v10  }
0x557: {  	s20 =	sadd.s32 s28, s18;
	s19 =	sor.u32 s29, s18;
	s14 =	sor.u32 s8, s18;
	v10 =	vperm.xlane v6, v17;
	[tilespmem:s2+$0x0] =	vst v11;
	v11 =	vld [tilespmem:$0xA80]  }
0x558: {  	s2 =	sadd.s32 s26, s18;
	v15 =	vperm.xlane v5, v15;
	[tilespmem:s20+$0x0] =	vst v12;
	v12 =	vld [tilespmem:$0xA70]  }
0x559: {  	v16 =	vperm.xlane v8, v16;
	[tilespmem:s19+$0x0] =	vst v10;
	v10 =	vld [tilespmem:$0x8F0]  }
0x55a: {  	v17 =	vld [tilespmem:$0x8F0];
	[tilespmem:s2+$0x0] =	vst v15;
	v13 =	vperm.xlane v4, v13  }
0x55b: {  	[tilespmem:s14+$0x0] =	vst v16;
	v15 =	vld [tilespmem:$0x8F0];
	v14 =	vperm.xlane v2, v14  }
0x55c: {  	s2 =	sadd.s32 $0x17320, s22;
	v16 =	vld [tilespmem:$0x8F0];
	[tilespmem:s11+$0x0] =	vst v13;
	v11 =	vperm.xlane v7, v11  }
0x55d: {  	s14 =	sadd.s32 s0, s2;
	s11 =	sor.u32 s25, s2;
	v13 =	vld [tilespmem:$0xA80];
	[tilespmem:s6+$0x0] =	vst v14;
	s6 =	sor.u32 s7, s2;
	v12 =	vperm.xlane v3, v12  }
0x55e: {  	s18 =	sadd.s32 $0x10F20, s10;
	s2 =	sadd.s32 s1, s2;
	v10 =	vperm.xlane v9, v10;
	v14 =	vld [tilespmem:$0xA80];
	[tilespmem:s14+$0x0] =	vst v11  }
0x55f: {  	s20 =	sadd.s32 s28, s18;
	s19 =	sor.u32 s29, s18;
	s14 =	sor.u32 s8, s18;
	v11 =	vperm.xlane v6, v17;
	[tilespmem:s3+$0x0] =	vst v12;
	v12 =	vld [tilespmem:$0xA90]  }
0x560: {  	s3 =	sadd.s32 s26, s18;
	v15 =	vperm.xlane v5, v15;
	[tilespmem:s20+$0x0] =	vst v10;
	v10 =	vld [tilespmem:$0xA80]  }
0x561: {  	v16 =	vperm.xlane v8, v16;
	[tilespmem:s19+$0x0] =	vst v11;
	v11 =	vld [tilespmem:$0x900]  }
0x562: {  	v17 =	vld [tilespmem:$0x900];
	[tilespmem:s3+$0x0] =	vst v15;
	v13 =	vperm.xlane v4, v13  }
0x563: {  	[tilespmem:s14+$0x0] =	vst v16;
	v15 =	vld [tilespmem:$0x900];
	v14 =	vperm.xlane v2, v14  }
0x564: {  	s3 =	sadd.s32 $0x17720, s22;
	v16 =	vld [tilespmem:$0x900];
	[tilespmem:s11+$0x0] =	vst v13;
	v12 =	vperm.xlane v7, v12  }
0x565: {  	s14 =	sadd.s32 s0, s3;
	s11 =	sor.u32 s25, s3;
	v13 =	vld [tilespmem:$0xA90];
	[tilespmem:s6+$0x0] =	vst v14;
	s6 =	sor.u32 s7, s3;
	v10 =	vperm.xlane v3, v10  }
0x566: {  	s18 =	sadd.s32 $0x11320, s10;
	s3 =	sadd.s32 s1, s3;
	v11 =	vperm.xlane v9, v11;
	v14 =	vld [tilespmem:$0xA90];
	[tilespmem:s14+$0x0] =	vst v12  }
0x567: {  	s20 =	sadd.s32 s28, s18;
	s19 =	sor.u32 s29, s18;
	s14 =	sor.u32 s8, s18;
	v12 =	vperm.xlane v6, v17;
	[tilespmem:s2+$0x0] =	vst v10;
	v10 =	vld [tilespmem:$0xAA0]  }
0x568: {  	s2 =	sadd.s32 s26, s18;
	v15 =	vperm.xlane v5, v15;
	[tilespmem:s20+$0x0] =	vst v11;
	v11 =	vld [tilespmem:$0xA90]  }
0x569: {  	v16 =	vperm.xlane v8, v16;
	[tilespmem:s19+$0x0] =	vst v12;
	v12 =	vld [tilespmem:$0x910]  }
0x56a: {  	v17 =	vld [tilespmem:$0x910];
	[tilespmem:s2+$0x0] =	vst v15;
	v13 =	vperm.xlane v4, v13  }
0x56b: {  	[tilespmem:s14+$0x0] =	vst v16;
	v15 =	vld [tilespmem:$0x910];
	v14 =	vperm.xlane v2, v14  }
0x56c: {  	s2 =	sadd.s32 $0x17B20, s22;
	v16 =	vld [tilespmem:$0x910];
	[tilespmem:s11+$0x0] =	vst v13;
	v10 =	vperm.xlane v7, v10  }
0x56d: {  	s14 =	sadd.s32 s0, s2;
	s11 =	sor.u32 s25, s2;
	v13 =	vld [tilespmem:$0xAA0];
	[tilespmem:s6+$0x0] =	vst v14;
	s6 =	sor.u32 s7, s2;
	v11 =	vperm.xlane v3, v11  }
0x56e: {  	s18 =	sadd.s32 $0x11720, s10;
	s2 =	sadd.s32 s1, s2;
	v12 =	vperm.xlane v9, v12;
	v14 =	vld [tilespmem:$0xAA0];
	[tilespmem:s14+$0x0] =	vst v10  }
0x56f: {  	s20 =	sadd.s32 s28, s18;
	s19 =	sor.u32 s29, s18;
	s14 =	sor.u32 s8, s18;
	v10 =	vperm.xlane v6, v17;
	[tilespmem:s3+$0x0] =	vst v11;
	v11 =	vld [tilespmem:$0xAB0]  }
0x570: {  	s3 =	sadd.s32 s26, s18;
	v15 =	vperm.xlane v5, v15;
	[tilespmem:s20+$0x0] =	vst v12;
	v12 =	vld [tilespmem:$0xAA0]  }
0x571: {  	v16 =	vperm.xlane v8, v16;
	[tilespmem:s19+$0x0] =	vst v10;
	v10 =	vld [tilespmem:$0x920]  }
0x572: {  	v17 =	vld [tilespmem:$0x920];
	[tilespmem:s3+$0x0] =	vst v15;
	v13 =	vperm.xlane v4, v13  }
0x573: {  	[tilespmem:s14+$0x0] =	vst v16;
	v15 =	vld [tilespmem:$0x920];
	v14 =	vperm.xlane v2, v14  }
0x574: {  	s3 =	sadd.s32 $0x17F20, s22;
	v16 =	vld [tilespmem:$0x920];
	[tilespmem:s11+$0x0] =	vst v13;
	v11 =	vperm.xlane v7, v11  }
0x575: {  	s14 =	sadd.s32 s0, s3;
	s11 =	sor.u32 s25, s3;
	v13 =	vld [tilespmem:$0xAB0];
	[tilespmem:s6+$0x0] =	vst v14;
	s6 =	sor.u32 s7, s3;
	v12 =	vperm.xlane v3, v12  }
0x576: {  	s18 =	sadd.s32 $0x11B20, s10;
	s3 =	sadd.s32 s1, s3;
	v10 =	vperm.xlane v9, v10;
	v14 =	vld [tilespmem:$0xAB0];
	[tilespmem:s14+$0x0] =	vst v11  }
0x577: {  	s20 =	sadd.s32 s28, s18;
	s19 =	sor.u32 s29, s18;
	s14 =	sor.u32 s8, s18;
	v11 =	vperm.xlane v6, v17;
	[tilespmem:s2+$0x0] =	vst v12;
	v12 =	vld [tilespmem:$0xAC0]  }
0x578: {  	s2 =	sadd.s32 s26, s18;
	v15 =	vperm.xlane v5, v15;
	[tilespmem:s20+$0x0] =	vst v10;
	v10 =	vld [tilespmem:$0xAB0]  }
0x579: {  	v16 =	vperm.xlane v8, v16;
	[tilespmem:s19+$0x0] =	vst v11;
	v11 =	vld [tilespmem:$0x930]  }
0x57a: {  	v17 =	vld [tilespmem:$0x930];
	[tilespmem:s2+$0x0] =	vst v15;
	v13 =	vperm.xlane v4, v13  }
0x57b: {  	[tilespmem:s14+$0x0] =	vst v16;
	v15 =	vld [tilespmem:$0x930];
	v14 =	vperm.xlane v2, v14  }
0x57c: {  	s2 =	sadd.s32 $0x18320, s22;
	v16 =	vld [tilespmem:$0x930];
	[tilespmem:s11+$0x0] =	vst v13;
	v12 =	vperm.xlane v7, v12  }
0x57d: {  	s14 =	sadd.s32 s0, s2;
	s11 =	sor.u32 s25, s2;
	v13 =	vld [tilespmem:$0xAC0];
	[tilespmem:s6+$0x0] =	vst v14;
	s6 =	sor.u32 s7, s2;
	v10 =	vperm.xlane v3, v10  }
0x57e: {  	s18 =	sadd.s32 $0x11F20, s10;
	s2 =	sadd.s32 s1, s2;
	v11 =	vperm.xlane v9, v11;
	v14 =	vld [tilespmem:$0xAC0];
	[tilespmem:s14+$0x0] =	vst v12  }
0x57f: {  	s20 =	sadd.s32 s28, s18;
	s19 =	sor.u32 s29, s18;
	s14 =	sor.u32 s8, s18;
	v12 =	vperm.xlane v6, v17;
	[tilespmem:s3+$0x0] =	vst v10;
	v10 =	vld [tilespmem:$0xAD0]  }
0x580: {  	s3 =	sadd.s32 s26, s18;
	v15 =	vperm.xlane v5, v15;
	[tilespmem:s20+$0x0] =	vst v11;
	v11 =	vld [tilespmem:$0xAC0]  }
0x581: {  	v16 =	vperm.xlane v8, v16;
	[tilespmem:s19+$0x0] =	vst v12;
	v12 =	vld [tilespmem:$0x940]  }
0x582: {  	v17 =	vld [tilespmem:$0x940];
	[tilespmem:s3+$0x0] =	vst v15;
	v13 =	vperm.xlane v4, v13  }
0x583: {  	[tilespmem:s14+$0x0] =	vst v16;
	v15 =	vld [tilespmem:$0x940];
	v14 =	vperm.xlane v2, v14  }
0x584: {  	s3 =	sadd.s32 $0x18720, s22;
	v16 =	vld [tilespmem:$0x940];
	[tilespmem:s11+$0x0] =	vst v13;
	v10 =	vperm.xlane v7, v10  }
0x585: {  	s14 =	sadd.s32 s0, s3;
	s11 =	sor.u32 s25, s3;
	v13 =	vld [tilespmem:$0xAD0];
	[tilespmem:s6+$0x0] =	vst v14;
	s6 =	sor.u32 s7, s3;
	v11 =	vperm.xlane v3, v11  }
0x586: {  	s18 =	sadd.s32 $0x12320, s10;
	s3 =	sadd.s32 s1, s3;
	v12 =	vperm.xlane v9, v12;
	v14 =	vld [tilespmem:$0xAD0];
	[tilespmem:s14+$0x0] =	vst v10  }
0x587: {  	s20 =	sadd.s32 s28, s18;
	s19 =	sor.u32 s29, s18;
	s14 =	sor.u32 s8, s18;
	v10 =	vperm.xlane v6, v17;
	[tilespmem:s2+$0x0] =	vst v11;
	v11 =	vld [tilespmem:$0xAE0]  }
0x588: {  	s2 =	sadd.s32 s26, s18;
	v15 =	vperm.xlane v5, v15;
	[tilespmem:s20+$0x0] =	vst v12;
	v12 =	vld [tilespmem:$0xAD0]  }
0x589: {  	v16 =	vperm.xlane v8, v16;
	[tilespmem:s19+$0x0] =	vst v10;
	v10 =	vld [tilespmem:$0x950]  }
0x58a: {  	v17 =	vld [tilespmem:$0x950];
	[tilespmem:s2+$0x0] =	vst v15;
	v13 =	vperm.xlane v4, v13  }
0x58b: {  	[tilespmem:s14+$0x0] =	vst v16;
	v15 =	vld [tilespmem:$0x950];
	v14 =	vperm.xlane v2, v14  }
0x58c: {  	s2 =	sadd.s32 $0x18B20, s22;
	v16 =	vld [tilespmem:$0x950];
	[tilespmem:s11+$0x0] =	vst v13;
	v11 =	vperm.xlane v7, v11  }
0x58d: {  	s14 =	sadd.s32 s0, s2;
	s11 =	sor.u32 s25, s2;
	v13 =	vld [tilespmem:$0xAE0];
	[tilespmem:s6+$0x0] =	vst v14;
	s6 =	sor.u32 s7, s2;
	v12 =	vperm.xlane v3, v12  }
0x58e: {  	s18 =	sadd.s32 $0x12720, s10;
	s2 =	sadd.s32 s1, s2;
	v10 =	vperm.xlane v9, v10;
	v14 =	vld [tilespmem:$0xAE0];
	[tilespmem:s14+$0x0] =	vst v11  }
0x58f: {  	s20 =	sadd.s32 s28, s18;
	s19 =	sor.u32 s29, s18;
	s14 =	sor.u32 s8, s18;
	v11 =	vperm.xlane v6, v17;
	[tilespmem:s3+$0x0] =	vst v12;
	v12 =	vld [tilespmem:$0xAF0]  }
0x590: {  	s3 =	sadd.s32 s26, s18;
	v15 =	vperm.xlane v5, v15;
	[tilespmem:s20+$0x0] =	vst v10;
	v10 =	vld [tilespmem:$0xAE0]  }
0x591: {  	v16 =	vperm.xlane v8, v16;
	[tilespmem:s19+$0x0] =	vst v11;
	v11 =	vld [tilespmem:$0x960]  }
0x592: {  	v17 =	vld [tilespmem:$0x960];
	[tilespmem:s3+$0x0] =	vst v15;
	v13 =	vperm.xlane v4, v13  }
0x593: {  	[tilespmem:s14+$0x0] =	vst v16;
	v15 =	vld [tilespmem:$0x960];
	v14 =	vperm.xlane v2, v14  }
0x594: {  	s3 =	sadd.s32 $0x18F20, s22;
	v16 =	vld [tilespmem:$0x960];
	[tilespmem:s11+$0x0] =	vst v13;
	v12 =	vperm.xlane v7, v12  }
0x595: {  	s14 =	sadd.s32 s0, s3;
	s11 =	sor.u32 s25, s3;
	v13 =	vld [tilespmem:$0xAF0];
	[tilespmem:s6+$0x0] =	vst v14;
	s6 =	sor.u32 s7, s3;
	v10 =	vperm.xlane v3, v10  }
0x596: {  	s18 =	sadd.s32 $0x12B20, s10;
	s3 =	sadd.s32 s1, s3;
	v11 =	vperm.xlane v9, v11;
	v14 =	vld [tilespmem:$0xAF0];
	[tilespmem:s14+$0x0] =	vst v12  }
0x597: {  	s20 =	sadd.s32 s28, s18;
	s19 =	sor.u32 s29, s18;
	s14 =	sor.u32 s8, s18;
	v12 =	vperm.xlane v6, v17;
	[tilespmem:s2+$0x0] =	vst v10;
	v10 =	vld [tilespmem:$0xB00]  }
0x598: {  	s2 =	sadd.s32 s26, s18;
	v15 =	vperm.xlane v5, v15;
	[tilespmem:s20+$0x0] =	vst v11;
	v11 =	vld [tilespmem:$0xAF0]  }
0x599: {  	v16 =	vperm.xlane v8, v16;
	[tilespmem:s19+$0x0] =	vst v12;
	v12 =	vld [tilespmem:$0x970]  }
0x59a: {  	v17 =	vld [tilespmem:$0x970];
	[tilespmem:s2+$0x0] =	vst v15;
	v13 =	vperm.xlane v4, v13  }
0x59b: {  	[tilespmem:s14+$0x0] =	vst v16;
	v15 =	vld [tilespmem:$0x970];
	v14 =	vperm.xlane v2, v14  }
0x59c: {  	s2 =	sadd.s32 $0x19320, s22;
	v16 =	vld [tilespmem:$0x970];
	[tilespmem:s11+$0x0] =	vst v13;
	v10 =	vperm.xlane v7, v10  }
0x59d: {  	s14 =	sadd.s32 s0, s2;
	s11 =	sor.u32 s25, s2;
	v13 =	vld [tilespmem:$0xB00];
	[tilespmem:s6+$0x0] =	vst v14;
	s6 =	sor.u32 s7, s2;
	v11 =	vperm.xlane v3, v11  }
0x59e: {  	s19 =	sadd.s32 $0x12F20, s10;
	s18 =	sadd.s32 s1, s2;
	v12 =	vperm.xlane v9, v12;
	v14 =	vld [tilespmem:$0xB00];
	[tilespmem:s14+$0x0] =	vst v10  }
0x59f: {  	s20 =	sadd.s32 s28, s19;
	s2 =	sor.u32 s8, s19;
	s14 =	sor.u32 s29, s19;
	v10 =	vperm.xlane v6, v17;
	[tilespmem:s3+$0x0] =	vst v11;
	v11 =	vld [tilespmem:$0xB10]  }
0x5a0: {  	s3 =	sadd.s32 s26, s19;
	v15 =	vperm.xlane v5, v15;
	[tilespmem:s20+$0x0] =	vst v12;
	v17 =	vld [tilespmem:$0xB00]  }
0x5a1: {  	v16 =	vperm.xlane v8, v16;
	[tilespmem:s14+$0x0] =	vst v10;
	v10 =	vld [tilespmem:$0x980]  }
.Ltmp4:
0x5a2: {  	v12 =	vld [tilespmem:$0x980];
	[tilespmem:s3+$0x0] =	vst v15;
	v15 =	vperm.xlane v4, v13;
	(pc) =	sbr.rel @p0 .LBB2_11-.Ltmp4, $4  }
0x5a3: {  	[tilespmem:s2+$0x0] =	vst v16;
	v13 =	vld [tilespmem:$0x980];
	v16 =	vperm.xlane v2, v14  }
0x5a4: {  	s2 =	sadd.s32 $0x19720, s22;
	s22 =	smov.u32 s10;
	v14 =	vld [tilespmem:$0x980];
	[tilespmem:s11+$0x0] =	vst v15;
	v18 =	vperm.xlane v7, v11;
	v7 =	vmov v9  }
0x5a5: {  	s11 =	sor.u32 s25, s2;
	s10 =	sor.u32 s7, s2;
	s3 =	sadd.s32 s0, s2;
	v9 =	vld [tilespmem:$0xB10];
	[tilespmem:s6+$0x0] =	vst v16;
	v11 =	vperm.xlane v3, v17  }
0x5a6: {  	s0 =	sadd.s32 $0x13320, s22;
	s25 =	smov.u32 s8;
	s6 =	sadd.s32 s1, s2;
	v15 =	vperm.xlane v7, v10;
	v10 =	vld [tilespmem:$0xB10];
	[tilespmem:s3+$0x0] =	vst v18  }
0x5a7: {  	_ =	sdelay $0x1  }
0x5a8: {  	s1 =	sadd.s32 s28, s0;
	v14 =	vperm.xlane v8, v14  }
0x5a9: {  	s2 =	sor.u32 s25, s0;
	v12 =	vperm.xlane v6, v12;
	[tilespmem:s1+$0x0] =	vst v15  }
0x5aa: {  	s8 =	sor.u32 s29, s0;
	v13 =	vperm.xlane v5, v13;
	v15 =	vld [tilespmem:$0x990];
	[tilespmem:s2+$0x0] =	vst v14  }
0x5ab: {  	s9 =	sadd.s32 s26, s0;
	[tilespmem:s8+$0x0] =	vst v12;
	v53 =	vld [tilespmem:$0x990]  }
0x5ac: {  	[tilespmem:s9+$0x0] =	vst v13;
	v54 =	vld [tilespmem:$0x990]  }
0x5ad: {  	v55 =	vld [tilespmem:$0x990];
	_ =	sdelay $0x1  }
0x5ae: {  	s14 =	sadd.s32 $0x13720, s22;
	v15 =	vperm.xlane v7, v15  }
0x5af: {  	s19 =	sadd.s32 s28, s14;
	v12 =	vperm.xlane v8, v53  }
0x5b0: {  	s20 =	sor.u32 s25, s14;
	v13 =	vperm.xlane v6, v54;
	[tilespmem:s19+$0x0] =	vst v15  }
0x5b1: {  	s30 =	sor.u32 s29, s14;
	v56 =	vperm.xlane v5, v55;
	v15 =	vld [tilespmem:$0x9A0];
	[tilespmem:s20+$0x0] =	vst v12  }
0x5b2: {  	s0 =	sadd.s32 s26, s14;
	[tilespmem:s30+$0x0] =	vst v13;
	v57 =	vld [tilespmem:$0x9A0]  }
0x5b3: {  	v13 =	vld [tilespmem:$0x9A0];
	[tilespmem:s0+$0x0] =	vst v56  }
0x5b4: {  	v12 =	vld [tilespmem:$0x9A0];
	_ =	sdelay $0x1  }
0x5b5: {  	s31 =	sadd.s32 $0x13B20, s22;
	v15 =	vperm.xlane v7, v15  }
0x5b6: {  	s2 =	sadd.s32 s28, s31;
	v14 =	vperm.xlane v8, v57  }
0x5b7: {  	s3 =	sor.u32 s25, s31;
	v13 =	vperm.xlane v6, v13;
	[tilespmem:s2+$0x0] =	vst v15  }
0x5b8: {  	s7 =	sor.u32 s29, s31;
	v12 =	vperm.xlane v5, v12;
	v15 =	vld [tilespmem:$0x9B0];
	[tilespmem:s3+$0x0] =	vst v14  }
0x5b9: {  	s0 =	sadd.s32 s26, s31;
	[tilespmem:s7+$0x0] =	vst v13;
	v14 =	vld [tilespmem:$0x9B0]  }
0x5ba: {  	v13 =	vld [tilespmem:$0x9B0];
	[tilespmem:s0+$0x0] =	vst v12  }
0x5bb: {  	v12 =	vld [tilespmem:$0x9B0];
	_ =	sdelay $0x1  }
0x5bc: {  	s8 =	sadd.s32 $0x13F20, s22;
	v15 =	vperm.xlane v7, v15  }
0x5bd: {  	s9 =	sadd.s32 s28, s8;
	v14 =	vperm.xlane v8, v14  }
0x5be: {  	s14 =	sor.u32 s25, s8;
	v13 =	vperm.xlane v6, v13;
	[tilespmem:s9+$0x0] =	vst v15  }
0x5bf: {  	s19 =	sor.u32 s29, s8;
	v12 =	vperm.xlane v5, v12;
	v15 =	vld [tilespmem:$0x9C0];
	[tilespmem:s14+$0x0] =	vst v14  }
0x5c0: {  	s0 =	sadd.s32 s26, s8;
	[tilespmem:s19+$0x0] =	vst v13;
	v14 =	vld [tilespmem:$0x9C0]  }
0x5c1: {  	v13 =	vld [tilespmem:$0x9C0];
	[tilespmem:s0+$0x0] =	vst v12  }
0x5c2: {  	v12 =	vld [tilespmem:$0x9C0];
	_ =	sdelay $0x1  }
0x5c3: {  	s20 =	sadd.s32 $0x14320, s22;
	v15 =	vperm.xlane v7, v15  }
0x5c4: {  	s30 =	sadd.s32 s28, s20;
	v14 =	vperm.xlane v8, v14  }
0x5c5: {  	s31 =	sor.u32 s25, s20;
	v13 =	vperm.xlane v6, v13;
	[tilespmem:s30+$0x0] =	vst v15  }
0x5c6: {  	s3 =	sor.u32 s29, s20;
	v12 =	vperm.xlane v5, v12;
	v15 =	vld [tilespmem:$0x9D0];
	[tilespmem:s31+$0x0] =	vst v14  }
0x5c7: {  	s0 =	sadd.s32 s26, s20;
	[tilespmem:s3+$0x0] =	vst v13;
	v14 =	vld [tilespmem:$0x9D0]  }
0x5c8: {  	v13 =	vld [tilespmem:$0x9D0];
	[tilespmem:s0+$0x0] =	vst v12  }
0x5c9: {  	v12 =	vld [tilespmem:$0x9D0];
	_ =	sdelay $0x1  }
0x5ca: {  	s7 =	sadd.s32 $0x14720, s22;
	v15 =	vperm.xlane v7, v15  }
0x5cb: {  	s8 =	sadd.s32 s28, s7;
	v14 =	vperm.xlane v8, v14  }
0x5cc: {  	s9 =	sor.u32 s25, s7;
	v13 =	vperm.xlane v6, v13;
	[tilespmem:s8+$0x0] =	vst v15  }
0x5cd: {  	s14 =	sor.u32 s29, s7;
	v12 =	vperm.xlane v5, v12;
	v15 =	vld [tilespmem:$0x9E0];
	[tilespmem:s9+$0x0] =	vst v14  }
0x5ce: {  	s0 =	sadd.s32 s26, s7;
	[tilespmem:s14+$0x0] =	vst v13;
	v14 =	vld [tilespmem:$0x9E0]  }
0x5cf: {  	v13 =	vld [tilespmem:$0x9E0];
	[tilespmem:s0+$0x0] =	vst v12  }
0x5d0: {  	v12 =	vld [tilespmem:$0x9E0];
	_ =	sdelay $0x1  }
0x5d1: {  	s19 =	sadd.s32 $0x14B20, s22;
	v15 =	vperm.xlane v7, v15  }
0x5d2: {  	s20 =	sadd.s32 s28, s19;
	v14 =	vperm.xlane v8, v14  }
0x5d3: {  	s30 =	sor.u32 s25, s19;
	v13 =	vperm.xlane v6, v13;
	[tilespmem:s20+$0x0] =	vst v15  }
0x5d4: {  	s31 =	sor.u32 s29, s19;
	v12 =	vperm.xlane v5, v12;
	v15 =	vld [tilespmem:$0x9F0];
	[tilespmem:s30+$0x0] =	vst v14  }
0x5d5: {  	s0 =	sadd.s32 s26, s19;
	[tilespmem:s31+$0x0] =	vst v13;
	v14 =	vld [tilespmem:$0x9F0]  }
0x5d6: {  	v13 =	vld [tilespmem:$0x9F0];
	[tilespmem:s0+$0x0] =	vst v12  }
0x5d7: {  	v12 =	vld [tilespmem:$0x9F0];
	_ =	sdelay $0x1  }
0x5d8: {  	s3 =	sadd.s32 $0x14F20, s22;
	v15 =	vperm.xlane v7, v15  }
0x5d9: {  	s7 =	sadd.s32 s28, s3;
	v14 =	vperm.xlane v8, v14  }
0x5da: {  	s8 =	sor.u32 s25, s3;
	v13 =	vperm.xlane v6, v13;
	[tilespmem:s7+$0x0] =	vst v15  }
0x5db: {  	s9 =	sor.u32 s29, s3;
	v12 =	vperm.xlane v5, v12;
	v15 =	vld [tilespmem:$0xA00];
	[tilespmem:s8+$0x0] =	vst v14  }
0x5dc: {  	s0 =	sadd.s32 s26, s3;
	[tilespmem:s9+$0x0] =	vst v13;
	v14 =	vld [tilespmem:$0xA00]  }
0x5dd: {  	v13 =	vld [tilespmem:$0xA00];
	[tilespmem:s0+$0x0] =	vst v12  }
0x5de: {  	v12 =	vld [tilespmem:$0xA00];
	_ =	sdelay $0x1  }
0x5df: {  	s14 =	sadd.s32 $0x15320, s22;
	v15 =	vperm.xlane v7, v15  }
0x5e0: {  	s19 =	sadd.s32 s28, s14;
	v14 =	vperm.xlane v8, v14  }
0x5e1: {  	s20 =	sor.u32 s25, s14;
	v13 =	vperm.xlane v6, v13;
	[tilespmem:s19+$0x0] =	vst v15  }
0x5e2: {  	s30 =	sor.u32 s29, s14;
	v12 =	vperm.xlane v5, v12;
	v15 =	vld [tilespmem:$0xA10];
	[tilespmem:s20+$0x0] =	vst v14  }
0x5e3: {  	s0 =	sadd.s32 s26, s14;
	[tilespmem:s30+$0x0] =	vst v13;
	v14 =	vld [tilespmem:$0xA10]  }
0x5e4: {  	v13 =	vld [tilespmem:$0xA10];
	[tilespmem:s0+$0x0] =	vst v12  }
0x5e5: {  	v12 =	vld [tilespmem:$0xA10];
	_ =	sdelay $0x1  }
0x5e6: {  	s31 =	sadd.s32 $0x15720, s22;
	v15 =	vperm.xlane v7, v15  }
0x5e7: {  	s2 =	sadd.s32 s28, s31;
	v14 =	vperm.xlane v8, v14  }
0x5e8: {  	s3 =	sor.u32 s25, s31;
	v13 =	vperm.xlane v6, v13;
	[tilespmem:s2+$0x0] =	vst v15  }
0x5e9: {  	s7 =	sor.u32 s29, s31;
	v12 =	vperm.xlane v5, v12;
	v15 =	vld [tilespmem:$0xA20];
	[tilespmem:s3+$0x0] =	vst v14  }
0x5ea: {  	s0 =	sadd.s32 s26, s31;
	[tilespmem:s7+$0x0] =	vst v13;
	v14 =	vld [tilespmem:$0xA20]  }
0x5eb: {  	v13 =	vld [tilespmem:$0xA20];
	[tilespmem:s0+$0x0] =	vst v12  }
0x5ec: {  	v12 =	vld [tilespmem:$0xA20];
	_ =	sdelay $0x1  }
0x5ed: {  	s8 =	sadd.s32 $0x15B20, s22;
	v15 =	vperm.xlane v7, v15  }
0x5ee: {  	s9 =	sadd.s32 s28, s8;
	v14 =	vperm.xlane v8, v14  }
0x5ef: {  	s14 =	sor.u32 s25, s8;
	v13 =	vperm.xlane v6, v13;
	[tilespmem:s9+$0x0] =	vst v15  }
0x5f0: {  	s19 =	sor.u32 s29, s8;
	v12 =	vperm.xlane v5, v12;
	v15 =	vld [tilespmem:$0xA30];
	[tilespmem:s14+$0x0] =	vst v14  }
0x5f1: {  	s0 =	sadd.s32 s26, s8;
	[tilespmem:s19+$0x0] =	vst v13;
	v14 =	vld [tilespmem:$0xA30]  }
0x5f2: {  	v13 =	vld [tilespmem:$0xA30];
	[tilespmem:s0+$0x0] =	vst v12  }
0x5f3: {  	v12 =	vld [tilespmem:$0xA30];
	_ =	sdelay $0x1  }
0x5f4: {  	s20 =	sadd.s32 $0x15F20, s22;
	v15 =	vperm.xlane v7, v15  }
0x5f5: {  	s30 =	sadd.s32 s28, s20;
	v14 =	vperm.xlane v8, v14  }
0x5f6: {  	s31 =	sor.u32 s25, s20;
	v13 =	vperm.xlane v6, v13;
	[tilespmem:s30+$0x0] =	vst v15  }
0x5f7: {  	s3 =	sor.u32 s29, s20;
	v12 =	vperm.xlane v5, v12;
	v15 =	vld [tilespmem:$0xA40];
	[tilespmem:s31+$0x0] =	vst v14  }
0x5f8: {  	s0 =	sadd.s32 s26, s20;
	[tilespmem:s3+$0x0] =	vst v13;
	v14 =	vld [tilespmem:$0xA40]  }
0x5f9: {  	v13 =	vld [tilespmem:$0xA40];
	[tilespmem:s0+$0x0] =	vst v12  }
0x5fa: {  	v12 =	vld [tilespmem:$0xA40];
	_ =	sdelay $0x1  }
0x5fb: {  	s7 =	sadd.s32 $0x16320, s22;
	v15 =	vperm.xlane v7, v15  }
0x5fc: {  	s8 =	sadd.s32 s28, s7;
	v14 =	vperm.xlane v8, v14  }
0x5fd: {  	s9 =	sor.u32 s25, s7;
	v13 =	vperm.xlane v6, v13;
	[tilespmem:s8+$0x0] =	vst v15  }
0x5fe: {  	s14 =	sor.u32 s29, s7;
	v12 =	vperm.xlane v5, v12;
	v15 =	vld [tilespmem:$0xA50];
	[tilespmem:s9+$0x0] =	vst v14  }
0x5ff: {  	s0 =	sadd.s32 s26, s7;
	[tilespmem:s14+$0x0] =	vst v13;
	v14 =	vld [tilespmem:$0xA50]  }
0x600: {  	v13 =	vld [tilespmem:$0xA50];
	[tilespmem:s0+$0x0] =	vst v12  }
0x601: {  	v12 =	vld [tilespmem:$0xA50];
	_ =	sdelay $0x1  }
0x602: {  	s19 =	sadd.s32 $0x16720, s22;
	v15 =	vperm.xlane v7, v15  }
0x603: {  	s20 =	sadd.s32 s28, s19;
	v14 =	vperm.xlane v8, v14  }
0x604: {  	s30 =	sor.u32 s25, s19;
	v13 =	vperm.xlane v6, v13;
	[tilespmem:s20+$0x0] =	vst v15  }
0x605: {  	s31 =	sor.u32 s29, s19;
	v12 =	vperm.xlane v5, v12;
	v15 =	vld [tilespmem:$0xA60];
	[tilespmem:s30+$0x0] =	vst v14  }
0x606: {  	s0 =	sadd.s32 s26, s19;
	[tilespmem:s31+$0x0] =	vst v13;
	v14 =	vld [tilespmem:$0xA60]  }
0x607: {  	v13 =	vld [tilespmem:$0xA60];
	[tilespmem:s0+$0x0] =	vst v12  }
0x608: {  	v12 =	vld [tilespmem:$0xA60];
	_ =	sdelay $0x1  }
0x609: {  	s3 =	sadd.s32 $0x16B20, s22;
	v15 =	vperm.xlane v7, v15  }
0x60a: {  	s7 =	sadd.s32 s28, s3;
	v14 =	vperm.xlane v8, v14  }
0x60b: {  	s8 =	sor.u32 s25, s3;
	v13 =	vperm.xlane v6, v13;
	[tilespmem:s7+$0x0] =	vst v15  }
0x60c: {  	s9 =	sor.u32 s29, s3;
	v12 =	vperm.xlane v5, v12;
	v15 =	vld [tilespmem:$0xA70];
	[tilespmem:s8+$0x0] =	vst v14  }
0x60d: {  	s0 =	sadd.s32 s26, s3;
	[tilespmem:s9+$0x0] =	vst v13;
	v14 =	vld [tilespmem:$0xA70]  }
0x60e: {  	v13 =	vld [tilespmem:$0xA70];
	[tilespmem:s0+$0x0] =	vst v12  }
0x60f: {  	v12 =	vld [tilespmem:$0xA70];
	_ =	sdelay $0x1  }
0x610: {  	s14 =	sadd.s32 $0x16F20, s22;
	v15 =	vperm.xlane v7, v15  }
0x611: {  	s19 =	sadd.s32 s28, s14;
	v14 =	vperm.xlane v8, v14  }
0x612: {  	s20 =	sor.u32 s25, s14;
	v13 =	vperm.xlane v6, v13;
	[tilespmem:s19+$0x0] =	vst v15  }
0x613: {  	s30 =	sor.u32 s29, s14;
	v12 =	vperm.xlane v5, v12;
	v15 =	vld [tilespmem:$0xA80];
	[tilespmem:s20+$0x0] =	vst v14  }
0x614: {  	s0 =	sadd.s32 s26, s14;
	[tilespmem:s30+$0x0] =	vst v13;
	v14 =	vld [tilespmem:$0xA80]  }
0x615: {  	v13 =	vld [tilespmem:$0xA80];
	[tilespmem:s0+$0x0] =	vst v12  }
0x616: {  	v12 =	vld [tilespmem:$0xA80];
	_ =	sdelay $0x1  }
0x617: {  	s31 =	sadd.s32 $0x17320, s22;
	v15 =	vperm.xlane v7, v15  }
0x618: {  	s2 =	sadd.s32 s28, s31;
	v14 =	vperm.xlane v8, v14  }
0x619: {  	s3 =	sor.u32 s25, s31;
	v13 =	vperm.xlane v6, v13;
	[tilespmem:s2+$0x0] =	vst v15  }
0x61a: {  	s7 =	sor.u32 s29, s31;
	v12 =	vperm.xlane v5, v12;
	v15 =	vld [tilespmem:$0xA90];
	[tilespmem:s3+$0x0] =	vst v14  }
0x61b: {  	s0 =	sadd.s32 s26, s31;
	[tilespmem:s7+$0x0] =	vst v13;
	v14 =	vld [tilespmem:$0xA90]  }
0x61c: {  	v13 =	vld [tilespmem:$0xA90];
	[tilespmem:s0+$0x0] =	vst v12  }
0x61d: {  	v12 =	vld [tilespmem:$0xA90];
	_ =	sdelay $0x1  }
0x61e: {  	s8 =	sadd.s32 $0x17720, s22;
	v15 =	vperm.xlane v7, v15  }
0x61f: {  	s9 =	sadd.s32 s28, s8;
	v14 =	vperm.xlane v8, v14  }
0x620: {  	s14 =	sor.u32 s25, s8;
	v13 =	vperm.xlane v6, v13;
	[tilespmem:s9+$0x0] =	vst v15  }
0x621: {  	s19 =	sor.u32 s29, s8;
	v12 =	vperm.xlane v5, v12;
	v15 =	vld [tilespmem:$0xAA0];
	[tilespmem:s14+$0x0] =	vst v14  }
0x622: {  	s0 =	sadd.s32 s26, s8;
	[tilespmem:s19+$0x0] =	vst v13;
	v14 =	vld [tilespmem:$0xAA0]  }
0x623: {  	v13 =	vld [tilespmem:$0xAA0];
	[tilespmem:s0+$0x0] =	vst v12  }
0x624: {  	v12 =	vld [tilespmem:$0xAA0];
	_ =	sdelay $0x1  }
0x625: {  	s20 =	sadd.s32 $0x17B20, s22;
	v15 =	vperm.xlane v7, v15  }
0x626: {  	s30 =	sadd.s32 s28, s20;
	v14 =	vperm.xlane v8, v14  }
0x627: {  	s31 =	sor.u32 s25, s20;
	v13 =	vperm.xlane v6, v13;
	[tilespmem:s30+$0x0] =	vst v15  }
0x628: {  	s3 =	sor.u32 s29, s20;
	v12 =	vperm.xlane v5, v12;
	v15 =	vld [tilespmem:$0xAB0];
	[tilespmem:s31+$0x0] =	vst v14  }
0x629: {  	s0 =	sadd.s32 s26, s20;
	[tilespmem:s3+$0x0] =	vst v13;
	v14 =	vld [tilespmem:$0xAB0]  }
0x62a: {  	v13 =	vld [tilespmem:$0xAB0];
	[tilespmem:s0+$0x0] =	vst v12  }
0x62b: {  	v12 =	vld [tilespmem:$0xAB0];
	_ =	sdelay $0x1  }
0x62c: {  	s7 =	sadd.s32 $0x17F20, s22;
	v15 =	vperm.xlane v7, v15  }
0x62d: {  	s8 =	sadd.s32 s28, s7;
	v14 =	vperm.xlane v8, v14  }
0x62e: {  	s9 =	sor.u32 s25, s7;
	v13 =	vperm.xlane v6, v13;
	[tilespmem:s8+$0x0] =	vst v15  }
0x62f: {  	s14 =	sor.u32 s29, s7;
	v12 =	vperm.xlane v5, v12;
	v15 =	vld [tilespmem:$0xAC0];
	[tilespmem:s9+$0x0] =	vst v14  }
0x630: {  	s0 =	sadd.s32 s26, s7;
	[tilespmem:s14+$0x0] =	vst v13;
	v14 =	vld [tilespmem:$0xAC0]  }
0x631: {  	v13 =	vld [tilespmem:$0xAC0];
	[tilespmem:s0+$0x0] =	vst v12  }
0x632: {  	v12 =	vld [tilespmem:$0xAC0];
	_ =	sdelay $0x1  }
0x633: {  	s19 =	sadd.s32 $0x18320, s22;
	v15 =	vperm.xlane v7, v15  }
0x634: {  	s20 =	sadd.s32 s28, s19;
	v14 =	vperm.xlane v8, v14  }
0x635: {  	s30 =	sor.u32 s25, s19;
	v13 =	vperm.xlane v6, v13;
	[tilespmem:s20+$0x0] =	vst v15  }
0x636: {  	s31 =	sor.u32 s29, s19;
	v12 =	vperm.xlane v5, v12;
	v15 =	vld [tilespmem:$0xAD0];
	[tilespmem:s30+$0x0] =	vst v14  }
0x637: {  	s0 =	sadd.s32 s26, s19;
	[tilespmem:s31+$0x0] =	vst v13;
	v14 =	vld [tilespmem:$0xAD0]  }
0x638: {  	v13 =	vld [tilespmem:$0xAD0];
	[tilespmem:s0+$0x0] =	vst v12  }
0x639: {  	v12 =	vld [tilespmem:$0xAD0];
	_ =	sdelay $0x1  }
0x63a: {  	s3 =	sadd.s32 $0x18720, s22;
	v15 =	vperm.xlane v7, v15  }
0x63b: {  	s7 =	sadd.s32 s28, s3;
	v14 =	vperm.xlane v8, v14  }
0x63c: {  	s8 =	sor.u32 s25, s3;
	v13 =	vperm.xlane v6, v13;
	[tilespmem:s7+$0x0] =	vst v15  }
0x63d: {  	s9 =	sor.u32 s29, s3;
	v12 =	vperm.xlane v5, v12;
	v15 =	vld [tilespmem:$0xAE0];
	[tilespmem:s8+$0x0] =	vst v14  }
0x63e: {  	s0 =	sadd.s32 s26, s3;
	[tilespmem:s9+$0x0] =	vst v13;
	v14 =	vld [tilespmem:$0xAE0]  }
0x63f: {  	v13 =	vld [tilespmem:$0xAE0];
	[tilespmem:s0+$0x0] =	vst v12  }
0x640: {  	v12 =	vld [tilespmem:$0xAE0];
	_ =	sdelay $0x1  }
0x641: {  	s14 =	sadd.s32 $0x18B20, s22;
	v15 =	vperm.xlane v7, v15  }
0x642: {  	s19 =	sadd.s32 s28, s14;
	v14 =	vperm.xlane v8, v14  }
0x643: {  	s20 =	sor.u32 s25, s14;
	v13 =	vperm.xlane v6, v13;
	[tilespmem:s19+$0x0] =	vst v15  }
0x644: {  	s30 =	sor.u32 s29, s14;
	v12 =	vperm.xlane v5, v12;
	v15 =	vld [tilespmem:$0xAF0];
	[tilespmem:s20+$0x0] =	vst v14  }
0x645: {  	s0 =	sadd.s32 s26, s14;
	[tilespmem:s30+$0x0] =	vst v13;
	v14 =	vld [tilespmem:$0xAF0]  }
0x646: {  	v13 =	vld [tilespmem:$0xAF0];
	[tilespmem:s0+$0x0] =	vst v12  }
0x647: {  	v12 =	vld [tilespmem:$0xAF0];
	_ =	sdelay $0x1  }
0x648: {  	s31 =	sadd.s32 $0x18F20, s22;
	v15 =	vperm.xlane v7, v15  }
0x649: {  	s3 =	sadd.s32 s28, s31;
	v14 =	vperm.xlane v8, v14  }
0x64a: {  	s7 =	sor.u32 s25, s31;
	v13 =	vperm.xlane v6, v13;
	[tilespmem:s3+$0x0] =	vst v15  }
0x64b: {  	s8 =	sor.u32 s29, s31;
	v12 =	vperm.xlane v5, v12;
	v15 =	vld [tilespmem:$0xB00];
	[tilespmem:s7+$0x0] =	vst v14  }
0x64c: {  	s0 =	sadd.s32 s26, s31;
	[tilespmem:s8+$0x0] =	vst v13;
	v14 =	vld [tilespmem:$0xB00]  }
0x64d: {  	v13 =	vld [tilespmem:$0xB00];
	[tilespmem:s0+$0x0] =	vst v12  }
0x64e: {  	v12 =	vld [tilespmem:$0xB00];
	_ =	sdelay $0x1  }
0x64f: {  	s9 =	sadd.s32 $0x19320, s22;
	v15 =	vperm.xlane v7, v15  }
0x650: {  	[tilespmem:s18+$0x0] =	vst v11;
	s14 =	sadd.s32 s28, s9;
	v58 =	vperm.xlane v8, v14  }
0x651: {  	v59 =	vld [tilespmem:$0xB10];
	s18 =	sor.u32 s25, s9;
	v13 =	vperm.xlane v6, v13;
	[tilespmem:s14+$0x0] =	vst v15  }
0x652: {  	s19 =	sor.u32 s29, s9;
	v60 =	vperm.xlane v5, v12;
	v15 =	vld [tilespmem:$0xB10];
	[tilespmem:s18+$0x0] =	vst v58  }
0x653: {  	s0 =	sadd.s32 s26, s9;
	[tilespmem:s19+$0x0] =	vst v13;
	v61 =	vld [tilespmem:$0xB10]  }
0x654: {  	v4 =	vperm.xlane v4, v9;
	v62 =	vld [tilespmem:$0xB10];
	[tilespmem:s0+$0x0] =	vst v60  }
0x655: {  	v2 =	vperm.xlane v2, v10;
	v63 =	vld [tilespmem:$0xB10]  }
0x656: {  	[tilespmem:s11+$0x0] =	vst v4;
	v3 =	vperm.xlane v3, v59  }
0x657: {  	[tilespmem:s10+$0x0] =	vst v2;
	s20 =	sadd.s32 $0x19720, s22;
	v2 =	vperm.xlane v7, v15  }
0x658: {  	s24 =	sshll.u32 s24, $0x3;
	[tilespmem:s6+$0x0] =	vst v3;
	s22 =	sadd.s32 s28, s20;
	v3 =	vperm.xlane v8, v61  }
0x659: {  	s28 =	sand.u32 $0x70, s23;
	s3 =	sor.u32 s25, s20;
	s25 =	sand.u32 $0xFC00, s24;
	[tilespmem:s22+$0x0] =	vst v2;
	v2 =	vperm.xlane v6, v62  }
0x65a: {  	s29 =	sor.u32 s29, s20;
	s1 =	sor.u32 s28, s25;
	[tilespmem:s3+$0x0] =	vst v3;
	v3 =	vperm.xlane v5, v63  }
0x65b: {  	s30 =	rddreg [dreg:$0x1];
	s1 =	sshrl.u32 s1, $0x3;
	s0 =	sadd.s32 s26, s20;
	[tilespmem:s29+$0x0] =	vst v2  }
0x65c: {  	s31 =	simm.s32 $0xD320;
	[tilespmem:s0+$0x0] =	vst v3;
	s0 =	sadd.s32 s30, s1;
	s1 =	simm.s32 $0x200  }
0x65d: {  	[hbm4b:s0+s12] =	stream.strided.scatter [tilespmem:s31], [sflag:$0x4], $0x80, s16, s12, $0x38;
	[tilespmem:$0x1BB20] =	vst v63  }
.LBB2_13:
0x65e: {  	p0 =	sne.s32 s1, $0x31E00  }
.Ltmp5:
0x65f: {  	_ = 	snop;
	(pc) =	sbr.rel @p0 .LBB2_13-.Ltmp5, $4  }
0x660: {  	_ = 	snop  }
0x661: {  	s2 =	sshra.s32 s1, $0x2;
	s1 =	sadd.s32 $0x200, s1  }
0x662: {  	s0 =	sadd.s32 $0x2000, s0;
	s2 =	sadd.s32 $0xD320, s2  }
0x663: {  	[hbm4b:s0+s12] =	stream.strided.scatter [tilespmem:s2], [sflag:$0x4], $0x80, s16, s12, $0x38;
	[tilespmem:$0x1BB20] =	vst v63  }
0x664: {  	s21 =	sadd.s32 $0x1, s21  }
0x665: {  	p0 =	sne.s32 s21, $0x8  }
.Ltmp6:
0x666: {  	_ = 	snop;
	(pc) =	sbr.rel @p0 .LBB2_2-.Ltmp6, $1  }
0x667: {  	_ =	sdelay $0x3  }
0x668: {  	s0 =	simm.s32 $0x3  }
0x669: {  	_ =	swait.ge [sflag:s0], $0xC800  }
0x66a: {  	[sflag:s0] =	ssyncset.done $0x0  }
0x66b: {  	s30 =	simm.s32 $0x4;
	[sflag:s0] =	ssyncadd.s32 $0xFFFF3800  }
0x66c: {  	_ =	swait.ge [sflag:s30], $0xC800  }
0x66d: {  	[sflag:s30] =	ssyncset.done $0x0  }
0x66e: {  	[sflag:s30] =	ssyncadd.s32 $0xFFFF3800  }
0x66f: {  	_ =	swait.ge [sflag:s15], $0x400  }
0x670: {  	[sflag:s15] =	ssyncset.done $0x0  }
0x671: {  	[sflag:s15] =	ssyncadd.s32 $0xFFFFFC00  }
0x672: {  	_ =	swait.ge [sflag:s17], $0x400  }
0x673: {  	s1 =	rddreg [dreg:$0x7]  }
0x674: {  	s31 =	rddreg [dreg:$0x6];
	s1 =	sadd.s32 $0x1, s1  }
0x675: {  	p0 =	sne.s32 s1, s31  }
.Ltmp7:
0x676: {  	_ = 	snop;
	(pc) =	sbr.rel @p0 .LBB2_1-.Ltmp7, $3  }
0x677: {  	_ =	sdelay $0x1  }
0x678: {  	[sflag:s17] =	ssyncset.done $0x0  }
0x679: {  	[sflag:s17] =	ssyncadd.s32 $0xFFFFFC00  }
0x67a: {  	_ =	sfence.sel $0x180000  }
0x67b: {  	[bflag:$0x0] =	sbarrier.arrive $0xFFFF  }
0x67c: {  	_ =	strace $0x90000047  }
0x67d: {  	s0 =	stileid.u32;
	[bflag:$0x2] =	sbarrier.arrive $0xFFFF  }
0x67e: {  	p0 =	sne.s32 s0, $0x0;
	s0 =	rddreg [dreg:$0x2]  }
0x67f: {  	s0 =	sadd.s32 @!p0 $0x100000, s0  }
0x680: {  	[sflag:s0] =	ssyncadd.tile.s32 @!p0 $0x1;
	_ =	shalt  }
.Lfunc_end2:
_tile_overlayer_lowered:
.L_overlay_start_2:
0x681: {  	(tag) =	ssettag $0x2  }
0x682: {  	s0 =	rddreg [dreg:$0x0];
	s2 =	stileid.u32  }
0x683: {  	s1 =	rddreg [dreg:$0x1];
	p0 =	sne.s32 s2, $0x0  }
0x684: {  	s3 =	rddreg [dreg:$0x2];
	[bflag:$0x3] =	sbarrier.arrive $0xFFFF;
	s2 =	simm.s32 @!p0 $0x1C05  }
0x685: {  	[timem:s3], [sflag:s2] =	dma.local @!p0 [hbm:s0], s1  }
0x686: {  	s0 =	simm.s32 @!p0 $0x5  }
0x687: {  	_ =	swait.ge @!p0 [sflag:s0], s1  }
0x688: {  	s1 =	ssub.s32 @!p0 $0x0, s1;
	[sflag:s0] =	ssyncset.done @!p0 $0x0  }
0x689: {  	[sflag:s0] =	ssyncadd.s32 @!p0 s1  }
0x68a: {  	[bflag:$0x3] =	sbarrier.arrive $0xFFFF  }
0x68b: {  	_ =	shalt  }

</sc_bundles>
